<compile_context>
chip_gen: v7x
topology: tpu7x:2x2x1
jax: 0.10.2.dev20260603
libtpu: 0.0.44.dev20260713+nightly
codegen_flags: <defaults>
</compile_context>

<pallas_src>
import functools

import jax
import jax.numpy as jnp
from jax import lax
from jax.experimental import pallas as pl
from jax.experimental.pallas import tpu as pltpu
from jax.experimental.pallas import tpu_sc as plsc

NC = 2
NS = 16
NW = NC * NS

NJ = 200
NT = 4096
B = NJ * NT
D = 32
C = 512
TQ = NT // C
NCHUNK = B // C
NCHW = NCHUNK // NW
PADC = C + 1

_MESH = plsc.VectorSubcoreMesh(
    core_axis_name="c", subcore_axis_name="s", num_cores=NC, num_subcores=NS
)


@functools.partial(
    pl.kernel,
    out_type=jax.ShapeDtypeStruct((B,), jnp.int32),
    mesh=_MESH,
    scratch_types=[
        pltpu.VMEM((8, NT), jnp.int32),
        pltpu.SemaphoreType.DMA,
    ],
)
def _detile(ids_hbm, out_hbm, vin, sout):
    wid = lax.axis_index("s") * NC + lax.axis_index("c")

    @pl.when(wid < NJ // 8)
    def _():
        r0 = wid * 8
        pltpu.sync_copy(ids_hbm.at[pl.ds(r0, 8), :], vin)
        for r in range(8):
            pltpu.make_async_copy(
                vin.at[r, :], out_hbm.at[pl.ds((r0 + r) * NT, NT)], sout
            ).start()
        for r in range(8):
            pltpu.make_async_copy(
                vin.at[r, :], out_hbm.at[pl.ds((r0 + r) * NT, NT)], sout
            ).wait()

_SCRATCH = (
    [pltpu.VMEM((C,), jnp.int32) for _ in range(2)]
    + [pltpu.VMEM((C, D), jnp.float32) for _ in range(2)]
    + [pltpu.VMEM((D, PADC), jnp.float32) for _ in range(2)]
    + [pltpu.SemaphoreType.DMA for _ in range(6)]
)


@functools.partial(
    pl.kernel,
    out_type=jax.ShapeDtypeStruct((NJ, D, NT), jnp.float32),
    mesh=_MESH,
    scratch_types=_SCRATCH,
    compiler_params=pltpu.CompilerParams(
        use_tc_tiling_on_sc=False, needs_layout_passes=False
    ),
)
def _embed_gather(idx_hbm, table_hbm, out_hbm, *scratch):
    idxb = scratch[0:2]
    rowsb = scratch[2:4]
    tbufb = scratch[4:6]
    isems = scratch[6:8]
    gsems = scratch[8:10]
    wsems = scratch[10:12]

    wid = lax.axis_index("s") * NC + lax.axis_index("c")
    base = wid * NCHW

    iota = lax.iota(jnp.int32, 16)
    d_lo = iota
    d_hi = iota + 16

    def idx_copy(c, b):
        gc = base + c
        src = idx_hbm.at[pl.ds(gc * C, C)]
        return pltpu.make_async_copy(src, idxb[b], isems[b])

    def gather(c, b):
        return pltpu.make_async_copy(table_hbm.at[idxb[b]], rowsb[b], gsems[b])

    def writeout(c, b):
        gc = base + c
        dst = out_hbm.at[gc // TQ, :, pl.ds((gc % TQ) * C, C)]
        return pltpu.make_async_copy(tbufb[b].at[:, pl.ds(0, C)], dst,
                                     wsems[b])

    def transpose(b):
        rows = rowsb[b]
        tbuf = tbufb[b]

        def l16_body(l16, _):
            for ll in range(16):
                lv = l16 * 16 + ll
                l_vec = jnp.full((16,), lv, jnp.int32)
                v0 = rows[lv, pl.ds(0, 16)]
                plsc.store_scatter(tbuf, [d_lo, l_vec], v0)
                v1 = rows[lv, pl.ds(16, 16)]
                plsc.store_scatter(tbuf, [d_hi, l_vec], v1)
            return 0

        lax.fori_loop(0, C // 16, l16_body, 0)

    def body(c, b, first, last):
        idx_copy(c, b).wait()
        gather(c, b).start()
        gather(c - 1, 1 - b).wait()
        if not last:
            idx_copy(c + 1, 1 - b).start()
        if not first:
            writeout(c - 3, 1 - b).wait()
        transpose(1 - b)
        writeout(c - 1, 1 - b).start()

    idx_copy(0, 0).start()
    idx_copy(1, 1).start()
    idx_copy(0, 0).wait()
    gather(0, 0).start()
    body(1, 1, True, False)
    body(2, 0, True, False)

    def main(i, _):
        c = 3 + 2 * i
        body(c, 1, False, False)
        body(c + 1, 0, False, False)
        return 0

    lax.fori_loop(0, (NCHW - 4) // 2, main, 0)

    body(NCHW - 1, 1, False, True)
    gather(NCHW - 1, 1).wait()
    writeout(NCHW - 3, 1).wait()
    transpose(1)
    writeout(NCHW - 1, 1).start()
    writeout(NCHW - 2, 0).wait()
    writeout(NCHW - 1, 1).wait()


def kernel(token_ids, weight):
    ids_p = jnp.transpose(token_ids).astype(jnp.int32)
    flat = _detile(ids_p)
    out3 = _embed_gather(flat, weight)
    return jnp.transpose(out3, (2, 0, 1))

# --- scband reference (transcript-rebuilt; emitter-appended) ---
"""Pipeline reference for scband-embedding-33449205301634 (READ-ONLY COPY).

The authoritative reference and input builder live on the scoring server;
editing this copy changes nothing except your own understanding.
"""

import jax, jax.numpy as jnp
import numpy as np

NUM_EMBEDDINGS = 1000000
EMBEDDING_DIM = 32

def setup_inputs(seed: int = 0) -> dict:
    key = jax.random.key(seed)
    k1, k2 = jax.random.split(key)
    token_ids = jax.random.randint(k1, (4096, 200), 0, NUM_EMBEDDINGS, dtype=jnp.int64 if jax.config.jax_enable_x64 else jnp.int32)
    # trunc_normal_(a=-3, b=3) approximated by truncated normal
    weight = jax.random.truncated_normal(k2, -3.0, 3.0, (NUM_EMBEDDINGS, EMBEDDING_DIM), dtype=jnp.float32)
    return {"token_ids": token_ids, "weight": weight}

def reference(token_ids, weight):
    # Faithful to: return self.weight[token_ids]
    return jnp.take(weight, token_ids, axis=0)

if __name__ == "__main__":
    import jax
    _d = setup_inputs()
    print(jax.jit(kernel)(*tuple(_d.values())))

</pallas_src>

<mosaic_0001>
#map = affine_map<(d0, d1) -> (0, 0)>
#map1 = affine_map<(d0, d1) -> (0)>
module attributes {stable_mosaic.version = 14 : i64} {
  func.func @_detile(%arg0: i32, %arg1: i32, %arg2: memref<200x4096xi32, #tpu.memory_space<hbm>>, %arg3: memref<819200xi32, #tpu.memory_space<hbm>>, %arg4: memref<8x4096xi32, #tpu.memory_space<vmem>>, %arg5: memref<!tpu.dma_semaphore, #tpu.memory_space<semaphore_mem>>) attributes {dimension_semantics = [#tpu.dimension_semantics<core_parallel>, #tpu.dimension_semantics<subcore_parallel>], iteration_bounds = array<i64: 2, 16>, scalar_prefetch = 0 : i64, scratch_operands = 2 : i64, tpu.core_type = #tpu.core_type<sc_vector_subcore>, window_params = [{transform_indices = #map}, {transform_indices = #map1}]} {
    %mul3A = arith.constant 2 : i32
    %mul3A_0 = arith.muli %arg1, %mul3A : i32
    %add3A = arith.addi %mul3A_0, %arg0 : i32
    %lt3A = arith.constant 25 : i32
    %lt3A_1 = arith.cmpi slt, %add3A, %lt3A : i32
    %convert_element_type3A = arith.extui %lt3A_1 : i1 to i32
    %cond3A = arith.constant 0 : i32
    %cond3A_2 = arith.cmpi ne, %convert_element_type3A, %cond3A : i32
    scf.if %cond3A_2 {
      %mul3A_3 = arith.constant 8 : i32
      %mul3A_4 = arith.muli %add3A, %mul3A_3 : i32
      "tpu.region"() ({
        %run_scoped3A = tpu.sem_alloc : memref<!tpu.dma_semaphore, #tpu.memory_space<semaphore_mem>>
        %dma_start3A_211 = arith.constant 0 : i32
        %dma_start3A_212 = tpu.memref_slice %arg2[%mul3A_4, %dma_start3A_211] : memref<200x4096xi32, #tpu.memory_space<hbm>> -> memref<8x4096xi32, #tpu.memory_space<hbm>>
        %dma_start3A_213 = arith.constant 0 : i32
        %dma_start3A_214 = tpu.memref_slice %arg2[%mul3A_4, %dma_start3A_213] : memref<200x4096xi32, #tpu.memory_space<hbm>> -> memref<8x4096xi32, #tpu.memory_space<hbm>>
        tpu.enqueue_dma source(%dma_start3A_214 : memref<8x4096xi32, #tpu.memory_space<hbm>>) target(%arg4 : memref<8x4096xi32, #tpu.memory_space<vmem>>) target_semaphore(%run_scoped3A : memref<!tpu.dma_semaphore, #tpu.memory_space<semaphore_mem>>)
        %dma_wait3A_215 = arith.constant 0 : i32
        %dma_wait3A_216 = tpu.memref_slice %arg2[%mul3A_4, %dma_wait3A_215] : memref<200x4096xi32, #tpu.memory_space<hbm>> -> memref<8x4096xi32, #tpu.memory_space<hbm>>
        %dma_wait3A_217 = arith.constant 0 : i32
        %dma_wait3A_218 = tpu.memref_slice %arg2[%mul3A_4, %dma_wait3A_217] : memref<200x4096xi32, #tpu.memory_space<hbm>> -> memref<8x4096xi32, #tpu.memory_space<hbm>>
        tpu.wait_dma2 semaphore(%run_scoped3A : memref<!tpu.dma_semaphore, #tpu.memory_space<semaphore_mem>>) src(%dma_wait3A_218 : memref<8x4096xi32, #tpu.memory_space<hbm>>) dst(%arg4 : memref<8x4096xi32, #tpu.memory_space<vmem>>)
        tpu.yield
      }) : () -> ()
      %add3A_5 = arith.constant 0 : i32
      %add3A_6 = arith.addi %mul3A_4, %add3A_5 : i32
      %mul3A_7 = arith.constant 4096 : i32
      %mul3A_8 = arith.muli %add3A_6, %mul3A_7 : i32
      %dma_start3A = arith.constant 0 : i32
      %dma_start3A_9 = arith.constant 0 : i32
      %dma_start3A_10 = tpu.memref_slice %arg4[%dma_start3A, %dma_start3A_9] : memref<8x4096xi32, #tpu.memory_space<vmem>> -> memref<1x4096xi32, #tpu.memory_space<vmem>>
      %dma_start3A_11 = tpu.memref_squeeze %dma_start3A_10 : memref<1x4096xi32, #tpu.memory_space<vmem>> -> memref<4096xi32, #tpu.memory_space<vmem>>
      %dma_start3A_12 = tpu.memref_slice %arg3[%mul3A_8] : memref<819200xi32, #tpu.memory_space<hbm>> -> memref<4096xi32, #tpu.memory_space<hbm>>
      %dma_start3A_13 = tpu.memref_slice %arg3[%mul3A_8] : memref<819200xi32, #tpu.memory_space<hbm>> -> memref<4096xi32, #tpu.memory_space<hbm>>
      %dma_start3A_14 = arith.constant 0 : i32
      %dma_start3A_15 = tpu.memref_slice %arg4[%dma_start3A, %dma_start3A_14] : memref<8x4096xi32, #tpu.memory_space<vmem>> -> memref<1x4096xi32, #tpu.memory_space<vmem>>
      %dma_start3A_16 = tpu.memref_squeeze %dma_start3A_15 : memref<1x4096xi32, #tpu.memory_space<vmem>> -> memref<4096xi32, #tpu.memory_space<vmem>>
      tpu.enqueue_dma source(%dma_start3A_16 : memref<4096xi32, #tpu.memory_space<vmem>>) target(%dma_start3A_13 : memref<4096xi32, #tpu.memory_space<hbm>>) target_semaphore(%arg5 : memref<!tpu.dma_semaphore, #tpu.memory_space<semaphore_mem>>)
      %add3A_17 = arith.constant 1 : i32
      %add3A_18 = arith.addi %mul3A_4, %add3A_17 : i32
      %mul3A_19 = arith.constant 4096 : i32
      %mul3A_20 = arith.muli %add3A_18, %mul3A_19 : i32
      %dma_start3A_21 = arith.constant 1 : i32
      %dma_start3A_22 = arith.constant 0 : i32
      %dma_start3A_23 = tpu.memref_slice %arg4[%dma_start3A_21, %dma_start3A_22] : memref<8x4096xi32, #tpu.memory_space<vmem>> -> memref<1x4096xi32, #tpu.memory_space<vmem>>
      %dma_start3A_24 = tpu.memref_squeeze %dma_start3A_23 : memref<1x4096xi32, #tpu.memory_space<vmem>> -> memref<4096xi32, #tpu.memory_space<vmem>>
      %dma_start3A_25 = tpu.memref_slice %arg3[%mul3A_20] : memref<819200xi32, #tpu.memory_space<hbm>> -> memref<4096xi32, #tpu.memory_space<hbm>>
      %dma_start3A_26 = tpu.memref_slice %arg3[%mul3A_20] : memref<819200xi32, #tpu.memory_space<hbm>> -> memref<4096xi32, #tpu.memory_space<hbm>>
      %dma_start3A_27 = arith.constant 0 : i32
      %dma_start3A_28 = tpu.memref_slice %arg4[%dma_start3A_21, %dma_start3A_27] : memref<8x4096xi32, #tpu.memory_space<vmem>> -> memref<1x4096xi32, #tpu.memory_space<vmem>>
      %dma_start3A_29 = tpu.memref_squeeze %dma_start3A_28 : memref<1x4096xi32, #tpu.memory_space<vmem>> -> memref<4096xi32, #tpu.memory_space<vmem>>
      tpu.enqueue_dma source(%dma_start3A_29 : memref<4096xi32, #tpu.memory_space<vmem>>) target(%dma_start3A_26 : memref<4096xi32, #tpu.memory_space<hbm>>) target_semaphore(%arg5 : memref<!tpu.dma_semaphore, #tpu.memory_space<semaphore_mem>>)
      %add3A_30 = arith.constant 2 : i32
      %add3A_31 = arith.addi %mul3A_4, %add3A_30 : i32
      %mul3A_32 = arith.constant 4096 : i32
      %mul3A_33 = arith.muli %add3A_31, %mul3A_32 : i32
      %dma_start3A_34 = arith.constant 2 : i32
      %dma_start3A_35 = arith.constant 0 : i32
      %dma_start3A_36 = tpu.memref_slice %arg4[%dma_start3A_34, %dma_start3A_35] : memref<8x4096xi32, #tpu.memory_space<vmem>> -> memref<1x4096xi32, #tpu.memory_space<vmem>>
      %dma_start3A_37 = tpu.memref_squeeze %dma_start3A_36 : memref<1x4096xi32, #tpu.memory_space<vmem>> -> memref<4096xi32, #tpu.memory_space<vmem>>
      %dma_start3A_38 = tpu.memref_slice %arg3[%mul3A_33] : memref<819200xi32, #tpu.memory_space<hbm>> -> memref<4096xi32, #tpu.memory_space<hbm>>
      %dma_start3A_39 = tpu.memref_slice %arg3[%mul3A_33] : memref<819200xi32, #tpu.memory_space<hbm>> -> memref<4096xi32, #tpu.memory_space<hbm>>
      %dma_start3A_40 = arith.constant 0 : i32
      %dma_start3A_41 = tpu.memref_slice %arg4[%dma_start3A_34, %dma_start3A_40] : memref<8x4096xi32, #tpu.memory_space<vmem>> -> memref<1x4096xi32, #tpu.memory_space<vmem>>
      %dma_start3A_42 = tpu.memref_squeeze %dma_start3A_41 : memref<1x4096xi32, #tpu.memory_space<vmem>> -> memref<4096xi32, #tpu.memory_space<vmem>>
      tpu.enqueue_dma source(%dma_start3A_42 : memref<4096xi32, #tpu.memory_space<vmem>>) target(%dma_start3A_39 : memref<4096xi32, #tpu.memory_space<hbm>>) target_semaphore(%arg5 : memref<!tpu.dma_semaphore, #tpu.memory_space<semaphore_mem>>)
      %add3A_43 = arith.constant 3 : i32
      %add3A_44 = arith.addi %mul3A_4, %add3A_43 : i32
      %mul3A_45 = arith.constant 4096 : i32
      %mul3A_46 = arith.muli %add3A_44, %mul3A_45 : i32
      %dma_start3A_47 = arith.constant 3 : i32
      %dma_start3A_48 = arith.constant 0 : i32
      %dma_start3A_49 = tpu.memref_slice %arg4[%dma_start3A_47, %dma_start3A_48] : memref<8x4096xi32, #tpu.memory_space<vmem>> -> memref<1x4096xi32, #tpu.memory_space<vmem>>
      %dma_start3A_50 = tpu.memref_squeeze %dma_start3A_49 : memref<1x4096xi32, #tpu.memory_space<vmem>> -> memref<4096xi32, #tpu.memory_space<vmem>>
      %dma_start3A_51 = tpu.memref_slice %arg3[%mul3A_46] : memref<819200xi32, #tpu.memory_space<hbm>> -> memref<4096xi32, #tpu.memory_space<hbm>>
      %dma_start3A_52 = tpu.memref_slice %arg3[%mul3A_46] : memref<819200xi32, #tpu.memory_space<hbm>> -> memref<4096xi32, #tpu.memory_space<hbm>>
      %dma_start3A_53 = arith.constant 0 : i32
      %dma_start3A_54 = tpu.memref_slice %arg4[%dma_start3A_47, %dma_start3A_53] : memref<8x4096xi32, #tpu.memory_space<vmem>> -> memref<1x4096xi32, #tpu.memory_space<vmem>>
      %dma_start3A_55 = tpu.memref_squeeze %dma_start3A_54 : memref<1x4096xi32, #tpu.memory_space<vmem>> -> memref<4096xi32, #tpu.memory_space<vmem>>
      tpu.enqueue_dma source(%dma_start3A_55 : memref<4096xi32, #tpu.memory_space<vmem>>) target(%dma_start3A_52 : memref<4096xi32, #tpu.memory_space<hbm>>) target_semaphore(%arg5 : memref<!tpu.dma_semaphore, #tpu.memory_space<semaphore_mem>>)
      %add3A_56 = arith.constant 4 : i32
      %add3A_57 = arith.addi %mul3A_4, %add3A_56 : i32
      %mul3A_58 = arith.constant 4096 : i32
      %mul3A_59 = arith.muli %add3A_57, %mul3A_58 : i32
      %dma_start3A_60 = arith.constant 4 : i32
      %dma_start3A_61 = arith.constant 0 : i32
      %dma_start3A_62 = tpu.memref_slice %arg4[%dma_start3A_60, %dma_start3A_61] : memref<8x4096xi32, #tpu.memory_space<vmem>> -> memref<1x4096xi32, #tpu.memory_space<vmem>>
      %dma_start3A_63 = tpu.memref_squeeze %dma_start3A_62 : memref<1x4096xi32, #tpu.memory_space<vmem>> -> memref<4096xi32, #tpu.memory_space<vmem>>
      %dma_start3A_64 = tpu.memref_slice %arg3[%mul3A_59] : memref<819200xi32, #tpu.memory_space<hbm>> -> memref<4096xi32, #tpu.memory_space<hbm>>
      %dma_start3A_65 = tpu.memref_slice %arg3[%mul3A_59] : memref<819200xi32, #tpu.memory_space<hbm>> -> memref<4096xi32, #tpu.memory_space<hbm>>
      %dma_start3A_66 = arith.constant 0 : i32
      %dma_start3A_67 = tpu.memref_slice %arg4[%dma_start3A_60, %dma_start3A_66] : memref<8x4096xi32, #tpu.memory_space<vmem>> -> memref<1x4096xi32, #tpu.memory_space<vmem>>
      %dma_start3A_68 = tpu.memref_squeeze %dma_start3A_67 : memref<1x4096xi32, #tpu.memory_space<vmem>> -> memref<4096xi32, #tpu.memory_space<vmem>>
      tpu.enqueue_dma source(%dma_start3A_68 : memref<4096xi32, #tpu.memory_space<vmem>>) target(%dma_start3A_65 : memref<4096xi32, #tpu.memory_space<hbm>>) target_semaphore(%arg5 : memref<!tpu.dma_semaphore, #tpu.memory_space<semaphore_mem>>)
      %add3A_69 = arith.constant 5 : i32
      %add3A_70 = arith.addi %mul3A_4, %add3A_69 : i32
      %mul3A_71 = arith.constant 4096 : i32
      %mul3A_72 = arith.muli %add3A_70, %mul3A_71 : i32
      %dma_start3A_73 = arith.constant 5 : i32
      %dma_start3A_74 = arith.constant 0 : i32
      %dma_start3A_75 = tpu.memref_slice %arg4[%dma_start3A_73, %dma_start3A_74] : memref<8x4096xi32, #tpu.memory_space<vmem>> -> memref<1x4096xi32, #tpu.memory_space<vmem>>
      %dma_start3A_76 = tpu.memref_squeeze %dma_start3A_75 : memref<1x4096xi32, #tpu.memory_space<vmem>> -> memref<4096xi32, #tpu.memory_space<vmem>>
      %dma_start3A_77 = tpu.memref_slice %arg3[%mul3A_72] : memref<819200xi32, #tpu.memory_space<hbm>> -> memref<4096xi32, #tpu.memory_space<hbm>>
      %dma_start3A_78 = tpu.memref_slice %arg3[%mul3A_72] : memref<819200xi32, #tpu.memory_space<hbm>> -> memref<4096xi32, #tpu.memory_space<hbm>>
      %dma_start3A_79 = arith.constant 0 : i32
      %dma_start3A_80 = tpu.memref_slice %arg4[%dma_start3A_73, %dma_start3A_79] : memref<8x4096xi32, #tpu.memory_space<vmem>> -> memref<1x4096xi32, #tpu.memory_space<vmem>>
      %dma_start3A_81 = tpu.memref_squeeze %dma_start3A_80 : memref<1x4096xi32, #tpu.memory_space<vmem>> -> memref<4096xi32, #tpu.memory_space<vmem>>
      tpu.enqueue_dma source(%dma_start3A_81 : memref<4096xi32, #tpu.memory_space<vmem>>) target(%dma_start3A_78 : memref<4096xi32, #tpu.memory_space<hbm>>) target_semaphore(%arg5 : memref<!tpu.dma_semaphore, #tpu.memory_space<semaphore_mem>>)
      %add3A_82 = arith.constant 6 : i32
      %add3A_83 = arith.addi %mul3A_4, %add3A_82 : i32
      %mul3A_84 = arith.constant 4096 : i32
      %mul3A_85 = arith.muli %add3A_83, %mul3A_84 : i32
      %dma_start3A_86 = arith.constant 6 : i32
      %dma_start3A_87 = arith.constant 0 : i32
      %dma_start3A_88 = tpu.memref_slice %arg4[%dma_start3A_86, %dma_start3A_87] : memref<8x4096xi32, #tpu.memory_space<vmem>> -> memref<1x4096xi32, #tpu.memory_space<vmem>>
      %dma_start3A_89 = tpu.memref_squeeze %dma_start3A_88 : memref<1x4096xi32, #tpu.memory_space<vmem>> -> memref<4096xi32, #tpu.memory_space<vmem>>
      %dma_start3A_90 = tpu.memref_slice %arg3[%mul3A_85] : memref<819200xi32, #tpu.memory_space<hbm>> -> memref<4096xi32, #tpu.memory_space<hbm>>
      %dma_start3A_91 = tpu.memref_slice %arg3[%mul3A_85] : memref<819200xi32, #tpu.memory_space<hbm>> -> memref<4096xi32, #tpu.memory_space<hbm>>
      %dma_start3A_92 = arith.constant 0 : i32
      %dma_start3A_93 = tpu.memref_slice %arg4[%dma_start3A_86, %dma_start3A_92] : memref<8x4096xi32, #tpu.memory_space<vmem>> -> memref<1x4096xi32, #tpu.memory_space<vmem>>
      %dma_start3A_94 = tpu.memref_squeeze %dma_start3A_93 : memref<1x4096xi32, #tpu.memory_space<vmem>> -> memref<4096xi32, #tpu.memory_space<vmem>>
      tpu.enqueue_dma source(%dma_start3A_94 : memref<4096xi32, #tpu.memory_space<vmem>>) target(%dma_start3A_91 : memref<4096xi32, #tpu.memory_space<hbm>>) target_semaphore(%arg5 : memref<!tpu.dma_semaphore, #tpu.memory_space<semaphore_mem>>)
      %add3A_95 = arith.constant 7 : i32
      %add3A_96 = arith.addi %mul3A_4, %add3A_95 : i32
      %mul3A_97 = arith.constant 4096 : i32
      %mul3A_98 = arith.muli %add3A_96, %mul3A_97 : i32
      %dma_start3A_99 = arith.constant 7 : i32
      %dma_start3A_100 = arith.constant 0 : i32
      %dma_start3A_101 = tpu.memref_slice %arg4[%dma_start3A_99, %dma_start3A_100] : memref<8x4096xi32, #tpu.memory_space<vmem>> -> memref<1x4096xi32, #tpu.memory_space<vmem>>
      %dma_start3A_102 = tpu.memref_squeeze %dma_start3A_101 : memref<1x4096xi32, #tpu.memory_space<vmem>> -> memref<4096xi32, #tpu.memory_space<vmem>>
      %dma_start3A_103 = tpu.memref_slice %arg3[%mul3A_98] : memref<819200xi32, #tpu.memory_space<hbm>> -> memref<4096xi32, #tpu.memory_space<hbm>>
      %dma_start3A_104 = tpu.memref_slice %arg3[%mul3A_98] : memref<819200xi32, #tpu.memory_space<hbm>> -> memref<4096xi32, #tpu.memory_space<hbm>>
      %dma_start3A_105 = arith.constant 0 : i32
      %dma_start3A_106 = tpu.memref_slice %arg4[%dma_start3A_99, %dma_start3A_105] : memref<8x4096xi32, #tpu.memory_space<vmem>> -> memref<1x4096xi32, #tpu.memory_space<vmem>>
      %dma_start3A_107 = tpu.memref_squeeze %dma_start3A_106 : memref<1x4096xi32, #tpu.memory_space<vmem>> -> memref<4096xi32, #tpu.memory_space<vmem>>
      tpu.enqueue_dma source(%dma_start3A_107 : memref<4096xi32, #tpu.memory_space<vmem>>) target(%dma_start3A_104 : memref<4096xi32, #tpu.memory_space<hbm>>) target_semaphore(%arg5 : memref<!tpu.dma_semaphore, #tpu.memory_space<semaphore_mem>>)
      %add3A_108 = arith.constant 0 : i32
      %add3A_109 = arith.addi %mul3A_4, %add3A_108 : i32
      %mul3A_110 = arith.constant 4096 : i32
      %mul3A_111 = arith.muli %add3A_109, %mul3A_110 : i32
      %dma_wait3A = arith.constant 0 : i32
      %dma_wait3A_112 = arith.constant 0 : i32
      %dma_wait3A_113 = tpu.memref_slice %arg4[%dma_wait3A, %dma_wait3A_112] : memref<8x4096xi32, #tpu.memory_space<vmem>> -> memref<1x4096xi32, #tpu.memory_space<vmem>>
      %dma_wait3A_114 = tpu.memref_squeeze %dma_wait3A_113 : memref<1x4096xi32, #tpu.memory_space<vmem>> -> memref<4096xi32, #tpu.memory_space<vmem>>
      %dma_wait3A_115 = tpu.memref_slice %arg3[%mul3A_111] : memref<819200xi32, #tpu.memory_space<hbm>> -> memref<4096xi32, #tpu.memory_space<hbm>>
      %dma_wait3A_116 = tpu.memref_slice %arg3[%mul3A_111] : memref<819200xi32, #tpu.memory_space<hbm>> -> memref<4096xi32, #tpu.memory_space<hbm>>
      %dma_wait3A_117 = arith.constant 0 : i32
      %dma_wait3A_118 = tpu.memref_slice %arg4[%dma_wait3A, %dma_wait3A_117] : memref<8x4096xi32, #tpu.memory_space<vmem>> -> memref<1x4096xi32, #tpu.memory_space<vmem>>
      %dma_wait3A_119 = tpu.memref_squeeze %dma_wait3A_118 : memref<1x4096xi32, #tpu.memory_space<vmem>> -> memref<4096xi32, #tpu.memory_space<vmem>>
      tpu.wait_dma2 semaphore(%arg5 : memref<!tpu.dma_semaphore, #tpu.memory_space<semaphore_mem>>) src(%dma_wait3A_119 : memref<4096xi32, #tpu.memory_space<vmem>>) dst(%dma_wait3A_116 : memref<4096xi32, #tpu.memory_space<hbm>>)
      %add3A_120 = arith.constant 1 : i32
      %add3A_121 = arith.addi %mul3A_4, %add3A_120 : i32
      %mul3A_122 = arith.constant 4096 : i32
      %mul3A_123 = arith.muli %add3A_121, %mul3A_122 : i32
      %dma_wait3A_124 = arith.constant 1 : i32
      %dma_wait3A_125 = arith.constant 0 : i32
      %dma_wait3A_126 = tpu.memref_slice %arg4[%dma_wait3A_124, %dma_wait3A_125] : memref<8x4096xi32, #tpu.memory_space<vmem>> -> memref<1x4096xi32, #tpu.memory_space<vmem>>
      %dma_wait3A_127 = tpu.memref_squeeze %dma_wait3A_126 : memref<1x4096xi32, #tpu.memory_space<vmem>> -> memref<4096xi32, #tpu.memory_space<vmem>>
      %dma_wait3A_128 = tpu.memref_slice %arg3[%mul3A_123] : memref<819200xi32, #tpu.memory_space<hbm>> -> memref<4096xi32, #tpu.memory_space<hbm>>
      %dma_wait3A_129 = tpu.memref_slice %arg3[%mul3A_123] : memref<819200xi32, #tpu.memory_space<hbm>> -> memref<4096xi32, #tpu.memory_space<hbm>>
      %dma_wait3A_130 = arith.constant 0 : i32
      %dma_wait3A_131 = tpu.memref_slice %arg4[%dma_wait3A_124, %dma_wait3A_130] : memref<8x4096xi32, #tpu.memory_space<vmem>> -> memref<1x4096xi32, #tpu.memory_space<vmem>>
      %dma_wait3A_132 = tpu.memref_squeeze %dma_wait3A_131 : memref<1x4096xi32, #tpu.memory_space<vmem>> -> memref<4096xi32, #tpu.memory_space<vmem>>
      tpu.wait_dma2 semaphore(%arg5 : memref<!tpu.dma_semaphore, #tpu.memory_space<semaphore_mem>>) src(%dma_wait3A_132 : memref<4096xi32, #tpu.memory_space<vmem>>) dst(%dma_wait3A_129 : memref<4096xi32, #tpu.memory_space<hbm>>)
      %add3A_133 = arith.constant 2 : i32
      %add3A_134 = arith.addi %mul3A_4, %add3A_133 : i32
      %mul3A_135 = arith.constant 4096 : i32
      %mul3A_136 = arith.muli %add3A_134, %mul3A_135 : i32
      %dma_wait3A_137 = arith.constant 2 : i32
      %dma_wait3A_138 = arith.constant 0 : i32
      %dma_wait3A_139 = tpu.memref_slice %arg4[%dma_wait3A_137, %dma_wait3A_138] : memref<8x4096xi32, #tpu.memory_space<vmem>> -> memref<1x4096xi32, #tpu.memory_space<vmem>>
      %dma_wait3A_140 = tpu.memref_squeeze %dma_wait3A_139 : memref<1x4096xi32, #tpu.memory_space<vmem>> -> memref<4096xi32, #tpu.memory_space<vmem>>
      %dma_wait3A_141 = tpu.memref_slice %arg3[%mul3A_136] : memref<819200xi32, #tpu.memory_space<hbm>> -> memref<4096xi32, #tpu.memory_space<hbm>>
      %dma_wait3A_142 = tpu.memref_slice %arg3[%mul3A_136] : memref<819200xi32, #tpu.memory_space<hbm>> -> memref<4096xi32, #tpu.memory_space<hbm>>
      %dma_wait3A_143 = arith.constant 0 : i32
      %dma_wait3A_144 = tpu.memref_slice %arg4[%dma_wait3A_137, %dma_wait3A_143] : memref<8x4096xi32, #tpu.memory_space<vmem>> -> memref<1x4096xi32, #tpu.memory_space<vmem>>
      %dma_wait3A_145 = tpu.memref_squeeze %dma_wait3A_144 : memref<1x4096xi32, #tpu.memory_space<vmem>> -> memref<4096xi32, #tpu.memory_space<vmem>>
      tpu.wait_dma2 semaphore(%arg5 : memref<!tpu.dma_semaphore, #tpu.memory_space<semaphore_mem>>) src(%dma_wait3A_145 : memref<4096xi32, #tpu.memory_space<vmem>>) dst(%dma_wait3A_142 : memref<4096xi32, #tpu.memory_space<hbm>>)
      %add3A_146 = arith.constant 3 : i32
      %add3A_147 = arith.addi %mul3A_4, %add3A_146 : i32
      %mul3A_148 = arith.constant 4096 : i32
      %mul3A_149 = arith.muli %add3A_147, %mul3A_148 : i32
      %dma_wait3A_150 = arith.constant 3 : i32
      %dma_wait3A_151 = arith.constant 0 : i32
      %dma_wait3A_152 = tpu.memref_slice %arg4[%dma_wait3A_150, %dma_wait3A_151] : memref<8x4096xi32, #tpu.memory_space<vmem>> -> memref<1x4096xi32, #tpu.memory_space<vmem>>
      %dma_wait3A_153 = tpu.memref_squeeze %dma_wait3A_152 : memref<1x4096xi32, #tpu.memory_space<vmem>> -> memref<4096xi32, #tpu.memory_space<vmem>>
      %dma_wait3A_154 = tpu.memref_slice %arg3[%mul3A_149] : memref<819200xi32, #tpu.memory_space<hbm>> -> memref<4096xi32, #tpu.memory_space<hbm>>
      %dma_wait3A_155 = tpu.memref_slice %arg3[%mul3A_149] : memref<819200xi32, #tpu.memory_space<hbm>> -> memref<4096xi32, #tpu.memory_space<hbm>>
      %dma_wait3A_156 = arith.constant 0 : i32
      %dma_wait3A_157 = tpu.memref_slice %arg4[%dma_wait3A_150, %dma_wait3A_156] : memref<8x4096xi32, #tpu.memory_space<vmem>> -> memref<1x4096xi32, #tpu.memory_space<vmem>>
      %dma_wait3A_158 = tpu.memref_squeeze %dma_wait3A_157 : memref<1x4096xi32, #tpu.memory_space<vmem>> -> memref<4096xi32, #tpu.memory_space<vmem>>
      tpu.wait_dma2 semaphore(%arg5 : memref<!tpu.dma_semaphore, #tpu.memory_space<semaphore_mem>>) src(%dma_wait3A_158 : memref<4096xi32, #tpu.memory_space<vmem>>) dst(%dma_wait3A_155 : memref<4096xi32, #tpu.memory_space<hbm>>)
      %add3A_159 = arith.constant 4 : i32
      %add3A_160 = arith.addi %mul3A_4, %add3A_159 : i32
      %mul3A_161 = arith.constant 4096 : i32
      %mul3A_162 = arith.muli %add3A_160, %mul3A_161 : i32
      %dma_wait3A_163 = arith.constant 4 : i32
      %dma_wait3A_164 = arith.constant 0 : i32
      %dma_wait3A_165 = tpu.memref_slice %arg4[%dma_wait3A_163, %dma_wait3A_164] : memref<8x4096xi32, #tpu.memory_space<vmem>> -> memref<1x4096xi32, #tpu.memory_space<vmem>>
      %dma_wait3A_166 = tpu.memref_squeeze %dma_wait3A_165 : memref<1x4096xi32, #tpu.memory_space<vmem>> -> memref<4096xi32, #tpu.memory_space<vmem>>
      %dma_wait3A_167 = tpu.memref_slice %arg3[%mul3A_162] : memref<819200xi32, #tpu.memory_space<hbm>> -> memref<4096xi32, #tpu.memory_space<hbm>>
      %dma_wait3A_168 = tpu.memref_slice %arg3[%mul3A_162] : memref<819200xi32, #tpu.memory_space<hbm>> -> memref<4096xi32, #tpu.memory_space<hbm>>
      %dma_wait3A_169 = arith.constant 0 : i32
      %dma_wait3A_170 = tpu.memref_slice %arg4[%dma_wait3A_163, %dma_wait3A_169] : memref<8x4096xi32, #tpu.memory_space<vmem>> -> memref<1x4096xi32, #tpu.memory_space<vmem>>
      %dma_wait3A_171 = tpu.memref_squeeze %dma_wait3A_170 : memref<1x4096xi32, #tpu.memory_space<vmem>> -> memref<4096xi32, #tpu.memory_space<vmem>>
      tpu.wait_dma2 semaphore(%arg5 : memref<!tpu.dma_semaphore, #tpu.memory_space<semaphore_mem>>) src(%dma_wait3A_171 : memref<4096xi32, #tpu.memory_space<vmem>>) dst(%dma_wait3A_168 : memref<4096xi32, #tpu.memory_space<hbm>>)
      %add3A_172 = arith.constant 5 : i32
      %add3A_173 = arith.addi %mul3A_4, %add3A_172 : i32
      %mul3A_174 = arith.constant 4096 : i32
      %mul3A_175 = arith.muli %add3A_173, %mul3A_174 : i32
      %dma_wait3A_176 = arith.constant 5 : i32
      %dma_wait3A_177 = arith.constant 0 : i32
      %dma_wait3A_178 = tpu.memref_slice %arg4[%dma_wait3A_176, %dma_wait3A_177] : memref<8x4096xi32, #tpu.memory_space<vmem>> -> memref<1x4096xi32, #tpu.memory_space<vmem>>
      %dma_wait3A_179 = tpu.memref_squeeze %dma_wait3A_178 : memref<1x4096xi32, #tpu.memory_space<vmem>> -> memref<4096xi32, #tpu.memory_space<vmem>>
      %dma_wait3A_180 = tpu.memref_slice %arg3[%mul3A_175] : memref<819200xi32, #tpu.memory_space<hbm>> -> memref<4096xi32, #tpu.memory_space<hbm>>
      %dma_wait3A_181 = tpu.memref_slice %arg3[%mul3A_175] : memref<819200xi32, #tpu.memory_space<hbm>> -> memref<4096xi32, #tpu.memory_space<hbm>>
      %dma_wait3A_182 = arith.constant 0 : i32
      %dma_wait3A_183 = tpu.memref_slice %arg4[%dma_wait3A_176, %dma_wait3A_182] : memref<8x4096xi32, #tpu.memory_space<vmem>> -> memref<1x4096xi32, #tpu.memory_space<vmem>>
      %dma_wait3A_184 = tpu.memref_squeeze %dma_wait3A_183 : memref<1x4096xi32, #tpu.memory_space<vmem>> -> memref<4096xi32, #tpu.memory_space<vmem>>
      tpu.wait_dma2 semaphore(%arg5 : memref<!tpu.dma_semaphore, #tpu.memory_space<semaphore_mem>>) src(%dma_wait3A_184 : memref<4096xi32, #tpu.memory_space<vmem>>) dst(%dma_wait3A_181 : memref<4096xi32, #tpu.memory_space<hbm>>)
      %add3A_185 = arith.constant 6 : i32
      %add3A_186 = arith.addi %mul3A_4, %add3A_185 : i32
      %mul3A_187 = arith.constant 4096 : i32
      %mul3A_188 = arith.muli %add3A_186, %mul3A_187 : i32
      %dma_wait3A_189 = arith.constant 6 : i32
      %dma_wait3A_190 = arith.constant 0 : i32
      %dma_wait3A_191 = tpu.memref_slice %arg4[%dma_wait3A_189, %dma_wait3A_190] : memref<8x4096xi32, #tpu.memory_space<vmem>> -> memref<1x4096xi32, #tpu.memory_space<vmem>>
      %dma_wait3A_192 = tpu.memref_squeeze %dma_wait3A_191 : memref<1x4096xi32, #tpu.memory_space<vmem>> -> memref<4096xi32, #tpu.memory_space<vmem>>
      %dma_wait3A_193 = tpu.memref_slice %arg3[%mul3A_188] : memref<819200xi32, #tpu.memory_space<hbm>> -> memref<4096xi32, #tpu.memory_space<hbm>>
      %dma_wait3A_194 = tpu.memref_slice %arg3[%mul3A_188] : memref<819200xi32, #tpu.memory_space<hbm>> -> memref<4096xi32, #tpu.memory_space<hbm>>
      %dma_wait3A_195 = arith.constant 0 : i32
      %dma_wait3A_196 = tpu.memref_slice %arg4[%dma_wait3A_189, %dma_wait3A_195] : memref<8x4096xi32, #tpu.memory_space<vmem>> -> memref<1x4096xi32, #tpu.memory_space<vmem>>
      %dma_wait3A_197 = tpu.memref_squeeze %dma_wait3A_196 : memref<1x4096xi32, #tpu.memory_space<vmem>> -> memref<4096xi32, #tpu.memory_space<vmem>>
      tpu.wait_dma2 semaphore(%arg5 : memref<!tpu.dma_semaphore, #tpu.memory_space<semaphore_mem>>) src(%dma_wait3A_197 : memref<4096xi32, #tpu.memory_space<vmem>>) dst(%dma_wait3A_194 : memref<4096xi32, #tpu.memory_space<hbm>>)
      %add3A_198 = arith.constant 7 : i32
      %add3A_199 = arith.addi %mul3A_4, %add3A_198 : i32
      %mul3A_200 = arith.constant 4096 : i32
      %mul3A_201 = arith.muli %add3A_199, %mul3A_200 : i32
      %dma_wait3A_202 = arith.constant 7 : i32
      %dma_wait3A_203 = arith.constant 0 : i32
      %dma_wait3A_204 = tpu.memref_slice %arg4[%dma_wait3A_202, %dma_wait3A_203] : memref<8x4096xi32, #tpu.memory_space<vmem>> -> memref<1x4096xi32, #tpu.memory_space<vmem>>
      %dma_wait3A_205 = tpu.memref_squeeze %dma_wait3A_204 : memref<1x4096xi32, #tpu.memory_space<vmem>> -> memref<4096xi32, #tpu.memory_space<vmem>>
      %dma_wait3A_206 = tpu.memref_slice %arg3[%mul3A_201] : memref<819200xi32, #tpu.memory_space<hbm>> -> memref<4096xi32, #tpu.memory_space<hbm>>
      %dma_wait3A_207 = tpu.memref_slice %arg3[%mul3A_201] : memref<819200xi32, #tpu.memory_space<hbm>> -> memref<4096xi32, #tpu.memory_space<hbm>>
      %dma_wait3A_208 = arith.constant 0 : i32
      %dma_wait3A_209 = tpu.memref_slice %arg4[%dma_wait3A_202, %dma_wait3A_208] : memref<8x4096xi32, #tpu.memory_space<vmem>> -> memref<1x4096xi32, #tpu.memory_space<vmem>>
      %dma_wait3A_210 = tpu.memref_squeeze %dma_wait3A_209 : memref<1x4096xi32, #tpu.memory_space<vmem>> -> memref<4096xi32, #tpu.memory_space<vmem>>
      tpu.wait_dma2 semaphore(%arg5 : memref<!tpu.dma_semaphore, #tpu.memory_space<semaphore_mem>>) src(%dma_wait3A_210 : memref<4096xi32, #tpu.memory_space<vmem>>) dst(%dma_wait3A_207 : memref<4096xi32, #tpu.memory_space<hbm>>)
    } else {
    }
    return
  }
}

#map = affine_map<(d0, d1) -> (0)>
#map1 = affine_map<(d0, d1) -> (0, 0)>
#map2 = affine_map<(d0, d1) -> (0, 0, 0)>
module attributes {stable_mosaic.version = 14 : i64} {
  func.func @_embed_gather(%arg0: i32, %arg1: i32, %arg2: memref<819200xi32, #tpu.memory_space<hbm>>, %arg3: memref<1000000x32xf32, #tpu.memory_space<hbm>>, %arg4: memref<200x32x4096xf32, #tpu.memory_space<hbm>>, %arg5: memref<512xi32, #tpu.memory_space<vmem>>, %arg6: memref<512xi32, #tpu.memory_space<vmem>>, %arg7: memref<512x32xf32, #tpu.memory_space<vmem>>, %arg8: memref<512x32xf32, #tpu.memory_space<vmem>>, %arg9: memref<32x513xf32, #tpu.memory_space<vmem>>, %arg10: memref<32x513xf32, #tpu.memory_space<vmem>>, %arg11: memref<!tpu.dma_semaphore, #tpu.memory_space<semaphore_mem>>, %arg12: memref<!tpu.dma_semaphore, #tpu.memory_space<semaphore_mem>>, %arg13: memref<!tpu.dma_semaphore, #tpu.memory_space<semaphore_mem>>, %arg14: memref<!tpu.dma_semaphore, #tpu.memory_space<semaphore_mem>>, %arg15: memref<!tpu.dma_semaphore, #tpu.memory_space<semaphore_mem>>, %arg16: memref<!tpu.dma_semaphore, #tpu.memory_space<semaphore_mem>>) attributes {dimension_semantics = [#tpu.dimension_semantics<core_parallel>, #tpu.dimension_semantics<subcore_parallel>], iteration_bounds = array<i64: 2, 16>, scalar_prefetch = 0 : i64, scratch_operands = 12 : i64, tpu.core_type = #tpu.core_type<sc_vector_subcore>, window_params = [{transform_indices = #map}, {transform_indices = #map1}, {transform_indices = #map2}]} {
    %mul3A = arith.constant 2 : i32
    %mul3A_0 = arith.muli %arg1, %mul3A : i32
    %add3A = arith.addi %mul3A_0, %arg0 : i32
    %mul3A_1 = arith.constant 50 : i32
    %mul3A_2 = arith.muli %add3A, %mul3A_1 : i32
    %iota3A = tpu.iota {dimensions = array<i32: 0>} : vector<16xi32>
    %add3A_3 = arith.constant 16 : i32
    %add3A_4 = vector.broadcast %add3A_3 : i32 to vector<16xi32>
    %add3A_5 = arith.addi %iota3A, %add3A_4 : vector<16xi32>
    %add3A_6 = arith.constant 0 : i32
    %add3A_7 = arith.addi %mul3A_2, %add3A_6 : i32
    %mul3A_8 = arith.constant 512 : i32
    %mul3A_9 = arith.muli %add3A_7, %mul3A_8 : i32
    %dma_start3A = tpu.memref_slice %arg2[%mul3A_9] : memref<819200xi32, #tpu.memory_space<hbm>> -> memref<512xi32, #tpu.memory_space<hbm>>
    %dma_start3A_10 = tpu.memref_slice %arg2[%mul3A_9] : memref<819200xi32, #tpu.memory_space<hbm>> -> memref<512xi32, #tpu.memory_space<hbm>>
    tpu.enqueue_dma source(%dma_start3A_10 : memref<512xi32, #tpu.memory_space<hbm>>) target(%arg5 : memref<512xi32, #tpu.memory_space<vmem>>) target_semaphore(%arg11 : memref<!tpu.dma_semaphore, #tpu.memory_space<semaphore_mem>>)
    %add3A_11 = arith.constant 1 : i32
    %add3A_12 = arith.addi %mul3A_2, %add3A_11 : i32
    %mul3A_13 = arith.constant 512 : i32
    %mul3A_14 = arith.muli %add3A_12, %mul3A_13 : i32
    %dma_start3A_15 = tpu.memref_slice %arg2[%mul3A_14] : memref<819200xi32, #tpu.memory_space<hbm>> -> memref<512xi32, #tpu.memory_space<hbm>>
    %dma_start3A_16 = tpu.memref_slice %arg2[%mul3A_14] : memref<819200xi32, #tpu.memory_space<hbm>> -> memref<512xi32, #tpu.memory_space<hbm>>
    tpu.enqueue_dma source(%dma_start3A_16 : memref<512xi32, #tpu.memory_space<hbm>>) target(%arg6 : memref<512xi32, #tpu.memory_space<vmem>>) target_semaphore(%arg12 : memref<!tpu.dma_semaphore, #tpu.memory_space<semaphore_mem>>)
    %add3A_17 = arith.constant 0 : i32
    %add3A_18 = arith.addi %mul3A_2, %add3A_17 : i32
    %mul3A_19 = arith.constant 512 : i32
    %mul3A_20 = arith.muli %add3A_18, %mul3A_19 : i32
    %dma_wait3A = tpu.memref_slice %arg2[%mul3A_20] : memref<819200xi32, #tpu.memory_space<hbm>> -> memref<512xi32, #tpu.memory_space<hbm>>
    %dma_wait3A_21 = tpu.memref_slice %arg2[%mul3A_20] : memref<819200xi32, #tpu.memory_space<hbm>> -> memref<512xi32, #tpu.memory_space<hbm>>
    tpu.wait_dma2 semaphore(%arg11 : memref<!tpu.dma_semaphore, #tpu.memory_space<semaphore_mem>>) src(%dma_wait3A_21 : memref<512xi32, #tpu.memory_space<hbm>>) dst(%arg5 : memref<512xi32, #tpu.memory_space<vmem>>)
    %dma_start3A_22 = arith.constant 0 : i32
    %dma_start3A_23 = arith.constant 0 : i32
    %dma_start3A_24 = tpu.memref_slice %arg3[%dma_start3A_22, %dma_start3A_23] : memref<1000000x32xf32, #tpu.memory_space<hbm>> -> memref<1000000x32xf32, #tpu.memory_space<hbm>>
    tpu.enqueue_indirect_dma source(%dma_start3A_24 : memref<1000000x32xf32, #tpu.memory_space<hbm>>) target(%arg7 : memref<512x32xf32, #tpu.memory_space<vmem>>) offsets(%arg5 : memref<512xi32, #tpu.memory_space<vmem>>) semaphore(%arg13 : memref<!tpu.dma_semaphore, #tpu.memory_space<semaphore_mem>>)
    %add3A_25 = arith.constant 1 : i32
    %add3A_26 = arith.addi %mul3A_2, %add3A_25 : i32
    %mul3A_27 = arith.constant 512 : i32
    %mul3A_28 = arith.muli %add3A_26, %mul3A_27 : i32
    %dma_wait3A_29 = tpu.memref_slice %arg2[%mul3A_28] : memref<819200xi32, #tpu.memory_space<hbm>> -> memref<512xi32, #tpu.memory_space<hbm>>
    %dma_wait3A_30 = tpu.memref_slice %arg2[%mul3A_28] : memref<819200xi32, #tpu.memory_space<hbm>> -> memref<512xi32, #tpu.memory_space<hbm>>
    tpu.wait_dma2 semaphore(%arg12 : memref<!tpu.dma_semaphore, #tpu.memory_space<semaphore_mem>>) src(%dma_wait3A_30 : memref<512xi32, #tpu.memory_space<hbm>>) dst(%arg6 : memref<512xi32, #tpu.memory_space<vmem>>)
    %dma_start3A_31 = arith.constant 0 : i32
    %dma_start3A_32 = arith.constant 0 : i32
    %dma_start3A_33 = tpu.memref_slice %arg3[%dma_start3A_31, %dma_start3A_32] : memref<1000000x32xf32, #tpu.memory_space<hbm>> -> memref<1000000x32xf32, #tpu.memory_space<hbm>>
    tpu.enqueue_indirect_dma source(%dma_start3A_33 : memref<1000000x32xf32, #tpu.memory_space<hbm>>) target(%arg8 : memref<512x32xf32, #tpu.memory_space<vmem>>) offsets(%arg6 : memref<512xi32, #tpu.memory_space<vmem>>) semaphore(%arg14 : memref<!tpu.dma_semaphore, #tpu.memory_space<semaphore_mem>>)
    %dma_wait3A_34 = arith.constant 0 : i32
    %dma_wait3A_35 = arith.constant 0 : i32
    %dma_wait3A_36 = tpu.memref_slice %arg3[%dma_wait3A_34, %dma_wait3A_35] : memref<1000000x32xf32, #tpu.memory_space<hbm>> -> memref<1000000x32xf32, #tpu.memory_space<hbm>>
    tpu.wait_indirect_dma semaphore(%arg13 : memref<!tpu.dma_semaphore, #tpu.memory_space<semaphore_mem>>) src(%dma_wait3A_36 : memref<1000000x32xf32, #tpu.memory_space<hbm>>) dst(%arg7 : memref<512x32xf32, #tpu.memory_space<vmem>>)
    %add3A_37 = arith.constant 2 : i32
    %add3A_38 = arith.addi %mul3A_2, %add3A_37 : i32
    %mul3A_39 = arith.constant 512 : i32
    %mul3A_40 = arith.muli %add3A_38, %mul3A_39 : i32
    %dma_start3A_41 = tpu.memref_slice %arg2[%mul3A_40] : memref<819200xi32, #tpu.memory_space<hbm>> -> memref<512xi32, #tpu.memory_space<hbm>>
    %dma_start3A_42 = tpu.memref_slice %arg2[%mul3A_40] : memref<819200xi32, #tpu.memory_space<hbm>> -> memref<512xi32, #tpu.memory_space<hbm>>
    tpu.enqueue_dma source(%dma_start3A_42 : memref<512xi32, #tpu.memory_space<hbm>>) target(%arg5 : memref<512xi32, #tpu.memory_space<vmem>>) target_semaphore(%arg11 : memref<!tpu.dma_semaphore, #tpu.memory_space<semaphore_mem>>)
    %scan3A = arith.constant 0 : i32
    %scan3A_43 = arith.constant 0 : i32
    %scan3A_44 = arith.constant 32 : i32
    %scan3A_45 = arith.addi %scan3A_43, %scan3A_44 : i32
    %scan3A_46 = arith.constant 1 : i32
    %scan3A_47 = scf.for %scan3A_548 = %scan3A_43 to %scan3A_45 step %scan3A_46 iter_args(%scan3A_549 = %scan3A) -> (i32)  : i32 {
      %mul3A_550 = arith.constant 16 : i32
      %mul3A_551 = arith.muli %scan3A_548, %mul3A_550 : i32
      %add3A_552 = arith.constant 0 : i32
      %add3A_553 = arith.addi %mul3A_551, %add3A_552 : i32
      %broadcast_in_dim3A = vector.broadcast %add3A_553 : i32 to vector<16xi32>
      %get3A = arith.index_cast %add3A_553 : i32 to index
      %get3A_554 = arith.constant 0 : index
      %get3A_555 = tpu.vector_load %arg7[%get3A, %get3A_554] {strides = array<i32>} : memref<512x32xf32, #tpu.memory_space<vmem>>, vector<16xf32>,
      tpu.vector_store_idx %arg9[%iota3A, %broadcast_in_dim3A], %get3A_555 : memref<32x513xf32, #tpu.memory_space<vmem>>[vector<16xi32>, vector<16xi32>], vector<16xf32>,
      %get3A_556 = arith.index_cast %add3A_553 : i32 to index
      %get3A_557 = arith.constant 16 : index
      %get3A_558 = tpu.vector_load %arg7[%get3A_556, %get3A_557] {strides = array<i32>} : memref<512x32xf32, #tpu.memory_space<vmem>>, vector<16xf32>,
      tpu.vector_store_idx %arg9[%add3A_5, %broadcast_in_dim3A], %get3A_558 : memref<32x513xf32, #tpu.memory_space<vmem>>[vector<16xi32>, vector<16xi32>], vector<16xf32>,
      %mul3A_559 = arith.constant 16 : i32
      %mul3A_560 = arith.muli %scan3A_548, %mul3A_559 : i32
      %add3A_561 = arith.constant 1 : i32
      %add3A_562 = arith.addi %mul3A_560, %add3A_561 : i32
      %broadcast_in_dim3A_563 = vector.broadcast %add3A_562 : i32 to vector<16xi32>
      %get3A_564 = arith.index_cast %add3A_562 : i32 to index
      %get3A_565 = arith.constant 0 : index
      %get3A_566 = tpu.vector_load %arg7[%get3A_564, %get3A_565] {strides = array<i32>} : memref<512x32xf32, #tpu.memory_space<vmem>>, vector<16xf32>,
      tpu.vector_store_idx %arg9[%iota3A, %broadcast_in_dim3A_563], %get3A_566 : memref<32x513xf32, #tpu.memory_space<vmem>>[vector<16xi32>, vector<16xi32>], vector<16xf32>,
      %get3A_567 = arith.index_cast %add3A_562 : i32 to index
      %get3A_568 = arith.constant 16 : index
      %get3A_569 = tpu.vector_load %arg7[%get3A_567, %get3A_568] {strides = array<i32>} : memref<512x32xf32, #tpu.memory_space<vmem>>, vector<16xf32>,
      tpu.vector_store_idx %arg9[%add3A_5, %broadcast_in_dim3A_563], %get3A_569 : memref<32x513xf32, #tpu.memory_space<vmem>>[vector<16xi32>, vector<16xi32>], vector<16xf32>,
      %mul3A_570 = arith.constant 16 : i32
      %mul3A_571 = arith.muli %scan3A_548, %mul3A_570 : i32
      %add3A_572 = arith.constant 2 : i32
      %add3A_573 = arith.addi %mul3A_571, %add3A_572 : i32
      %broadcast_in_dim3A_574 = vector.broadcast %add3A_573 : i32 to vector<16xi32>
      %get3A_575 = arith.index_cast %add3A_573 : i32 to index
      %get3A_576 = arith.constant 0 : index
      %get3A_577 = tpu.vector_load %arg7[%get3A_575, %get3A_576] {strides = array<i32>} : memref<512x32xf32, #tpu.memory_space<vmem>>, vector<16xf32>,
      tpu.vector_store_idx %arg9[%iota3A, %broadcast_in_dim3A_574], %get3A_577 : memref<32x513xf32, #tpu.memory_space<vmem>>[vector<16xi32>, vector<16xi32>], vector<16xf32>,
      %get3A_578 = arith.index_cast %add3A_573 : i32 to index
      %get3A_579 = arith.constant 16 : index
      %get3A_580 = tpu.vector_load %arg7[%get3A_578, %get3A_579] {strides = array<i32>} : memref<512x32xf32, #tpu.memory_space<vmem>>, vector<16xf32>,
      tpu.vector_store_idx %arg9[%add3A_5, %broadcast_in_dim3A_574], %get3A_580 : memref<32x513xf32, #tpu.memory_space<vmem>>[vector<16xi32>, vector<16xi32>], vector<16xf32>,
      %mul3A_581 = arith.constant 16 : i32
      %mul3A_582 = arith.muli %scan3A_548, %mul3A_581 : i32
      %add3A_583 = arith.constant 3 : i32
      %add3A_584 = arith.addi %mul3A_582, %add3A_583 : i32
      %broadcast_in_dim3A_585 = vector.broadcast %add3A_584 : i32 to vector<16xi32>
      %get3A_586 = arith.index_cast %add3A_584 : i32 to index
      %get3A_587 = arith.constant 0 : index
      %get3A_588 = tpu.vector_load %arg7[%get3A_586, %get3A_587] {strides = array<i32>} : memref<512x32xf32, #tpu.memory_space<vmem>>, vector<16xf32>,
      tpu.vector_store_idx %arg9[%iota3A, %broadcast_in_dim3A_585], %get3A_588 : memref<32x513xf32, #tpu.memory_space<vmem>>[vector<16xi32>, vector<16xi32>], vector<16xf32>,
      %get3A_589 = arith.index_cast %add3A_584 : i32 to index
      %get3A_590 = arith.constant 16 : index
      %get3A_591 = tpu.vector_load %arg7[%get3A_589, %get3A_590] {strides = array<i32>} : memref<512x32xf32, #tpu.memory_space<vmem>>, vector<16xf32>,
      tpu.vector_store_idx %arg9[%add3A_5, %broadcast_in_dim3A_585], %get3A_591 : memref<32x513xf32, #tpu.memory_space<vmem>>[vector<16xi32>, vector<16xi32>], vector<16xf32>,
      %mul3A_592 = arith.constant 16 : i32
      %mul3A_593 = arith.muli %scan3A_548, %mul3A_592 : i32
      %add3A_594 = arith.constant 4 : i32
      %add3A_595 = arith.addi %mul3A_593, %add3A_594 : i32
      %broadcast_in_dim3A_596 = vector.broadcast %add3A_595 : i32 to vector<16xi32>
      %get3A_597 = arith.index_cast %add3A_595 : i32 to index
      %get3A_598 = arith.constant 0 : index
      %get3A_599 = tpu.vector_load %arg7[%get3A_597, %get3A_598] {strides = array<i32>} : memref<512x32xf32, #tpu.memory_space<vmem>>, vector<16xf32>,
      tpu.vector_store_idx %arg9[%iota3A, %broadcast_in_dim3A_596], %get3A_599 : memref<32x513xf32, #tpu.memory_space<vmem>>[vector<16xi32>, vector<16xi32>], vector<16xf32>,
      %get3A_600 = arith.index_cast %add3A_595 : i32 to index
      %get3A_601 = arith.constant 16 : index
      %get3A_602 = tpu.vector_load %arg7[%get3A_600, %get3A_601] {strides = array<i32>} : memref<512x32xf32, #tpu.memory_space<vmem>>, vector<16xf32>,
      tpu.vector_store_idx %arg9[%add3A_5, %broadcast_in_dim3A_596], %get3A_602 : memref<32x513xf32, #tpu.memory_space<vmem>>[vector<16xi32>, vector<16xi32>], vector<16xf32>,
      %mul3A_603 = arith.constant 16 : i32
      %mul3A_604 = arith.muli %scan3A_548, %mul3A_603 : i32
      %add3A_605 = arith.constant 5 : i32
      %add3A_606 = arith.addi %mul3A_604, %add3A_605 : i32
      %broadcast_in_dim3A_607 = vector.broadcast %add3A_606 : i32 to vector<16xi32>
      %get3A_608 = arith.index_cast %add3A_606 : i32 to index
      %get3A_609 = arith.constant 0 : index
      %get3A_610 = tpu.vector_load %arg7[%get3A_608, %get3A_609] {strides = array<i32>} : memref<512x32xf32, #tpu.memory_space<vmem>>, vector<16xf32>,
      tpu.vector_store_idx %arg9[%iota3A, %broadcast_in_dim3A_607], %get3A_610 : memref<32x513xf32, #tpu.memory_space<vmem>>[vector<16xi32>, vector<16xi32>], vector<16xf32>,
      %get3A_611 = arith.index_cast %add3A_606 : i32 to index
      %get3A_612 = arith.constant 16 : index
      %get3A_613 = tpu.vector_load %arg7[%get3A_611, %get3A_612] {strides = array<i32>} : memref<512x32xf32, #tpu.memory_space<vmem>>, vector<16xf32>,
      tpu.vector_store_idx %arg9[%add3A_5, %broadcast_in_dim3A_607], %get3A_613 : memref<32x513xf32, #tpu.memory_space<vmem>>[vector<16xi32>, vector<16xi32>], vector<16xf32>,
      %mul3A_614 = arith.constant 16 : i32
      %mul3A_615 = arith.muli %scan3A_548, %mul3A_614 : i32
      %add3A_616 = arith.constant 6 : i32
      %add3A_617 = arith.addi %mul3A_615, %add3A_616 : i32
      %broadcast_in_dim3A_618 = vector.broadcast %add3A_617 : i32 to vector<16xi32>
      %get3A_619 = arith.index_cast %add3A_617 : i32 to index
      %get3A_620 = arith.constant 0 : index
      %get3A_621 = tpu.vector_load %arg7[%get3A_619, %get3A_620] {strides = array<i32>} : memref<512x32xf32, #tpu.memory_space<vmem>>, vector<16xf32>,
      tpu.vector_store_idx %arg9[%iota3A, %broadcast_in_dim3A_618], %get3A_621 : memref<32x513xf32, #tpu.memory_space<vmem>>[vector<16xi32>, vector<16xi32>], vector<16xf32>,
      %get3A_622 = arith.index_cast %add3A_617 : i32 to index
      %get3A_623 = arith.constant 16 : index
      %get3A_624 = tpu.vector_load %arg7[%get3A_622, %get3A_623] {strides = array<i32>} : memref<512x32xf32, #tpu.memory_space<vmem>>, vector<16xf32>,
      tpu.vector_store_idx %arg9[%add3A_5, %broadcast_in_dim3A_618], %get3A_624 : memref<32x513xf32, #tpu.memory_space<vmem>>[vector<16xi32>, vector<16xi32>], vector<16xf32>,
      %mul3A_625 = arith.constant 16 : i32
      %mul3A_626 = arith.muli %scan3A_548, %mul3A_625 : i32
      %add3A_627 = arith.constant 7 : i32
      %add3A_628 = arith.addi %mul3A_626, %add3A_627 : i32
      %broadcast_in_dim3A_629 = vector.broadcast %add3A_628 : i32 to vector<16xi32>
      %get3A_630 = arith.index_cast %add3A_628 : i32 to index
      %get3A_631 = arith.constant 0 : index
      %get3A_632 = tpu.vector_load %arg7[%get3A_630, %get3A_631] {strides = array<i32>} : memref<512x32xf32, #tpu.memory_space<vmem>>, vector<16xf32>,
      tpu.vector_store_idx %arg9[%iota3A, %broadcast_in_dim3A_629], %get3A_632 : memref<32x513xf32, #tpu.memory_space<vmem>>[vector<16xi32>, vector<16xi32>], vector<16xf32>,
      %get3A_633 = arith.index_cast %add3A_628 : i32 to index
      %get3A_634 = arith.constant 16 : index
      %get3A_635 = tpu.vector_load %arg7[%get3A_633, %get3A_634] {strides = array<i32>} : memref<512x32xf32, #tpu.memory_space<vmem>>, vector<16xf32>,
      tpu.vector_store_idx %arg9[%add3A_5, %broadcast_in_dim3A_629], %get3A_635 : memref<32x513xf32, #tpu.memory_space<vmem>>[vector<16xi32>, vector<16xi32>], vector<16xf32>,
      %mul3A_636 = arith.constant 16 : i32
      %mul3A_637 = arith.muli %scan3A_548, %mul3A_636 : i32
      %add3A_638 = arith.constant 8 : i32
      %add3A_639 = arith.addi %mul3A_637, %add3A_638 : i32
      %broadcast_in_dim3A_640 = vector.broadcast %add3A_639 : i32 to vector<16xi32>
      %get3A_641 = arith.index_cast %add3A_639 : i32 to index
      %get3A_642 = arith.constant 0 : index
      %get3A_643 = tpu.vector_load %arg7[%get3A_641, %get3A_642] {strides = array<i32>} : memref<512x32xf32, #tpu.memory_space<vmem>>, vector<16xf32>,
      tpu.vector_store_idx %arg9[%iota3A, %broadcast_in_dim3A_640], %get3A_643 : memref<32x513xf32, #tpu.memory_space<vmem>>[vector<16xi32>, vector<16xi32>], vector<16xf32>,
      %get3A_644 = arith.index_cast %add3A_639 : i32 to index
      %get3A_645 = arith.constant 16 : index
      %get3A_646 = tpu.vector_load %arg7[%get3A_644, %get3A_645] {strides = array<i32>} : memref<512x32xf32, #tpu.memory_space<vmem>>, vector<16xf32>,
      tpu.vector_store_idx %arg9[%add3A_5, %broadcast_in_dim3A_640], %get3A_646 : memref<32x513xf32, #tpu.memory_space<vmem>>[vector<16xi32>, vector<16xi32>], vector<16xf32>,
      %mul3A_647 = arith.constant 16 : i32
      %mul3A_648 = arith.muli %scan3A_548, %mul3A_647 : i32
      %add3A_649 = arith.constant 9 : i32
      %add3A_650 = arith.addi %mul3A_648, %add3A_649 : i32
      %broadcast_in_dim3A_651 = vector.broadcast %add3A_650 : i32 to vector<16xi32>
      %get3A_652 = arith.index_cast %add3A_650 : i32 to index
      %get3A_653 = arith.constant 0 : index
      %get3A_654 = tpu.vector_load %arg7[%get3A_652, %get3A_653] {strides = array<i32>} : memref<512x32xf32, #tpu.memory_space<vmem>>, vector<16xf32>,
      tpu.vector_store_idx %arg9[%iota3A, %broadcast_in_dim3A_651], %get3A_654 : memref<32x513xf32, #tpu.memory_space<vmem>>[vector<16xi32>, vector<16xi32>], vector<16xf32>,
      %get3A_655 = arith.index_cast %add3A_650 : i32 to index
      %get3A_656 = arith.constant 16 : index
      %get3A_657 = tpu.vector_load %arg7[%get3A_655, %get3A_656] {strides = array<i32>} : memref<512x32xf32, #tpu.memory_space<vmem>>, vector<16xf32>,
      tpu.vector_store_idx %arg9[%add3A_5, %broadcast_in_dim3A_651], %get3A_657 : memref<32x513xf32, #tpu.memory_space<vmem>>[vector<16xi32>, vector<16xi32>], vector<16xf32>,
      %mul3A_658 = arith.constant 16 : i32
      %mul3A_659 = arith.muli %scan3A_548, %mul3A_658 : i32
      %add3A_660 = arith.constant 10 : i32
      %add3A_661 = arith.addi %mul3A_659, %add3A_660 : i32
      %broadcast_in_dim3A_662 = vector.broadcast %add3A_661 : i32 to vector<16xi32>
      %get3A_663 = arith.index_cast %add3A_661 : i32 to index
      %get3A_664 = arith.constant 0 : index
      %get3A_665 = tpu.vector_load %arg7[%get3A_663, %get3A_664] {strides = array<i32>} : memref<512x32xf32, #tpu.memory_space<vmem>>, vector<16xf32>,
      tpu.vector_store_idx %arg9[%iota3A, %broadcast_in_dim3A_662], %get3A_665 : memref<32x513xf32, #tpu.memory_space<vmem>>[vector<16xi32>, vector<16xi32>], vector<16xf32>,
      %get3A_666 = arith.index_cast %add3A_661 : i32 to index
      %get3A_667 = arith.constant 16 : index
      %get3A_668 = tpu.vector_load %arg7[%get3A_666, %get3A_667] {strides = array<i32>} : memref<512x32xf32, #tpu.memory_space<vmem>>, vector<16xf32>,
      tpu.vector_store_idx %arg9[%add3A_5, %broadcast_in_dim3A_662], %get3A_668 : memref<32x513xf32, #tpu.memory_space<vmem>>[vector<16xi32>, vector<16xi32>], vector<16xf32>,
      %mul3A_669 = arith.constant 16 : i32
      %mul3A_670 = arith.muli %scan3A_548, %mul3A_669 : i32
      %add3A_671 = arith.constant 11 : i32
      %add3A_672 = arith.addi %mul3A_670, %add3A_671 : i32
      %broadcast_in_dim3A_673 = vector.broadcast %add3A_672 : i32 to vector<16xi32>
      %get3A_674 = arith.index_cast %add3A_672 : i32 to index
      %get3A_675 = arith.constant 0 : index
      %get3A_676 = tpu.vector_load %arg7[%get3A_674, %get3A_675] {strides = array<i32>} : memref<512x32xf32, #tpu.memory_space<vmem>>, vector<16xf32>,
      tpu.vector_store_idx %arg9[%iota3A, %broadcast_in_dim3A_673], %get3A_676 : memref<32x513xf32, #tpu.memory_space<vmem>>[vector<16xi32>, vector<16xi32>], vector<16xf32>,
      %get3A_677 = arith.index_cast %add3A_672 : i32 to index
      %get3A_678 = arith.constant 16 : index
      %get3A_679 = tpu.vector_load %arg7[%get3A_677, %get3A_678] {strides = array<i32>} : memref<512x32xf32, #tpu.memory_space<vmem>>, vector<16xf32>,
      tpu.vector_store_idx %arg9[%add3A_5, %broadcast_in_dim3A_673], %get3A_679 : memref<32x513xf32, #tpu.memory_space<vmem>>[vector<16xi32>, vector<16xi32>], vector<16xf32>,
      %mul3A_680 = arith.constant 16 : i32
      %mul3A_681 = arith.muli %scan3A_548, %mul3A_680 : i32
      %add3A_682 = arith.constant 12 : i32
      %add3A_683 = arith.addi %mul3A_681, %add3A_682 : i32
      %broadcast_in_dim3A_684 = vector.broadcast %add3A_683 : i32 to vector<16xi32>
      %get3A_685 = arith.index_cast %add3A_683 : i32 to index
      %get3A_686 = arith.constant 0 : index
      %get3A_687 = tpu.vector_load %arg7[%get3A_685, %get3A_686] {strides = array<i32>} : memref<512x32xf32, #tpu.memory_space<vmem>>, vector<16xf32>,
      tpu.vector_store_idx %arg9[%iota3A, %broadcast_in_dim3A_684], %get3A_687 : memref<32x513xf32, #tpu.memory_space<vmem>>[vector<16xi32>, vector<16xi32>], vector<16xf32>,
      %get3A_688 = arith.index_cast %add3A_683 : i32 to index
      %get3A_689 = arith.constant 16 : index
      %get3A_690 = tpu.vector_load %arg7[%get3A_688, %get3A_689] {strides = array<i32>} : memref<512x32xf32, #tpu.memory_space<vmem>>, vector<16xf32>,
      tpu.vector_store_idx %arg9[%add3A_5, %broadcast_in_dim3A_684], %get3A_690 : memref<32x513xf32, #tpu.memory_space<vmem>>[vector<16xi32>, vector<16xi32>], vector<16xf32>,
      %mul3A_691 = arith.constant 16 : i32
      %mul3A_692 = arith.muli %scan3A_548, %mul3A_691 : i32
      %add3A_693 = arith.constant 13 : i32
      %add3A_694 = arith.addi %mul3A_692, %add3A_693 : i32
      %broadcast_in_dim3A_695 = vector.broadcast %add3A_694 : i32 to vector<16xi32>
      %get3A_696 = arith.index_cast %add3A_694 : i32 to index
      %get3A_697 = arith.constant 0 : index
      %get3A_698 = tpu.vector_load %arg7[%get3A_696, %get3A_697] {strides = array<i32>} : memref<512x32xf32, #tpu.memory_space<vmem>>, vector<16xf32>,
      tpu.vector_store_idx %arg9[%iota3A, %broadcast_in_dim3A_695], %get3A_698 : memref<32x513xf32, #tpu.memory_space<vmem>>[vector<16xi32>, vector<16xi32>], vector<16xf32>,
      %get3A_699 = arith.index_cast %add3A_694 : i32 to index
      %get3A_700 = arith.constant 16 : index
      %get3A_701 = tpu.vector_load %arg7[%get3A_699, %get3A_700] {strides = array<i32>} : memref<512x32xf32, #tpu.memory_space<vmem>>, vector<16xf32>,
      tpu.vector_store_idx %arg9[%add3A_5, %broadcast_in_dim3A_695], %get3A_701 : memref<32x513xf32, #tpu.memory_space<vmem>>[vector<16xi32>, vector<16xi32>], vector<16xf32>,
      %mul3A_702 = arith.constant 16 : i32
      %mul3A_703 = arith.muli %scan3A_548, %mul3A_702 : i32
      %add3A_704 = arith.constant 14 : i32
      %add3A_705 = arith.addi %mul3A_703, %add3A_704 : i32
      %broadcast_in_dim3A_706 = vector.broadcast %add3A_705 : i32 to vector<16xi32>
      %get3A_707 = arith.index_cast %add3A_705 : i32 to index
      %get3A_708 = arith.constant 0 : index
      %get3A_709 = tpu.vector_load %arg7[%get3A_707, %get3A_708] {strides = array<i32>} : memref<512x32xf32, #tpu.memory_space<vmem>>, vector<16xf32>,
      tpu.vector_store_idx %arg9[%iota3A, %broadcast_in_dim3A_706], %get3A_709 : memref<32x513xf32, #tpu.memory_space<vmem>>[vector<16xi32>, vector<16xi32>], vector<16xf32>,
      %get3A_710 = arith.index_cast %add3A_705 : i32 to index
      %get3A_711 = arith.constant 16 : index
      %get3A_712 = tpu.vector_load %arg7[%get3A_710, %get3A_711] {strides = array<i32>} : memref<512x32xf32, #tpu.memory_space<vmem>>, vector<16xf32>,
      tpu.vector_store_idx %arg9[%add3A_5, %broadcast_in_dim3A_706], %get3A_712 : memref<32x513xf32, #tpu.memory_space<vmem>>[vector<16xi32>, vector<16xi32>], vector<16xf32>,
      %mul3A_713 = arith.constant 16 : i32
      %mul3A_714 = arith.muli %scan3A_548, %mul3A_713 : i32
      %add3A_715 = arith.constant 15 : i32
      %add3A_716 = arith.addi %mul3A_714, %add3A_715 : i32
      %broadcast_in_dim3A_717 = vector.broadcast %add3A_716 : i32 to vector<16xi32>
      %get3A_718 = arith.index_cast %add3A_716 : i32 to index
      %get3A_719 = arith.constant 0 : index
      %get3A_720 = tpu.vector_load %arg7[%get3A_718, %get3A_719] {strides = array<i32>} : memref<512x32xf32, #tpu.memory_space<vmem>>, vector<16xf32>,
      tpu.vector_store_idx %arg9[%iota3A, %broadcast_in_dim3A_717], %get3A_720 : memref<32x513xf32, #tpu.memory_space<vmem>>[vector<16xi32>, vector<16xi32>], vector<16xf32>,
      %get3A_721 = arith.index_cast %add3A_716 : i32 to index
      %get3A_722 = arith.constant 16 : index
      %get3A_723 = tpu.vector_load %arg7[%get3A_721, %get3A_722] {strides = array<i32>} : memref<512x32xf32, #tpu.memory_space<vmem>>, vector<16xf32>,
      tpu.vector_store_idx %arg9[%add3A_5, %broadcast_in_dim3A_717], %get3A_723 : memref<32x513xf32, #tpu.memory_space<vmem>>[vector<16xi32>, vector<16xi32>], vector<16xf32>,
      %scan3A_724 = arith.constant 0 : i32
      scf.yield %scan3A_724 : i32
    }
    %scan3A_48 = arith.constant 32 : i32
    %add3A_49 = arith.constant 0 : i32
    %add3A_50 = arith.addi %mul3A_2, %add3A_49 : i32
    %jit3A = arith.constant 8 : i32
    %div3A = arith.divsi %add3A_50, %jit3A : i32
    %sign3A = arith.constant 0 : i32
    %sign3A_51 = arith.cmpi sgt, %add3A_50, %sign3A : i32
    %sign3A_52 = arith.extui %sign3A_51 : i1 to i32
    %sign3A_53 = arith.constant 0 : i32
    %sign3A_54 = arith.cmpi slt, %add3A_50, %sign3A_53 : i32
    %sign3A_55 = arith.extui %sign3A_54 : i1 to i32
    %sign3A_56 = arith.subi %sign3A_52, %sign3A_55 : i32
    %sign3A_57 = arith.constant 0 : i32
    %sign3A_58 = arith.cmpi sgt, %jit3A, %sign3A_57 : i32
    %sign3A_59 = arith.extui %sign3A_58 : i1 to i32
    %sign3A_60 = arith.constant 0 : i32
    %sign3A_61 = arith.cmpi slt, %jit3A, %sign3A_60 : i32
    %sign3A_62 = arith.extui %sign3A_61 : i1 to i32
    %sign3A_63 = arith.subi %sign3A_59, %sign3A_62 : i32
    %ne3A = arith.cmpi ne, %sign3A_56, %sign3A_63 : i32
    %rem3A = arith.remsi %add3A_50, %jit3A : i32
    %ne3A_64 = arith.constant 0 : i32
    %ne3A_65 = arith.cmpi ne, %rem3A, %ne3A_64 : i32
    %and3A = arith.andi %ne3A, %ne3A_65 : i1
    %sub3A = arith.constant 1 : i32
    %sub3A_66 = arith.subi %div3A, %sub3A : i32
    %select_n3A = arith.select %and3A, %sub3A_66, %div3A : i32
    %jit3A_67 = arith.constant 8 : i32
    %eq3A = arith.constant 0 : i32
    %eq3A_68 = arith.cmpi eq, %jit3A_67, %eq3A : i32
    %jit3A_69 = arith.constant 1 : i32
    %select_n3A_70 = arith.select %eq3A_68, %jit3A_69, %jit3A_67 : i32
    %rem3A_71 = arith.remsi %add3A_50, %select_n3A_70 : i32
    %ne3A_72 = arith.constant 0 : i32
    %ne3A_73 = arith.cmpi ne, %rem3A_71, %ne3A_72 : i32
    %lt3A = arith.constant 0 : i32
    %lt3A_74 = arith.cmpi slt, %rem3A_71, %lt3A : i32
    %lt3A_75 = arith.constant 0 : i32
    %lt3A_76 = arith.cmpi slt, %select_n3A_70, %lt3A_75 : i32
    %ne3A_77 = arith.xori %lt3A_74, %lt3A_76 : i1
    %and3A_78 = arith.andi %ne3A_77, %ne3A_73 : i1
    %add3A_79 = arith.addi %rem3A_71, %select_n3A_70 : i32
    %select_n3A_80 = arith.select %and3A_78, %add3A_79, %rem3A_71 : i32
    %mul3A_81 = arith.constant 512 : i32
    %mul3A_82 = arith.muli %select_n3A_80, %mul3A_81 : i32
    %dma_start3A_83 = arith.constant 0 : i32
    %dma_start3A_84 = arith.constant 0 : i32
    %dma_start3A_85 = tpu.memref_slice %arg9[%dma_start3A_83, %dma_start3A_84] : memref<32x513xf32, #tpu.memory_space<vmem>> -> memref<32x512xf32, #tpu.memory_space<vmem>>
    %dma_start3A_86 = arith.constant 0 : i32
    %dma_start3A_87 = tpu.memref_slice %arg4[%select_n3A, %dma_start3A_86, %mul3A_82] : memref<200x32x4096xf32, #tpu.memory_space<hbm>> -> memref<1x32x512xf32, #tpu.memory_space<hbm>>
    %dma_start3A_88 = tpu.memref_squeeze %dma_start3A_87 : memref<1x32x512xf32, #tpu.memory_space<hbm>> -> memref<32x512xf32, #tpu.memory_space<hbm>>
    %dma_start3A_89 = arith.constant 0 : i32
    %dma_start3A_90 = tpu.memref_slice %arg4[%select_n3A, %dma_start3A_89, %mul3A_82] : memref<200x32x4096xf32, #tpu.memory_space<hbm>> -> memref<1x32x512xf32, #tpu.memory_space<hbm>>
    %dma_start3A_91 = tpu.memref_squeeze %dma_start3A_90 : memref<1x32x512xf32, #tpu.memory_space<hbm>> -> memref<32x512xf32, #tpu.memory_space<hbm>>
    %dma_start3A_92 = arith.constant 0 : i32
    %dma_start3A_93 = arith.constant 0 : i32
    %dma_start3A_94 = tpu.memref_slice %arg9[%dma_start3A_92, %dma_start3A_93] : memref<32x513xf32, #tpu.memory_space<vmem>> -> memref<32x512xf32, #tpu.memory_space<vmem>>
    tpu.enqueue_dma source(%dma_start3A_94 : memref<32x512xf32, #tpu.memory_space<vmem>>) target(%dma_start3A_91 : memref<32x512xf32, #tpu.memory_space<hbm>>) target_semaphore(%arg15 : memref<!tpu.dma_semaphore, #tpu.memory_space<semaphore_mem>>)
    %add3A_95 = arith.constant 2 : i32
    %add3A_96 = arith.addi %mul3A_2, %add3A_95 : i32
    %mul3A_97 = arith.constant 512 : i32
    %mul3A_98 = arith.muli %add3A_96, %mul3A_97 : i32
    %dma_wait3A_99 = tpu.memref_slice %arg2[%mul3A_98] : memref<819200xi32, #tpu.memory_space<hbm>> -> memref<512xi32, #tpu.memory_space<hbm>>
    %dma_wait3A_100 = tpu.memref_slice %arg2[%mul3A_98] : memref<819200xi32, #tpu.memory_space<hbm>> -> memref<512xi32, #tpu.memory_space<hbm>>
    tpu.wait_dma2 semaphore(%arg11 : memref<!tpu.dma_semaphore, #tpu.memory_space<semaphore_mem>>) src(%dma_wait3A_100 : memref<512xi32, #tpu.memory_space<hbm>>) dst(%arg5 : memref<512xi32, #tpu.memory_space<vmem>>)
    %dma_start3A_101 = arith.constant 0 : i32
    %dma_start3A_102 = arith.constant 0 : i32
    %dma_start3A_103 = tpu.memref_slice %arg3[%dma_start3A_101, %dma_start3A_102] : memref<1000000x32xf32, #tpu.memory_space<hbm>> -> memref<1000000x32xf32, #tpu.memory_space<hbm>>
    tpu.enqueue_indirect_dma source(%dma_start3A_103 : memref<1000000x32xf32, #tpu.memory_space<hbm>>) target(%arg7 : memref<512x32xf32, #tpu.memory_space<vmem>>) offsets(%arg5 : memref<512xi32, #tpu.memory_space<vmem>>) semaphore(%arg13 : memref<!tpu.dma_semaphore, #tpu.memory_space<semaphore_mem>>)
    %dma_wait3A_104 = arith.constant 0 : i32
    %dma_wait3A_105 = arith.constant 0 : i32
    %dma_wait3A_106 = tpu.memref_slice %arg3[%dma_wait3A_104, %dma_wait3A_105] : memref<1000000x32xf32, #tpu.memory_space<hbm>> -> memref<1000000x32xf32, #tpu.memory_space<hbm>>
    tpu.wait_indirect_dma semaphore(%arg14 : memref<!tpu.dma_semaphore, #tpu.memory_space<semaphore_mem>>) src(%dma_wait3A_106 : memref<1000000x32xf32, #tpu.memory_space<hbm>>) dst(%arg8 : memref<512x32xf32, #tpu.memory_space<vmem>>)
    %add3A_107 = arith.constant 3 : i32
    %add3A_108 = arith.addi %mul3A_2, %add3A_107 : i32
    %mul3A_109 = arith.constant 512 : i32
    %mul3A_110 = arith.muli %add3A_108, %mul3A_109 : i32
    %dma_start3A_111 = tpu.memref_slice %arg2[%mul3A_110] : memref<819200xi32, #tpu.memory_space<hbm>> -> memref<512xi32, #tpu.memory_space<hbm>>
    %dma_start3A_112 = tpu.memref_slice %arg2[%mul3A_110] : memref<819200xi32, #tpu.memory_space<hbm>> -> memref<512xi32, #tpu.memory_space<hbm>>
    tpu.enqueue_dma source(%dma_start3A_112 : memref<512xi32, #tpu.memory_space<hbm>>) target(%arg6 : memref<512xi32, #tpu.memory_space<vmem>>) target_semaphore(%arg12 : memref<!tpu.dma_semaphore, #tpu.memory_space<semaphore_mem>>)
    %scan3A_113 = arith.constant 0 : i32
    %scan3A_114 = arith.constant 0 : i32
    %scan3A_115 = arith.constant 32 : i32
    %scan3A_116 = arith.addi %scan3A_114, %scan3A_115 : i32
    %scan3A_117 = arith.constant 1 : i32
    %scan3A_118 = scf.for %scan3A_548 = %scan3A_114 to %scan3A_116 step %scan3A_117 iter_args(%scan3A_549 = %scan3A_113) -> (i32)  : i32 {
      %mul3A_550 = arith.constant 16 : i32
      %mul3A_551 = arith.muli %scan3A_548, %mul3A_550 : i32
      %add3A_552 = arith.constant 0 : i32
      %add3A_553 = arith.addi %mul3A_551, %add3A_552 : i32
      %broadcast_in_dim3A = vector.broadcast %add3A_553 : i32 to vector<16xi32>
      %get3A = arith.index_cast %add3A_553 : i32 to index
      %get3A_554 = arith.constant 0 : index
      %get3A_555 = tpu.vector_load %arg8[%get3A, %get3A_554] {strides = array<i32>} : memref<512x32xf32, #tpu.memory_space<vmem>>, vector<16xf32>,
      tpu.vector_store_idx %arg10[%iota3A, %broadcast_in_dim3A], %get3A_555 : memref<32x513xf32, #tpu.memory_space<vmem>>[vector<16xi32>, vector<16xi32>], vector<16xf32>,
      %get3A_556 = arith.index_cast %add3A_553 : i32 to index
      %get3A_557 = arith.constant 16 : index
      %get3A_558 = tpu.vector_load %arg8[%get3A_556, %get3A_557] {strides = array<i32>} : memref<512x32xf32, #tpu.memory_space<vmem>>, vector<16xf32>,
      tpu.vector_store_idx %arg10[%add3A_5, %broadcast_in_dim3A], %get3A_558 : memref<32x513xf32, #tpu.memory_space<vmem>>[vector<16xi32>, vector<16xi32>], vector<16xf32>,
      %mul3A_559 = arith.constant 16 : i32
      %mul3A_560 = arith.muli %scan3A_548, %mul3A_559 : i32
      %add3A_561 = arith.constant 1 : i32
      %add3A_562 = arith.addi %mul3A_560, %add3A_561 : i32
      %broadcast_in_dim3A_563 = vector.broadcast %add3A_562 : i32 to vector<16xi32>
      %get3A_564 = arith.index_cast %add3A_562 : i32 to index
      %get3A_565 = arith.constant 0 : index
      %get3A_566 = tpu.vector_load %arg8[%get3A_564, %get3A_565] {strides = array<i32>} : memref<512x32xf32, #tpu.memory_space<vmem>>, vector<16xf32>,
      tpu.vector_store_idx %arg10[%iota3A, %broadcast_in_dim3A_563], %get3A_566 : memref<32x513xf32, #tpu.memory_space<vmem>>[vector<16xi32>, vector<16xi32>], vector<16xf32>,
      %get3A_567 = arith.index_cast %add3A_562 : i32 to index
      %get3A_568 = arith.constant 16 : index
      %get3A_569 = tpu.vector_load %arg8[%get3A_567, %get3A_568] {strides = array<i32>} : memref<512x32xf32, #tpu.memory_space<vmem>>, vector<16xf32>,
      tpu.vector_store_idx %arg10[%add3A_5, %broadcast_in_dim3A_563], %get3A_569 : memref<32x513xf32, #tpu.memory_space<vmem>>[vector<16xi32>, vector<16xi32>], vector<16xf32>,
      %mul3A_570 = arith.constant 16 : i32
      %mul3A_571 = arith.muli %scan3A_548, %mul3A_570 : i32
      %add3A_572 = arith.constant 2 : i32
      %add3A_573 = arith.addi %mul3A_571, %add3A_572 : i32
      %broadcast_in_dim3A_574 = vector.broadcast %add3A_573 : i32 to vector<16xi32>
      %get3A_575 = arith.index_cast %add3A_573 : i32 to index
      %get3A_576 = arith.constant 0 : index
      %get3A_577 = tpu.vector_load %arg8[%get3A_575, %get3A_576] {strides = array<i32>} : memref<512x32xf32, #tpu.memory_space<vmem>>, vector<16xf32>,
      tpu.vector_store_idx %arg10[%iota3A, %broadcast_in_dim3A_574], %get3A_577 : memref<32x513xf32, #tpu.memory_space<vmem>>[vector<16xi32>, vector<16xi32>], vector<16xf32>,
      %get3A_578 = arith.index_cast %add3A_573 : i32 to index
      %get3A_579 = arith.constant 16 : index
      %get3A_580 = tpu.vector_load %arg8[%get3A_578, %get3A_579] {strides = array<i32>} : memref<512x32xf32, #tpu.memory_space<vmem>>, vector<16xf32>,
      tpu.vector_store_idx %arg10[%add3A_5, %broadcast_in_dim3A_574], %get3A_580 : memref<32x513xf32, #tpu.memory_space<vmem>>[vector<16xi32>, vector<16xi32>], vector<16xf32>,
      %mul3A_581 = arith.constant 16 : i32
      %mul3A_582 = arith.muli %scan3A_548, %mul3A_581 : i32
      %add3A_583 = arith.constant 3 : i32
      %add3A_584 = arith.addi %mul3A_582, %add3A_583 : i32
      %broadcast_in_dim3A_585 = vector.broadcast %add3A_584 : i32 to vector<16xi32>
      %get3A_586 = arith.index_cast %add3A_584 : i32 to index
      %get3A_587 = arith.constant 0 : index
      %get3A_588 = tpu.vector_load %arg8[%get3A_586, %get3A_587] {strides = array<i32>} : memref<512x32xf32, #tpu.memory_space<vmem>>, vector<16xf32>,
      tpu.vector_store_idx %arg10[%iota3A, %broadcast_in_dim3A_585], %get3A_588 : memref<32x513xf32, #tpu.memory_space<vmem>>[vector<16xi32>, vector<16xi32>], vector<16xf32>,
      %get3A_589 = arith.index_cast %add3A_584 : i32 to index
      %get3A_590 = arith.constant 16 : index
      %get3A_591 = tpu.vector_load %arg8[%get3A_589, %get3A_590] {strides = array<i32>} : memref<512x32xf32, #tpu.memory_space<vmem>>, vector<16xf32>,
      tpu.vector_store_idx %arg10[%add3A_5, %broadcast_in_dim3A_585], %get3A_591 : memref<32x513xf32, #tpu.memory_space<vmem>>[vector<16xi32>, vector<16xi32>], vector<16xf32>,
      %mul3A_592 = arith.constant 16 : i32
      %mul3A_593 = arith.muli %scan3A_548, %mul3A_592 : i32
      %add3A_594 = arith.constant 4 : i32
      %add3A_595 = arith.addi %mul3A_593, %add3A_594 : i32
      %broadcast_in_dim3A_596 = vector.broadcast %add3A_595 : i32 to vector<16xi32>
      %get3A_597 = arith.index_cast %add3A_595 : i32 to index
      %get3A_598 = arith.constant 0 : index
      %get3A_599 = tpu.vector_load %arg8[%get3A_597, %get3A_598] {strides = array<i32>} : memref<512x32xf32, #tpu.memory_space<vmem>>, vector<16xf32>,
      tpu.vector_store_idx %arg10[%iota3A, %broadcast_in_dim3A_596], %get3A_599 : memref<32x513xf32, #tpu.memory_space<vmem>>[vector<16xi32>, vector<16xi32>], vector<16xf32>,
      %get3A_600 = arith.index_cast %add3A_595 : i32 to index
      %get3A_601 = arith.constant 16 : index
      %get3A_602 = tpu.vector_load %arg8[%get3A_600, %get3A_601] {strides = array<i32>} : memref<512x32xf32, #tpu.memory_space<vmem>>, vector<16xf32>,
      tpu.vector_store_idx %arg10[%add3A_5, %broadcast_in_dim3A_596], %get3A_602 : memref<32x513xf32, #tpu.memory_space<vmem>>[vector<16xi32>, vector<16xi32>], vector<16xf32>,
      %mul3A_603 = arith.constant 16 : i32
      %mul3A_604 = arith.muli %scan3A_548, %mul3A_603 : i32
      %add3A_605 = arith.constant 5 : i32
      %add3A_606 = arith.addi %mul3A_604, %add3A_605 : i32
      %broadcast_in_dim3A_607 = vector.broadcast %add3A_606 : i32 to vector<16xi32>
      %get3A_608 = arith.index_cast %add3A_606 : i32 to index
      %get3A_609 = arith.constant 0 : index
      %get3A_610 = tpu.vector_load %arg8[%get3A_608, %get3A_609] {strides = array<i32>} : memref<512x32xf32, #tpu.memory_space<vmem>>, vector<16xf32>,
      tpu.vector_store_idx %arg10[%iota3A, %broadcast_in_dim3A_607], %get3A_610 : memref<32x513xf32, #tpu.memory_space<vmem>>[vector<16xi32>, vector<16xi32>], vector<16xf32>,
      %get3A_611 = arith.index_cast %add3A_606 : i32 to index
      %get3A_612 = arith.constant 16 : index
      %get3A_613 = tpu.vector_load %arg8[%get3A_611, %get3A_612] {strides = array<i32>} : memref<512x32xf32, #tpu.memory_space<vmem>>, vector<16xf32>,
      tpu.vector_store_idx %arg10[%add3A_5, %broadcast_in_dim3A_607], %get3A_613 : memref<32x513xf32, #tpu.memory_space<vmem>>[vector<16xi32>, vector<16xi32>], vector<16xf32>,
      %mul3A_614 = arith.constant 16 : i32
      %mul3A_615 = arith.muli %scan3A_548, %mul3A_614 : i32
      %add3A_616 = arith.constant 6 : i32
      %add3A_617 = arith.addi %mul3A_615, %add3A_616 : i32
      %broadcast_in_dim3A_618 = vector.broadcast %add3A_617 : i32 to vector<16xi32>
      %get3A_619 = arith.index_cast %add3A_617 : i32 to index
      %get3A_620 = arith.constant 0 : index
      %get3A_621 = tpu.vector_load %arg8[%get3A_619, %get3A_620] {strides = array<i32>} : memref<512x32xf32, #tpu.memory_space<vmem>>, vector<16xf32>,
      tpu.vector_store_idx %arg10[%iota3A, %broadcast_in_dim3A_618], %get3A_621 : memref<32x513xf32, #tpu.memory_space<vmem>>[vector<16xi32>, vector<16xi32>], vector<16xf32>,
      %get3A_622 = arith.index_cast %add3A_617 : i32 to index
      %get3A_623 = arith.constant 16 : index
      %get3A_624 = tpu.vector_load %arg8[%get3A_622, %get3A_623] {strides = array<i32>} : memref<512x32xf32, #tpu.memory_space<vmem>>, vector<16xf32>,
      tpu.vector_store_idx %arg10[%add3A_5, %broadcast_in_dim3A_618], %get3A_624 : memref<32x513xf32, #tpu.memory_space<vmem>>[vector<16xi32>, vector<16xi32>], vector<16xf32>,
      %mul3A_625 = arith.constant 16 : i32
      %mul3A_626 = arith.muli %scan3A_548, %mul3A_625 : i32
      %add3A_627 = arith.constant 7 : i32
      %add3A_628 = arith.addi %mul3A_626, %add3A_627 : i32
      %broadcast_in_dim3A_629 = vector.broadcast %add3A_628 : i32 to vector<16xi32>
      %get3A_630 = arith.index_cast %add3A_628 : i32 to index
      %get3A_631 = arith.constant 0 : index
      %get3A_632 = tpu.vector_load %arg8[%get3A_630, %get3A_631] {strides = array<i32>} : memref<512x32xf32, #tpu.memory_space<vmem>>, vector<16xf32>,
      tpu.vector_store_idx %arg10[%iota3A, %broadcast_in_dim3A_629], %get3A_632 : memref<32x513xf32, #tpu.memory_space<vmem>>[vector<16xi32>, vector<16xi32>], vector<16xf32>,
      %get3A_633 = arith.index_cast %add3A_628 : i32 to index
      %get3A_634 = arith.constant 16 : index
      %get3A_635 = tpu.vector_load %arg8[%get3A_633, %get3A_634] {strides = array<i32>} : memref<512x32xf32, #tpu.memory_space<vmem>>, vector<16xf32>,
      tpu.vector_store_idx %arg10[%add3A_5, %broadcast_in_dim3A_629], %get3A_635 : memref<32x513xf32, #tpu.memory_space<vmem>>[vector<16xi32>, vector<16xi32>], vector<16xf32>,
      %mul3A_636 = arith.constant 16 : i32
      %mul3A_637 = arith.muli %scan3A_548, %mul3A_636 : i32
      %add3A_638 = arith.constant 8 : i32
      %add3A_639 = arith.addi %mul3A_637, %add3A_638 : i32
      %broadcast_in_dim3A_640 = vector.broadcast %add3A_639 : i32 to vector<16xi32>
      %get3A_641 = arith.index_cast %add3A_639 : i32 to index
      %get3A_642 = arith.constant 0 : index
      %get3A_643 = tpu.vector_load %arg8[%get3A_641, %get3A_642] {strides = array<i32>} : memref<512x32xf32, #tpu.memory_space<vmem>>, vector<16xf32>,
      tpu.vector_store_idx %arg10[%iota3A, %broadcast_in_dim3A_640], %get3A_643 : memref<32x513xf32, #tpu.memory_space<vmem>>[vector<16xi32>, vector<16xi32>], vector<16xf32>,
      %get3A_644 = arith.index_cast %add3A_639 : i32 to index
      %get3A_645 = arith.constant 16 : index
      %get3A_646 = tpu.vector_load %arg8[%get3A_644, %get3A_645] {strides = array<i32>} : memref<512x32xf32, #tpu.memory_space<vmem>>, vector<16xf32>,
      tpu.vector_store_idx %arg10[%add3A_5, %broadcast_in_dim3A_640], %get3A_646 : memref<32x513xf32, #tpu.memory_space<vmem>>[vector<16xi32>, vector<16xi32>], vector<16xf32>,
      %mul3A_647 = arith.constant 16 : i32
      %mul3A_648 = arith.muli %scan3A_548, %mul3A_647 : i32
      %add3A_649 = arith.constant 9 : i32
      %add3A_650 = arith.addi %mul3A_648, %add3A_649 : i32
      %broadcast_in_dim3A_651 = vector.broadcast %add3A_650 : i32 to vector<16xi32>
      %get3A_652 = arith.index_cast %add3A_650 : i32 to index
      %get3A_653 = arith.constant 0 : index
      %get3A_654 = tpu.vector_load %arg8[%get3A_652, %get3A_653] {strides = array<i32>} : memref<512x32xf32, #tpu.memory_space<vmem>>, vector<16xf32>,
      tpu.vector_store_idx %arg10[%iota3A, %broadcast_in_dim3A_651], %get3A_654 : memref<32x513xf32, #tpu.memory_space<vmem>>[vector<16xi32>, vector<16xi32>], vector<16xf32>,
      %get3A_655 = arith.index_cast %add3A_650 : i32 to index
      %get3A_656 = arith.constant 16 : index
      %get3A_657 = tpu.vector_load %arg8[%get3A_655, %get3A_656] {strides = array<i32>} : memref<512x32xf32, #tpu.memory_space<vmem>>, vector<16xf32>,
      tpu.vector_store_idx %arg10[%add3A_5, %broadcast_in_dim3A_651], %get3A_657 : memref<32x513xf32, #tpu.memory_space<vmem>>[vector<16xi32>, vector<16xi32>], vector<16xf32>,
      %mul3A_658 = arith.constant 16 : i32
      %mul3A_659 = arith.muli %scan3A_548, %mul3A_658 : i32
      %add3A_660 = arith.constant 10 : i32
      %add3A_661 = arith.addi %mul3A_659, %add3A_660 : i32
      %broadcast_in_dim3A_662 = vector.broadcast %add3A_661 : i32 to vector<16xi32>
      %get3A_663 = arith.index_cast %add3A_661 : i32 to index
      %get3A_664 = arith.constant 0 : index
      %get3A_665 = tpu.vector_load %arg8[%get3A_663, %get3A_664] {strides = array<i32>} : memref<512x32xf32, #tpu.memory_space<vmem>>, vector<16xf32>,
      tpu.vector_store_idx %arg10[%iota3A, %broadcast_in_dim3A_662], %get3A_665 : memref<32x513xf32, #tpu.memory_space<vmem>>[vector<16xi32>, vector<16xi32>], vector<16xf32>,
      %get3A_666 = arith.index_cast %add3A_661 : i32 to index
      %get3A_667 = arith.constant 16 : index
      %get3A_668 = tpu.vector_load %arg8[%get3A_666, %get3A_667] {strides = array<i32>} : memref<512x32xf32, #tpu.memory_space<vmem>>, vector<16xf32>,
      tpu.vector_store_idx %arg10[%add3A_5, %broadcast_in_dim3A_662], %get3A_668 : memref<32x513xf32, #tpu.memory_space<vmem>>[vector<16xi32>, vector<16xi32>], vector<16xf32>,
      %mul3A_669 = arith.constant 16 : i32
      %mul3A_670 = arith.muli %scan3A_548, %mul3A_669 : i32
      %add3A_671 = arith.constant 11 : i32
      %add3A_672 = arith.addi %mul3A_670, %add3A_671 : i32
      %broadcast_in_dim3A_673 = vector.broadcast %add3A_672 : i32 to vector<16xi32>
      %get3A_674 = arith.index_cast %add3A_672 : i32 to index
      %get3A_675 = arith.constant 0 : index
      %get3A_676 = tpu.vector_load %arg8[%get3A_674, %get3A_675] {strides = array<i32>} : memref<512x32xf32, #tpu.memory_space<vmem>>, vector<16xf32>,
      tpu.vector_store_idx %arg10[%iota3A, %broadcast_in_dim3A_673], %get3A_676 : memref<32x513xf32, #tpu.memory_space<vmem>>[vector<16xi32>, vector<16xi32>], vector<16xf32>,
      %get3A_677 = arith.index_cast %add3A_672 : i32 to index
      %get3A_678 = arith.constant 16 : index
      %get3A_679 = tpu.vector_load %arg8[%get3A_677, %get3A_678] {strides = array<i32>} : memref<512x32xf32, #tpu.memory_space<vmem>>, vector<16xf32>,
      tpu.vector_store_idx %arg10[%add3A_5, %broadcast_in_dim3A_673], %get3A_679 : memref<32x513xf32, #tpu.memory_space<vmem>>[vector<16xi32>, vector<16xi32>], vector<16xf32>,
      %mul3A_680 = arith.constant 16 : i32
      %mul3A_681 = arith.muli %scan3A_548, %mul3A_680 : i32
      %add3A_682 = arith.constant 12 : i32
      %add3A_683 = arith.addi %mul3A_681, %add3A_682 : i32
      %broadcast_in_dim3A_684 = vector.broadcast %add3A_683 : i32 to vector<16xi32>
      %get3A_685 = arith.index_cast %add3A_683 : i32 to index
      %get3A_686 = arith.constant 0 : index
      %get3A_687 = tpu.vector_load %arg8[%get3A_685, %get3A_686] {strides = array<i32>} : memref<512x32xf32, #tpu.memory_space<vmem>>, vector<16xf32>,
      tpu.vector_store_idx %arg10[%iota3A, %broadcast_in_dim3A_684], %get3A_687 : memref<32x513xf32, #tpu.memory_space<vmem>>[vector<16xi32>, vector<16xi32>], vector<16xf32>,
      %get3A_688 = arith.index_cast %add3A_683 : i32 to index
      %get3A_689 = arith.constant 16 : index
      %get3A_690 = tpu.vector_load %arg8[%get3A_688, %get3A_689] {strides = array<i32>} : memref<512x32xf32, #tpu.memory_space<vmem>>, vector<16xf32>,
      tpu.vector_store_idx %arg10[%add3A_5, %broadcast_in_dim3A_684], %get3A_690 : memref<32x513xf32, #tpu.memory_space<vmem>>[vector<16xi32>, vector<16xi32>], vector<16xf32>,
      %mul3A_691 = arith.constant 16 : i32
      %mul3A_692 = arith.muli %scan3A_548, %mul3A_691 : i32
      %add3A_693 = arith.constant 13 : i32
      %add3A_694 = arith.addi %mul3A_692, %add3A_693 : i32
      %broadcast_in_dim3A_695 = vector.broadcast %add3A_694 : i32 to vector<16xi32>
      %get3A_696 = arith.index_cast %add3A_694 : i32 to index
      %get3A_697 = arith.constant 0 : index
      %get3A_698 = tpu.vector_load %arg8[%get3A_696, %get3A_697] {strides = array<i32>} : memref<512x32xf32, #tpu.memory_space<vmem>>, vector<16xf32>,
      tpu.vector_store_idx %arg10[%iota3A, %broadcast_in_dim3A_695], %get3A_698 : memref<32x513xf32, #tpu.memory_space<vmem>>[vector<16xi32>, vector<16xi32>], vector<16xf32>,
      %get3A_699 = arith.index_cast %add3A_694 : i32 to index
      %get3A_700 = arith.constant 16 : index
      %get3A_701 = tpu.vector_load %arg8[%get3A_699, %get3A_700] {strides = array<i32>} : memref<512x32xf32, #tpu.memory_space<vmem>>, vector<16xf32>,
      tpu.vector_store_idx %arg10[%add3A_5, %broadcast_in_dim3A_695], %get3A_701 : memref<32x513xf32, #tpu.memory_space<vmem>>[vector<16xi32>, vector<16xi32>], vector<16xf32>,
      %mul3A_702 = arith.constant 16 : i32
      %mul3A_703 = arith.muli %scan3A_548, %mul3A_702 : i32
      %add3A_704 = arith.constant 14 : i32
      %add3A_705 = arith.addi %mul3A_703, %add3A_704 : i32
      %broadcast_in_dim3A_706 = vector.broadcast %add3A_705 : i32 to vector<16xi32>
      %get3A_707 = arith.index_cast %add3A_705 : i32 to index
      %get3A_708 = arith.constant 0 : index
      %get3A_709 = tpu.vector_load %arg8[%get3A_707, %get3A_708] {strides = array<i32>} : memref<512x32xf32, #tpu.memory_space<vmem>>, vector<16xf32>,
      tpu.vector_store_idx %arg10[%iota3A, %broadcast_in_dim3A_706], %get3A_709 : memref<32x513xf32, #tpu.memory_space<vmem>>[vector<16xi32>, vector<16xi32>], vector<16xf32>,
      %get3A_710 = arith.index_cast %add3A_705 : i32 to index
      %get3A_711 = arith.constant 16 : index
      %get3A_712 = tpu.vector_load %arg8[%get3A_710, %get3A_711] {strides = array<i32>} : memref<512x32xf32, #tpu.memory_space<vmem>>, vector<16xf32>,
      tpu.vector_store_idx %arg10[%add3A_5, %broadcast_in_dim3A_706], %get3A_712 : memref<32x513xf32, #tpu.memory_space<vmem>>[vector<16xi32>, vector<16xi32>], vector<16xf32>,
      %mul3A_713 = arith.constant 16 : i32
      %mul3A_714 = arith.muli %scan3A_548, %mul3A_713 : i32
      %add3A_715 = arith.constant 15 : i32
      %add3A_716 = arith.addi %mul3A_714, %add3A_715 : i32
      %broadcast_in_dim3A_717 = vector.broadcast %add3A_716 : i32 to vector<16xi32>
      %get3A_718 = arith.index_cast %add3A_716 : i32 to index
      %get3A_719 = arith.constant 0 : index
      %get3A_720 = tpu.vector_load %arg8[%get3A_718, %get3A_719] {strides = array<i32>} : memref<512x32xf32, #tpu.memory_space<vmem>>, vector<16xf32>,
      tpu.vector_store_idx %arg10[%iota3A, %broadcast_in_dim3A_717], %get3A_720 : memref<32x513xf32, #tpu.memory_space<vmem>>[vector<16xi32>, vector<16xi32>], vector<16xf32>,
      %get3A_721 = arith.index_cast %add3A_716 : i32 to index
      %get3A_722 = arith.constant 16 : index
      %get3A_723 = tpu.vector_load %arg8[%get3A_721, %get3A_722] {strides = array<i32>} : memref<512x32xf32, #tpu.memory_space<vmem>>, vector<16xf32>,
      tpu.vector_store_idx %arg10[%add3A_5, %broadcast_in_dim3A_717], %get3A_723 : memref<32x513xf32, #tpu.memory_space<vmem>>[vector<16xi32>, vector<16xi32>], vector<16xf32>,
      %scan3A_724 = arith.constant 0 : i32
      scf.yield %scan3A_724 : i32
    }
    %scan3A_119 = arith.constant 32 : i32
    %add3A_120 = arith.constant 1 : i32
    %add3A_121 = arith.addi %mul3A_2, %add3A_120 : i32
    %jit3A_122 = arith.constant 8 : i32
    %div3A_123 = arith.divsi %add3A_121, %jit3A_122 : i32
    %sign3A_124 = arith.constant 0 : i32
    %sign3A_125 = arith.cmpi sgt, %add3A_121, %sign3A_124 : i32
    %sign3A_126 = arith.extui %sign3A_125 : i1 to i32
    %sign3A_127 = arith.constant 0 : i32
    %sign3A_128 = arith.cmpi slt, %add3A_121, %sign3A_127 : i32
    %sign3A_129 = arith.extui %sign3A_128 : i1 to i32
    %sign3A_130 = arith.subi %sign3A_126, %sign3A_129 : i32
    %sign3A_131 = arith.constant 0 : i32
    %sign3A_132 = arith.cmpi sgt, %jit3A_122, %sign3A_131 : i32
    %sign3A_133 = arith.extui %sign3A_132 : i1 to i32
    %sign3A_134 = arith.constant 0 : i32
    %sign3A_135 = arith.cmpi slt, %jit3A_122, %sign3A_134 : i32
    %sign3A_136 = arith.extui %sign3A_135 : i1 to i32
    %sign3A_137 = arith.subi %sign3A_133, %sign3A_136 : i32
    %ne3A_138 = arith.cmpi ne, %sign3A_130, %sign3A_137 : i32
    %rem3A_139 = arith.remsi %add3A_121, %jit3A_122 : i32
    %ne3A_140 = arith.constant 0 : i32
    %ne3A_141 = arith.cmpi ne, %rem3A_139, %ne3A_140 : i32
    %and3A_142 = arith.andi %ne3A_138, %ne3A_141 : i1
    %sub3A_143 = arith.constant 1 : i32
    %sub3A_144 = arith.subi %div3A_123, %sub3A_143 : i32
    %select_n3A_145 = arith.select %and3A_142, %sub3A_144, %div3A_123 : i32
    %jit3A_146 = arith.constant 8 : i32
    %eq3A_147 = arith.constant 0 : i32
    %eq3A_148 = arith.cmpi eq, %jit3A_146, %eq3A_147 : i32
    %jit3A_149 = arith.constant 1 : i32
    %select_n3A_150 = arith.select %eq3A_148, %jit3A_149, %jit3A_146 : i32
    %rem3A_151 = arith.remsi %add3A_121, %select_n3A_150 : i32
    %ne3A_152 = arith.constant 0 : i32
    %ne3A_153 = arith.cmpi ne, %rem3A_151, %ne3A_152 : i32
    %lt3A_154 = arith.constant 0 : i32
    %lt3A_155 = arith.cmpi slt, %rem3A_151, %lt3A_154 : i32
    %lt3A_156 = arith.constant 0 : i32
    %lt3A_157 = arith.cmpi slt, %select_n3A_150, %lt3A_156 : i32
    %ne3A_158 = arith.xori %lt3A_155, %lt3A_157 : i1
    %and3A_159 = arith.andi %ne3A_158, %ne3A_153 : i1
    %add3A_160 = arith.addi %rem3A_151, %select_n3A_150 : i32
    %select_n3A_161 = arith.select %and3A_159, %add3A_160, %rem3A_151 : i32
    %mul3A_162 = arith.constant 512 : i32
    %mul3A_163 = arith.muli %select_n3A_161, %mul3A_162 : i32
    %dma_start3A_164 = arith.constant 0 : i32
    %dma_start3A_165 = arith.constant 0 : i32
    %dma_start3A_166 = tpu.memref_slice %arg10[%dma_start3A_164, %dma_start3A_165] : memref<32x513xf32, #tpu.memory_space<vmem>> -> memref<32x512xf32, #tpu.memory_space<vmem>>
    %dma_start3A_167 = arith.constant 0 : i32
    %dma_start3A_168 = tpu.memref_slice %arg4[%select_n3A_145, %dma_start3A_167, %mul3A_163] : memref<200x32x4096xf32, #tpu.memory_space<hbm>> -> memref<1x32x512xf32, #tpu.memory_space<hbm>>
    %dma_start3A_169 = tpu.memref_squeeze %dma_start3A_168 : memref<1x32x512xf32, #tpu.memory_space<hbm>> -> memref<32x512xf32, #tpu.memory_space<hbm>>
    %dma_start3A_170 = arith.constant 0 : i32
    %dma_start3A_171 = tpu.memref_slice %arg4[%select_n3A_145, %dma_start3A_170, %mul3A_163] : memref<200x32x4096xf32, #tpu.memory_space<hbm>> -> memref<1x32x512xf32, #tpu.memory_space<hbm>>
    %dma_start3A_172 = tpu.memref_squeeze %dma_start3A_171 : memref<1x32x512xf32, #tpu.memory_space<hbm>> -> memref<32x512xf32, #tpu.memory_space<hbm>>
    %dma_start3A_173 = arith.constant 0 : i32
    %dma_start3A_174 = arith.constant 0 : i32
    %dma_start3A_175 = tpu.memref_slice %arg10[%dma_start3A_173, %dma_start3A_174] : memref<32x513xf32, #tpu.memory_space<vmem>> -> memref<32x512xf32, #tpu.memory_space<vmem>>
    tpu.enqueue_dma source(%dma_start3A_175 : memref<32x512xf32, #tpu.memory_space<vmem>>) target(%dma_start3A_172 : memref<32x512xf32, #tpu.memory_space<hbm>>) target_semaphore(%arg16 : memref<!tpu.dma_semaphore, #tpu.memory_space<semaphore_mem>>)
    %scan3A_176 = arith.constant 0 : i32
    %scan3A_177 = arith.constant 0 : i32
    %scan3A_178 = arith.constant 23 : i32
    %scan3A_179 = arith.addi %scan3A_177, %scan3A_178 : i32
    %scan3A_180 = arith.constant 1 : i32
    %scan3A_181 = scf.for %scan3A_548 = %scan3A_177 to %scan3A_179 step %scan3A_180 iter_args(%scan3A_549 = %scan3A_176) -> (i32)  : i32 {
      %mul3A_550 = arith.constant 2 : i32
      %mul3A_551 = arith.muli %mul3A_550, %scan3A_548 : i32
      %add3A_552 = arith.constant 3 : i32
      %add3A_553 = arith.addi %add3A_552, %mul3A_551 : i32
      %add3A_554 = arith.addi %mul3A_2, %add3A_553 : i32
      %mul3A_555 = arith.constant 512 : i32
      %mul3A_556 = arith.muli %add3A_554, %mul3A_555 : i32
      %dma_wait3A_557 = tpu.memref_slice %arg2[%mul3A_556] : memref<819200xi32, #tpu.memory_space<hbm>> -> memref<512xi32, #tpu.memory_space<hbm>>
      %dma_wait3A_558 = tpu.memref_slice %arg2[%mul3A_556] : memref<819200xi32, #tpu.memory_space<hbm>> -> memref<512xi32, #tpu.memory_space<hbm>>
      tpu.wait_dma2 semaphore(%arg12 : memref<!tpu.dma_semaphore, #tpu.memory_space<semaphore_mem>>) src(%dma_wait3A_558 : memref<512xi32, #tpu.memory_space<hbm>>) dst(%arg6 : memref<512xi32, #tpu.memory_space<vmem>>)
      %dma_start3A_559 = arith.constant 0 : i32
      %dma_start3A_560 = arith.constant 0 : i32
      %dma_start3A_561 = tpu.memref_slice %arg3[%dma_start3A_559, %dma_start3A_560] : memref<1000000x32xf32, #tpu.memory_space<hbm>> -> memref<1000000x32xf32, #tpu.memory_space<hbm>>
      tpu.enqueue_indirect_dma source(%dma_start3A_561 : memref<1000000x32xf32, #tpu.memory_space<hbm>>) target(%arg8 : memref<512x32xf32, #tpu.memory_space<vmem>>) offsets(%arg6 : memref<512xi32, #tpu.memory_space<vmem>>) semaphore(%arg14 : memref<!tpu.dma_semaphore, #tpu.memory_space<semaphore_mem>>)
      %sub3A_562 = arith.constant 1 : i32
      %sub3A_563 = arith.subi %add3A_553, %sub3A_562 : i32
      %dma_wait3A_564 = arith.constant 0 : i32
      %dma_wait3A_565 = arith.constant 0 : i32
      %dma_wait3A_566 = tpu.memref_slice %arg3[%dma_wait3A_564, %dma_wait3A_565] : memref<1000000x32xf32, #tpu.memory_space<hbm>> -> memref<1000000x32xf32, #tpu.memory_space<hbm>>
      tpu.wait_indirect_dma semaphore(%arg13 : memref<!tpu.dma_semaphore, #tpu.memory_space<semaphore_mem>>) src(%dma_wait3A_566 : memref<1000000x32xf32, #tpu.memory_space<hbm>>) dst(%arg7 : memref<512x32xf32, #tpu.memory_space<vmem>>)
      %add3A_567 = arith.constant 1 : i32
      %add3A_568 = arith.addi %add3A_553, %add3A_567 : i32
      %add3A_569 = arith.addi %mul3A_2, %add3A_568 : i32
      %mul3A_570 = arith.constant 512 : i32
      %mul3A_571 = arith.muli %add3A_569, %mul3A_570 : i32
      %dma_start3A_572 = tpu.memref_slice %arg2[%mul3A_571] : memref<819200xi32, #tpu.memory_space<hbm>> -> memref<512xi32, #tpu.memory_space<hbm>>
      %dma_start3A_573 = tpu.memref_slice %arg2[%mul3A_571] : memref<819200xi32, #tpu.memory_space<hbm>> -> memref<512xi32, #tpu.memory_space<hbm>>
      tpu.enqueue_dma source(%dma_start3A_573 : memref<512xi32, #tpu.memory_space<hbm>>) target(%arg5 : memref<512xi32, #tpu.memory_space<vmem>>) target_semaphore(%arg11 : memref<!tpu.dma_semaphore, #tpu.memory_space<semaphore_mem>>)
      %sub3A_574 = arith.constant 3 : i32
      %sub3A_575 = arith.subi %add3A_553, %sub3A_574 : i32
      %add3A_576 = arith.addi %mul3A_2, %sub3A_575 : i32
      %jit3A_577 = arith.constant 8 : i32
      %div3A_578 = arith.divsi %add3A_576, %jit3A_577 : i32
      %sign3A_579 = arith.constant 0 : i32
      %sign3A_580 = arith.cmpi sgt, %add3A_576, %sign3A_579 : i32
      %sign3A_581 = arith.extui %sign3A_580 : i1 to i32
      %sign3A_582 = arith.constant 0 : i32
      %sign3A_583 = arith.cmpi slt, %add3A_576, %sign3A_582 : i32
      %sign3A_584 = arith.extui %sign3A_583 : i1 to i32
      %sign3A_585 = arith.subi %sign3A_581, %sign3A_584 : i32
      %sign3A_586 = arith.constant 0 : i32
      %sign3A_587 = arith.cmpi sgt, %jit3A_577, %sign3A_586 : i32
      %sign3A_588 = arith.extui %sign3A_587 : i1 to i32
      %sign3A_589 = arith.constant 0 : i32
      %sign3A_590 = arith.cmpi slt, %jit3A_577, %sign3A_589 : i32
      %sign3A_591 = arith.extui %sign3A_590 : i1 to i32
      %sign3A_592 = arith.subi %sign3A_588, %sign3A_591 : i32
      %ne3A_593 = arith.cmpi ne, %sign3A_585, %sign3A_592 : i32
      %rem3A_594 = arith.remsi %add3A_576, %jit3A_577 : i32
      %ne3A_595 = arith.constant 0 : i32
      %ne3A_596 = arith.cmpi ne, %rem3A_594, %ne3A_595 : i32
      %and3A_597 = arith.andi %ne3A_593, %ne3A_596 : i1
      %sub3A_598 = arith.constant 1 : i32
      %sub3A_599 = arith.subi %div3A_578, %sub3A_598 : i32
      %select_n3A_600 = arith.select %and3A_597, %sub3A_599, %div3A_578 : i32
      %jit3A_601 = arith.constant 8 : i32
      %eq3A_602 = arith.constant 0 : i32
      %eq3A_603 = arith.cmpi eq, %jit3A_601, %eq3A_602 : i32
      %jit3A_604 = arith.constant 1 : i32
      %select_n3A_605 = arith.select %eq3A_603, %jit3A_604, %jit3A_601 : i32
      %rem3A_606 = arith.remsi %add3A_576, %select_n3A_605 : i32
      %ne3A_607 = arith.constant 0 : i32
      %ne3A_608 = arith.cmpi ne, %rem3A_606, %ne3A_607 : i32
      %lt3A_609 = arith.constant 0 : i32
      %lt3A_610 = arith.cmpi slt, %rem3A_606, %lt3A_609 : i32
      %lt3A_611 = arith.constant 0 : i32
      %lt3A_612 = arith.cmpi slt, %select_n3A_605, %lt3A_611 : i32
      %ne3A_613 = arith.xori %lt3A_610, %lt3A_612 : i1
      %and3A_614 = arith.andi %ne3A_613, %ne3A_608 : i1
      %add3A_615 = arith.addi %rem3A_606, %select_n3A_605 : i32
      %select_n3A_616 = arith.select %and3A_614, %add3A_615, %rem3A_606 : i32
      %mul3A_617 = arith.constant 512 : i32
      %mul3A_618 = arith.muli %select_n3A_616, %mul3A_617 : i32
      %dma_wait3A_619 = arith.constant 0 : i32
      %dma_wait3A_620 = arith.constant 0 : i32
      %dma_wait3A_621 = tpu.memref_slice %arg9[%dma_wait3A_619, %dma_wait3A_620] : memref<32x513xf32, #tpu.memory_space<vmem>> -> memref<32x512xf32, #tpu.memory_space<vmem>>
      %dma_wait3A_622 = arith.constant 0 : i32
      %dma_wait3A_623 = tpu.memref_slice %arg4[%select_n3A_600, %dma_wait3A_622, %mul3A_618] : memref<200x32x4096xf32, #tpu.memory_space<hbm>> -> memref<1x32x512xf32, #tpu.memory_space<hbm>>
      %dma_wait3A_624 = tpu.memref_squeeze %dma_wait3A_623 : memref<1x32x512xf32, #tpu.memory_space<hbm>> -> memref<32x512xf32, #tpu.memory_space<hbm>>
      %dma_wait3A_625 = arith.constant 0 : i32
      %dma_wait3A_626 = tpu.memref_slice %arg4[%select_n3A_600, %dma_wait3A_625, %mul3A_618] : memref<200x32x4096xf32, #tpu.memory_space<hbm>> -> memref<1x32x512xf32, #tpu.memory_space<hbm>>
      %dma_wait3A_627 = tpu.memref_squeeze %dma_wait3A_626 : memref<1x32x512xf32, #tpu.memory_space<hbm>> -> memref<32x512xf32, #tpu.memory_space<hbm>>
      %dma_wait3A_628 = arith.constant 0 : i32
      %dma_wait3A_629 = arith.constant 0 : i32
      %dma_wait3A_630 = tpu.memref_slice %arg9[%dma_wait3A_628, %dma_wait3A_629] : memref<32x513xf32, #tpu.memory_space<vmem>> -> memref<32x512xf32, #tpu.memory_space<vmem>>
      tpu.wait_dma2 semaphore(%arg15 : memref<!tpu.dma_semaphore, #tpu.memory_space<semaphore_mem>>) src(%dma_wait3A_630 : memref<32x512xf32, #tpu.memory_space<vmem>>) dst(%dma_wait3A_627 : memref<32x512xf32, #tpu.memory_space<hbm>>)
      %scan3A_631 = arith.constant 0 : i32
      %scan3A_632 = arith.constant 0 : i32
      %scan3A_633 = arith.constant 32 : i32
      %scan3A_634 = arith.addi %scan3A_632, %scan3A_633 : i32
      %scan3A_635 = arith.constant 1 : i32
      %scan3A_636 = scf.for %scan3A_839 = %scan3A_632 to %scan3A_634 step %scan3A_635 iter_args(%scan3A_840 = %scan3A_631) -> (i32)  : i32 {
        %mul3A_841 = arith.constant 16 : i32
        %mul3A_842 = arith.muli %scan3A_839, %mul3A_841 : i32
        %add3A_843 = arith.constant 0 : i32
        %add3A_844 = arith.addi %mul3A_842, %add3A_843 : i32
        %broadcast_in_dim3A = vector.broadcast %add3A_844 : i32 to vector<16xi32>
        %get3A = arith.index_cast %add3A_844 : i32 to index
        %get3A_845 = arith.constant 0 : index
        %get3A_846 = tpu.vector_load %arg7[%get3A, %get3A_845] {strides = array<i32>} : memref<512x32xf32, #tpu.memory_space<vmem>>, vector<16xf32>,
        tpu.vector_store_idx %arg9[%iota3A, %broadcast_in_dim3A], %get3A_846 : memref<32x513xf32, #tpu.memory_space<vmem>>[vector<16xi32>, vector<16xi32>], vector<16xf32>,
        %get3A_847 = arith.index_cast %add3A_844 : i32 to index
        %get3A_848 = arith.constant 16 : index
        %get3A_849 = tpu.vector_load %arg7[%get3A_847, %get3A_848] {strides = array<i32>} : memref<512x32xf32, #tpu.memory_space<vmem>>, vector<16xf32>,
        tpu.vector_store_idx %arg9[%add3A_5, %broadcast_in_dim3A], %get3A_849 : memref<32x513xf32, #tpu.memory_space<vmem>>[vector<16xi32>, vector<16xi32>], vector<16xf32>,
        %mul3A_850 = arith.constant 16 : i32
        %mul3A_851 = arith.muli %scan3A_839, %mul3A_850 : i32
        %add3A_852 = arith.constant 1 : i32
        %add3A_853 = arith.addi %mul3A_851, %add3A_852 : i32
        %broadcast_in_dim3A_854 = vector.broadcast %add3A_853 : i32 to vector<16xi32>
        %get3A_855 = arith.index_cast %add3A_853 : i32 to index
        %get3A_856 = arith.constant 0 : index
        %get3A_857 = tpu.vector_load %arg7[%get3A_855, %get3A_856] {strides = array<i32>} : memref<512x32xf32, #tpu.memory_space<vmem>>, vector<16xf32>,
        tpu.vector_store_idx %arg9[%iota3A, %broadcast_in_dim3A_854], %get3A_857 : memref<32x513xf32, #tpu.memory_space<vmem>>[vector<16xi32>, vector<16xi32>], vector<16xf32>,
        %get3A_858 = arith.index_cast %add3A_853 : i32 to index
        %get3A_859 = arith.constant 16 : index
        %get3A_860 = tpu.vector_load %arg7[%get3A_858, %get3A_859] {strides = array<i32>} : memref<512x32xf32, #tpu.memory_space<vmem>>, vector<16xf32>,
        tpu.vector_store_idx %arg9[%add3A_5, %broadcast_in_dim3A_854], %get3A_860 : memref<32x513xf32, #tpu.memory_space<vmem>>[vector<16xi32>, vector<16xi32>], vector<16xf32>,
        %mul3A_861 = arith.constant 16 : i32
        %mul3A_862 = arith.muli %scan3A_839, %mul3A_861 : i32
        %add3A_863 = arith.constant 2 : i32
        %add3A_864 = arith.addi %mul3A_862, %add3A_863 : i32
        %broadcast_in_dim3A_865 = vector.broadcast %add3A_864 : i32 to vector<16xi32>
        %get3A_866 = arith.index_cast %add3A_864 : i32 to index
        %get3A_867 = arith.constant 0 : index
        %get3A_868 = tpu.vector_load %arg7[%get3A_866, %get3A_867] {strides = array<i32>} : memref<512x32xf32, #tpu.memory_space<vmem>>, vector<16xf32>,
        tpu.vector_store_idx %arg9[%iota3A, %broadcast_in_dim3A_865], %get3A_868 : memref<32x513xf32, #tpu.memory_space<vmem>>[vector<16xi32>, vector<16xi32>], vector<16xf32>,
        %get3A_869 = arith.index_cast %add3A_864 : i32 to index
        %get3A_870 = arith.constant 16 : index
        %get3A_871 = tpu.vector_load %arg7[%get3A_869, %get3A_870] {strides = array<i32>} : memref<512x32xf32, #tpu.memory_space<vmem>>, vector<16xf32>,
        tpu.vector_store_idx %arg9[%add3A_5, %broadcast_in_dim3A_865], %get3A_871 : memref<32x513xf32, #tpu.memory_space<vmem>>[vector<16xi32>, vector<16xi32>], vector<16xf32>,
        %mul3A_872 = arith.constant 16 : i32
        %mul3A_873 = arith.muli %scan3A_839, %mul3A_872 : i32
        %add3A_874 = arith.constant 3 : i32
        %add3A_875 = arith.addi %mul3A_873, %add3A_874 : i32
        %broadcast_in_dim3A_876 = vector.broadcast %add3A_875 : i32 to vector<16xi32>
        %get3A_877 = arith.index_cast %add3A_875 : i32 to index
        %get3A_878 = arith.constant 0 : index
        %get3A_879 = tpu.vector_load %arg7[%get3A_877, %get3A_878] {strides = array<i32>} : memref<512x32xf32, #tpu.memory_space<vmem>>, vector<16xf32>,
        tpu.vector_store_idx %arg9[%iota3A, %broadcast_in_dim3A_876], %get3A_879 : memref<32x513xf32, #tpu.memory_space<vmem>>[vector<16xi32>, vector<16xi32>], vector<16xf32>,
        %get3A_880 = arith.index_cast %add3A_875 : i32 to index
        %get3A_881 = arith.constant 16 : index
        %get3A_882 = tpu.vector_load %arg7[%get3A_880, %get3A_881] {strides = array<i32>} : memref<512x32xf32, #tpu.memory_space<vmem>>, vector<16xf32>,
        tpu.vector_store_idx %arg9[%add3A_5, %broadcast_in_dim3A_876], %get3A_882 : memref<32x513xf32, #tpu.memory_space<vmem>>[vector<16xi32>, vector<16xi32>], vector<16xf32>,
        %mul3A_883 = arith.constant 16 : i32
        %mul3A_884 = arith.muli %scan3A_839, %mul3A_883 : i32
        %add3A_885 = arith.constant 4 : i32
        %add3A_886 = arith.addi %mul3A_884, %add3A_885 : i32
        %broadcast_in_dim3A_887 = vector.broadcast %add3A_886 : i32 to vector<16xi32>
        %get3A_888 = arith.index_cast %add3A_886 : i32 to index
        %get3A_889 = arith.constant 0 : index
        %get3A_890 = tpu.vector_load %arg7[%get3A_888, %get3A_889] {strides = array<i32>} : memref<512x32xf32, #tpu.memory_space<vmem>>, vector<16xf32>,
        tpu.vector_store_idx %arg9[%iota3A, %broadcast_in_dim3A_887], %get3A_890 : memref<32x513xf32, #tpu.memory_space<vmem>>[vector<16xi32>, vector<16xi32>], vector<16xf32>,
        %get3A_891 = arith.index_cast %add3A_886 : i32 to index
        %get3A_892 = arith.constant 16 : index
        %get3A_893 = tpu.vector_load %arg7[%get3A_891, %get3A_892] {strides = array<i32>} : memref<512x32xf32, #tpu.memory_space<vmem>>, vector<16xf32>,
        tpu.vector_store_idx %arg9[%add3A_5, %broadcast_in_dim3A_887], %get3A_893 : memref<32x513xf32, #tpu.memory_space<vmem>>[vector<16xi32>, vector<16xi32>], vector<16xf32>,
        %mul3A_894 = arith.constant 16 : i32
        %mul3A_895 = arith.muli %scan3A_839, %mul3A_894 : i32
        %add3A_896 = arith.constant 5 : i32
        %add3A_897 = arith.addi %mul3A_895, %add3A_896 : i32
        %broadcast_in_dim3A_898 = vector.broadcast %add3A_897 : i32 to vector<16xi32>
        %get3A_899 = arith.index_cast %add3A_897 : i32 to index
        %get3A_900 = arith.constant 0 : index
        %get3A_901 = tpu.vector_load %arg7[%get3A_899, %get3A_900] {strides = array<i32>} : memref<512x32xf32, #tpu.memory_space<vmem>>, vector<16xf32>,
        tpu.vector_store_idx %arg9[%iota3A, %broadcast_in_dim3A_898], %get3A_901 : memref<32x513xf32, #tpu.memory_space<vmem>>[vector<16xi32>, vector<16xi32>], vector<16xf32>,
        %get3A_902 = arith.index_cast %add3A_897 : i32 to index
        %get3A_903 = arith.constant 16 : index
        %get3A_904 = tpu.vector_load %arg7[%get3A_902, %get3A_903] {strides = array<i32>} : memref<512x32xf32, #tpu.memory_space<vmem>>, vector<16xf32>,
        tpu.vector_store_idx %arg9[%add3A_5, %broadcast_in_dim3A_898], %get3A_904 : memref<32x513xf32, #tpu.memory_space<vmem>>[vector<16xi32>, vector<16xi32>], vector<16xf32>,
        %mul3A_905 = arith.constant 16 : i32
        %mul3A_906 = arith.muli %scan3A_839, %mul3A_905 : i32
        %add3A_907 = arith.constant 6 : i32
        %add3A_908 = arith.addi %mul3A_906, %add3A_907 : i32
        %broadcast_in_dim3A_909 = vector.broadcast %add3A_908 : i32 to vector<16xi32>
        %get3A_910 = arith.index_cast %add3A_908 : i32 to index
        %get3A_911 = arith.constant 0 : index
        %get3A_912 = tpu.vector_load %arg7[%get3A_910, %get3A_911] {strides = array<i32>} : memref<512x32xf32, #tpu.memory_space<vmem>>, vector<16xf32>,
        tpu.vector_store_idx %arg9[%iota3A, %broadcast_in_dim3A_909], %get3A_912 : memref<32x513xf32, #tpu.memory_space<vmem>>[vector<16xi32>, vector<16xi32>], vector<16xf32>,
        %get3A_913 = arith.index_cast %add3A_908 : i32 to index
        %get3A_914 = arith.constant 16 : index
        %get3A_915 = tpu.vector_load %arg7[%get3A_913, %get3A_914] {strides = array<i32>} : memref<512x32xf32, #tpu.memory_space<vmem>>, vector<16xf32>,
        tpu.vector_store_idx %arg9[%add3A_5, %broadcast_in_dim3A_909], %get3A_915 : memref<32x513xf32, #tpu.memory_space<vmem>>[vector<16xi32>, vector<16xi32>], vector<16xf32>,
        %mul3A_916 = arith.constant 16 : i32
        %mul3A_917 = arith.muli %scan3A_839, %mul3A_916 : i32
        %add3A_918 = arith.constant 7 : i32
        %add3A_919 = arith.addi %mul3A_917, %add3A_918 : i32
        %broadcast_in_dim3A_920 = vector.broadcast %add3A_919 : i32 to vector<16xi32>
        %get3A_921 = arith.index_cast %add3A_919 : i32 to index
        %get3A_922 = arith.constant 0 : index
        %get3A_923 = tpu.vector_load %arg7[%get3A_921, %get3A_922] {strides = array<i32>} : memref<512x32xf32, #tpu.memory_space<vmem>>, vector<16xf32>,
        tpu.vector_store_idx %arg9[%iota3A, %broadcast_in_dim3A_920], %get3A_923 : memref<32x513xf32, #tpu.memory_space<vmem>>[vector<16xi32>, vector<16xi32>], vector<16xf32>,
        %get3A_924 = arith.index_cast %add3A_919 : i32 to index
        %get3A_925 = arith.constant 16 : index
        %get3A_926 = tpu.vector_load %arg7[%get3A_924, %get3A_925] {strides = array<i32>} : memref<512x32xf32, #tpu.memory_space<vmem>>, vector<16xf32>,
        tpu.vector_store_idx %arg9[%add3A_5, %broadcast_in_dim3A_920], %get3A_926 : memref<32x513xf32, #tpu.memory_space<vmem>>[vector<16xi32>, vector<16xi32>], vector<16xf32>,
        %mul3A_927 = arith.constant 16 : i32
        %mul3A_928 = arith.muli %scan3A_839, %mul3A_927 : i32
        %add3A_929 = arith.constant 8 : i32
        %add3A_930 = arith.addi %mul3A_928, %add3A_929 : i32
        %broadcast_in_dim3A_931 = vector.broadcast %add3A_930 : i32 to vector<16xi32>
        %get3A_932 = arith.index_cast %add3A_930 : i32 to index
        %get3A_933 = arith.constant 0 : index
        %get3A_934 = tpu.vector_load %arg7[%get3A_932, %get3A_933] {strides = array<i32>} : memref<512x32xf32, #tpu.memory_space<vmem>>, vector<16xf32>,
        tpu.vector_store_idx %arg9[%iota3A, %broadcast_in_dim3A_931], %get3A_934 : memref<32x513xf32, #tpu.memory_space<vmem>>[vector<16xi32>, vector<16xi32>], vector<16xf32>,
        %get3A_935 = arith.index_cast %add3A_930 : i32 to index
        %get3A_936 = arith.constant 16 : index
        %get3A_937 = tpu.vector_load %arg7[%get3A_935, %get3A_936] {strides = array<i32>} : memref<512x32xf32, #tpu.memory_space<vmem>>, vector<16xf32>,
        tpu.vector_store_idx %arg9[%add3A_5, %broadcast_in_dim3A_931], %get3A_937 : memref<32x513xf32, #tpu.memory_space<vmem>>[vector<16xi32>, vector<16xi32>], vector<16xf32>,
        %mul3A_938 = arith.constant 16 : i32
        %mul3A_939 = arith.muli %scan3A_839, %mul3A_938 : i32
        %add3A_940 = arith.constant 9 : i32
        %add3A_941 = arith.addi %mul3A_939, %add3A_940 : i32
        %broadcast_in_dim3A_942 = vector.broadcast %add3A_941 : i32 to vector<16xi32>
        %get3A_943 = arith.index_cast %add3A_941 : i32 to index
        %get3A_944 = arith.constant 0 : index
        %get3A_945 = tpu.vector_load %arg7[%get3A_943, %get3A_944] {strides = array<i32>} : memref<512x32xf32, #tpu.memory_space<vmem>>, vector<16xf32>,
        tpu.vector_store_idx %arg9[%iota3A, %broadcast_in_dim3A_942], %get3A_945 : memref<32x513xf32, #tpu.memory_space<vmem>>[vector<16xi32>, vector<16xi32>], vector<16xf32>,
        %get3A_946 = arith.index_cast %add3A_941 : i32 to index
        %get3A_947 = arith.constant 16 : index
        %get3A_948 = tpu.vector_load %arg7[%get3A_946, %get3A_947] {strides = array<i32>} : memref<512x32xf32, #tpu.memory_space<vmem>>, vector<16xf32>,
        tpu.vector_store_idx %arg9[%add3A_5, %broadcast_in_dim3A_942], %get3A_948 : memref<32x513xf32, #tpu.memory_space<vmem>>[vector<16xi32>, vector<16xi32>], vector<16xf32>,
        %mul3A_949 = arith.constant 16 : i32
        %mul3A_950 = arith.muli %scan3A_839, %mul3A_949 : i32
        %add3A_951 = arith.constant 10 : i32
        %add3A_952 = arith.addi %mul3A_950, %add3A_951 : i32
        %broadcast_in_dim3A_953 = vector.broadcast %add3A_952 : i32 to vector<16xi32>
        %get3A_954 = arith.index_cast %add3A_952 : i32 to index
        %get3A_955 = arith.constant 0 : index
        %get3A_956 = tpu.vector_load %arg7[%get3A_954, %get3A_955] {strides = array<i32>} : memref<512x32xf32, #tpu.memory_space<vmem>>, vector<16xf32>,
        tpu.vector_store_idx %arg9[%iota3A, %broadcast_in_dim3A_953], %get3A_956 : memref<32x513xf32, #tpu.memory_space<vmem>>[vector<16xi32>, vector<16xi32>], vector<16xf32>,
        %get3A_957 = arith.index_cast %add3A_952 : i32 to index
        %get3A_958 = arith.constant 16 : index
        %get3A_959 = tpu.vector_load %arg7[%get3A_957, %get3A_958] {strides = array<i32>} : memref<512x32xf32, #tpu.memory_space<vmem>>, vector<16xf32>,
        tpu.vector_store_idx %arg9[%add3A_5, %broadcast_in_dim3A_953], %get3A_959 : memref<32x513xf32, #tpu.memory_space<vmem>>[vector<16xi32>, vector<16xi32>], vector<16xf32>,
        %mul3A_960 = arith.constant 16 : i32
        %mul3A_961 = arith.muli %scan3A_839, %mul3A_960 : i32
        %add3A_962 = arith.constant 11 : i32
        %add3A_963 = arith.addi %mul3A_961, %add3A_962 : i32
        %broadcast_in_dim3A_964 = vector.broadcast %add3A_963 : i32 to vector<16xi32>
        %get3A_965 = arith.index_cast %add3A_963 : i32 to index
        %get3A_966 = arith.constant 0 : index
        %get3A_967 = tpu.vector_load %arg7[%get3A_965, %get3A_966] {strides = array<i32>} : memref<512x32xf32, #tpu.memory_space<vmem>>, vector<16xf32>,
        tpu.vector_store_idx %arg9[%iota3A, %broadcast_in_dim3A_964], %get3A_967 : memref<32x513xf32, #tpu.memory_space<vmem>>[vector<16xi32>, vector<16xi32>], vector<16xf32>,
        %get3A_968 = arith.index_cast %add3A_963 : i32 to index
        %get3A_969 = arith.constant 16 : index
        %get3A_970 = tpu.vector_load %arg7[%get3A_968, %get3A_969] {strides = array<i32>} : memref<512x32xf32, #tpu.memory_space<vmem>>, vector<16xf32>,
        tpu.vector_store_idx %arg9[%add3A_5, %broadcast_in_dim3A_964], %get3A_970 : memref<32x513xf32, #tpu.memory_space<vmem>>[vector<16xi32>, vector<16xi32>], vector<16xf32>,
        %mul3A_971 = arith.constant 16 : i32
        %mul3A_972 = arith.muli %scan3A_839, %mul3A_971 : i32
        %add3A_973 = arith.constant 12 : i32
        %add3A_974 = arith.addi %mul3A_972, %add3A_973 : i32
        %broadcast_in_dim3A_975 = vector.broadcast %add3A_974 : i32 to vector<16xi32>
        %get3A_976 = arith.index_cast %add3A_974 : i32 to index
        %get3A_977 = arith.constant 0 : index
        %get3A_978 = tpu.vector_load %arg7[%get3A_976, %get3A_977] {strides = array<i32>} : memref<512x32xf32, #tpu.memory_space<vmem>>, vector<16xf32>,
        tpu.vector_store_idx %arg9[%iota3A, %broadcast_in_dim3A_975], %get3A_978 : memref<32x513xf32, #tpu.memory_space<vmem>>[vector<16xi32>, vector<16xi32>], vector<16xf32>,
        %get3A_979 = arith.index_cast %add3A_974 : i32 to index
        %get3A_980 = arith.constant 16 : index
        %get3A_981 = tpu.vector_load %arg7[%get3A_979, %get3A_980] {strides = array<i32>} : memref<512x32xf32, #tpu.memory_space<vmem>>, vector<16xf32>,
        tpu.vector_store_idx %arg9[%add3A_5, %broadcast_in_dim3A_975], %get3A_981 : memref<32x513xf32, #tpu.memory_space<vmem>>[vector<16xi32>, vector<16xi32>], vector<16xf32>,
        %mul3A_982 = arith.constant 16 : i32
        %mul3A_983 = arith.muli %scan3A_839, %mul3A_982 : i32
        %add3A_984 = arith.constant 13 : i32
        %add3A_985 = arith.addi %mul3A_983, %add3A_984 : i32
        %broadcast_in_dim3A_986 = vector.broadcast %add3A_985 : i32 to vector<16xi32>
        %get3A_987 = arith.index_cast %add3A_985 : i32 to index
        %get3A_988 = arith.constant 0 : index
        %get3A_989 = tpu.vector_load %arg7[%get3A_987, %get3A_988] {strides = array<i32>} : memref<512x32xf32, #tpu.memory_space<vmem>>, vector<16xf32>,
        tpu.vector_store_idx %arg9[%iota3A, %broadcast_in_dim3A_986], %get3A_989 : memref<32x513xf32, #tpu.memory_space<vmem>>[vector<16xi32>, vector<16xi32>], vector<16xf32>,
        %get3A_990 = arith.index_cast %add3A_985 : i32 to index
        %get3A_991 = arith.constant 16 : index
        %get3A_992 = tpu.vector_load %arg7[%get3A_990, %get3A_991] {strides = array<i32>} : memref<512x32xf32, #tpu.memory_space<vmem>>, vector<16xf32>,
        tpu.vector_store_idx %arg9[%add3A_5, %broadcast_in_dim3A_986], %get3A_992 : memref<32x513xf32, #tpu.memory_space<vmem>>[vector<16xi32>, vector<16xi32>], vector<16xf32>,
        %mul3A_993 = arith.constant 16 : i32
        %mul3A_994 = arith.muli %scan3A_839, %mul3A_993 : i32
        %add3A_995 = arith.constant 14 : i32
        %add3A_996 = arith.addi %mul3A_994, %add3A_995 : i32
        %broadcast_in_dim3A_997 = vector.broadcast %add3A_996 : i32 to vector<16xi32>
        %get3A_998 = arith.index_cast %add3A_996 : i32 to index
        %get3A_999 = arith.constant 0 : index
        %get3A_1000 = tpu.vector_load %arg7[%get3A_998, %get3A_999] {strides = array<i32>} : memref<512x32xf32, #tpu.memory_space<vmem>>, vector<16xf32>,
        tpu.vector_store_idx %arg9[%iota3A, %broadcast_in_dim3A_997], %get3A_1000 : memref<32x513xf32, #tpu.memory_space<vmem>>[vector<16xi32>, vector<16xi32>], vector<16xf32>,
        %get3A_1001 = arith.index_cast %add3A_996 : i32 to index
        %get3A_1002 = arith.constant 16 : index
        %get3A_1003 = tpu.vector_load %arg7[%get3A_1001, %get3A_1002] {strides = array<i32>} : memref<512x32xf32, #tpu.memory_space<vmem>>, vector<16xf32>,
        tpu.vector_store_idx %arg9[%add3A_5, %broadcast_in_dim3A_997], %get3A_1003 : memref<32x513xf32, #tpu.memory_space<vmem>>[vector<16xi32>, vector<16xi32>], vector<16xf32>,
        %mul3A_1004 = arith.constant 16 : i32
        %mul3A_1005 = arith.muli %scan3A_839, %mul3A_1004 : i32
        %add3A_1006 = arith.constant 15 : i32
        %add3A_1007 = arith.addi %mul3A_1005, %add3A_1006 : i32
        %broadcast_in_dim3A_1008 = vector.broadcast %add3A_1007 : i32 to vector<16xi32>
        %get3A_1009 = arith.index_cast %add3A_1007 : i32 to index
        %get3A_1010 = arith.constant 0 : index
        %get3A_1011 = tpu.vector_load %arg7[%get3A_1009, %get3A_1010] {strides = array<i32>} : memref<512x32xf32, #tpu.memory_space<vmem>>, vector<16xf32>,
        tpu.vector_store_idx %arg9[%iota3A, %broadcast_in_dim3A_1008], %get3A_1011 : memref<32x513xf32, #tpu.memory_space<vmem>>[vector<16xi32>, vector<16xi32>], vector<16xf32>,
        %get3A_1012 = arith.index_cast %add3A_1007 : i32 to index
        %get3A_1013 = arith.constant 16 : index
        %get3A_1014 = tpu.vector_load %arg7[%get3A_1012, %get3A_1013] {strides = array<i32>} : memref<512x32xf32, #tpu.memory_space<vmem>>, vector<16xf32>,
        tpu.vector_store_idx %arg9[%add3A_5, %broadcast_in_dim3A_1008], %get3A_1014 : memref<32x513xf32, #tpu.memory_space<vmem>>[vector<16xi32>, vector<16xi32>], vector<16xf32>,
        %scan3A_1015 = arith.constant 0 : i32
        scf.yield %scan3A_1015 : i32
      }
      %scan3A_637 = arith.constant 32 : i32
      %sub3A_638 = arith.constant 1 : i32
      %sub3A_639 = arith.subi %add3A_553, %sub3A_638 : i32
      %add3A_640 = arith.addi %mul3A_2, %sub3A_639 : i32
      %jit3A_641 = arith.constant 8 : i32
      %div3A_642 = arith.divsi %add3A_640, %jit3A_641 : i32
      %sign3A_643 = arith.constant 0 : i32
      %sign3A_644 = arith.cmpi sgt, %add3A_640, %sign3A_643 : i32
      %sign3A_645 = arith.extui %sign3A_644 : i1 to i32
      %sign3A_646 = arith.constant 0 : i32
      %sign3A_647 = arith.cmpi slt, %add3A_640, %sign3A_646 : i32
      %sign3A_648 = arith.extui %sign3A_647 : i1 to i32
      %sign3A_649 = arith.subi %sign3A_645, %sign3A_648 : i32
      %sign3A_650 = arith.constant 0 : i32
      %sign3A_651 = arith.cmpi sgt, %jit3A_641, %sign3A_650 : i32
      %sign3A_652 = arith.extui %sign3A_651 : i1 to i32
      %sign3A_653 = arith.constant 0 : i32
      %sign3A_654 = arith.cmpi slt, %jit3A_641, %sign3A_653 : i32
      %sign3A_655 = arith.extui %sign3A_654 : i1 to i32
      %sign3A_656 = arith.subi %sign3A_652, %sign3A_655 : i32
      %ne3A_657 = arith.cmpi ne, %sign3A_649, %sign3A_656 : i32
      %rem3A_658 = arith.remsi %add3A_640, %jit3A_641 : i32
      %ne3A_659 = arith.constant 0 : i32
      %ne3A_660 = arith.cmpi ne, %rem3A_658, %ne3A_659 : i32
      %and3A_661 = arith.andi %ne3A_657, %ne3A_660 : i1
      %sub3A_662 = arith.constant 1 : i32
      %sub3A_663 = arith.subi %div3A_642, %sub3A_662 : i32
      %select_n3A_664 = arith.select %and3A_661, %sub3A_663, %div3A_642 : i32
      %jit3A_665 = arith.constant 8 : i32
      %eq3A_666 = arith.constant 0 : i32
      %eq3A_667 = arith.cmpi eq, %jit3A_665, %eq3A_666 : i32
      %jit3A_668 = arith.constant 1 : i32
      %select_n3A_669 = arith.select %eq3A_667, %jit3A_668, %jit3A_665 : i32
      %rem3A_670 = arith.remsi %add3A_640, %select_n3A_669 : i32
      %ne3A_671 = arith.constant 0 : i32
      %ne3A_672 = arith.cmpi ne, %rem3A_670, %ne3A_671 : i32
      %lt3A_673 = arith.constant 0 : i32
      %lt3A_674 = arith.cmpi slt, %rem3A_670, %lt3A_673 : i32
      %lt3A_675 = arith.constant 0 : i32
      %lt3A_676 = arith.cmpi slt, %select_n3A_669, %lt3A_675 : i32
      %ne3A_677 = arith.xori %lt3A_674, %lt3A_676 : i1
      %and3A_678 = arith.andi %ne3A_677, %ne3A_672 : i1
      %add3A_679 = arith.addi %rem3A_670, %select_n3A_669 : i32
      %select_n3A_680 = arith.select %and3A_678, %add3A_679, %rem3A_670 : i32
      %mul3A_681 = arith.constant 512 : i32
      %mul3A_682 = arith.muli %select_n3A_680, %mul3A_681 : i32
      %dma_start3A_683 = arith.constant 0 : i32
      %dma_start3A_684 = arith.constant 0 : i32
      %dma_start3A_685 = tpu.memref_slice %arg9[%dma_start3A_683, %dma_start3A_684] : memref<32x513xf32, #tpu.memory_space<vmem>> -> memref<32x512xf32, #tpu.memory_space<vmem>>
      %dma_start3A_686 = arith.constant 0 : i32
      %dma_start3A_687 = tpu.memref_slice %arg4[%select_n3A_664, %dma_start3A_686, %mul3A_682] : memref<200x32x4096xf32, #tpu.memory_space<hbm>> -> memref<1x32x512xf32, #tpu.memory_space<hbm>>
      %dma_start3A_688 = tpu.memref_squeeze %dma_start3A_687 : memref<1x32x512xf32, #tpu.memory_space<hbm>> -> memref<32x512xf32, #tpu.memory_space<hbm>>
      %dma_start3A_689 = arith.constant 0 : i32
      %dma_start3A_690 = tpu.memref_slice %arg4[%select_n3A_664, %dma_start3A_689, %mul3A_682] : memref<200x32x4096xf32, #tpu.memory_space<hbm>> -> memref<1x32x512xf32, #tpu.memory_space<hbm>>
      %dma_start3A_691 = tpu.memref_squeeze %dma_start3A_690 : memref<1x32x512xf32, #tpu.memory_space<hbm>> -> memref<32x512xf32, #tpu.memory_space<hbm>>
      %dma_start3A_692 = arith.constant 0 : i32
      %dma_start3A_693 = arith.constant 0 : i32
      %dma_start3A_694 = tpu.memref_slice %arg9[%dma_start3A_692, %dma_start3A_693] : memref<32x513xf32, #tpu.memory_space<vmem>> -> memref<32x512xf32, #tpu.memory_space<vmem>>
      tpu.enqueue_dma source(%dma_start3A_694 : memref<32x512xf32, #tpu.memory_space<vmem>>) target(%dma_start3A_691 : memref<32x512xf32, #tpu.memory_space<hbm>>) target_semaphore(%arg15 : memref<!tpu.dma_semaphore, #tpu.memory_space<semaphore_mem>>)
      %add3A_695 = arith.constant 1 : i32
      %add3A_696 = arith.addi %add3A_553, %add3A_695 : i32
      %add3A_697 = arith.addi %mul3A_2, %add3A_696 : i32
      %mul3A_698 = arith.constant 512 : i32
      %mul3A_699 = arith.muli %add3A_697, %mul3A_698 : i32
      %dma_wait3A_700 = tpu.memref_slice %arg2[%mul3A_699] : memref<819200xi32, #tpu.memory_space<hbm>> -> memref<512xi32, #tpu.memory_space<hbm>>
      %dma_wait3A_701 = tpu.memref_slice %arg2[%mul3A_699] : memref<819200xi32, #tpu.memory_space<hbm>> -> memref<512xi32, #tpu.memory_space<hbm>>
      tpu.wait_dma2 semaphore(%arg11 : memref<!tpu.dma_semaphore, #tpu.memory_space<semaphore_mem>>) src(%dma_wait3A_701 : memref<512xi32, #tpu.memory_space<hbm>>) dst(%arg5 : memref<512xi32, #tpu.memory_space<vmem>>)
      %dma_start3A_702 = arith.constant 0 : i32
      %dma_start3A_703 = arith.constant 0 : i32
      %dma_start3A_704 = tpu.memref_slice %arg3[%dma_start3A_702, %dma_start3A_703] : memref<1000000x32xf32, #tpu.memory_space<hbm>> -> memref<1000000x32xf32, #tpu.memory_space<hbm>>
      tpu.enqueue_indirect_dma source(%dma_start3A_704 : memref<1000000x32xf32, #tpu.memory_space<hbm>>) target(%arg7 : memref<512x32xf32, #tpu.memory_space<vmem>>) offsets(%arg5 : memref<512xi32, #tpu.memory_space<vmem>>) semaphore(%arg13 : memref<!tpu.dma_semaphore, #tpu.memory_space<semaphore_mem>>)
      %sub3A_705 = arith.constant 1 : i32
      %sub3A_706 = arith.subi %add3A_696, %sub3A_705 : i32
      %dma_wait3A_707 = arith.constant 0 : i32
      %dma_wait3A_708 = arith.constant 0 : i32
      %dma_wait3A_709 = tpu.memref_slice %arg3[%dma_wait3A_707, %dma_wait3A_708] : memref<1000000x32xf32, #tpu.memory_space<hbm>> -> memref<1000000x32xf32, #tpu.memory_space<hbm>>
      tpu.wait_indirect_dma semaphore(%arg14 : memref<!tpu.dma_semaphore, #tpu.memory_space<semaphore_mem>>) src(%dma_wait3A_709 : memref<1000000x32xf32, #tpu.memory_space<hbm>>) dst(%arg8 : memref<512x32xf32, #tpu.memory_space<vmem>>)
      %add3A_710 = arith.constant 1 : i32
      %add3A_711 = arith.addi %add3A_696, %add3A_710 : i32
      %add3A_712 = arith.addi %mul3A_2, %add3A_711 : i32
      %mul3A_713 = arith.constant 512 : i32
      %mul3A_714 = arith.muli %add3A_712, %mul3A_713 : i32
      %dma_start3A_715 = tpu.memref_slice %arg2[%mul3A_714] : memref<819200xi32, #tpu.memory_space<hbm>> -> memref<512xi32, #tpu.memory_space<hbm>>
      %dma_start3A_716 = tpu.memref_slice %arg2[%mul3A_714] : memref<819200xi32, #tpu.memory_space<hbm>> -> memref<512xi32, #tpu.memory_space<hbm>>
      tpu.enqueue_dma source(%dma_start3A_716 : memref<512xi32, #tpu.memory_space<hbm>>) target(%arg6 : memref<512xi32, #tpu.memory_space<vmem>>) target_semaphore(%arg12 : memref<!tpu.dma_semaphore, #tpu.memory_space<semaphore_mem>>)
      %sub3A_717 = arith.constant 3 : i32
      %sub3A_718 = arith.subi %add3A_696, %sub3A_717 : i32
      %add3A_719 = arith.addi %mul3A_2, %sub3A_718 : i32
      %jit3A_720 = arith.constant 8 : i32
      %div3A_721 = arith.divsi %add3A_719, %jit3A_720 : i32
      %sign3A_722 = arith.constant 0 : i32
      %sign3A_723 = arith.cmpi sgt, %add3A_719, %sign3A_722 : i32
      %sign3A_724 = arith.extui %sign3A_723 : i1 to i32
      %sign3A_725 = arith.constant 0 : i32
      %sign3A_726 = arith.cmpi slt, %add3A_719, %sign3A_725 : i32
      %sign3A_727 = arith.extui %sign3A_726 : i1 to i32
      %sign3A_728 = arith.subi %sign3A_724, %sign3A_727 : i32
      %sign3A_729 = arith.constant 0 : i32
      %sign3A_730 = arith.cmpi sgt, %jit3A_720, %sign3A_729 : i32
      %sign3A_731 = arith.extui %sign3A_730 : i1 to i32
      %sign3A_732 = arith.constant 0 : i32
      %sign3A_733 = arith.cmpi slt, %jit3A_720, %sign3A_732 : i32
      %sign3A_734 = arith.extui %sign3A_733 : i1 to i32
      %sign3A_735 = arith.subi %sign3A_731, %sign3A_734 : i32
      %ne3A_736 = arith.cmpi ne, %sign3A_728, %sign3A_735 : i32
      %rem3A_737 = arith.remsi %add3A_719, %jit3A_720 : i32
      %ne3A_738 = arith.constant 0 : i32
      %ne3A_739 = arith.cmpi ne, %rem3A_737, %ne3A_738 : i32
      %and3A_740 = arith.andi %ne3A_736, %ne3A_739 : i1
      %sub3A_741 = arith.constant 1 : i32
      %sub3A_742 = arith.subi %div3A_721, %sub3A_741 : i32
      %select_n3A_743 = arith.select %and3A_740, %sub3A_742, %div3A_721 : i32
      %jit3A_744 = arith.constant 8 : i32
      %eq3A_745 = arith.constant 0 : i32
      %eq3A_746 = arith.cmpi eq, %jit3A_744, %eq3A_745 : i32
      %jit3A_747 = arith.constant 1 : i32
      %select_n3A_748 = arith.select %eq3A_746, %jit3A_747, %jit3A_744 : i32
      %rem3A_749 = arith.remsi %add3A_719, %select_n3A_748 : i32
      %ne3A_750 = arith.constant 0 : i32
      %ne3A_751 = arith.cmpi ne, %rem3A_749, %ne3A_750 : i32
      %lt3A_752 = arith.constant 0 : i32
      %lt3A_753 = arith.cmpi slt, %rem3A_749, %lt3A_752 : i32
      %lt3A_754 = arith.constant 0 : i32
      %lt3A_755 = arith.cmpi slt, %select_n3A_748, %lt3A_754 : i32
      %ne3A_756 = arith.xori %lt3A_753, %lt3A_755 : i1
      %and3A_757 = arith.andi %ne3A_756, %ne3A_751 : i1
      %add3A_758 = arith.addi %rem3A_749, %select_n3A_748 : i32
      %select_n3A_759 = arith.select %and3A_757, %add3A_758, %rem3A_749 : i32
      %mul3A_760 = arith.constant 512 : i32
      %mul3A_761 = arith.muli %select_n3A_759, %mul3A_760 : i32
      %dma_wait3A_762 = arith.constant 0 : i32
      %dma_wait3A_763 = arith.constant 0 : i32
      %dma_wait3A_764 = tpu.memref_slice %arg10[%dma_wait3A_762, %dma_wait3A_763] : memref<32x513xf32, #tpu.memory_space<vmem>> -> memref<32x512xf32, #tpu.memory_space<vmem>>
      %dma_wait3A_765 = arith.constant 0 : i32
      %dma_wait3A_766 = tpu.memref_slice %arg4[%select_n3A_743, %dma_wait3A_765, %mul3A_761] : memref<200x32x4096xf32, #tpu.memory_space<hbm>> -> memref<1x32x512xf32, #tpu.memory_space<hbm>>
      %dma_wait3A_767 = tpu.memref_squeeze %dma_wait3A_766 : memref<1x32x512xf32, #tpu.memory_space<hbm>> -> memref<32x512xf32, #tpu.memory_space<hbm>>
      %dma_wait3A_768 = arith.constant 0 : i32
      %dma_wait3A_769 = tpu.memref_slice %arg4[%select_n3A_743, %dma_wait3A_768, %mul3A_761] : memref<200x32x4096xf32, #tpu.memory_space<hbm>> -> memref<1x32x512xf32, #tpu.memory_space<hbm>>
      %dma_wait3A_770 = tpu.memref_squeeze %dma_wait3A_769 : memref<1x32x512xf32, #tpu.memory_space<hbm>> -> memref<32x512xf32, #tpu.memory_space<hbm>>
      %dma_wait3A_771 = arith.constant 0 : i32
      %dma_wait3A_772 = arith.constant 0 : i32
      %dma_wait3A_773 = tpu.memref_slice %arg10[%dma_wait3A_771, %dma_wait3A_772] : memref<32x513xf32, #tpu.memory_space<vmem>> -> memref<32x512xf32, #tpu.memory_space<vmem>>
      tpu.wait_dma2 semaphore(%arg16 : memref<!tpu.dma_semaphore, #tpu.memory_space<semaphore_mem>>) src(%dma_wait3A_773 : memref<32x512xf32, #tpu.memory_space<vmem>>) dst(%dma_wait3A_770 : memref<32x512xf32, #tpu.memory_space<hbm>>)
      %scan3A_774 = arith.constant 0 : i32
      %scan3A_775 = arith.constant 0 : i32
      %scan3A_776 = arith.constant 32 : i32
      %scan3A_777 = arith.addi %scan3A_775, %scan3A_776 : i32
      %scan3A_778 = arith.constant 1 : i32
      %scan3A_779 = scf.for %scan3A_839 = %scan3A_775 to %scan3A_777 step %scan3A_778 iter_args(%scan3A_840 = %scan3A_774) -> (i32)  : i32 {
        %mul3A_841 = arith.constant 16 : i32
        %mul3A_842 = arith.muli %scan3A_839, %mul3A_841 : i32
        %add3A_843 = arith.constant 0 : i32
        %add3A_844 = arith.addi %mul3A_842, %add3A_843 : i32
        %broadcast_in_dim3A = vector.broadcast %add3A_844 : i32 to vector<16xi32>
        %get3A = arith.index_cast %add3A_844 : i32 to index
        %get3A_845 = arith.constant 0 : index
        %get3A_846 = tpu.vector_load %arg8[%get3A, %get3A_845] {strides = array<i32>} : memref<512x32xf32, #tpu.memory_space<vmem>>, vector<16xf32>,
        tpu.vector_store_idx %arg10[%iota3A, %broadcast_in_dim3A], %get3A_846 : memref<32x513xf32, #tpu.memory_space<vmem>>[vector<16xi32>, vector<16xi32>], vector<16xf32>,
        %get3A_847 = arith.index_cast %add3A_844 : i32 to index
        %get3A_848 = arith.constant 16 : index
        %get3A_849 = tpu.vector_load %arg8[%get3A_847, %get3A_848] {strides = array<i32>} : memref<512x32xf32, #tpu.memory_space<vmem>>, vector<16xf32>,
        tpu.vector_store_idx %arg10[%add3A_5, %broadcast_in_dim3A], %get3A_849 : memref<32x513xf32, #tpu.memory_space<vmem>>[vector<16xi32>, vector<16xi32>], vector<16xf32>,
        %mul3A_850 = arith.constant 16 : i32
        %mul3A_851 = arith.muli %scan3A_839, %mul3A_850 : i32
        %add3A_852 = arith.constant 1 : i32
        %add3A_853 = arith.addi %mul3A_851, %add3A_852 : i32
        %broadcast_in_dim3A_854 = vector.broadcast %add3A_853 : i32 to vector<16xi32>
        %get3A_855 = arith.index_cast %add3A_853 : i32 to index
        %get3A_856 = arith.constant 0 : index
        %get3A_857 = tpu.vector_load %arg8[%get3A_855, %get3A_856] {strides = array<i32>} : memref<512x32xf32, #tpu.memory_space<vmem>>, vector<16xf32>,
        tpu.vector_store_idx %arg10[%iota3A, %broadcast_in_dim3A_854], %get3A_857 : memref<32x513xf32, #tpu.memory_space<vmem>>[vector<16xi32>, vector<16xi32>], vector<16xf32>,
        %get3A_858 = arith.index_cast %add3A_853 : i32 to index
        %get3A_859 = arith.constant 16 : index
        %get3A_860 = tpu.vector_load %arg8[%get3A_858, %get3A_859] {strides = array<i32>} : memref<512x32xf32, #tpu.memory_space<vmem>>, vector<16xf32>,
        tpu.vector_store_idx %arg10[%add3A_5, %broadcast_in_dim3A_854], %get3A_860 : memref<32x513xf32, #tpu.memory_space<vmem>>[vector<16xi32>, vector<16xi32>], vector<16xf32>,
        %mul3A_861 = arith.constant 16 : i32
        %mul3A_862 = arith.muli %scan3A_839, %mul3A_861 : i32
        %add3A_863 = arith.constant 2 : i32
        %add3A_864 = arith.addi %mul3A_862, %add3A_863 : i32
        %broadcast_in_dim3A_865 = vector.broadcast %add3A_864 : i32 to vector<16xi32>
        %get3A_866 = arith.index_cast %add3A_864 : i32 to index
        %get3A_867 = arith.constant 0 : index
        %get3A_868 = tpu.vector_load %arg8[%get3A_866, %get3A_867] {strides = array<i32>} : memref<512x32xf32, #tpu.memory_space<vmem>>, vector<16xf32>,
        tpu.vector_store_idx %arg10[%iota3A, %broadcast_in_dim3A_865], %get3A_868 : memref<32x513xf32, #tpu.memory_space<vmem>>[vector<16xi32>, vector<16xi32>], vector<16xf32>,
        %get3A_869 = arith.index_cast %add3A_864 : i32 to index
        %get3A_870 = arith.constant 16 : index
        %get3A_871 = tpu.vector_load %arg8[%get3A_869, %get3A_870] {strides = array<i32>} : memref<512x32xf32, #tpu.memory_space<vmem>>, vector<16xf32>,
        tpu.vector_store_idx %arg10[%add3A_5, %broadcast_in_dim3A_865], %get3A_871 : memref<32x513xf32, #tpu.memory_space<vmem>>[vector<16xi32>, vector<16xi32>], vector<16xf32>,
        %mul3A_872 = arith.constant 16 : i32
        %mul3A_873 = arith.muli %scan3A_839, %mul3A_872 : i32
        %add3A_874 = arith.constant 3 : i32
        %add3A_875 = arith.addi %mul3A_873, %add3A_874 : i32
        %broadcast_in_dim3A_876 = vector.broadcast %add3A_875 : i32 to vector<16xi32>
        %get3A_877 = arith.index_cast %add3A_875 : i32 to index
        %get3A_878 = arith.constant 0 : index
        %get3A_879 = tpu.vector_load %arg8[%get3A_877, %get3A_878] {strides = array<i32>} : memref<512x32xf32, #tpu.memory_space<vmem>>, vector<16xf32>,
        tpu.vector_store_idx %arg10[%iota3A, %broadcast_in_dim3A_876], %get3A_879 : memref<32x513xf32, #tpu.memory_space<vmem>>[vector<16xi32>, vector<16xi32>], vector<16xf32>,
        %get3A_880 = arith.index_cast %add3A_875 : i32 to index
        %get3A_881 = arith.constant 16 : index
        %get3A_882 = tpu.vector_load %arg8[%get3A_880, %get3A_881] {strides = array<i32>} : memref<512x32xf32, #tpu.memory_space<vmem>>, vector<16xf32>,
        tpu.vector_store_idx %arg10[%add3A_5, %broadcast_in_dim3A_876], %get3A_882 : memref<32x513xf32, #tpu.memory_space<vmem>>[vector<16xi32>, vector<16xi32>], vector<16xf32>,
        %mul3A_883 = arith.constant 16 : i32
        %mul3A_884 = arith.muli %scan3A_839, %mul3A_883 : i32
        %add3A_885 = arith.constant 4 : i32
        %add3A_886 = arith.addi %mul3A_884, %add3A_885 : i32
        %broadcast_in_dim3A_887 = vector.broadcast %add3A_886 : i32 to vector<16xi32>
        %get3A_888 = arith.index_cast %add3A_886 : i32 to index
        %get3A_889 = arith.constant 0 : index
        %get3A_890 = tpu.vector_load %arg8[%get3A_888, %get3A_889] {strides = array<i32>} : memref<512x32xf32, #tpu.memory_space<vmem>>, vector<16xf32>,
        tpu.vector_store_idx %arg10[%iota3A, %broadcast_in_dim3A_887], %get3A_890 : memref<32x513xf32, #tpu.memory_space<vmem>>[vector<16xi32>, vector<16xi32>], vector<16xf32>,
        %get3A_891 = arith.index_cast %add3A_886 : i32 to index
        %get3A_892 = arith.constant 16 : index
        %get3A_893 = tpu.vector_load %arg8[%get3A_891, %get3A_892] {strides = array<i32>} : memref<512x32xf32, #tpu.memory_space<vmem>>, vector<16xf32>,
        tpu.vector_store_idx %arg10[%add3A_5, %broadcast_in_dim3A_887], %get3A_893 : memref<32x513xf32, #tpu.memory_space<vmem>>[vector<16xi32>, vector<16xi32>], vector<16xf32>,
        %mul3A_894 = arith.constant 16 : i32
        %mul3A_895 = arith.muli %scan3A_839, %mul3A_894 : i32
        %add3A_896 = arith.constant 5 : i32
        %add3A_897 = arith.addi %mul3A_895, %add3A_896 : i32
        %broadcast_in_dim3A_898 = vector.broadcast %add3A_897 : i32 to vector<16xi32>
        %get3A_899 = arith.index_cast %add3A_897 : i32 to index
        %get3A_900 = arith.constant 0 : index
        %get3A_901 = tpu.vector_load %arg8[%get3A_899, %get3A_900] {strides = array<i32>} : memref<512x32xf32, #tpu.memory_space<vmem>>, vector<16xf32>,
        tpu.vector_store_idx %arg10[%iota3A, %broadcast_in_dim3A_898], %get3A_901 : memref<32x513xf32, #tpu.memory_space<vmem>>[vector<16xi32>, vector<16xi32>], vector<16xf32>,
        %get3A_902 = arith.index_cast %add3A_897 : i32 to index
        %get3A_903 = arith.constant 16 : index
        %get3A_904 = tpu.vector_load %arg8[%get3A_902, %get3A_903] {strides = array<i32>} : memref<512x32xf32, #tpu.memory_space<vmem>>, vector<16xf32>,
        tpu.vector_store_idx %arg10[%add3A_5, %broadcast_in_dim3A_898], %get3A_904 : memref<32x513xf32, #tpu.memory_space<vmem>>[vector<16xi32>, vector<16xi32>], vector<16xf32>,
        %mul3A_905 = arith.constant 16 : i32
        %mul3A_906 = arith.muli %scan3A_839, %mul3A_905 : i32
        %add3A_907 = arith.constant 6 : i32
        %add3A_908 = arith.addi %mul3A_906, %add3A_907 : i32
        %broadcast_in_dim3A_909 = vector.broadcast %add3A_908 : i32 to vector<16xi32>
        %get3A_910 = arith.index_cast %add3A_908 : i32 to index
        %get3A_911 = arith.constant 0 : index
        %get3A_912 = tpu.vector_load %arg8[%get3A_910, %get3A_911] {strides = array<i32>} : memref<512x32xf32, #tpu.memory_space<vmem>>, vector<16xf32>,
        tpu.vector_store_idx %arg10[%iota3A, %broadcast_in_dim3A_909], %get3A_912 : memref<32x513xf32, #tpu.memory_space<vmem>>[vector<16xi32>, vector<16xi32>], vector<16xf32>,
        %get3A_913 = arith.index_cast %add3A_908 : i32 to index
        %get3A_914 = arith.constant 16 : index
        %get3A_915 = tpu.vector_load %arg8[%get3A_913, %get3A_914] {strides = array<i32>} : memref<512x32xf32, #tpu.memory_space<vmem>>, vector<16xf32>,
        tpu.vector_store_idx %arg10[%add3A_5, %broadcast_in_dim3A_909], %get3A_915 : memref<32x513xf32, #tpu.memory_space<vmem>>[vector<16xi32>, vector<16xi32>], vector<16xf32>,
        %mul3A_916 = arith.constant 16 : i32
        %mul3A_917 = arith.muli %scan3A_839, %mul3A_916 : i32
        %add3A_918 = arith.constant 7 : i32
        %add3A_919 = arith.addi %mul3A_917, %add3A_918 : i32
        %broadcast_in_dim3A_920 = vector.broadcast %add3A_919 : i32 to vector<16xi32>
        %get3A_921 = arith.index_cast %add3A_919 : i32 to index
        %get3A_922 = arith.constant 0 : index
        %get3A_923 = tpu.vector_load %arg8[%get3A_921, %get3A_922] {strides = array<i32>} : memref<512x32xf32, #tpu.memory_space<vmem>>, vector<16xf32>,
        tpu.vector_store_idx %arg10[%iota3A, %broadcast_in_dim3A_920], %get3A_923 : memref<32x513xf32, #tpu.memory_space<vmem>>[vector<16xi32>, vector<16xi32>], vector<16xf32>,
        %get3A_924 = arith.index_cast %add3A_919 : i32 to index
        %get3A_925 = arith.constant 16 : index
        %get3A_926 = tpu.vector_load %arg8[%get3A_924, %get3A_925] {strides = array<i32>} : memref<512x32xf32, #tpu.memory_space<vmem>>, vector<16xf32>,
        tpu.vector_store_idx %arg10[%add3A_5, %broadcast_in_dim3A_920], %get3A_926 : memref<32x513xf32, #tpu.memory_space<vmem>>[vector<16xi32>, vector<16xi32>], vector<16xf32>,
        %mul3A_927 = arith.constant 16 : i32
        %mul3A_928 = arith.muli %scan3A_839, %mul3A_927 : i32
        %add3A_929 = arith.constant 8 : i32
        %add3A_930 = arith.addi %mul3A_928, %add3A_929 : i32
        %broadcast_in_dim3A_931 = vector.broadcast %add3A_930 : i32 to vector<16xi32>
        %get3A_932 = arith.index_cast %add3A_930 : i32 to index
        %get3A_933 = arith.constant 0 : index
        %get3A_934 = tpu.vector_load %arg8[%get3A_932, %get3A_933] {strides = array<i32>} : memref<512x32xf32, #tpu.memory_space<vmem>>, vector<16xf32>,
        tpu.vector_store_idx %arg10[%iota3A, %broadcast_in_dim3A_931], %get3A_934 : memref<32x513xf32, #tpu.memory_space<vmem>>[vector<16xi32>, vector<16xi32>], vector<16xf32>,
        %get3A_935 = arith.index_cast %add3A_930 : i32 to index
        %get3A_936 = arith.constant 16 : index
        %get3A_937 = tpu.vector_load %arg8[%get3A_935, %get3A_936] {strides = array<i32>} : memref<512x32xf32, #tpu.memory_space<vmem>>, vector<16xf32>,
        tpu.vector_store_idx %arg10[%add3A_5, %broadcast_in_dim3A_931], %get3A_937 : memref<32x513xf32, #tpu.memory_space<vmem>>[vector<16xi32>, vector<16xi32>], vector<16xf32>,
        %mul3A_938 = arith.constant 16 : i32
        %mul3A_939 = arith.muli %scan3A_839, %mul3A_938 : i32
        %add3A_940 = arith.constant 9 : i32
        %add3A_941 = arith.addi %mul3A_939, %add3A_940 : i32
        %broadcast_in_dim3A_942 = vector.broadcast %add3A_941 : i32 to vector<16xi32>
        %get3A_943 = arith.index_cast %add3A_941 : i32 to index
        %get3A_944 = arith.constant 0 : index
        %get3A_945 = tpu.vector_load %arg8[%get3A_943, %get3A_944] {strides = array<i32>} : memref<512x32xf32, #tpu.memory_space<vmem>>, vector<16xf32>,
        tpu.vector_store_idx %arg10[%iota3A, %broadcast_in_dim3A_942], %get3A_945 : memref<32x513xf32, #tpu.memory_space<vmem>>[vector<16xi32>, vector<16xi32>], vector<16xf32>,
        %get3A_946 = arith.index_cast %add3A_941 : i32 to index
        %get3A_947 = arith.constant 16 : index
        %get3A_948 = tpu.vector_load %arg8[%get3A_946, %get3A_947] {strides = array<i32>} : memref<512x32xf32, #tpu.memory_space<vmem>>, vector<16xf32>,
        tpu.vector_store_idx %arg10[%add3A_5, %broadcast_in_dim3A_942], %get3A_948 : memref<32x513xf32, #tpu.memory_space<vmem>>[vector<16xi32>, vector<16xi32>], vector<16xf32>,
        %mul3A_949 = arith.constant 16 : i32
        %mul3A_950 = arith.muli %scan3A_839, %mul3A_949 : i32
        %add3A_951 = arith.constant 10 : i32
        %add3A_952 = arith.addi %mul3A_950, %add3A_951 : i32
        %broadcast_in_dim3A_953 = vector.broadcast %add3A_952 : i32 to vector<16xi32>
        %get3A_954 = arith.index_cast %add3A_952 : i32 to index
        %get3A_955 = arith.constant 0 : index
        %get3A_956 = tpu.vector_load %arg8[%get3A_954, %get3A_955] {strides = array<i32>} : memref<512x32xf32, #tpu.memory_space<vmem>>, vector<16xf32>,
        tpu.vector_store_idx %arg10[%iota3A, %broadcast_in_dim3A_953], %get3A_956 : memref<32x513xf32, #tpu.memory_space<vmem>>[vector<16xi32>, vector<16xi32>], vector<16xf32>,
        %get3A_957 = arith.index_cast %add3A_952 : i32 to index
        %get3A_958 = arith.constant 16 : index
        %get3A_959 = tpu.vector_load %arg8[%get3A_957, %get3A_958] {strides = array<i32>} : memref<512x32xf32, #tpu.memory_space<vmem>>, vector<16xf32>,
        tpu.vector_store_idx %arg10[%add3A_5, %broadcast_in_dim3A_953], %get3A_959 : memref<32x513xf32, #tpu.memory_space<vmem>>[vector<16xi32>, vector<16xi32>], vector<16xf32>,
        %mul3A_960 = arith.constant 16 : i32
        %mul3A_961 = arith.muli %scan3A_839, %mul3A_960 : i32
        %add3A_962 = arith.constant 11 : i32
        %add3A_963 = arith.addi %mul3A_961, %add3A_962 : i32
        %broadcast_in_dim3A_964 = vector.broadcast %add3A_963 : i32 to vector<16xi32>
        %get3A_965 = arith.index_cast %add3A_963 : i32 to index
        %get3A_966 = arith.constant 0 : index
        %get3A_967 = tpu.vector_load %arg8[%get3A_965, %get3A_966] {strides = array<i32>} : memref<512x32xf32, #tpu.memory_space<vmem>>, vector<16xf32>,
        tpu.vector_store_idx %arg10[%iota3A, %broadcast_in_dim3A_964], %get3A_967 : memref<32x513xf32, #tpu.memory_space<vmem>>[vector<16xi32>, vector<16xi32>], vector<16xf32>,
        %get3A_968 = arith.index_cast %add3A_963 : i32 to index
        %get3A_969 = arith.constant 16 : index
        %get3A_970 = tpu.vector_load %arg8[%get3A_968, %get3A_969] {strides = array<i32>} : memref<512x32xf32, #tpu.memory_space<vmem>>, vector<16xf32>,
        tpu.vector_store_idx %arg10[%add3A_5, %broadcast_in_dim3A_964], %get3A_970 : memref<32x513xf32, #tpu.memory_space<vmem>>[vector<16xi32>, vector<16xi32>], vector<16xf32>,
        %mul3A_971 = arith.constant 16 : i32
        %mul3A_972 = arith.muli %scan3A_839, %mul3A_971 : i32
        %add3A_973 = arith.constant 12 : i32
        %add3A_974 = arith.addi %mul3A_972, %add3A_973 : i32
        %broadcast_in_dim3A_975 = vector.broadcast %add3A_974 : i32 to vector<16xi32>
        %get3A_976 = arith.index_cast %add3A_974 : i32 to index
        %get3A_977 = arith.constant 0 : index
        %get3A_978 = tpu.vector_load %arg8[%get3A_976, %get3A_977] {strides = array<i32>} : memref<512x32xf32, #tpu.memory_space<vmem>>, vector<16xf32>,
        tpu.vector_store_idx %arg10[%iota3A, %broadcast_in_dim3A_975], %get3A_978 : memref<32x513xf32, #tpu.memory_space<vmem>>[vector<16xi32>, vector<16xi32>], vector<16xf32>,
        %get3A_979 = arith.index_cast %add3A_974 : i32 to index
        %get3A_980 = arith.constant 16 : index
        %get3A_981 = tpu.vector_load %arg8[%get3A_979, %get3A_980] {strides = array<i32>} : memref<512x32xf32, #tpu.memory_space<vmem>>, vector<16xf32>,
        tpu.vector_store_idx %arg10[%add3A_5, %broadcast_in_dim3A_975], %get3A_981 : memref<32x513xf32, #tpu.memory_space<vmem>>[vector<16xi32>, vector<16xi32>], vector<16xf32>,
        %mul3A_982 = arith.constant 16 : i32
        %mul3A_983 = arith.muli %scan3A_839, %mul3A_982 : i32
        %add3A_984 = arith.constant 13 : i32
        %add3A_985 = arith.addi %mul3A_983, %add3A_984 : i32
        %broadcast_in_dim3A_986 = vector.broadcast %add3A_985 : i32 to vector<16xi32>
        %get3A_987 = arith.index_cast %add3A_985 : i32 to index
        %get3A_988 = arith.constant 0 : index
        %get3A_989 = tpu.vector_load %arg8[%get3A_987, %get3A_988] {strides = array<i32>} : memref<512x32xf32, #tpu.memory_space<vmem>>, vector<16xf32>,
        tpu.vector_store_idx %arg10[%iota3A, %broadcast_in_dim3A_986], %get3A_989 : memref<32x513xf32, #tpu.memory_space<vmem>>[vector<16xi32>, vector<16xi32>], vector<16xf32>,
        %get3A_990 = arith.index_cast %add3A_985 : i32 to index
        %get3A_991 = arith.constant 16 : index
        %get3A_992 = tpu.vector_load %arg8[%get3A_990, %get3A_991] {strides = array<i32>} : memref<512x32xf32, #tpu.memory_space<vmem>>, vector<16xf32>,
        tpu.vector_store_idx %arg10[%add3A_5, %broadcast_in_dim3A_986], %get3A_992 : memref<32x513xf32, #tpu.memory_space<vmem>>[vector<16xi32>, vector<16xi32>], vector<16xf32>,
        %mul3A_993 = arith.constant 16 : i32
        %mul3A_994 = arith.muli %scan3A_839, %mul3A_993 : i32
        %add3A_995 = arith.constant 14 : i32
        %add3A_996 = arith.addi %mul3A_994, %add3A_995 : i32
        %broadcast_in_dim3A_997 = vector.broadcast %add3A_996 : i32 to vector<16xi32>
        %get3A_998 = arith.index_cast %add3A_996 : i32 to index
        %get3A_999 = arith.constant 0 : index
        %get3A_1000 = tpu.vector_load %arg8[%get3A_998, %get3A_999] {strides = array<i32>} : memref<512x32xf32, #tpu.memory_space<vmem>>, vector<16xf32>,
        tpu.vector_store_idx %arg10[%iota3A, %broadcast_in_dim3A_997], %get3A_1000 : memref<32x513xf32, #tpu.memory_space<vmem>>[vector<16xi32>, vector<16xi32>], vector<16xf32>,
        %get3A_1001 = arith.index_cast %add3A_996 : i32 to index
        %get3A_1002 = arith.constant 16 : index
        %get3A_1003 = tpu.vector_load %arg8[%get3A_1001, %get3A_1002] {strides = array<i32>} : memref<512x32xf32, #tpu.memory_space<vmem>>, vector<16xf32>,
        tpu.vector_store_idx %arg10[%add3A_5, %broadcast_in_dim3A_997], %get3A_1003 : memref<32x513xf32, #tpu.memory_space<vmem>>[vector<16xi32>, vector<16xi32>], vector<16xf32>,
        %mul3A_1004 = arith.constant 16 : i32
        %mul3A_1005 = arith.muli %scan3A_839, %mul3A_1004 : i32
        %add3A_1006 = arith.constant 15 : i32
        %add3A_1007 = arith.addi %mul3A_1005, %add3A_1006 : i32
        %broadcast_in_dim3A_1008 = vector.broadcast %add3A_1007 : i32 to vector<16xi32>
        %get3A_1009 = arith.index_cast %add3A_1007 : i32 to index
        %get3A_1010 = arith.constant 0 : index
        %get3A_1011 = tpu.vector_load %arg8[%get3A_1009, %get3A_1010] {strides = array<i32>} : memref<512x32xf32, #tpu.memory_space<vmem>>, vector<16xf32>,
        tpu.vector_store_idx %arg10[%iota3A, %broadcast_in_dim3A_1008], %get3A_1011 : memref<32x513xf32, #tpu.memory_space<vmem>>[vector<16xi32>, vector<16xi32>], vector<16xf32>,
        %get3A_1012 = arith.index_cast %add3A_1007 : i32 to index
        %get3A_1013 = arith.constant 16 : index
        %get3A_1014 = tpu.vector_load %arg8[%get3A_1012, %get3A_1013] {strides = array<i32>} : memref<512x32xf32, #tpu.memory_space<vmem>>, vector<16xf32>,
        tpu.vector_store_idx %arg10[%add3A_5, %broadcast_in_dim3A_1008], %get3A_1014 : memref<32x513xf32, #tpu.memory_space<vmem>>[vector<16xi32>, vector<16xi32>], vector<16xf32>,
        %scan3A_1015 = arith.constant 0 : i32
        scf.yield %scan3A_1015 : i32
      }
      %scan3A_780 = arith.constant 32 : i32
      %sub3A_781 = arith.constant 1 : i32
      %sub3A_782 = arith.subi %add3A_696, %sub3A_781 : i32
      %add3A_783 = arith.addi %mul3A_2, %sub3A_782 : i32
      %jit3A_784 = arith.constant 8 : i32
      %div3A_785 = arith.divsi %add3A_783, %jit3A_784 : i32
      %sign3A_786 = arith.constant 0 : i32
      %sign3A_787 = arith.cmpi sgt, %add3A_783, %sign3A_786 : i32
      %sign3A_788 = arith.extui %sign3A_787 : i1 to i32
      %sign3A_789 = arith.constant 0 : i32
      %sign3A_790 = arith.cmpi slt, %add3A_783, %sign3A_789 : i32
      %sign3A_791 = arith.extui %sign3A_790 : i1 to i32
      %sign3A_792 = arith.subi %sign3A_788, %sign3A_791 : i32
      %sign3A_793 = arith.constant 0 : i32
      %sign3A_794 = arith.cmpi sgt, %jit3A_784, %sign3A_793 : i32
      %sign3A_795 = arith.extui %sign3A_794 : i1 to i32
      %sign3A_796 = arith.constant 0 : i32
      %sign3A_797 = arith.cmpi slt, %jit3A_784, %sign3A_796 : i32
      %sign3A_798 = arith.extui %sign3A_797 : i1 to i32
      %sign3A_799 = arith.subi %sign3A_795, %sign3A_798 : i32
      %ne3A_800 = arith.cmpi ne, %sign3A_792, %sign3A_799 : i32
      %rem3A_801 = arith.remsi %add3A_783, %jit3A_784 : i32
      %ne3A_802 = arith.constant 0 : i32
      %ne3A_803 = arith.cmpi ne, %rem3A_801, %ne3A_802 : i32
      %and3A_804 = arith.andi %ne3A_800, %ne3A_803 : i1
      %sub3A_805 = arith.constant 1 : i32
      %sub3A_806 = arith.subi %div3A_785, %sub3A_805 : i32
      %select_n3A_807 = arith.select %and3A_804, %sub3A_806, %div3A_785 : i32
      %jit3A_808 = arith.constant 8 : i32
      %eq3A_809 = arith.constant 0 : i32
      %eq3A_810 = arith.cmpi eq, %jit3A_808, %eq3A_809 : i32
      %jit3A_811 = arith.constant 1 : i32
      %select_n3A_812 = arith.select %eq3A_810, %jit3A_811, %jit3A_808 : i32
      %rem3A_813 = arith.remsi %add3A_783, %select_n3A_812 : i32
      %ne3A_814 = arith.constant 0 : i32
      %ne3A_815 = arith.cmpi ne, %rem3A_813, %ne3A_814 : i32
      %lt3A_816 = arith.constant 0 : i32
      %lt3A_817 = arith.cmpi slt, %rem3A_813, %lt3A_816 : i32
      %lt3A_818 = arith.constant 0 : i32
      %lt3A_819 = arith.cmpi slt, %select_n3A_812, %lt3A_818 : i32
      %ne3A_820 = arith.xori %lt3A_817, %lt3A_819 : i1
      %and3A_821 = arith.andi %ne3A_820, %ne3A_815 : i1
      %add3A_822 = arith.addi %rem3A_813, %select_n3A_812 : i32
      %select_n3A_823 = arith.select %and3A_821, %add3A_822, %rem3A_813 : i32
      %mul3A_824 = arith.constant 512 : i32
      %mul3A_825 = arith.muli %select_n3A_823, %mul3A_824 : i32
      %dma_start3A_826 = arith.constant 0 : i32
      %dma_start3A_827 = arith.constant 0 : i32
      %dma_start3A_828 = tpu.memref_slice %arg10[%dma_start3A_826, %dma_start3A_827] : memref<32x513xf32, #tpu.memory_space<vmem>> -> memref<32x512xf32, #tpu.memory_space<vmem>>
      %dma_start3A_829 = arith.constant 0 : i32
      %dma_start3A_830 = tpu.memref_slice %arg4[%select_n3A_807, %dma_start3A_829, %mul3A_825] : memref<200x32x4096xf32, #tpu.memory_space<hbm>> -> memref<1x32x512xf32, #tpu.memory_space<hbm>>
      %dma_start3A_831 = tpu.memref_squeeze %dma_start3A_830 : memref<1x32x512xf32, #tpu.memory_space<hbm>> -> memref<32x512xf32, #tpu.memory_space<hbm>>
      %dma_start3A_832 = arith.constant 0 : i32
      %dma_start3A_833 = tpu.memref_slice %arg4[%select_n3A_807, %dma_start3A_832, %mul3A_825] : memref<200x32x4096xf32, #tpu.memory_space<hbm>> -> memref<1x32x512xf32, #tpu.memory_space<hbm>>
      %dma_start3A_834 = tpu.memref_squeeze %dma_start3A_833 : memref<1x32x512xf32, #tpu.memory_space<hbm>> -> memref<32x512xf32, #tpu.memory_space<hbm>>
      %dma_start3A_835 = arith.constant 0 : i32
      %dma_start3A_836 = arith.constant 0 : i32
      %dma_start3A_837 = tpu.memref_slice %arg10[%dma_start3A_835, %dma_start3A_836] : memref<32x513xf32, #tpu.memory_space<vmem>> -> memref<32x512xf32, #tpu.memory_space<vmem>>
      tpu.enqueue_dma source(%dma_start3A_837 : memref<32x512xf32, #tpu.memory_space<vmem>>) target(%dma_start3A_834 : memref<32x512xf32, #tpu.memory_space<hbm>>) target_semaphore(%arg16 : memref<!tpu.dma_semaphore, #tpu.memory_space<semaphore_mem>>)
      %scan3A_838 = arith.constant 0 : i32
      scf.yield %scan3A_838 : i32
    }
    %scan3A_182 = arith.constant 23 : i32
    %add3A_183 = arith.constant 49 : i32
    %add3A_184 = arith.addi %mul3A_2, %add3A_183 : i32
    %mul3A_185 = arith.constant 512 : i32
    %mul3A_186 = arith.muli %add3A_184, %mul3A_185 : i32
    %dma_wait3A_187 = tpu.memref_slice %arg2[%mul3A_186] : memref<819200xi32, #tpu.memory_space<hbm>> -> memref<512xi32, #tpu.memory_space<hbm>>
    %dma_wait3A_188 = tpu.memref_slice %arg2[%mul3A_186] : memref<819200xi32, #tpu.memory_space<hbm>> -> memref<512xi32, #tpu.memory_space<hbm>>
    tpu.wait_dma2 semaphore(%arg12 : memref<!tpu.dma_semaphore, #tpu.memory_space<semaphore_mem>>) src(%dma_wait3A_188 : memref<512xi32, #tpu.memory_space<hbm>>) dst(%arg6 : memref<512xi32, #tpu.memory_space<vmem>>)
    %dma_start3A_189 = arith.constant 0 : i32
    %dma_start3A_190 = arith.constant 0 : i32
    %dma_start3A_191 = tpu.memref_slice %arg3[%dma_start3A_189, %dma_start3A_190] : memref<1000000x32xf32, #tpu.memory_space<hbm>> -> memref<1000000x32xf32, #tpu.memory_space<hbm>>
    tpu.enqueue_indirect_dma source(%dma_start3A_191 : memref<1000000x32xf32, #tpu.memory_space<hbm>>) target(%arg8 : memref<512x32xf32, #tpu.memory_space<vmem>>) offsets(%arg6 : memref<512xi32, #tpu.memory_space<vmem>>) semaphore(%arg14 : memref<!tpu.dma_semaphore, #tpu.memory_space<semaphore_mem>>)
    %dma_wait3A_192 = arith.constant 0 : i32
    %dma_wait3A_193 = arith.constant 0 : i32
    %dma_wait3A_194 = tpu.memref_slice %arg3[%dma_wait3A_192, %dma_wait3A_193] : memref<1000000x32xf32, #tpu.memory_space<hbm>> -> memref<1000000x32xf32, #tpu.memory_space<hbm>>
    tpu.wait_indirect_dma semaphore(%arg13 : memref<!tpu.dma_semaphore, #tpu.memory_space<semaphore_mem>>) src(%dma_wait3A_194 : memref<1000000x32xf32, #tpu.memory_space<hbm>>) dst(%arg7 : memref<512x32xf32, #tpu.memory_space<vmem>>)
    %add3A_195 = arith.constant 46 : i32
    %add3A_196 = arith.addi %mul3A_2, %add3A_195 : i32
    %jit3A_197 = arith.constant 8 : i32
    %div3A_198 = arith.divsi %add3A_196, %jit3A_197 : i32
    %sign3A_199 = arith.constant 0 : i32
    %sign3A_200 = arith.cmpi sgt, %add3A_196, %sign3A_199 : i32
    %sign3A_201 = arith.extui %sign3A_200 : i1 to i32
    %sign3A_202 = arith.constant 0 : i32
    %sign3A_203 = arith.cmpi slt, %add3A_196, %sign3A_202 : i32
    %sign3A_204 = arith.extui %sign3A_203 : i1 to i32
    %sign3A_205 = arith.subi %sign3A_201, %sign3A_204 : i32
    %sign3A_206 = arith.constant 0 : i32
    %sign3A_207 = arith.cmpi sgt, %jit3A_197, %sign3A_206 : i32
    %sign3A_208 = arith.extui %sign3A_207 : i1 to i32
    %sign3A_209 = arith.constant 0 : i32
    %sign3A_210 = arith.cmpi slt, %jit3A_197, %sign3A_209 : i32
    %sign3A_211 = arith.extui %sign3A_210 : i1 to i32
    %sign3A_212 = arith.subi %sign3A_208, %sign3A_211 : i32
    %ne3A_213 = arith.cmpi ne, %sign3A_205, %sign3A_212 : i32
    %rem3A_214 = arith.remsi %add3A_196, %jit3A_197 : i32
    %ne3A_215 = arith.constant 0 : i32
    %ne3A_216 = arith.cmpi ne, %rem3A_214, %ne3A_215 : i32
    %and3A_217 = arith.andi %ne3A_213, %ne3A_216 : i1
    %sub3A_218 = arith.constant 1 : i32
    %sub3A_219 = arith.subi %div3A_198, %sub3A_218 : i32
    %select_n3A_220 = arith.select %and3A_217, %sub3A_219, %div3A_198 : i32
    %jit3A_221 = arith.constant 8 : i32
    %eq3A_222 = arith.constant 0 : i32
    %eq3A_223 = arith.cmpi eq, %jit3A_221, %eq3A_222 : i32
    %jit3A_224 = arith.constant 1 : i32
    %select_n3A_225 = arith.select %eq3A_223, %jit3A_224, %jit3A_221 : i32
    %rem3A_226 = arith.remsi %add3A_196, %select_n3A_225 : i32
    %ne3A_227 = arith.constant 0 : i32
    %ne3A_228 = arith.cmpi ne, %rem3A_226, %ne3A_227 : i32
    %lt3A_229 = arith.constant 0 : i32
    %lt3A_230 = arith.cmpi slt, %rem3A_226, %lt3A_229 : i32
    %lt3A_231 = arith.constant 0 : i32
    %lt3A_232 = arith.cmpi slt, %select_n3A_225, %lt3A_231 : i32
    %ne3A_233 = arith.xori %lt3A_230, %lt3A_232 : i1
    %and3A_234 = arith.andi %ne3A_233, %ne3A_228 : i1
    %add3A_235 = arith.addi %rem3A_226, %select_n3A_225 : i32
    %select_n3A_236 = arith.select %and3A_234, %add3A_235, %rem3A_226 : i32
    %mul3A_237 = arith.constant 512 : i32
    %mul3A_238 = arith.muli %select_n3A_236, %mul3A_237 : i32
    %dma_wait3A_239 = arith.constant 0 : i32
    %dma_wait3A_240 = arith.constant 0 : i32
    %dma_wait3A_241 = tpu.memref_slice %arg9[%dma_wait3A_239, %dma_wait3A_240] : memref<32x513xf32, #tpu.memory_space<vmem>> -> memref<32x512xf32, #tpu.memory_space<vmem>>
    %dma_wait3A_242 = arith.constant 0 : i32
    %dma_wait3A_243 = tpu.memref_slice %arg4[%select_n3A_220, %dma_wait3A_242, %mul3A_238] : memref<200x32x4096xf32, #tpu.memory_space<hbm>> -> memref<1x32x512xf32, #tpu.memory_space<hbm>>
    %dma_wait3A_244 = tpu.memref_squeeze %dma_wait3A_243 : memref<1x32x512xf32, #tpu.memory_space<hbm>> -> memref<32x512xf32, #tpu.memory_space<hbm>>
    %dma_wait3A_245 = arith.constant 0 : i32
    %dma_wait3A_246 = tpu.memref_slice %arg4[%select_n3A_220, %dma_wait3A_245, %mul3A_238] : memref<200x32x4096xf32, #tpu.memory_space<hbm>> -> memref<1x32x512xf32, #tpu.memory_space<hbm>>
    %dma_wait3A_247 = tpu.memref_squeeze %dma_wait3A_246 : memref<1x32x512xf32, #tpu.memory_space<hbm>> -> memref<32x512xf32, #tpu.memory_space<hbm>>
    %dma_wait3A_248 = arith.constant 0 : i32
    %dma_wait3A_249 = arith.constant 0 : i32
    %dma_wait3A_250 = tpu.memref_slice %arg9[%dma_wait3A_248, %dma_wait3A_249] : memref<32x513xf32, #tpu.memory_space<vmem>> -> memref<32x512xf32, #tpu.memory_space<vmem>>
    tpu.wait_dma2 semaphore(%arg15 : memref<!tpu.dma_semaphore, #tpu.memory_space<semaphore_mem>>) src(%dma_wait3A_250 : memref<32x512xf32, #tpu.memory_space<vmem>>) dst(%dma_wait3A_247 : memref<32x512xf32, #tpu.memory_space<hbm>>)
    %scan3A_251 = arith.constant 0 : i32
    %scan3A_252 = arith.constant 0 : i32
    %scan3A_253 = arith.constant 32 : i32
    %scan3A_254 = arith.addi %scan3A_252, %scan3A_253 : i32
    %scan3A_255 = arith.constant 1 : i32
    %scan3A_256 = scf.for %scan3A_548 = %scan3A_252 to %scan3A_254 step %scan3A_255 iter_args(%scan3A_549 = %scan3A_251) -> (i32)  : i32 {
      %mul3A_550 = arith.constant 16 : i32
      %mul3A_551 = arith.muli %scan3A_548, %mul3A_550 : i32
      %add3A_552 = arith.constant 0 : i32
      %add3A_553 = arith.addi %mul3A_551, %add3A_552 : i32
      %broadcast_in_dim3A = vector.broadcast %add3A_553 : i32 to vector<16xi32>
      %get3A = arith.index_cast %add3A_553 : i32 to index
      %get3A_554 = arith.constant 0 : index
      %get3A_555 = tpu.vector_load %arg7[%get3A, %get3A_554] {strides = array<i32>} : memref<512x32xf32, #tpu.memory_space<vmem>>, vector<16xf32>,
      tpu.vector_store_idx %arg9[%iota3A, %broadcast_in_dim3A], %get3A_555 : memref<32x513xf32, #tpu.memory_space<vmem>>[vector<16xi32>, vector<16xi32>], vector<16xf32>,
      %get3A_556 = arith.index_cast %add3A_553 : i32 to index
      %get3A_557 = arith.constant 16 : index
      %get3A_558 = tpu.vector_load %arg7[%get3A_556, %get3A_557] {strides = array<i32>} : memref<512x32xf32, #tpu.memory_space<vmem>>, vector<16xf32>,
      tpu.vector_store_idx %arg9[%add3A_5, %broadcast_in_dim3A], %get3A_558 : memref<32x513xf32, #tpu.memory_space<vmem>>[vector<16xi32>, vector<16xi32>], vector<16xf32>,
      %mul3A_559 = arith.constant 16 : i32
      %mul3A_560 = arith.muli %scan3A_548, %mul3A_559 : i32
      %add3A_561 = arith.constant 1 : i32
      %add3A_562 = arith.addi %mul3A_560, %add3A_561 : i32
      %broadcast_in_dim3A_563 = vector.broadcast %add3A_562 : i32 to vector<16xi32>
      %get3A_564 = arith.index_cast %add3A_562 : i32 to index
      %get3A_565 = arith.constant 0 : index
      %get3A_566 = tpu.vector_load %arg7[%get3A_564, %get3A_565] {strides = array<i32>} : memref<512x32xf32, #tpu.memory_space<vmem>>, vector<16xf32>,
      tpu.vector_store_idx %arg9[%iota3A, %broadcast_in_dim3A_563], %get3A_566 : memref<32x513xf32, #tpu.memory_space<vmem>>[vector<16xi32>, vector<16xi32>], vector<16xf32>,
      %get3A_567 = arith.index_cast %add3A_562 : i32 to index
      %get3A_568 = arith.constant 16 : index
      %get3A_569 = tpu.vector_load %arg7[%get3A_567, %get3A_568] {strides = array<i32>} : memref<512x32xf32, #tpu.memory_space<vmem>>, vector<16xf32>,
      tpu.vector_store_idx %arg9[%add3A_5, %broadcast_in_dim3A_563], %get3A_569 : memref<32x513xf32, #tpu.memory_space<vmem>>[vector<16xi32>, vector<16xi32>], vector<16xf32>,
      %mul3A_570 = arith.constant 16 : i32
      %mul3A_571 = arith.muli %scan3A_548, %mul3A_570 : i32
      %add3A_572 = arith.constant 2 : i32
      %add3A_573 = arith.addi %mul3A_571, %add3A_572 : i32
      %broadcast_in_dim3A_574 = vector.broadcast %add3A_573 : i32 to vector<16xi32>
      %get3A_575 = arith.index_cast %add3A_573 : i32 to index
      %get3A_576 = arith.constant 0 : index
      %get3A_577 = tpu.vector_load %arg7[%get3A_575, %get3A_576] {strides = array<i32>} : memref<512x32xf32, #tpu.memory_space<vmem>>, vector<16xf32>,
      tpu.vector_store_idx %arg9[%iota3A, %broadcast_in_dim3A_574], %get3A_577 : memref<32x513xf32, #tpu.memory_space<vmem>>[vector<16xi32>, vector<16xi32>], vector<16xf32>,
      %get3A_578 = arith.index_cast %add3A_573 : i32 to index
      %get3A_579 = arith.constant 16 : index
      %get3A_580 = tpu.vector_load %arg7[%get3A_578, %get3A_579] {strides = array<i32>} : memref<512x32xf32, #tpu.memory_space<vmem>>, vector<16xf32>,
      tpu.vector_store_idx %arg9[%add3A_5, %broadcast_in_dim3A_574], %get3A_580 : memref<32x513xf32, #tpu.memory_space<vmem>>[vector<16xi32>, vector<16xi32>], vector<16xf32>,
      %mul3A_581 = arith.constant 16 : i32
      %mul3A_582 = arith.muli %scan3A_548, %mul3A_581 : i32
      %add3A_583 = arith.constant 3 : i32
      %add3A_584 = arith.addi %mul3A_582, %add3A_583 : i32
      %broadcast_in_dim3A_585 = vector.broadcast %add3A_584 : i32 to vector<16xi32>
      %get3A_586 = arith.index_cast %add3A_584 : i32 to index
      %get3A_587 = arith.constant 0 : index
      %get3A_588 = tpu.vector_load %arg7[%get3A_586, %get3A_587] {strides = array<i32>} : memref<512x32xf32, #tpu.memory_space<vmem>>, vector<16xf32>,
      tpu.vector_store_idx %arg9[%iota3A, %broadcast_in_dim3A_585], %get3A_588 : memref<32x513xf32, #tpu.memory_space<vmem>>[vector<16xi32>, vector<16xi32>], vector<16xf32>,
      %get3A_589 = arith.index_cast %add3A_584 : i32 to index
      %get3A_590 = arith.constant 16 : index
      %get3A_591 = tpu.vector_load %arg7[%get3A_589, %get3A_590] {strides = array<i32>} : memref<512x32xf32, #tpu.memory_space<vmem>>, vector<16xf32>,
      tpu.vector_store_idx %arg9[%add3A_5, %broadcast_in_dim3A_585], %get3A_591 : memref<32x513xf32, #tpu.memory_space<vmem>>[vector<16xi32>, vector<16xi32>], vector<16xf32>,
      %mul3A_592 = arith.constant 16 : i32
      %mul3A_593 = arith.muli %scan3A_548, %mul3A_592 : i32
      %add3A_594 = arith.constant 4 : i32
      %add3A_595 = arith.addi %mul3A_593, %add3A_594 : i32
      %broadcast_in_dim3A_596 = vector.broadcast %add3A_595 : i32 to vector<16xi32>
      %get3A_597 = arith.index_cast %add3A_595 : i32 to index
      %get3A_598 = arith.constant 0 : index
      %get3A_599 = tpu.vector_load %arg7[%get3A_597, %get3A_598] {strides = array<i32>} : memref<512x32xf32, #tpu.memory_space<vmem>>, vector<16xf32>,
      tpu.vector_store_idx %arg9[%iota3A, %broadcast_in_dim3A_596], %get3A_599 : memref<32x513xf32, #tpu.memory_space<vmem>>[vector<16xi32>, vector<16xi32>], vector<16xf32>,
      %get3A_600 = arith.index_cast %add3A_595 : i32 to index
      %get3A_601 = arith.constant 16 : index
      %get3A_602 = tpu.vector_load %arg7[%get3A_600, %get3A_601] {strides = array<i32>} : memref<512x32xf32, #tpu.memory_space<vmem>>, vector<16xf32>,
      tpu.vector_store_idx %arg9[%add3A_5, %broadcast_in_dim3A_596], %get3A_602 : memref<32x513xf32, #tpu.memory_space<vmem>>[vector<16xi32>, vector<16xi32>], vector<16xf32>,
      %mul3A_603 = arith.constant 16 : i32
      %mul3A_604 = arith.muli %scan3A_548, %mul3A_603 : i32
      %add3A_605 = arith.constant 5 : i32
      %add3A_606 = arith.addi %mul3A_604, %add3A_605 : i32
      %broadcast_in_dim3A_607 = vector.broadcast %add3A_606 : i32 to vector<16xi32>
      %get3A_608 = arith.index_cast %add3A_606 : i32 to index
      %get3A_609 = arith.constant 0 : index
      %get3A_610 = tpu.vector_load %arg7[%get3A_608, %get3A_609] {strides = array<i32>} : memref<512x32xf32, #tpu.memory_space<vmem>>, vector<16xf32>,
      tpu.vector_store_idx %arg9[%iota3A, %broadcast_in_dim3A_607], %get3A_610 : memref<32x513xf32, #tpu.memory_space<vmem>>[vector<16xi32>, vector<16xi32>], vector<16xf32>,
      %get3A_611 = arith.index_cast %add3A_606 : i32 to index
      %get3A_612 = arith.constant 16 : index
      %get3A_613 = tpu.vector_load %arg7[%get3A_611, %get3A_612] {strides = array<i32>} : memref<512x32xf32, #tpu.memory_space<vmem>>, vector<16xf32>,
      tpu.vector_store_idx %arg9[%add3A_5, %broadcast_in_dim3A_607], %get3A_613 : memref<32x513xf32, #tpu.memory_space<vmem>>[vector<16xi32>, vector<16xi32>], vector<16xf32>,
      %mul3A_614 = arith.constant 16 : i32
      %mul3A_615 = arith.muli %scan3A_548, %mul3A_614 : i32
      %add3A_616 = arith.constant 6 : i32
      %add3A_617 = arith.addi %mul3A_615, %add3A_616 : i32
      %broadcast_in_dim3A_618 = vector.broadcast %add3A_617 : i32 to vector<16xi32>
      %get3A_619 = arith.index_cast %add3A_617 : i32 to index
      %get3A_620 = arith.constant 0 : index
      %get3A_621 = tpu.vector_load %arg7[%get3A_619, %get3A_620] {strides = array<i32>} : memref<512x32xf32, #tpu.memory_space<vmem>>, vector<16xf32>,
      tpu.vector_store_idx %arg9[%iota3A, %broadcast_in_dim3A_618], %get3A_621 : memref<32x513xf32, #tpu.memory_space<vmem>>[vector<16xi32>, vector<16xi32>], vector<16xf32>,
      %get3A_622 = arith.index_cast %add3A_617 : i32 to index
      %get3A_623 = arith.constant 16 : index
      %get3A_624 = tpu.vector_load %arg7[%get3A_622, %get3A_623] {strides = array<i32>} : memref<512x32xf32, #tpu.memory_space<vmem>>, vector<16xf32>,
      tpu.vector_store_idx %arg9[%add3A_5, %broadcast_in_dim3A_618], %get3A_624 : memref<32x513xf32, #tpu.memory_space<vmem>>[vector<16xi32>, vector<16xi32>], vector<16xf32>,
      %mul3A_625 = arith.constant 16 : i32
      %mul3A_626 = arith.muli %scan3A_548, %mul3A_625 : i32
      %add3A_627 = arith.constant 7 : i32
      %add3A_628 = arith.addi %mul3A_626, %add3A_627 : i32
      %broadcast_in_dim3A_629 = vector.broadcast %add3A_628 : i32 to vector<16xi32>
      %get3A_630 = arith.index_cast %add3A_628 : i32 to index
      %get3A_631 = arith.constant 0 : index
      %get3A_632 = tpu.vector_load %arg7[%get3A_630, %get3A_631] {strides = array<i32>} : memref<512x32xf32, #tpu.memory_space<vmem>>, vector<16xf32>,
      tpu.vector_store_idx %arg9[%iota3A, %broadcast_in_dim3A_629], %get3A_632 : memref<32x513xf32, #tpu.memory_space<vmem>>[vector<16xi32>, vector<16xi32>], vector<16xf32>,
      %get3A_633 = arith.index_cast %add3A_628 : i32 to index
      %get3A_634 = arith.constant 16 : index
      %get3A_635 = tpu.vector_load %arg7[%get3A_633, %get3A_634] {strides = array<i32>} : memref<512x32xf32, #tpu.memory_space<vmem>>, vector<16xf32>,
      tpu.vector_store_idx %arg9[%add3A_5, %broadcast_in_dim3A_629], %get3A_635 : memref<32x513xf32, #tpu.memory_space<vmem>>[vector<16xi32>, vector<16xi32>], vector<16xf32>,
      %mul3A_636 = arith.constant 16 : i32
      %mul3A_637 = arith.muli %scan3A_548, %mul3A_636 : i32
      %add3A_638 = arith.constant 8 : i32
      %add3A_639 = arith.addi %mul3A_637, %add3A_638 : i32
      %broadcast_in_dim3A_640 = vector.broadcast %add3A_639 : i32 to vector<16xi32>
      %get3A_641 = arith.index_cast %add3A_639 : i32 to index
      %get3A_642 = arith.constant 0 : index
      %get3A_643 = tpu.vector_load %arg7[%get3A_641, %get3A_642] {strides = array<i32>} : memref<512x32xf32, #tpu.memory_space<vmem>>, vector<16xf32>,
      tpu.vector_store_idx %arg9[%iota3A, %broadcast_in_dim3A_640], %get3A_643 : memref<32x513xf32, #tpu.memory_space<vmem>>[vector<16xi32>, vector<16xi32>], vector<16xf32>,
      %get3A_644 = arith.index_cast %add3A_639 : i32 to index
      %get3A_645 = arith.constant 16 : index
      %get3A_646 = tpu.vector_load %arg7[%get3A_644, %get3A_645] {strides = array<i32>} : memref<512x32xf32, #tpu.memory_space<vmem>>, vector<16xf32>,
      tpu.vector_store_idx %arg9[%add3A_5, %broadcast_in_dim3A_640], %get3A_646 : memref<32x513xf32, #tpu.memory_space<vmem>>[vector<16xi32>, vector<16xi32>], vector<16xf32>,
      %mul3A_647 = arith.constant 16 : i32
      %mul3A_648 = arith.muli %scan3A_548, %mul3A_647 : i32
      %add3A_649 = arith.constant 9 : i32
      %add3A_650 = arith.addi %mul3A_648, %add3A_649 : i32
      %broadcast_in_dim3A_651 = vector.broadcast %add3A_650 : i32 to vector<16xi32>
      %get3A_652 = arith.index_cast %add3A_650 : i32 to index
      %get3A_653 = arith.constant 0 : index
      %get3A_654 = tpu.vector_load %arg7[%get3A_652, %get3A_653] {strides = array<i32>} : memref<512x32xf32, #tpu.memory_space<vmem>>, vector<16xf32>,
      tpu.vector_store_idx %arg9[%iota3A, %broadcast_in_dim3A_651], %get3A_654 : memref<32x513xf32, #tpu.memory_space<vmem>>[vector<16xi32>, vector<16xi32>], vector<16xf32>,
      %get3A_655 = arith.index_cast %add3A_650 : i32 to index
      %get3A_656 = arith.constant 16 : index
      %get3A_657 = tpu.vector_load %arg7[%get3A_655, %get3A_656] {strides = array<i32>} : memref<512x32xf32, #tpu.memory_space<vmem>>, vector<16xf32>,
      tpu.vector_store_idx %arg9[%add3A_5, %broadcast_in_dim3A_651], %get3A_657 : memref<32x513xf32, #tpu.memory_space<vmem>>[vector<16xi32>, vector<16xi32>], vector<16xf32>,
      %mul3A_658 = arith.constant 16 : i32
      %mul3A_659 = arith.muli %scan3A_548, %mul3A_658 : i32
      %add3A_660 = arith.constant 10 : i32
      %add3A_661 = arith.addi %mul3A_659, %add3A_660 : i32
      %broadcast_in_dim3A_662 = vector.broadcast %add3A_661 : i32 to vector<16xi32>
      %get3A_663 = arith.index_cast %add3A_661 : i32 to index
      %get3A_664 = arith.constant 0 : index
      %get3A_665 = tpu.vector_load %arg7[%get3A_663, %get3A_664] {strides = array<i32>} : memref<512x32xf32, #tpu.memory_space<vmem>>, vector<16xf32>,
      tpu.vector_store_idx %arg9[%iota3A, %broadcast_in_dim3A_662], %get3A_665 : memref<32x513xf32, #tpu.memory_space<vmem>>[vector<16xi32>, vector<16xi32>], vector<16xf32>,
      %get3A_666 = arith.index_cast %add3A_661 : i32 to index
      %get3A_667 = arith.constant 16 : index
      %get3A_668 = tpu.vector_load %arg7[%get3A_666, %get3A_667] {strides = array<i32>} : memref<512x32xf32, #tpu.memory_space<vmem>>, vector<16xf32>,
      tpu.vector_store_idx %arg9[%add3A_5, %broadcast_in_dim3A_662], %get3A_668 : memref<32x513xf32, #tpu.memory_space<vmem>>[vector<16xi32>, vector<16xi32>], vector<16xf32>,
      %mul3A_669 = arith.constant 16 : i32
      %mul3A_670 = arith.muli %scan3A_548, %mul3A_669 : i32
      %add3A_671 = arith.constant 11 : i32
      %add3A_672 = arith.addi %mul3A_670, %add3A_671 : i32
      %broadcast_in_dim3A_673 = vector.broadcast %add3A_672 : i32 to vector<16xi32>
      %get3A_674 = arith.index_cast %add3A_672 : i32 to index
      %get3A_675 = arith.constant 0 : index
      %get3A_676 = tpu.vector_load %arg7[%get3A_674, %get3A_675] {strides = array<i32>} : memref<512x32xf32, #tpu.memory_space<vmem>>, vector<16xf32>,
      tpu.vector_store_idx %arg9[%iota3A, %broadcast_in_dim3A_673], %get3A_676 : memref<32x513xf32, #tpu.memory_space<vmem>>[vector<16xi32>, vector<16xi32>], vector<16xf32>,
      %get3A_677 = arith.index_cast %add3A_672 : i32 to index
      %get3A_678 = arith.constant 16 : index
      %get3A_679 = tpu.vector_load %arg7[%get3A_677, %get3A_678] {strides = array<i32>} : memref<512x32xf32, #tpu.memory_space<vmem>>, vector<16xf32>,
      tpu.vector_store_idx %arg9[%add3A_5, %broadcast_in_dim3A_673], %get3A_679 : memref<32x513xf32, #tpu.memory_space<vmem>>[vector<16xi32>, vector<16xi32>], vector<16xf32>,
      %mul3A_680 = arith.constant 16 : i32
      %mul3A_681 = arith.muli %scan3A_548, %mul3A_680 : i32
      %add3A_682 = arith.constant 12 : i32
      %add3A_683 = arith.addi %mul3A_681, %add3A_682 : i32
      %broadcast_in_dim3A_684 = vector.broadcast %add3A_683 : i32 to vector<16xi32>
      %get3A_685 = arith.index_cast %add3A_683 : i32 to index
      %get3A_686 = arith.constant 0 : index
      %get3A_687 = tpu.vector_load %arg7[%get3A_685, %get3A_686] {strides = array<i32>} : memref<512x32xf32, #tpu.memory_space<vmem>>, vector<16xf32>,
      tpu.vector_store_idx %arg9[%iota3A, %broadcast_in_dim3A_684], %get3A_687 : memref<32x513xf32, #tpu.memory_space<vmem>>[vector<16xi32>, vector<16xi32>], vector<16xf32>,
      %get3A_688 = arith.index_cast %add3A_683 : i32 to index
      %get3A_689 = arith.constant 16 : index
      %get3A_690 = tpu.vector_load %arg7[%get3A_688, %get3A_689] {strides = array<i32>} : memref<512x32xf32, #tpu.memory_space<vmem>>, vector<16xf32>,
      tpu.vector_store_idx %arg9[%add3A_5, %broadcast_in_dim3A_684], %get3A_690 : memref<32x513xf32, #tpu.memory_space<vmem>>[vector<16xi32>, vector<16xi32>], vector<16xf32>,
      %mul3A_691 = arith.constant 16 : i32
      %mul3A_692 = arith.muli %scan3A_548, %mul3A_691 : i32
      %add3A_693 = arith.constant 13 : i32
      %add3A_694 = arith.addi %mul3A_692, %add3A_693 : i32
      %broadcast_in_dim3A_695 = vector.broadcast %add3A_694 : i32 to vector<16xi32>
      %get3A_696 = arith.index_cast %add3A_694 : i32 to index
      %get3A_697 = arith.constant 0 : index
      %get3A_698 = tpu.vector_load %arg7[%get3A_696, %get3A_697] {strides = array<i32>} : memref<512x32xf32, #tpu.memory_space<vmem>>, vector<16xf32>,
      tpu.vector_store_idx %arg9[%iota3A, %broadcast_in_dim3A_695], %get3A_698 : memref<32x513xf32, #tpu.memory_space<vmem>>[vector<16xi32>, vector<16xi32>], vector<16xf32>,
      %get3A_699 = arith.index_cast %add3A_694 : i32 to index
      %get3A_700 = arith.constant 16 : index
      %get3A_701 = tpu.vector_load %arg7[%get3A_699, %get3A_700] {strides = array<i32>} : memref<512x32xf32, #tpu.memory_space<vmem>>, vector<16xf32>,
      tpu.vector_store_idx %arg9[%add3A_5, %broadcast_in_dim3A_695], %get3A_701 : memref<32x513xf32, #tpu.memory_space<vmem>>[vector<16xi32>, vector<16xi32>], vector<16xf32>,
      %mul3A_702 = arith.constant 16 : i32
      %mul3A_703 = arith.muli %scan3A_548, %mul3A_702 : i32
      %add3A_704 = arith.constant 14 : i32
      %add3A_705 = arith.addi %mul3A_703, %add3A_704 : i32
      %broadcast_in_dim3A_706 = vector.broadcast %add3A_705 : i32 to vector<16xi32>
      %get3A_707 = arith.index_cast %add3A_705 : i32 to index
      %get3A_708 = arith.constant 0 : index
      %get3A_709 = tpu.vector_load %arg7[%get3A_707, %get3A_708] {strides = array<i32>} : memref<512x32xf32, #tpu.memory_space<vmem>>, vector<16xf32>,
      tpu.vector_store_idx %arg9[%iota3A, %broadcast_in_dim3A_706], %get3A_709 : memref<32x513xf32, #tpu.memory_space<vmem>>[vector<16xi32>, vector<16xi32>], vector<16xf32>,
      %get3A_710 = arith.index_cast %add3A_705 : i32 to index
      %get3A_711 = arith.constant 16 : index
      %get3A_712 = tpu.vector_load %arg7[%get3A_710, %get3A_711] {strides = array<i32>} : memref<512x32xf32, #tpu.memory_space<vmem>>, vector<16xf32>,
      tpu.vector_store_idx %arg9[%add3A_5, %broadcast_in_dim3A_706], %get3A_712 : memref<32x513xf32, #tpu.memory_space<vmem>>[vector<16xi32>, vector<16xi32>], vector<16xf32>,
      %mul3A_713 = arith.constant 16 : i32
      %mul3A_714 = arith.muli %scan3A_548, %mul3A_713 : i32
      %add3A_715 = arith.constant 15 : i32
      %add3A_716 = arith.addi %mul3A_714, %add3A_715 : i32
      %broadcast_in_dim3A_717 = vector.broadcast %add3A_716 : i32 to vector<16xi32>
      %get3A_718 = arith.index_cast %add3A_716 : i32 to index
      %get3A_719 = arith.constant 0 : index
      %get3A_720 = tpu.vector_load %arg7[%get3A_718, %get3A_719] {strides = array<i32>} : memref<512x32xf32, #tpu.memory_space<vmem>>, vector<16xf32>,
      tpu.vector_store_idx %arg9[%iota3A, %broadcast_in_dim3A_717], %get3A_720 : memref<32x513xf32, #tpu.memory_space<vmem>>[vector<16xi32>, vector<16xi32>], vector<16xf32>,
      %get3A_721 = arith.index_cast %add3A_716 : i32 to index
      %get3A_722 = arith.constant 16 : index
      %get3A_723 = tpu.vector_load %arg7[%get3A_721, %get3A_722] {strides = array<i32>} : memref<512x32xf32, #tpu.memory_space<vmem>>, vector<16xf32>,
      tpu.vector_store_idx %arg9[%add3A_5, %broadcast_in_dim3A_717], %get3A_723 : memref<32x513xf32, #tpu.memory_space<vmem>>[vector<16xi32>, vector<16xi32>], vector<16xf32>,
      %scan3A_724 = arith.constant 0 : i32
      scf.yield %scan3A_724 : i32
    }
    %scan3A_257 = arith.constant 32 : i32
    %add3A_258 = arith.constant 48 : i32
    %add3A_259 = arith.addi %mul3A_2, %add3A_258 : i32
    %jit3A_260 = arith.constant 8 : i32
    %div3A_261 = arith.divsi %add3A_259, %jit3A_260 : i32
    %sign3A_262 = arith.constant 0 : i32
    %sign3A_263 = arith.cmpi sgt, %add3A_259, %sign3A_262 : i32
    %sign3A_264 = arith.extui %sign3A_263 : i1 to i32
    %sign3A_265 = arith.constant 0 : i32
    %sign3A_266 = arith.cmpi slt, %add3A_259, %sign3A_265 : i32
    %sign3A_267 = arith.extui %sign3A_266 : i1 to i32
    %sign3A_268 = arith.subi %sign3A_264, %sign3A_267 : i32
    %sign3A_269 = arith.constant 0 : i32
    %sign3A_270 = arith.cmpi sgt, %jit3A_260, %sign3A_269 : i32
    %sign3A_271 = arith.extui %sign3A_270 : i1 to i32
    %sign3A_272 = arith.constant 0 : i32
    %sign3A_273 = arith.cmpi slt, %jit3A_260, %sign3A_272 : i32
    %sign3A_274 = arith.extui %sign3A_273 : i1 to i32
    %sign3A_275 = arith.subi %sign3A_271, %sign3A_274 : i32
    %ne3A_276 = arith.cmpi ne, %sign3A_268, %sign3A_275 : i32
    %rem3A_277 = arith.remsi %add3A_259, %jit3A_260 : i32
    %ne3A_278 = arith.constant 0 : i32
    %ne3A_279 = arith.cmpi ne, %rem3A_277, %ne3A_278 : i32
    %and3A_280 = arith.andi %ne3A_276, %ne3A_279 : i1
    %sub3A_281 = arith.constant 1 : i32
    %sub3A_282 = arith.subi %div3A_261, %sub3A_281 : i32
    %select_n3A_283 = arith.select %and3A_280, %sub3A_282, %div3A_261 : i32
    %jit3A_284 = arith.constant 8 : i32
    %eq3A_285 = arith.constant 0 : i32
    %eq3A_286 = arith.cmpi eq, %jit3A_284, %eq3A_285 : i32
    %jit3A_287 = arith.constant 1 : i32
    %select_n3A_288 = arith.select %eq3A_286, %jit3A_287, %jit3A_284 : i32
    %rem3A_289 = arith.remsi %add3A_259, %select_n3A_288 : i32
    %ne3A_290 = arith.constant 0 : i32
    %ne3A_291 = arith.cmpi ne, %rem3A_289, %ne3A_290 : i32
    %lt3A_292 = arith.constant 0 : i32
    %lt3A_293 = arith.cmpi slt, %rem3A_289, %lt3A_292 : i32
    %lt3A_294 = arith.constant 0 : i32
    %lt3A_295 = arith.cmpi slt, %select_n3A_288, %lt3A_294 : i32
    %ne3A_296 = arith.xori %lt3A_293, %lt3A_295 : i1
    %and3A_297 = arith.andi %ne3A_296, %ne3A_291 : i1
    %add3A_298 = arith.addi %rem3A_289, %select_n3A_288 : i32
    %select_n3A_299 = arith.select %and3A_297, %add3A_298, %rem3A_289 : i32
    %mul3A_300 = arith.constant 512 : i32
    %mul3A_301 = arith.muli %select_n3A_299, %mul3A_300 : i32
    %dma_start3A_302 = arith.constant 0 : i32
    %dma_start3A_303 = arith.constant 0 : i32
    %dma_start3A_304 = tpu.memref_slice %arg9[%dma_start3A_302, %dma_start3A_303] : memref<32x513xf32, #tpu.memory_space<vmem>> -> memref<32x512xf32, #tpu.memory_space<vmem>>
    %dma_start3A_305 = arith.constant 0 : i32
    %dma_start3A_306 = tpu.memref_slice %arg4[%select_n3A_283, %dma_start3A_305, %mul3A_301] : memref<200x32x4096xf32, #tpu.memory_space<hbm>> -> memref<1x32x512xf32, #tpu.memory_space<hbm>>
    %dma_start3A_307 = tpu.memref_squeeze %dma_start3A_306 : memref<1x32x512xf32, #tpu.memory_space<hbm>> -> memref<32x512xf32, #tpu.memory_space<hbm>>
    %dma_start3A_308 = arith.constant 0 : i32
    %dma_start3A_309 = tpu.memref_slice %arg4[%select_n3A_283, %dma_start3A_308, %mul3A_301] : memref<200x32x4096xf32, #tpu.memory_space<hbm>> -> memref<1x32x512xf32, #tpu.memory_space<hbm>>
    %dma_start3A_310 = tpu.memref_squeeze %dma_start3A_309 : memref<1x32x512xf32, #tpu.memory_space<hbm>> -> memref<32x512xf32, #tpu.memory_space<hbm>>
    %dma_start3A_311 = arith.constant 0 : i32
    %dma_start3A_312 = arith.constant 0 : i32
    %dma_start3A_313 = tpu.memref_slice %arg9[%dma_start3A_311, %dma_start3A_312] : memref<32x513xf32, #tpu.memory_space<vmem>> -> memref<32x512xf32, #tpu.memory_space<vmem>>
    tpu.enqueue_dma source(%dma_start3A_313 : memref<32x512xf32, #tpu.memory_space<vmem>>) target(%dma_start3A_310 : memref<32x512xf32, #tpu.memory_space<hbm>>) target_semaphore(%arg15 : memref<!tpu.dma_semaphore, #tpu.memory_space<semaphore_mem>>)
    %dma_wait3A_314 = arith.constant 0 : i32
    %dma_wait3A_315 = arith.constant 0 : i32
    %dma_wait3A_316 = tpu.memref_slice %arg3[%dma_wait3A_314, %dma_wait3A_315] : memref<1000000x32xf32, #tpu.memory_space<hbm>> -> memref<1000000x32xf32, #tpu.memory_space<hbm>>
    tpu.wait_indirect_dma semaphore(%arg14 : memref<!tpu.dma_semaphore, #tpu.memory_space<semaphore_mem>>) src(%dma_wait3A_316 : memref<1000000x32xf32, #tpu.memory_space<hbm>>) dst(%arg8 : memref<512x32xf32, #tpu.memory_space<vmem>>)
    %add3A_317 = arith.constant 47 : i32
    %add3A_318 = arith.addi %mul3A_2, %add3A_317 : i32
    %jit3A_319 = arith.constant 8 : i32
    %div3A_320 = arith.divsi %add3A_318, %jit3A_319 : i32
    %sign3A_321 = arith.constant 0 : i32
    %sign3A_322 = arith.cmpi sgt, %add3A_318, %sign3A_321 : i32
    %sign3A_323 = arith.extui %sign3A_322 : i1 to i32
    %sign3A_324 = arith.constant 0 : i32
    %sign3A_325 = arith.cmpi slt, %add3A_318, %sign3A_324 : i32
    %sign3A_326 = arith.extui %sign3A_325 : i1 to i32
    %sign3A_327 = arith.subi %sign3A_323, %sign3A_326 : i32
    %sign3A_328 = arith.constant 0 : i32
    %sign3A_329 = arith.cmpi sgt, %jit3A_319, %sign3A_328 : i32
    %sign3A_330 = arith.extui %sign3A_329 : i1 to i32
    %sign3A_331 = arith.constant 0 : i32
    %sign3A_332 = arith.cmpi slt, %jit3A_319, %sign3A_331 : i32
    %sign3A_333 = arith.extui %sign3A_332 : i1 to i32
    %sign3A_334 = arith.subi %sign3A_330, %sign3A_333 : i32
    %ne3A_335 = arith.cmpi ne, %sign3A_327, %sign3A_334 : i32
    %rem3A_336 = arith.remsi %add3A_318, %jit3A_319 : i32
    %ne3A_337 = arith.constant 0 : i32
    %ne3A_338 = arith.cmpi ne, %rem3A_336, %ne3A_337 : i32
    %and3A_339 = arith.andi %ne3A_335, %ne3A_338 : i1
    %sub3A_340 = arith.constant 1 : i32
    %sub3A_341 = arith.subi %div3A_320, %sub3A_340 : i32
    %select_n3A_342 = arith.select %and3A_339, %sub3A_341, %div3A_320 : i32
    %jit3A_343 = arith.constant 8 : i32
    %eq3A_344 = arith.constant 0 : i32
    %eq3A_345 = arith.cmpi eq, %jit3A_343, %eq3A_344 : i32
    %jit3A_346 = arith.constant 1 : i32
    %select_n3A_347 = arith.select %eq3A_345, %jit3A_346, %jit3A_343 : i32
    %rem3A_348 = arith.remsi %add3A_318, %select_n3A_347 : i32
    %ne3A_349 = arith.constant 0 : i32
    %ne3A_350 = arith.cmpi ne, %rem3A_348, %ne3A_349 : i32
    %lt3A_351 = arith.constant 0 : i32
    %lt3A_352 = arith.cmpi slt, %rem3A_348, %lt3A_351 : i32
    %lt3A_353 = arith.constant 0 : i32
    %lt3A_354 = arith.cmpi slt, %select_n3A_347, %lt3A_353 : i32
    %ne3A_355 = arith.xori %lt3A_352, %lt3A_354 : i1
    %and3A_356 = arith.andi %ne3A_355, %ne3A_350 : i1
    %add3A_357 = arith.addi %rem3A_348, %select_n3A_347 : i32
    %select_n3A_358 = arith.select %and3A_356, %add3A_357, %rem3A_348 : i32
    %mul3A_359 = arith.constant 512 : i32
    %mul3A_360 = arith.muli %select_n3A_358, %mul3A_359 : i32
    %dma_wait3A_361 = arith.constant 0 : i32
    %dma_wait3A_362 = arith.constant 0 : i32
    %dma_wait3A_363 = tpu.memref_slice %arg10[%dma_wait3A_361, %dma_wait3A_362] : memref<32x513xf32, #tpu.memory_space<vmem>> -> memref<32x512xf32, #tpu.memory_space<vmem>>
    %dma_wait3A_364 = arith.constant 0 : i32
    %dma_wait3A_365 = tpu.memref_slice %arg4[%select_n3A_342, %dma_wait3A_364, %mul3A_360] : memref<200x32x4096xf32, #tpu.memory_space<hbm>> -> memref<1x32x512xf32, #tpu.memory_space<hbm>>
    %dma_wait3A_366 = tpu.memref_squeeze %dma_wait3A_365 : memref<1x32x512xf32, #tpu.memory_space<hbm>> -> memref<32x512xf32, #tpu.memory_space<hbm>>
    %dma_wait3A_367 = arith.constant 0 : i32
    %dma_wait3A_368 = tpu.memref_slice %arg4[%select_n3A_342, %dma_wait3A_367, %mul3A_360] : memref<200x32x4096xf32, #tpu.memory_space<hbm>> -> memref<1x32x512xf32, #tpu.memory_space<hbm>>
    %dma_wait3A_369 = tpu.memref_squeeze %dma_wait3A_368 : memref<1x32x512xf32, #tpu.memory_space<hbm>> -> memref<32x512xf32, #tpu.memory_space<hbm>>
    %dma_wait3A_370 = arith.constant 0 : i32
    %dma_wait3A_371 = arith.constant 0 : i32
    %dma_wait3A_372 = tpu.memref_slice %arg10[%dma_wait3A_370, %dma_wait3A_371] : memref<32x513xf32, #tpu.memory_space<vmem>> -> memref<32x512xf32, #tpu.memory_space<vmem>>
    tpu.wait_dma2 semaphore(%arg16 : memref<!tpu.dma_semaphore, #tpu.memory_space<semaphore_mem>>) src(%dma_wait3A_372 : memref<32x512xf32, #tpu.memory_space<vmem>>) dst(%dma_wait3A_369 : memref<32x512xf32, #tpu.memory_space<hbm>>)
    %scan3A_373 = arith.constant 0 : i32
    %scan3A_374 = arith.constant 0 : i32
    %scan3A_375 = arith.constant 32 : i32
    %scan3A_376 = arith.addi %scan3A_374, %scan3A_375 : i32
    %scan3A_377 = arith.constant 1 : i32
    %scan3A_378 = scf.for %scan3A_548 = %scan3A_374 to %scan3A_376 step %scan3A_377 iter_args(%scan3A_549 = %scan3A_373) -> (i32)  : i32 {
      %mul3A_550 = arith.constant 16 : i32
      %mul3A_551 = arith.muli %scan3A_548, %mul3A_550 : i32
      %add3A_552 = arith.constant 0 : i32
      %add3A_553 = arith.addi %mul3A_551, %add3A_552 : i32
      %broadcast_in_dim3A = vector.broadcast %add3A_553 : i32 to vector<16xi32>
      %get3A = arith.index_cast %add3A_553 : i32 to index
      %get3A_554 = arith.constant 0 : index
      %get3A_555 = tpu.vector_load %arg8[%get3A, %get3A_554] {strides = array<i32>} : memref<512x32xf32, #tpu.memory_space<vmem>>, vector<16xf32>,
      tpu.vector_store_idx %arg10[%iota3A, %broadcast_in_dim3A], %get3A_555 : memref<32x513xf32, #tpu.memory_space<vmem>>[vector<16xi32>, vector<16xi32>], vector<16xf32>,
      %get3A_556 = arith.index_cast %add3A_553 : i32 to index
      %get3A_557 = arith.constant 16 : index
      %get3A_558 = tpu.vector_load %arg8[%get3A_556, %get3A_557] {strides = array<i32>} : memref<512x32xf32, #tpu.memory_space<vmem>>, vector<16xf32>,
      tpu.vector_store_idx %arg10[%add3A_5, %broadcast_in_dim3A], %get3A_558 : memref<32x513xf32, #tpu.memory_space<vmem>>[vector<16xi32>, vector<16xi32>], vector<16xf32>,
      %mul3A_559 = arith.constant 16 : i32
      %mul3A_560 = arith.muli %scan3A_548, %mul3A_559 : i32
      %add3A_561 = arith.constant 1 : i32
      %add3A_562 = arith.addi %mul3A_560, %add3A_561 : i32
      %broadcast_in_dim3A_563 = vector.broadcast %add3A_562 : i32 to vector<16xi32>
      %get3A_564 = arith.index_cast %add3A_562 : i32 to index
      %get3A_565 = arith.constant 0 : index
      %get3A_566 = tpu.vector_load %arg8[%get3A_564, %get3A_565] {strides = array<i32>} : memref<512x32xf32, #tpu.memory_space<vmem>>, vector<16xf32>,
      tpu.vector_store_idx %arg10[%iota3A, %broadcast_in_dim3A_563], %get3A_566 : memref<32x513xf32, #tpu.memory_space<vmem>>[vector<16xi32>, vector<16xi32>], vector<16xf32>,
      %get3A_567 = arith.index_cast %add3A_562 : i32 to index
      %get3A_568 = arith.constant 16 : index
      %get3A_569 = tpu.vector_load %arg8[%get3A_567, %get3A_568] {strides = array<i32>} : memref<512x32xf32, #tpu.memory_space<vmem>>, vector<16xf32>,
      tpu.vector_store_idx %arg10[%add3A_5, %broadcast_in_dim3A_563], %get3A_569 : memref<32x513xf32, #tpu.memory_space<vmem>>[vector<16xi32>, vector<16xi32>], vector<16xf32>,
      %mul3A_570 = arith.constant 16 : i32
      %mul3A_571 = arith.muli %scan3A_548, %mul3A_570 : i32
      %add3A_572 = arith.constant 2 : i32
      %add3A_573 = arith.addi %mul3A_571, %add3A_572 : i32
      %broadcast_in_dim3A_574 = vector.broadcast %add3A_573 : i32 to vector<16xi32>
      %get3A_575 = arith.index_cast %add3A_573 : i32 to index
      %get3A_576 = arith.constant 0 : index
      %get3A_577 = tpu.vector_load %arg8[%get3A_575, %get3A_576] {strides = array<i32>} : memref<512x32xf32, #tpu.memory_space<vmem>>, vector<16xf32>,
      tpu.vector_store_idx %arg10[%iota3A, %broadcast_in_dim3A_574], %get3A_577 : memref<32x513xf32, #tpu.memory_space<vmem>>[vector<16xi32>, vector<16xi32>], vector<16xf32>,
      %get3A_578 = arith.index_cast %add3A_573 : i32 to index
      %get3A_579 = arith.constant 16 : index
      %get3A_580 = tpu.vector_load %arg8[%get3A_578, %get3A_579] {strides = array<i32>} : memref<512x32xf32, #tpu.memory_space<vmem>>, vector<16xf32>,
      tpu.vector_store_idx %arg10[%add3A_5, %broadcast_in_dim3A_574], %get3A_580 : memref<32x513xf32, #tpu.memory_space<vmem>>[vector<16xi32>, vector<16xi32>], vector<16xf32>,
      %mul3A_581 = arith.constant 16 : i32
      %mul3A_582 = arith.muli %scan3A_548, %mul3A_581 : i32
      %add3A_583 = arith.constant 3 : i32
      %add3A_584 = arith.addi %mul3A_582, %add3A_583 : i32
      %broadcast_in_dim3A_585 = vector.broadcast %add3A_584 : i32 to vector<16xi32>
      %get3A_586 = arith.index_cast %add3A_584 : i32 to index
      %get3A_587 = arith.constant 0 : index
      %get3A_588 = tpu.vector_load %arg8[%get3A_586, %get3A_587] {strides = array<i32>} : memref<512x32xf32, #tpu.memory_space<vmem>>, vector<16xf32>,
      tpu.vector_store_idx %arg10[%iota3A, %broadcast_in_dim3A_585], %get3A_588 : memref<32x513xf32, #tpu.memory_space<vmem>>[vector<16xi32>, vector<16xi32>], vector<16xf32>,
      %get3A_589 = arith.index_cast %add3A_584 : i32 to index
      %get3A_590 = arith.constant 16 : index
      %get3A_591 = tpu.vector_load %arg8[%get3A_589, %get3A_590] {strides = array<i32>} : memref<512x32xf32, #tpu.memory_space<vmem>>, vector<16xf32>,
      tpu.vector_store_idx %arg10[%add3A_5, %broadcast_in_dim3A_585], %get3A_591 : memref<32x513xf32, #tpu.memory_space<vmem>>[vector<16xi32>, vector<16xi32>], vector<16xf32>,
      %mul3A_592 = arith.constant 16 : i32
      %mul3A_593 = arith.muli %scan3A_548, %mul3A_592 : i32
      %add3A_594 = arith.constant 4 : i32
      %add3A_595 = arith.addi %mul3A_593, %add3A_594 : i32
      %broadcast_in_dim3A_596 = vector.broadcast %add3A_595 : i32 to vector<16xi32>
      %get3A_597 = arith.index_cast %add3A_595 : i32 to index
      %get3A_598 = arith.constant 0 : index
      %get3A_599 = tpu.vector_load %arg8[%get3A_597, %get3A_598] {strides = array<i32>} : memref<512x32xf32, #tpu.memory_space<vmem>>, vector<16xf32>,
      tpu.vector_store_idx %arg10[%iota3A, %broadcast_in_dim3A_596], %get3A_599 : memref<32x513xf32, #tpu.memory_space<vmem>>[vector<16xi32>, vector<16xi32>], vector<16xf32>,
      %get3A_600 = arith.index_cast %add3A_595 : i32 to index
      %get3A_601 = arith.constant 16 : index
      %get3A_602 = tpu.vector_load %arg8[%get3A_600, %get3A_601] {strides = array<i32>} : memref<512x32xf32, #tpu.memory_space<vmem>>, vector<16xf32>,
      tpu.vector_store_idx %arg10[%add3A_5, %broadcast_in_dim3A_596], %get3A_602 : memref<32x513xf32, #tpu.memory_space<vmem>>[vector<16xi32>, vector<16xi32>], vector<16xf32>,
      %mul3A_603 = arith.constant 16 : i32
      %mul3A_604 = arith.muli %scan3A_548, %mul3A_603 : i32
      %add3A_605 = arith.constant 5 : i32
      %add3A_606 = arith.addi %mul3A_604, %add3A_605 : i32
      %broadcast_in_dim3A_607 = vector.broadcast %add3A_606 : i32 to vector<16xi32>
      %get3A_608 = arith.index_cast %add3A_606 : i32 to index
      %get3A_609 = arith.constant 0 : index
      %get3A_610 = tpu.vector_load %arg8[%get3A_608, %get3A_609] {strides = array<i32>} : memref<512x32xf32, #tpu.memory_space<vmem>>, vector<16xf32>,
      tpu.vector_store_idx %arg10[%iota3A, %broadcast_in_dim3A_607], %get3A_610 : memref<32x513xf32, #tpu.memory_space<vmem>>[vector<16xi32>, vector<16xi32>], vector<16xf32>,
      %get3A_611 = arith.index_cast %add3A_606 : i32 to index
      %get3A_612 = arith.constant 16 : index
      %get3A_613 = tpu.vector_load %arg8[%get3A_611, %get3A_612] {strides = array<i32>} : memref<512x32xf32, #tpu.memory_space<vmem>>, vector<16xf32>,
      tpu.vector_store_idx %arg10[%add3A_5, %broadcast_in_dim3A_607], %get3A_613 : memref<32x513xf32, #tpu.memory_space<vmem>>[vector<16xi32>, vector<16xi32>], vector<16xf32>,
      %mul3A_614 = arith.constant 16 : i32
      %mul3A_615 = arith.muli %scan3A_548, %mul3A_614 : i32
      %add3A_616 = arith.constant 6 : i32
      %add3A_617 = arith.addi %mul3A_615, %add3A_616 : i32
      %broadcast_in_dim3A_618 = vector.broadcast %add3A_617 : i32 to vector<16xi32>
      %get3A_619 = arith.index_cast %add3A_617 : i32 to index
      %get3A_620 = arith.constant 0 : index
      %get3A_621 = tpu.vector_load %arg8[%get3A_619, %get3A_620] {strides = array<i32>} : memref<512x32xf32, #tpu.memory_space<vmem>>, vector<16xf32>,
      tpu.vector_store_idx %arg10[%iota3A, %broadcast_in_dim3A_618], %get3A_621 : memref<32x513xf32, #tpu.memory_space<vmem>>[vector<16xi32>, vector<16xi32>], vector<16xf32>,
      %get3A_622 = arith.index_cast %add3A_617 : i32 to index
      %get3A_623 = arith.constant 16 : index
      %get3A_624 = tpu.vector_load %arg8[%get3A_622, %get3A_623] {strides = array<i32>} : memref<512x32xf32, #tpu.memory_space<vmem>>, vector<16xf32>,
      tpu.vector_store_idx %arg10[%add3A_5, %broadcast_in_dim3A_618], %get3A_624 : memref<32x513xf32, #tpu.memory_space<vmem>>[vector<16xi32>, vector<16xi32>], vector<16xf32>,
      %mul3A_625 = arith.constant 16 : i32
      %mul3A_626 = arith.muli %scan3A_548, %mul3A_625 : i32
      %add3A_627 = arith.constant 7 : i32
      %add3A_628 = arith.addi %mul3A_626, %add3A_627 : i32
      %broadcast_in_dim3A_629 = vector.broadcast %add3A_628 : i32 to vector<16xi32>
      %get3A_630 = arith.index_cast %add3A_628 : i32 to index
      %get3A_631 = arith.constant 0 : index
      %get3A_632 = tpu.vector_load %arg8[%get3A_630, %get3A_631] {strides = array<i32>} : memref<512x32xf32, #tpu.memory_space<vmem>>, vector<16xf32>,
      tpu.vector_store_idx %arg10[%iota3A, %broadcast_in_dim3A_629], %get3A_632 : memref<32x513xf32, #tpu.memory_space<vmem>>[vector<16xi32>, vector<16xi32>], vector<16xf32>,
      %get3A_633 = arith.index_cast %add3A_628 : i32 to index
      %get3A_634 = arith.constant 16 : index
      %get3A_635 = tpu.vector_load %arg8[%get3A_633, %get3A_634] {strides = array<i32>} : memref<512x32xf32, #tpu.memory_space<vmem>>, vector<16xf32>,
      tpu.vector_store_idx %arg10[%add3A_5, %broadcast_in_dim3A_629], %get3A_635 : memref<32x513xf32, #tpu.memory_space<vmem>>[vector<16xi32>, vector<16xi32>], vector<16xf32>,
      %mul3A_636 = arith.constant 16 : i32
      %mul3A_637 = arith.muli %scan3A_548, %mul3A_636 : i32
      %add3A_638 = arith.constant 8 : i32
      %add3A_639 = arith.addi %mul3A_637, %add3A_638 : i32
      %broadcast_in_dim3A_640 = vector.broadcast %add3A_639 : i32 to vector<16xi32>
      %get3A_641 = arith.index_cast %add3A_639 : i32 to index
      %get3A_642 = arith.constant 0 : index
      %get3A_643 = tpu.vector_load %arg8[%get3A_641, %get3A_642] {strides = array<i32>} : memref<512x32xf32, #tpu.memory_space<vmem>>, vector<16xf32>,
      tpu.vector_store_idx %arg10[%iota3A, %broadcast_in_dim3A_640], %get3A_643 : memref<32x513xf32, #tpu.memory_space<vmem>>[vector<16xi32>, vector<16xi32>], vector<16xf32>,
      %get3A_644 = arith.index_cast %add3A_639 : i32 to index
      %get3A_645 = arith.constant 16 : index
      %get3A_646 = tpu.vector_load %arg8[%get3A_644, %get3A_645] {strides = array<i32>} : memref<512x32xf32, #tpu.memory_space<vmem>>, vector<16xf32>,
      tpu.vector_store_idx %arg10[%add3A_5, %broadcast_in_dim3A_640], %get3A_646 : memref<32x513xf32, #tpu.memory_space<vmem>>[vector<16xi32>, vector<16xi32>], vector<16xf32>,
      %mul3A_647 = arith.constant 16 : i32
      %mul3A_648 = arith.muli %scan3A_548, %mul3A_647 : i32
      %add3A_649 = arith.constant 9 : i32
      %add3A_650 = arith.addi %mul3A_648, %add3A_649 : i32
      %broadcast_in_dim3A_651 = vector.broadcast %add3A_650 : i32 to vector<16xi32>
      %get3A_652 = arith.index_cast %add3A_650 : i32 to index
      %get3A_653 = arith.constant 0 : index
      %get3A_654 = tpu.vector_load %arg8[%get3A_652, %get3A_653] {strides = array<i32>} : memref<512x32xf32, #tpu.memory_space<vmem>>, vector<16xf32>,
      tpu.vector_store_idx %arg10[%iota3A, %broadcast_in_dim3A_651], %get3A_654 : memref<32x513xf32, #tpu.memory_space<vmem>>[vector<16xi32>, vector<16xi32>], vector<16xf32>,
      %get3A_655 = arith.index_cast %add3A_650 : i32 to index
      %get3A_656 = arith.constant 16 : index
      %get3A_657 = tpu.vector_load %arg8[%get3A_655, %get3A_656] {strides = array<i32>} : memref<512x32xf32, #tpu.memory_space<vmem>>, vector<16xf32>,
      tpu.vector_store_idx %arg10[%add3A_5, %broadcast_in_dim3A_651], %get3A_657 : memref<32x513xf32, #tpu.memory_space<vmem>>[vector<16xi32>, vector<16xi32>], vector<16xf32>,
      %mul3A_658 = arith.constant 16 : i32
      %mul3A_659 = arith.muli %scan3A_548, %mul3A_658 : i32
      %add3A_660 = arith.constant 10 : i32
      %add3A_661 = arith.addi %mul3A_659, %add3A_660 : i32
      %broadcast_in_dim3A_662 = vector.broadcast %add3A_661 : i32 to vector<16xi32>
      %get3A_663 = arith.index_cast %add3A_661 : i32 to index
      %get3A_664 = arith.constant 0 : index
      %get3A_665 = tpu.vector_load %arg8[%get3A_663, %get3A_664] {strides = array<i32>} : memref<512x32xf32, #tpu.memory_space<vmem>>, vector<16xf32>,
      tpu.vector_store_idx %arg10[%iota3A, %broadcast_in_dim3A_662], %get3A_665 : memref<32x513xf32, #tpu.memory_space<vmem>>[vector<16xi32>, vector<16xi32>], vector<16xf32>,
      %get3A_666 = arith.index_cast %add3A_661 : i32 to index
      %get3A_667 = arith.constant 16 : index
      %get3A_668 = tpu.vector_load %arg8[%get3A_666, %get3A_667] {strides = array<i32>} : memref<512x32xf32, #tpu.memory_space<vmem>>, vector<16xf32>,
      tpu.vector_store_idx %arg10[%add3A_5, %broadcast_in_dim3A_662], %get3A_668 : memref<32x513xf32, #tpu.memory_space<vmem>>[vector<16xi32>, vector<16xi32>], vector<16xf32>,
      %mul3A_669 = arith.constant 16 : i32
      %mul3A_670 = arith.muli %scan3A_548, %mul3A_669 : i32
      %add3A_671 = arith.constant 11 : i32
      %add3A_672 = arith.addi %mul3A_670, %add3A_671 : i32
      %broadcast_in_dim3A_673 = vector.broadcast %add3A_672 : i32 to vector<16xi32>
      %get3A_674 = arith.index_cast %add3A_672 : i32 to index
      %get3A_675 = arith.constant 0 : index
      %get3A_676 = tpu.vector_load %arg8[%get3A_674, %get3A_675] {strides = array<i32>} : memref<512x32xf32, #tpu.memory_space<vmem>>, vector<16xf32>,
      tpu.vector_store_idx %arg10[%iota3A, %broadcast_in_dim3A_673], %get3A_676 : memref<32x513xf32, #tpu.memory_space<vmem>>[vector<16xi32>, vector<16xi32>], vector<16xf32>,
      %get3A_677 = arith.index_cast %add3A_672 : i32 to index
      %get3A_678 = arith.constant 16 : index
      %get3A_679 = tpu.vector_load %arg8[%get3A_677, %get3A_678] {strides = array<i32>} : memref<512x32xf32, #tpu.memory_space<vmem>>, vector<16xf32>,
      tpu.vector_store_idx %arg10[%add3A_5, %broadcast_in_dim3A_673], %get3A_679 : memref<32x513xf32, #tpu.memory_space<vmem>>[vector<16xi32>, vector<16xi32>], vector<16xf32>,
      %mul3A_680 = arith.constant 16 : i32
      %mul3A_681 = arith.muli %scan3A_548, %mul3A_680 : i32
      %add3A_682 = arith.constant 12 : i32
      %add3A_683 = arith.addi %mul3A_681, %add3A_682 : i32
      %broadcast_in_dim3A_684 = vector.broadcast %add3A_683 : i32 to vector<16xi32>
      %get3A_685 = arith.index_cast %add3A_683 : i32 to index
      %get3A_686 = arith.constant 0 : index
      %get3A_687 = tpu.vector_load %arg8[%get3A_685, %get3A_686] {strides = array<i32>} : memref<512x32xf32, #tpu.memory_space<vmem>>, vector<16xf32>,
      tpu.vector_store_idx %arg10[%iota3A, %broadcast_in_dim3A_684], %get3A_687 : memref<32x513xf32, #tpu.memory_space<vmem>>[vector<16xi32>, vector<16xi32>], vector<16xf32>,
      %get3A_688 = arith.index_cast %add3A_683 : i32 to index
      %get3A_689 = arith.constant 16 : index
      %get3A_690 = tpu.vector_load %arg8[%get3A_688, %get3A_689] {strides = array<i32>} : memref<512x32xf32, #tpu.memory_space<vmem>>, vector<16xf32>,
      tpu.vector_store_idx %arg10[%add3A_5, %broadcast_in_dim3A_684], %get3A_690 : memref<32x513xf32, #tpu.memory_space<vmem>>[vector<16xi32>, vector<16xi32>], vector<16xf32>,
      %mul3A_691 = arith.constant 16 : i32
      %mul3A_692 = arith.muli %scan3A_548, %mul3A_691 : i32
      %add3A_693 = arith.constant 13 : i32
      %add3A_694 = arith.addi %mul3A_692, %add3A_693 : i32
      %broadcast_in_dim3A_695 = vector.broadcast %add3A_694 : i32 to vector<16xi32>
      %get3A_696 = arith.index_cast %add3A_694 : i32 to index
      %get3A_697 = arith.constant 0 : index
      %get3A_698 = tpu.vector_load %arg8[%get3A_696, %get3A_697] {strides = array<i32>} : memref<512x32xf32, #tpu.memory_space<vmem>>, vector<16xf32>,
      tpu.vector_store_idx %arg10[%iota3A, %broadcast_in_dim3A_695], %get3A_698 : memref<32x513xf32, #tpu.memory_space<vmem>>[vector<16xi32>, vector<16xi32>], vector<16xf32>,
      %get3A_699 = arith.index_cast %add3A_694 : i32 to index
      %get3A_700 = arith.constant 16 : index
      %get3A_701 = tpu.vector_load %arg8[%get3A_699, %get3A_700] {strides = array<i32>} : memref<512x32xf32, #tpu.memory_space<vmem>>, vector<16xf32>,
      tpu.vector_store_idx %arg10[%add3A_5, %broadcast_in_dim3A_695], %get3A_701 : memref<32x513xf32, #tpu.memory_space<vmem>>[vector<16xi32>, vector<16xi32>], vector<16xf32>,
      %mul3A_702 = arith.constant 16 : i32
      %mul3A_703 = arith.muli %scan3A_548, %mul3A_702 : i32
      %add3A_704 = arith.constant 14 : i32
      %add3A_705 = arith.addi %mul3A_703, %add3A_704 : i32
      %broadcast_in_dim3A_706 = vector.broadcast %add3A_705 : i32 to vector<16xi32>
      %get3A_707 = arith.index_cast %add3A_705 : i32 to index
      %get3A_708 = arith.constant 0 : index
      %get3A_709 = tpu.vector_load %arg8[%get3A_707, %get3A_708] {strides = array<i32>} : memref<512x32xf32, #tpu.memory_space<vmem>>, vector<16xf32>,
      tpu.vector_store_idx %arg10[%iota3A, %broadcast_in_dim3A_706], %get3A_709 : memref<32x513xf32, #tpu.memory_space<vmem>>[vector<16xi32>, vector<16xi32>], vector<16xf32>,
      %get3A_710 = arith.index_cast %add3A_705 : i32 to index
      %get3A_711 = arith.constant 16 : index
      %get3A_712 = tpu.vector_load %arg8[%get3A_710, %get3A_711] {strides = array<i32>} : memref<512x32xf32, #tpu.memory_space<vmem>>, vector<16xf32>,
      tpu.vector_store_idx %arg10[%add3A_5, %broadcast_in_dim3A_706], %get3A_712 : memref<32x513xf32, #tpu.memory_space<vmem>>[vector<16xi32>, vector<16xi32>], vector<16xf32>,
      %mul3A_713 = arith.constant 16 : i32
      %mul3A_714 = arith.muli %scan3A_548, %mul3A_713 : i32
      %add3A_715 = arith.constant 15 : i32
      %add3A_716 = arith.addi %mul3A_714, %add3A_715 : i32
      %broadcast_in_dim3A_717 = vector.broadcast %add3A_716 : i32 to vector<16xi32>
      %get3A_718 = arith.index_cast %add3A_716 : i32 to index
      %get3A_719 = arith.constant 0 : index
      %get3A_720 = tpu.vector_load %arg8[%get3A_718, %get3A_719] {strides = array<i32>} : memref<512x32xf32, #tpu.memory_space<vmem>>, vector<16xf32>,
      tpu.vector_store_idx %arg10[%iota3A, %broadcast_in_dim3A_717], %get3A_720 : memref<32x513xf32, #tpu.memory_space<vmem>>[vector<16xi32>, vector<16xi32>], vector<16xf32>,
      %get3A_721 = arith.index_cast %add3A_716 : i32 to index
      %get3A_722 = arith.constant 16 : index
      %get3A_723 = tpu.vector_load %arg8[%get3A_721, %get3A_722] {strides = array<i32>} : memref<512x32xf32, #tpu.memory_space<vmem>>, vector<16xf32>,
      tpu.vector_store_idx %arg10[%add3A_5, %broadcast_in_dim3A_717], %get3A_723 : memref<32x513xf32, #tpu.memory_space<vmem>>[vector<16xi32>, vector<16xi32>], vector<16xf32>,
      %scan3A_724 = arith.constant 0 : i32
      scf.yield %scan3A_724 : i32
    }
    %scan3A_379 = arith.constant 32 : i32
    %add3A_380 = arith.constant 49 : i32
    %add3A_381 = arith.addi %mul3A_2, %add3A_380 : i32
    %jit3A_382 = arith.constant 8 : i32
    %div3A_383 = arith.divsi %add3A_381, %jit3A_382 : i32
    %sign3A_384 = arith.constant 0 : i32
    %sign3A_385 = arith.cmpi sgt, %add3A_381, %sign3A_384 : i32
    %sign3A_386 = arith.extui %sign3A_385 : i1 to i32
    %sign3A_387 = arith.constant 0 : i32
    %sign3A_388 = arith.cmpi slt, %add3A_381, %sign3A_387 : i32
    %sign3A_389 = arith.extui %sign3A_388 : i1 to i32
    %sign3A_390 = arith.subi %sign3A_386, %sign3A_389 : i32
    %sign3A_391 = arith.constant 0 : i32
    %sign3A_392 = arith.cmpi sgt, %jit3A_382, %sign3A_391 : i32
    %sign3A_393 = arith.extui %sign3A_392 : i1 to i32
    %sign3A_394 = arith.constant 0 : i32
    %sign3A_395 = arith.cmpi slt, %jit3A_382, %sign3A_394 : i32
    %sign3A_396 = arith.extui %sign3A_395 : i1 to i32
    %sign3A_397 = arith.subi %sign3A_393, %sign3A_396 : i32
    %ne3A_398 = arith.cmpi ne, %sign3A_390, %sign3A_397 : i32
    %rem3A_399 = arith.remsi %add3A_381, %jit3A_382 : i32
    %ne3A_400 = arith.constant 0 : i32
    %ne3A_401 = arith.cmpi ne, %rem3A_399, %ne3A_400 : i32
    %and3A_402 = arith.andi %ne3A_398, %ne3A_401 : i1
    %sub3A_403 = arith.constant 1 : i32
    %sub3A_404 = arith.subi %div3A_383, %sub3A_403 : i32
    %select_n3A_405 = arith.select %and3A_402, %sub3A_404, %div3A_383 : i32
    %jit3A_406 = arith.constant 8 : i32
    %eq3A_407 = arith.constant 0 : i32
    %eq3A_408 = arith.cmpi eq, %jit3A_406, %eq3A_407 : i32
    %jit3A_409 = arith.constant 1 : i32
    %select_n3A_410 = arith.select %eq3A_408, %jit3A_409, %jit3A_406 : i32
    %rem3A_411 = arith.remsi %add3A_381, %select_n3A_410 : i32
    %ne3A_412 = arith.constant 0 : i32
    %ne3A_413 = arith.cmpi ne, %rem3A_411, %ne3A_412 : i32
    %lt3A_414 = arith.constant 0 : i32
    %lt3A_415 = arith.cmpi slt, %rem3A_411, %lt3A_414 : i32
    %lt3A_416 = arith.constant 0 : i32
    %lt3A_417 = arith.cmpi slt, %select_n3A_410, %lt3A_416 : i32
    %ne3A_418 = arith.xori %lt3A_415, %lt3A_417 : i1
    %and3A_419 = arith.andi %ne3A_418, %ne3A_413 : i1
    %add3A_420 = arith.addi %rem3A_411, %select_n3A_410 : i32
    %select_n3A_421 = arith.select %and3A_419, %add3A_420, %rem3A_411 : i32
    %mul3A_422 = arith.constant 512 : i32
    %mul3A_423 = arith.muli %select_n3A_421, %mul3A_422 : i32
    %dma_start3A_424 = arith.constant 0 : i32
    %dma_start3A_425 = arith.constant 0 : i32
    %dma_start3A_426 = tpu.memref_slice %arg10[%dma_start3A_424, %dma_start3A_425] : memref<32x513xf32, #tpu.memory_space<vmem>> -> memref<32x512xf32, #tpu.memory_space<vmem>>
    %dma_start3A_427 = arith.constant 0 : i32
    %dma_start3A_428 = tpu.memref_slice %arg4[%select_n3A_405, %dma_start3A_427, %mul3A_423] : memref<200x32x4096xf32, #tpu.memory_space<hbm>> -> memref<1x32x512xf32, #tpu.memory_space<hbm>>
    %dma_start3A_429 = tpu.memref_squeeze %dma_start3A_428 : memref<1x32x512xf32, #tpu.memory_space<hbm>> -> memref<32x512xf32, #tpu.memory_space<hbm>>
    %dma_start3A_430 = arith.constant 0 : i32
    %dma_start3A_431 = tpu.memref_slice %arg4[%select_n3A_405, %dma_start3A_430, %mul3A_423] : memref<200x32x4096xf32, #tpu.memory_space<hbm>> -> memref<1x32x512xf32, #tpu.memory_space<hbm>>
    %dma_start3A_432 = tpu.memref_squeeze %dma_start3A_431 : memref<1x32x512xf32, #tpu.memory_space<hbm>> -> memref<32x512xf32, #tpu.memory_space<hbm>>
    %dma_start3A_433 = arith.constant 0 : i32
    %dma_start3A_434 = arith.constant 0 : i32
    %dma_start3A_435 = tpu.memref_slice %arg10[%dma_start3A_433, %dma_start3A_434] : memref<32x513xf32, #tpu.memory_space<vmem>> -> memref<32x512xf32, #tpu.memory_space<vmem>>
    tpu.enqueue_dma source(%dma_start3A_435 : memref<32x512xf32, #tpu.memory_space<vmem>>) target(%dma_start3A_432 : memref<32x512xf32, #tpu.memory_space<hbm>>) target_semaphore(%arg16 : memref<!tpu.dma_semaphore, #tpu.memory_space<semaphore_mem>>)
    %add3A_436 = arith.constant 48 : i32
    %add3A_437 = arith.addi %mul3A_2, %add3A_436 : i32
    %jit3A_438 = arith.constant 8 : i32
    %div3A_439 = arith.divsi %add3A_437, %jit3A_438 : i32
    %sign3A_440 = arith.constant 0 : i32
    %sign3A_441 = arith.cmpi sgt, %add3A_437, %sign3A_440 : i32
    %sign3A_442 = arith.extui %sign3A_441 : i1 to i32
    %sign3A_443 = arith.constant 0 : i32
    %sign3A_444 = arith.cmpi slt, %add3A_437, %sign3A_443 : i32
    %sign3A_445 = arith.extui %sign3A_444 : i1 to i32
    %sign3A_446 = arith.subi %sign3A_442, %sign3A_445 : i32
    %sign3A_447 = arith.constant 0 : i32
    %sign3A_448 = arith.cmpi sgt, %jit3A_438, %sign3A_447 : i32
    %sign3A_449 = arith.extui %sign3A_448 : i1 to i32
    %sign3A_450 = arith.constant 0 : i32
    %sign3A_451 = arith.cmpi slt, %jit3A_438, %sign3A_450 : i32
    %sign3A_452 = arith.extui %sign3A_451 : i1 to i32
    %sign3A_453 = arith.subi %sign3A_449, %sign3A_452 : i32
    %ne3A_454 = arith.cmpi ne, %sign3A_446, %sign3A_453 : i32
    %rem3A_455 = arith.remsi %add3A_437, %jit3A_438 : i32
    %ne3A_456 = arith.constant 0 : i32
    %ne3A_457 = arith.cmpi ne, %rem3A_455, %ne3A_456 : i32
    %and3A_458 = arith.andi %ne3A_454, %ne3A_457 : i1
    %sub3A_459 = arith.constant 1 : i32
    %sub3A_460 = arith.subi %div3A_439, %sub3A_459 : i32
    %select_n3A_461 = arith.select %and3A_458, %sub3A_460, %div3A_439 : i32
    %jit3A_462 = arith.constant 8 : i32
    %eq3A_463 = arith.constant 0 : i32
    %eq3A_464 = arith.cmpi eq, %jit3A_462, %eq3A_463 : i32
    %jit3A_465 = arith.constant 1 : i32
    %select_n3A_466 = arith.select %eq3A_464, %jit3A_465, %jit3A_462 : i32
    %rem3A_467 = arith.remsi %add3A_437, %select_n3A_466 : i32
    %ne3A_468 = arith.constant 0 : i32
    %ne3A_469 = arith.cmpi ne, %rem3A_467, %ne3A_468 : i32
    %lt3A_470 = arith.constant 0 : i32
    %lt3A_471 = arith.cmpi slt, %rem3A_467, %lt3A_470 : i32
    %lt3A_472 = arith.constant 0 : i32
    %lt3A_473 = arith.cmpi slt, %select_n3A_466, %lt3A_472 : i32
    %ne3A_474 = arith.xori %lt3A_471, %lt3A_473 : i1
    %and3A_475 = arith.andi %ne3A_474, %ne3A_469 : i1
    %add3A_476 = arith.addi %rem3A_467, %select_n3A_466 : i32
    %select_n3A_477 = arith.select %and3A_475, %add3A_476, %rem3A_467 : i32
    %mul3A_478 = arith.constant 512 : i32
    %mul3A_479 = arith.muli %select_n3A_477, %mul3A_478 : i32
    %dma_wait3A_480 = arith.constant 0 : i32
    %dma_wait3A_481 = arith.constant 0 : i32
    %dma_wait3A_482 = tpu.memref_slice %arg9[%dma_wait3A_480, %dma_wait3A_481] : memref<32x513xf32, #tpu.memory_space<vmem>> -> memref<32x512xf32, #tpu.memory_space<vmem>>
    %dma_wait3A_483 = arith.constant 0 : i32
    %dma_wait3A_484 = tpu.memref_slice %arg4[%select_n3A_461, %dma_wait3A_483, %mul3A_479] : memref<200x32x4096xf32, #tpu.memory_space<hbm>> -> memref<1x32x512xf32, #tpu.memory_space<hbm>>
    %dma_wait3A_485 = tpu.memref_squeeze %dma_wait3A_484 : memref<1x32x512xf32, #tpu.memory_space<hbm>> -> memref<32x512xf32, #tpu.memory_space<hbm>>
    %dma_wait3A_486 = arith.constant 0 : i32
    %dma_wait3A_487 = tpu.memref_slice %arg4[%select_n3A_461, %dma_wait3A_486, %mul3A_479] : memref<200x32x4096xf32, #tpu.memory_space<hbm>> -> memref<1x32x512xf32, #tpu.memory_space<hbm>>
    %dma_wait3A_488 = tpu.memref_squeeze %dma_wait3A_487 : memref<1x32x512xf32, #tpu.memory_space<hbm>> -> memref<32x512xf32, #tpu.memory_space<hbm>>
    %dma_wait3A_489 = arith.constant 0 : i32
    %dma_wait3A_490 = arith.constant 0 : i32
    %dma_wait3A_491 = tpu.memref_slice %arg9[%dma_wait3A_489, %dma_wait3A_490] : memref<32x513xf32, #tpu.memory_space<vmem>> -> memref<32x512xf32, #tpu.memory_space<vmem>>
    tpu.wait_dma2 semaphore(%arg15 : memref<!tpu.dma_semaphore, #tpu.memory_space<semaphore_mem>>) src(%dma_wait3A_491 : memref<32x512xf32, #tpu.memory_space<vmem>>) dst(%dma_wait3A_488 : memref<32x512xf32, #tpu.memory_space<hbm>>)
    %add3A_492 = arith.constant 49 : i32
    %add3A_493 = arith.addi %mul3A_2, %add3A_492 : i32
    %jit3A_494 = arith.constant 8 : i32
    %div3A_495 = arith.divsi %add3A_493, %jit3A_494 : i32
    %sign3A_496 = arith.constant 0 : i32
    %sign3A_497 = arith.cmpi sgt, %add3A_493, %sign3A_496 : i32
    %sign3A_498 = arith.extui %sign3A_497 : i1 to i32
    %sign3A_499 = arith.constant 0 : i32
    %sign3A_500 = arith.cmpi slt, %add3A_493, %sign3A_499 : i32
    %sign3A_501 = arith.extui %sign3A_500 : i1 to i32
    %sign3A_502 = arith.subi %sign3A_498, %sign3A_501 : i32
    %sign3A_503 = arith.constant 0 : i32
    %sign3A_504 = arith.cmpi sgt, %jit3A_494, %sign3A_503 : i32
    %sign3A_505 = arith.extui %sign3A_504 : i1 to i32
    %sign3A_506 = arith.constant 0 : i32
    %sign3A_507 = arith.cmpi slt, %jit3A_494, %sign3A_506 : i32
    %sign3A_508 = arith.extui %sign3A_507 : i1 to i32
    %sign3A_509 = arith.subi %sign3A_505, %sign3A_508 : i32
    %ne3A_510 = arith.cmpi ne, %sign3A_502, %sign3A_509 : i32
    %rem3A_511 = arith.remsi %add3A_493, %jit3A_494 : i32
    %ne3A_512 = arith.constant 0 : i32
    %ne3A_513 = arith.cmpi ne, %rem3A_511, %ne3A_512 : i32
    %and3A_514 = arith.andi %ne3A_510, %ne3A_513 : i1
    %sub3A_515 = arith.constant 1 : i32
    %sub3A_516 = arith.subi %div3A_495, %sub3A_515 : i32
    %select_n3A_517 = arith.select %and3A_514, %sub3A_516, %div3A_495 : i32
    %jit3A_518 = arith.constant 8 : i32
    %eq3A_519 = arith.constant 0 : i32
    %eq3A_520 = arith.cmpi eq, %jit3A_518, %eq3A_519 : i32
    %jit3A_521 = arith.constant 1 : i32
    %select_n3A_522 = arith.select %eq3A_520, %jit3A_521, %jit3A_518 : i32
    %rem3A_523 = arith.remsi %add3A_493, %select_n3A_522 : i32
    %ne3A_524 = arith.constant 0 : i32
    %ne3A_525 = arith.cmpi ne, %rem3A_523, %ne3A_524 : i32
    %lt3A_526 = arith.constant 0 : i32
    %lt3A_527 = arith.cmpi slt, %rem3A_523, %lt3A_526 : i32
    %lt3A_528 = arith.constant 0 : i32
    %lt3A_529 = arith.cmpi slt, %select_n3A_522, %lt3A_528 : i32
    %ne3A_530 = arith.xori %lt3A_527, %lt3A_529 : i1
    %and3A_531 = arith.andi %ne3A_530, %ne3A_525 : i1
    %add3A_532 = arith.addi %rem3A_523, %select_n3A_522 : i32
    %select_n3A_533 = arith.select %and3A_531, %add3A_532, %rem3A_523 : i32
    %mul3A_534 = arith.constant 512 : i32
    %mul3A_535 = arith.muli %select_n3A_533, %mul3A_534 : i32
    %dma_wait3A_536 = arith.constant 0 : i32
    %dma_wait3A_537 = arith.constant 0 : i32
    %dma_wait3A_538 = tpu.memref_slice %arg10[%dma_wait3A_536, %dma_wait3A_537] : memref<32x513xf32, #tpu.memory_space<vmem>> -> memref<32x512xf32, #tpu.memory_space<vmem>>
    %dma_wait3A_539 = arith.constant 0 : i32
    %dma_wait3A_540 = tpu.memref_slice %arg4[%select_n3A_517, %dma_wait3A_539, %mul3A_535] : memref<200x32x4096xf32, #tpu.memory_space<hbm>> -> memref<1x32x512xf32, #tpu.memory_space<hbm>>
    %dma_wait3A_541 = tpu.memref_squeeze %dma_wait3A_540 : memref<1x32x512xf32, #tpu.memory_space<hbm>> -> memref<32x512xf32, #tpu.memory_space<hbm>>
    %dma_wait3A_542 = arith.constant 0 : i32
    %dma_wait3A_543 = tpu.memref_slice %arg4[%select_n3A_517, %dma_wait3A_542, %mul3A_535] : memref<200x32x4096xf32, #tpu.memory_space<hbm>> -> memref<1x32x512xf32, #tpu.memory_space<hbm>>
    %dma_wait3A_544 = tpu.memref_squeeze %dma_wait3A_543 : memref<1x32x512xf32, #tpu.memory_space<hbm>> -> memref<32x512xf32, #tpu.memory_space<hbm>>
    %dma_wait3A_545 = arith.constant 0 : i32
    %dma_wait3A_546 = arith.constant 0 : i32
    %dma_wait3A_547 = tpu.memref_slice %arg10[%dma_wait3A_545, %dma_wait3A_546] : memref<32x513xf32, #tpu.memory_space<vmem>> -> memref<32x512xf32, #tpu.memory_space<vmem>>
    tpu.wait_dma2 semaphore(%arg16 : memref<!tpu.dma_semaphore, #tpu.memory_space<semaphore_mem>>) src(%dma_wait3A_547 : memref<32x512xf32, #tpu.memory_space<vmem>>) dst(%dma_wait3A_544 : memref<32x512xf32, #tpu.memory_space<hbm>>)
    return
  }
}

</mosaic_0001>

<sc_bundles>
// kernel: kernel.4.cloned.1.call-start
scs
__scs_entry_jumppad:
0x0: {  	(pc) =	sbr.rel $0x88, $3  }
0x1: {  	(tag) =	ssettag $0x0;
	lr =	simm.s32 $0x1  }
0x2: {  	[smem:$0x3F9F] =	sst lr;
	_ =	strace $0xD0000000  }
0x3: {  	_ = 	snop  }
0x4: {  	_ = 	snop  }
0x5: {  	_ = 	snop  }
0x6: {  	_ = 	snop  }
0x7: {  	_ = 	snop  }
__scs_overlays_trampoline_lowered:
0x8: {  	[smem:$0x3FAE] =	sst s0  }
0x9: {  	[smem:$0x3FAF] =	sst s1  }
0xa: {  	[smem:$0x3FB0] =	sst s2  }
0xb: {  	[smem:$0x3FB1] =	sst s3  }
0xc: {  	[smem:$0x3FB2] =	sst s4  }
0xd: {  	[smem:$0x3FB3] =	sst s5  }
0xe: {  	[smem:$0x3FB4] =	sst s6  }
0xf: {  	[smem:$0x3FB5] =	sst s7  }
0x10: {  	[smem:$0x3FB6] =	sst s8  }
0x11: {  	[smem:$0x3FB7] =	sst s9;
	s0 =	simm.s32 @!p0 $0x0  }
0x12: {  	s1 =	sld [smem:$0x3F9D];
	s0 =	simm.s32 @p0 $0x1  }
0x13: {  	[smem:$0x3FB8] =	sst s0;
	s0 =	simm.s32 @!p1 $0x0  }
0x14: {  	s2 =	sld [smem:$0x3F9C];
	s0 =	simm.s32 @p1 $0x1  }
0x15: {  	[smem:$0x3FB9] =	sst s0;
	s0 =	simm.s32 @!p2 $0x0  }
0x16: {  	s3 =	sld [smem:$0x3FDB];
	s0 =	simm.s32 @p2 $0x1  }
0x17: {  	s4 =	simm.s32 $0x1BF5;
	[smem:$0x3FBB] =	sst s0  }
0x18: {  	s0 =	sld [smem:$0x3F9E];
	_ =	swait.ge [sflag:s4], $0x0  }
0x19: {  	s7 =	sld [smem:$0x3F9F]  }
0x1a: {  	s8 =	sadd.s32 $0xFFFFE003, lr  }
0x1b: {  	s9 =	sadd.s32 $0xFFFFFEF7, lr;
	s5 =	simm.s32 $0xFFFFFFFF;
	p2 =	slt.u32 s8, $0xFFFFF086  }
0x1c: {  	p1 =	slt.u32 s9, $0xF7A;
	s5 =	simm.s32 @!p2 $0x0  }
0x1d: {  	s5 =	simm.s32 @p1 $0x1;
	p0 =	seq.s32 s7, s2  }
0x1e: {  	s7 =	smul.u32 @!p0 $0xF7A, s2;
	p2 =	seq.s32 @!p0 s5, $0x0  }
0x1f: {  	s9 =	smul.u32 $0xF7A, s1;
	s8 =	simm.s32 @!p0 $0x1BF5;
	p2 =	por !p2, p0  }
0x20: {  	[sflag:s8] =	ssyncset.s32 @!p0 $0xFFFFF086;
	s6 =	sadd.s32 @!p0 s3, s7;
	s7 =	simm.s32 @!p0 $0x108  }
0x21: {  	s3 =	sadd.s32 s3, s9;
	s6 =	sadd.s32 @!p0 $0x88, s6;
	s7 =	simm.s32 @p2 $0x1082  }
0x22: {  	[simem:s7], [sflag:s8] =	dma.local @!p0 [hbm:s6], $0xF7A  }
0x23: {  	s9 =	sor.u32 $0xD0000000, s2;
	s6 =	simm.s32 $0x108;
	_ =	swait.ge @!p0 [sflag:s8], $0x0  }
0x24: {  	s3 =	sadd.s32 $0x88, s3;
	s6 =	simm.s32 @!p1 $0x1082;
	[sflag:s4] =	ssyncset.s32 $0xFFFFF086  }
0x25: {  	[simem:s6], [sflag:s4] =	dma.local [hbm:s3], $0xF7A  }
0x26: {  	[smem:$0x3F9F] =	sst s1;
	(tag) =	ssettag s2;
	_ =	strace s9  }
0x27: {  	s1 =	sld [smem:$0x3FAF]  }
0x28: {  	s2 =	sld [smem:$0x3FB0]  }
0x29: {  	s4 =	sld [smem:$0x3FB2]  }
0x2a: {  	p0 =	seq.s32 s5, $0x0;
	s5 =	sld [smem:$0x3FB3]  }
0x2b: {  	s6 =	sld [smem:$0x3FB4]  }
0x2c: {  	s7 =	sld [smem:$0x3FB5]  }
0x2d: {  	s3 =	simm.s32 $0x108;
	s8 =	sld [smem:$0x3FB6]  }
0x2e: {  	s3 =	simm.s32 @!p0 $0x1082;
	s9 =	sld [smem:$0x3FB7]  }
0x2f: {  	lr =	sadd.s32 s0, s3;
	s0 =	sld [smem:$0x3FAE]  }
0x30: {  	s3 =	sld [smem:$0x3FB1]  }
0x31: {  	[smem:$0x3FBA] =	sst s10  }
0x32: {  	s10 =	sld [smem:$0x3FB8];
	_ =	sdelay $0x3  }
0x33: {  	p0 =	seq.s32 s10, $0x1;
	s10 =	sld [smem:$0x3FBA];
	_ =	sdelay $0x3  }
0x34: {  	[smem:$0x3FBA] =	sst s10  }
0x35: {  	s10 =	sld [smem:$0x3FB9];
	_ =	sdelay $0x3  }
0x36: {  	p1 =	seq.s32 s10, $0x1;
	s10 =	sld [smem:$0x3FBA];
	_ =	sdelay $0x3  }
0x37: {  	[smem:$0x3FBA] =	sst s10  }
0x38: {  	s10 =	sld [smem:$0x3FBB]  }
0x39: {  	_ = 	snop;
	(pc) =	sbr.ind lr, $3  }
0x3a: {  	_ = 	snop  }
0x3b: {  	_ = 	snop  }
0x3c: {  	p2 =	seq.s32 s10, $0x1;
	s10 =	sld [smem:$0x3FBA]  }
0x3d: {  	_ =	shalt  }
0x3e: {  	_ =	shalt  }
0x3f: {  	_ =	shalt  }
0x40: {  	_ =	shalt  }
0x41: {  	_ =	shalt  }
0x42: {  	_ =	shalt  }
0x43: {  	_ =	shalt  }
0x44: {  	_ =	shalt  }
0x45: {  	_ =	shalt  }
0x46: {  	_ =	shalt  }
0x47: {  	_ =	shalt  }
0x48: {  	_ =	shalt  }
0x49: {  	_ =	shalt  }
0x4a: {  	_ =	shalt  }
0x4b: {  	_ =	shalt  }
0x4c: {  	_ =	shalt  }
0x4d: {  	_ =	shalt  }
0x4e: {  	_ =	shalt  }
0x4f: {  	_ =	shalt  }
0x50: {  	_ =	shalt  }
0x51: {  	_ =	shalt  }
0x52: {  	_ =	shalt  }
0x53: {  	_ =	shalt  }
0x54: {  	_ =	shalt  }
0x55: {  	_ =	shalt  }
0x56: {  	_ =	shalt  }
0x57: {  	_ =	shalt  }
0x58: {  	_ =	shalt  }
0x59: {  	_ =	shalt  }
0x5a: {  	_ =	shalt  }
0x5b: {  	_ =	shalt  }
0x5c: {  	_ =	shalt  }
0x5d: {  	_ =	shalt  }
0x5e: {  	_ =	shalt  }
0x5f: {  	_ =	shalt  }
0x60: {  	_ =	shalt  }
0x61: {  	_ =	shalt  }
0x62: {  	_ =	shalt  }
0x63: {  	_ =	shalt  }
0x64: {  	_ =	shalt  }
0x65: {  	_ =	shalt  }
0x66: {  	_ =	shalt  }
0x67: {  	_ =	shalt  }
0x68: {  	_ =	shalt  }
0x69: {  	_ =	shalt  }
0x6a: {  	_ =	shalt  }
0x6b: {  	_ =	shalt  }
0x6c: {  	_ =	shalt  }
0x6d: {  	_ =	shalt  }
0x6e: {  	_ =	shalt  }
0x6f: {  	_ =	shalt  }
0x70: {  	_ =	shalt  }
0x71: {  	_ =	shalt  }
0x72: {  	_ =	shalt  }
0x73: {  	_ =	shalt  }
0x74: {  	_ =	shalt  }
0x75: {  	_ =	shalt  }
0x76: {  	_ =	shalt  }
0x77: {  	_ =	shalt  }
0x78: {  	_ =	shalt  }
0x79: {  	_ =	shalt  }
0x7a: {  	_ =	shalt  }
0x7b: {  	_ =	shalt  }
0x7c: {  	_ =	shalt  }
0x7d: {  	_ =	shalt  }
0x7e: {  	_ =	shalt  }
0x7f: {  	_ =	shalt  }
0x80: {  	_ =	shalt  }
0x81: {  	_ =	shalt  }
0x82: {  	_ =	shalt  }
0x83: {  	_ =	shalt  }
0x84: {  	_ =	shalt  }
0x85: {  	_ =	shalt  }
0x86: {  	_ =	shalt  }
0x87: {  	_ =	shalt  }
.Lfunc_end0:
.L_simem_size_0:
called_computation_lowered:
.L_overlay_start_0:
0x88: {  	s2 =	sld [smem:$0x3FD9]  }
0x89: {  	s3 =	sld [smem:$0x3FFE];
	_ =	sdelay $0x1  }
0x8a: {  	s1 =	srdreg.scid  }
0x8b: {  	s0 =	sand.u32 $0x1, s1  }
0x8c: {  	s18 =	sshll.u32 s0, $0xA;
	s2 =	sadd.s32 s3, s2  }
0x8d: {  	s2 =	sadd.s32 s2, s18  }
0x8e: {  	[smem:$0x3FC6] =	sst s2  }
0x8f: {  	_ = 	snop  }
0x90: {  	s2 =	sld [smem:$0x3FC9]  }
0x91: {  	s19 =	sld [smem:$0x3FD0];
	(tm) =	ssettm $0x1  }
0x92: {  	s4 =	sld [smem:$0x3FFB];
	_ =	sdelay $0x3  }
0x93: {  	_ =	strace s4  }
0x94: {  	s4 =	sld [smem:$0x3FFC];
	_ =	sdelay $0x3  }
0x95: {  	_ =	strace s4  }
0x96: {  	s4 =	sld [smem:$0x3FFD];
	_ =	sdelay $0x3  }
0x97: {  	_ =	strace s4  }
0x98: {  	_ =	strace $0x8FFFFFFF  }
0x99: {  	s20 =	sld [smem:$0x3FDB];
	_ =	sdelay $0x1  }
0x9a: {  	s5 =	simm.s32 $_scs_section_size  }
0x9b: {  	s6 =	simm.s32 $_size__tile_overlayer_lowered;
	s7 =	simm.s32 $_tile_overlayer_lowered  }
0x9c: {  	s23 =	simm.s32 $0x1BFF;
	s22 =	sshll.u32 s7, $0x1;
	s4 =	sadd.s32 s5, s20  }
0x9d: {  	s8 =	simm.s32 $0x0;
	s21 =	sshll.u32 s6, $0x1;
	s6 =	sadd.s32 s22, s4  }
0x9e: {  	[timem:s8], [sflag:s23] =	dma.local [hbm:s6], s21  }
0x9f: {  	_ =	swait.ge [sflag:s23], s21  }
0xa0: {  	s5 =	ssub.s32 $0x0, s21;
	[sflag:s23] =	ssyncset.done $0x0  }
0xa1: {  	[sflag:s23] =	ssyncadd.s32 s5;
	_ =	sdelay $0x1  }
0xa2: {  	s24 =	simm.s32 $0x1B8B  }
0xa3: {  	_ =	swait.ge [sflag:s24], $0x1  }
0xa4: {  	[sflag:s24] =	ssyncset.done $0x0  }
0xa5: {  	s25 =	simm.s32 $0x1B8E;
	[sflag:s24] =	ssyncadd.s32 $0xFFFFFFFF  }
0xa6: {  	s26 =	simm.s32 $execute0_lowered;
	[smem:$0x3FD2] =	sst s25  }
0xa7: {  	s5 =	sshll.u32 s26, $0x1;
	_ =	strace $0x80000046;
	[dreg:$0x1] =	wrdreg $0xFFFFFFFF  }
0xa8: {  	s28 =	simm.s32 $_size_execute0_lowered;
	s4 =	sadd.s32 s4, s5;
	[dreg:$0x0] =	wrdreg $0x0  }
0xa9: {  	s5 =	sshll.u32 s28, $0x1;
	[dreg:$0x2] =	wrdreg s4  }
0xaa: {  	[dreg:$0x3] =	wrdreg s5  }
0xab: {  	[dreg:$0x4] =	wrdreg $0xC0  }
0xac: {  	_ =	task [dreg:s8], $0x5FFFF  }
0xad: {  	[dreg:$0x1] =	wrdreg $0xFFFFFFFF  }
0xae: {  	[dreg:$0x0] =	wrdreg $0x60  }
0xaf: {  	[dreg:$0x2] =	wrdreg s2  }
0xb0: {  	[dreg:$0x3] =	wrdreg s19  }
0xb1: {  	[dreg:$0x4] =	wrdreg $0x9  }
0xb2: {  	_ =	task.clear_ibuf [dreg:s8], $0x5FFFF;
	_ =	strace $0x90000046  }
0xb3: {  	s29 =	simm.s32 $0x9;
	_ =	strace $0x80000048  }
0xb4: {  	_ =	swait.ge [sflag:s29], $0x1  }
0xb5: {  	[sflag:s29] =	ssyncadd.s32 $0xFFFFFFFF  }
0xb6: {  	_ =	strace $0x90000048  }
0xb7: {  	_ =	sfence  }
0xb8: {  	s30 =	sld [smem:$0x0];
	_ =	sdelay $0x2  }
0xb9: {  	s31 =	sshll.u32 s1, $0xD;
	s1 =	sshrl.u32 s1, $0x2  }
0xba: {  	s3 =	sand.u32 $0x4000, s31;
	s1 =	sadd.s32 s1, s30  }
0xbb: {  	s0 =	sor.u32 s3, s0;
	s1 =	sshll.u32 s1, $0x11  }
0xbc: {  	s0 =	sor.u32 s1, s0  }
0xbd: {  	s0 =	sadd.s32 $0x8F2B, s0  }
0xbe: {  	[sflag:s0] =	ssyncadd.remote.s32 $0x1  }
0xbf: {  	_ =	sfence.sel $0xFFFF  }
0xc0: {  	[dreg:$0x0] =	wrdreg $0xFFFFFFFF;
	(pc) =	sbr.abs _section_cstart, $3  }
0xc1: {  	[dreg:$0x1] =	wrdreg $0xFFFFFFFF  }
0xc2: {  	_ =	task.clear_ibuf [dreg:s8], $0x2FFFF;
	_ =	strace $0x9FFFFFFF  }
0xc3: {  	(tm) =	ssettm $0x7FFFFFFF  }
tec
execute0_lowered:
.L_overlay_start_1:
0x0: {  	(tag) =	ssettag $0x1  }
0x1: {  	s1 =	srdreg.scid;
	s0 =	stileid.u32  }
0x2: {  	s6 =	sand.u32 $0x1, s1;
	s4 =	sshll.u32 s0, $0x1  }
0x3: {  	s4 =	sor.u32 s6, s4  }
0x4: {  	p0 =	sgt.u32 s4, $0x18  }
.Ltmp0:
0x5: {  	_ = 	snop;
	(pc) =	sbr.rel @p0 .LBB2_19-.Ltmp0, $4  }
0x6: {  	s11 =	rddreg [dreg:$0x0]  }
0x7: {  	s3 =	rddreg [dreg:$0x1];
	s2 =	simm.s32 $0x0  }
0x8: {  	[smem:$0x7FF] =	sst s2  }
0x9: {  	s1 =	rddreg [dreg:$0x2];
	_ =	strace $0x80000047  }
0xa: {  	s12 =	sshll.u32 s4, $0xC;
	s10 =	ssub.s32 $0x2, s6  }
0xb: {  	s14 =	simm.s32 $0x1;
	s15 =	simm.s32 $0x0;
	s3 =	sadd.s32 s3, s12  }
0xc: {  	s13 =	sshrl.u32 s10, $0x1;
	s11 =	sadd.s32 s11, s12;
	s4 =	sadd.s32 $0x200, s3  }
0xd: {  	s5 =	sadd.s32 $0x400, s3;
	s6 =	sadd.s32 $0x600, s3;
	s7 =	sadd.s32 $0x800, s3  }
0xe: {  	s8 =	sadd.s32 $0xA00, s3;
	s9 =	sadd.s32 $0xC00, s3;
	s13 =	ssub.s32 s10, s13  }
0xf: {  	s10 =	sadd.s32 $0xE00, s3;
	s12 =	smax.u32 s13, $0x1;
	s13 =	simm.s32 $0x2  }
.LBB2_2:
0x10: {  	s16 =	simm.s32 $0x0  }
0x11: {  	[tilespmem:s16], [sflag:$0x2] =	stream.linear.gather [hbm4b:s11+s16], $0x8000, $0x38;
	[tilespmem:$0x8000] =	vst v63  }
0x12: {  	_ =	swait.ge [sflag:s13], $0x8000  }
0x13: {  	s17 =	simm.s32 $0x10;
	[sflag:s13] =	ssyncset.done $0x0  }
0x14: {  	s19 =	sadd.s32 $0x0, s3;
	s18 =	simm.s32 $0x400;
	[sflag:s13] =	ssyncadd.s32 $0xFFFF8000  }
.LBB2_3:
0x15: {  	[hbm4b:s19+s2] =	stream.linear.scatter [tilespmem:s16], [sflag:$0x1], $0x80, $0x38;
	[tilespmem:$0x8000] =	vst v63  }
0x16: {  	s19 =	smov.u32 s17;
	s16 =	smov.u32 s18;
	p0 =	sne.s32 s17, $0x1F0  }
.Ltmp1:
0x17: {  	s17 =	sadd.s32 $0x10, s17;
	(pc) =	sbr.rel @p0 .LBB2_3-.Ltmp1, $2  }
0x18: {  	_ =	sdelay $0x2  }
0x19: {  	s18 =	sadd.s32 $0x400, s18;
	s19 =	sadd.s32 s19, s3  }
0x1a: {  	[hbm4b:s19+s2] =	stream.linear.scatter [tilespmem:s16], [sflag:$0x1], $0x80, $0x38;
	[tilespmem:$0x8000] =	vst v63  }
0x1b: {  	s16 =	simm.s32 $0x80  }
0x1c: {  	s17 =	simm.s32 $0x10;
	s19 =	sadd.s32 $0x0, s4;
	s18 =	simm.s32 $0x480  }
.LBB2_5:
0x1d: {  	[hbm4b:s19+s2] =	stream.linear.scatter [tilespmem:s16], [sflag:$0x1], $0x80, $0x38;
	[tilespmem:$0x8000] =	vst v63  }
0x1e: {  	s19 =	smov.u32 s17;
	s16 =	smov.u32 s18;
	p0 =	sne.s32 s17, $0x1F0  }
.Ltmp2:
0x1f: {  	s17 =	sadd.s32 $0x10, s17;
	(pc) =	sbr.rel @p0 .LBB2_5-.Ltmp2, $2  }
0x20: {  	_ =	sdelay $0x2  }
0x21: {  	s18 =	sadd.s32 $0x400, s18;
	s19 =	sadd.s32 s19, s4  }
0x22: {  	[hbm4b:s19+s2] =	stream.linear.scatter [tilespmem:s16], [sflag:$0x1], $0x80, $0x38;
	[tilespmem:$0x8000] =	vst v63  }
0x23: {  	s16 =	simm.s32 $0x100  }
0x24: {  	s17 =	simm.s32 $0x10;
	s19 =	sadd.s32 $0x0, s5;
	s18 =	simm.s32 $0x500  }
.LBB2_7:
0x25: {  	[hbm4b:s19+s2] =	stream.linear.scatter [tilespmem:s16], [sflag:$0x1], $0x80, $0x38;
	[tilespmem:$0x8000] =	vst v63  }
0x26: {  	s19 =	smov.u32 s17;
	s16 =	smov.u32 s18;
	p0 =	sne.s32 s17, $0x1F0  }
.Ltmp3:
0x27: {  	s17 =	sadd.s32 $0x10, s17;
	(pc) =	sbr.rel @p0 .LBB2_7-.Ltmp3, $2  }
0x28: {  	_ =	sdelay $0x2  }
0x29: {  	s18 =	sadd.s32 $0x400, s18;
	s19 =	sadd.s32 s19, s5  }
0x2a: {  	[hbm4b:s19+s2] =	stream.linear.scatter [tilespmem:s16], [sflag:$0x1], $0x80, $0x38;
	[tilespmem:$0x8000] =	vst v63  }
0x2b: {  	s16 =	simm.s32 $0x180  }
0x2c: {  	s17 =	simm.s32 $0x10;
	s19 =	sadd.s32 $0x0, s6;
	s18 =	simm.s32 $0x580  }
.LBB2_9:
0x2d: {  	[hbm4b:s19+s2] =	stream.linear.scatter [tilespmem:s16], [sflag:$0x1], $0x80, $0x38;
	[tilespmem:$0x8000] =	vst v63  }
0x2e: {  	s19 =	smov.u32 s17;
	s16 =	smov.u32 s18;
	p0 =	sne.s32 s17, $0x1F0  }
.Ltmp4:
0x2f: {  	s17 =	sadd.s32 $0x10, s17;
	(pc) =	sbr.rel @p0 .LBB2_9-.Ltmp4, $2  }
0x30: {  	_ =	sdelay $0x2  }
0x31: {  	s18 =	sadd.s32 $0x400, s18;
	s19 =	sadd.s32 s19, s6  }
0x32: {  	[hbm4b:s19+s2] =	stream.linear.scatter [tilespmem:s16], [sflag:$0x1], $0x80, $0x38;
	[tilespmem:$0x8000] =	vst v63  }
0x33: {  	s16 =	simm.s32 $0x200  }
0x34: {  	s17 =	simm.s32 $0x10;
	s19 =	sadd.s32 $0x0, s7;
	s18 =	simm.s32 $0x600  }
.LBB2_11:
0x35: {  	[hbm4b:s19+s2] =	stream.linear.scatter [tilespmem:s16], [sflag:$0x1], $0x80, $0x38;
	[tilespmem:$0x8000] =	vst v63  }
0x36: {  	s19 =	smov.u32 s17;
	s16 =	smov.u32 s18;
	p0 =	sne.s32 s17, $0x1F0  }
.Ltmp5:
0x37: {  	s17 =	sadd.s32 $0x10, s17;
	(pc) =	sbr.rel @p0 .LBB2_11-.Ltmp5, $2  }
0x38: {  	_ =	sdelay $0x2  }
0x39: {  	s18 =	sadd.s32 $0x400, s18;
	s19 =	sadd.s32 s19, s7  }
0x3a: {  	[hbm4b:s19+s2] =	stream.linear.scatter [tilespmem:s16], [sflag:$0x1], $0x80, $0x38;
	[tilespmem:$0x8000] =	vst v63  }
0x3b: {  	s16 =	simm.s32 $0x280  }
0x3c: {  	s17 =	simm.s32 $0x10;
	s19 =	sadd.s32 $0x0, s8;
	s18 =	simm.s32 $0x680  }
.LBB2_13:
0x3d: {  	[hbm4b:s19+s2] =	stream.linear.scatter [tilespmem:s16], [sflag:$0x1], $0x80, $0x38;
	[tilespmem:$0x8000] =	vst v63  }
0x3e: {  	s19 =	smov.u32 s17;
	s16 =	smov.u32 s18;
	p0 =	sne.s32 s17, $0x1F0  }
.Ltmp6:
0x3f: {  	s17 =	sadd.s32 $0x10, s17;
	(pc) =	sbr.rel @p0 .LBB2_13-.Ltmp6, $2  }
0x40: {  	_ =	sdelay $0x2  }
0x41: {  	s18 =	sadd.s32 $0x400, s18;
	s19 =	sadd.s32 s19, s8  }
0x42: {  	[hbm4b:s19+s2] =	stream.linear.scatter [tilespmem:s16], [sflag:$0x1], $0x80, $0x38;
	[tilespmem:$0x8000] =	vst v63  }
0x43: {  	s16 =	simm.s32 $0x300  }
0x44: {  	s17 =	simm.s32 $0x10;
	s19 =	sadd.s32 $0x0, s9;
	s18 =	simm.s32 $0x700  }
.LBB2_15:
0x45: {  	[hbm4b:s19+s2] =	stream.linear.scatter [tilespmem:s16], [sflag:$0x1], $0x80, $0x38;
	[tilespmem:$0x8000] =	vst v63  }
0x46: {  	s19 =	smov.u32 s17;
	s16 =	smov.u32 s18;
	p0 =	sne.s32 s17, $0x1F0  }
.Ltmp7:
0x47: {  	s17 =	sadd.s32 $0x10, s17;
	(pc) =	sbr.rel @p0 .LBB2_15-.Ltmp7, $2  }
0x48: {  	_ =	sdelay $0x2  }
0x49: {  	s18 =	sadd.s32 $0x400, s18;
	s19 =	sadd.s32 s19, s9  }
0x4a: {  	[hbm4b:s19+s2] =	stream.linear.scatter [tilespmem:s16], [sflag:$0x1], $0x80, $0x38;
	[tilespmem:$0x8000] =	vst v63  }
0x4b: {  	s16 =	simm.s32 $0x380  }
0x4c: {  	s17 =	simm.s32 $0x10;
	s19 =	sadd.s32 $0x0, s10;
	s18 =	simm.s32 $0x780  }
.LBB2_17:
0x4d: {  	[hbm4b:s19+s2] =	stream.linear.scatter [tilespmem:s16], [sflag:$0x1], $0x80, $0x38;
	[tilespmem:$0x8000] =	vst v63  }
0x4e: {  	s19 =	smov.u32 s17;
	s16 =	smov.u32 s18;
	p0 =	sne.s32 s17, $0x1F0  }
.Ltmp8:
0x4f: {  	s17 =	sadd.s32 $0x10, s17;
	(pc) =	sbr.rel @p0 .LBB2_17-.Ltmp8, $2  }
0x50: {  	_ =	sdelay $0x2  }
0x51: {  	s18 =	sadd.s32 $0x400, s18;
	s19 =	sadd.s32 s19, s10  }
0x52: {  	[hbm4b:s19+s2] =	stream.linear.scatter [tilespmem:s16], [sflag:$0x1], $0x80, $0x38;
	[tilespmem:$0x8000] =	vst v63  }
0x53: {  	_ =	swait.ge [sflag:s14], $0x1000  }
0x54: {  	[sflag:s14] =	ssyncset.done $0x0  }
0x55: {  	[sflag:s14] =	ssyncadd.s32 $0xFFFFF000  }
0x56: {  	_ =	swait.ge [sflag:s14], $0x1000  }
0x57: {  	[sflag:s14] =	ssyncset.done $0x0  }
0x58: {  	[sflag:s14] =	ssyncadd.s32 $0xFFFFF000  }
0x59: {  	_ =	swait.ge [sflag:s14], $0x1000  }
0x5a: {  	[sflag:s14] =	ssyncset.done $0x0  }
0x5b: {  	[sflag:s14] =	ssyncadd.s32 $0xFFFFF000  }
0x5c: {  	_ =	swait.ge [sflag:s14], $0x1000  }
0x5d: {  	[sflag:s14] =	ssyncset.done $0x0  }
0x5e: {  	[sflag:s14] =	ssyncadd.s32 $0xFFFFF000  }
0x5f: {  	_ =	swait.ge [sflag:s14], $0x1000  }
0x60: {  	[sflag:s14] =	ssyncset.done $0x0  }
0x61: {  	[sflag:s14] =	ssyncadd.s32 $0xFFFFF000  }
0x62: {  	_ =	swait.ge [sflag:s14], $0x1000  }
0x63: {  	[sflag:s14] =	ssyncset.done $0x0  }
0x64: {  	s15 =	sadd.s32 $0x1, s15;
	[sflag:s14] =	ssyncadd.s32 $0xFFFFF000  }
0x65: {  	p0 =	sne.s32 s15, s12;
	_ =	swait.ge [sflag:s14], $0x1000  }
.Ltmp9:
0x66: {  	[sflag:s14] =	ssyncset.done $0x0;
	(pc) =	sbr.rel @p0 .LBB2_2-.Ltmp9, $4  }
0x67: {  	[sflag:s14] =	ssyncadd.s32 $0xFFFFF000  }
0x68: {  	_ =	swait.ge [sflag:s14], $0x1000  }
0x69: {  	[sflag:s14] =	ssyncset.done $0x0  }
0x6a: {  	[sflag:s14] =	ssyncadd.s32 $0xFFFFF000  }
.LBB2_19:
0x6b: {  	_ =	sfence.sel $0x180000  }
0x6c: {  	[bflag:$0x0] =	sbarrier.arrive $0xFFFF  }
0x6d: {  	p0 =	sne.s32 s0, $0x0;
	_ =	strace $0x90000047  }
0x6e: {  	s0 =	sadd.s32 @!p0 $0x100000, s1;
	[bflag:$0x2] =	sbarrier.arrive $0xFFFF  }
0x6f: {  	[sflag:s0] =	ssyncadd.tile.s32 @!p0 $0x1;
	_ =	shalt  }
.Lfunc_end2:
_tile_overlayer_lowered:
.L_overlay_start_2:
0x70: {  	(tag) =	ssettag $0x2  }
0x71: {  	s0 =	rddreg [dreg:$0x0];
	s2 =	stileid.u32  }
0x72: {  	s1 =	rddreg [dreg:$0x1];
	p0 =	sne.s32 s2, $0x0  }
0x73: {  	s3 =	rddreg [dreg:$0x2];
	[bflag:$0x3] =	sbarrier.arrive $0xFFFF;
	s2 =	simm.s32 @!p0 $0x1C02  }
0x74: {  	[timem:s3], [sflag:s2] =	dma.local @!p0 [hbm:s0], s1  }
0x75: {  	s0 =	simm.s32 @!p0 $0x2  }
0x76: {  	_ =	swait.ge @!p0 [sflag:s0], s1  }
0x77: {  	s1 =	ssub.s32 @!p0 $0x0, s1;
	[sflag:s0] =	ssyncset.done @!p0 $0x0  }
0x78: {  	[sflag:s0] =	ssyncadd.s32 @!p0 s1  }
0x79: {  	[bflag:$0x3] =	sbarrier.arrive $0xFFFF  }
0x7a: {  	_ =	shalt  }

// kernel: kernel.7.cloned.1.call-start
scs
__scs_entry_jumppad:
0x0: {  	(pc) =	sbr.rel $0x88, $3  }
0x1: {  	(tag) =	ssettag $0x0;
	lr =	simm.s32 $0x1  }
0x2: {  	[smem:$0x3F9F] =	sst lr;
	_ =	strace $0xD0000000  }
0x3: {  	_ = 	snop  }
0x4: {  	_ = 	snop  }
0x5: {  	_ = 	snop  }
0x6: {  	_ = 	snop  }
0x7: {  	_ = 	snop  }
__scs_overlays_trampoline_lowered:
0x8: {  	[smem:$0x3FAE] =	sst s0  }
0x9: {  	[smem:$0x3FAF] =	sst s1  }
0xa: {  	[smem:$0x3FB0] =	sst s2  }
0xb: {  	[smem:$0x3FB1] =	sst s3  }
0xc: {  	[smem:$0x3FB2] =	sst s4  }
0xd: {  	[smem:$0x3FB3] =	sst s5  }
0xe: {  	[smem:$0x3FB4] =	sst s6  }
0xf: {  	[smem:$0x3FB5] =	sst s7  }
0x10: {  	[smem:$0x3FB6] =	sst s8  }
0x11: {  	[smem:$0x3FB7] =	sst s9;
	s0 =	simm.s32 @!p0 $0x0  }
0x12: {  	s1 =	sld [smem:$0x3F9D];
	s0 =	simm.s32 @p0 $0x1  }
0x13: {  	[smem:$0x3FB8] =	sst s0;
	s0 =	simm.s32 @!p1 $0x0  }
0x14: {  	s2 =	sld [smem:$0x3F9C];
	s0 =	simm.s32 @p1 $0x1  }
0x15: {  	[smem:$0x3FB9] =	sst s0;
	s0 =	simm.s32 @!p2 $0x0  }
0x16: {  	s3 =	sld [smem:$0x3FDB];
	s0 =	simm.s32 @p2 $0x1  }
0x17: {  	s4 =	simm.s32 $0x1BF5;
	[smem:$0x3FBB] =	sst s0  }
0x18: {  	s0 =	sld [smem:$0x3F9E];
	_ =	swait.ge [sflag:s4], $0x0  }
0x19: {  	s7 =	sld [smem:$0x3F9F]  }
0x1a: {  	s8 =	sadd.s32 $0xFFFFE003, lr  }
0x1b: {  	s9 =	sadd.s32 $0xFFFFFEF7, lr;
	s5 =	simm.s32 $0xFFFFFFFF;
	p2 =	slt.u32 s8, $0xFFFFF086  }
0x1c: {  	p1 =	slt.u32 s9, $0xF7A;
	s5 =	simm.s32 @!p2 $0x0  }
0x1d: {  	s5 =	simm.s32 @p1 $0x1;
	p0 =	seq.s32 s7, s2  }
0x1e: {  	s7 =	smul.u32 @!p0 $0xF7A, s2;
	p2 =	seq.s32 @!p0 s5, $0x0  }
0x1f: {  	s9 =	smul.u32 $0xF7A, s1;
	s8 =	simm.s32 @!p0 $0x1BF5;
	p2 =	por !p2, p0  }
0x20: {  	[sflag:s8] =	ssyncset.s32 @!p0 $0xFFFFF086;
	s6 =	sadd.s32 @!p0 s3, s7;
	s7 =	simm.s32 @!p0 $0x108  }
0x21: {  	s3 =	sadd.s32 s3, s9;
	s6 =	sadd.s32 @!p0 $0x88, s6;
	s7 =	simm.s32 @p2 $0x1082  }
0x22: {  	[simem:s7], [sflag:s8] =	dma.local @!p0 [hbm:s6], $0xF7A  }
0x23: {  	s9 =	sor.u32 $0xD0000000, s2;
	s6 =	simm.s32 $0x108;
	_ =	swait.ge @!p0 [sflag:s8], $0x0  }
0x24: {  	s3 =	sadd.s32 $0x88, s3;
	s6 =	simm.s32 @!p1 $0x1082;
	[sflag:s4] =	ssyncset.s32 $0xFFFFF086  }
0x25: {  	[simem:s6], [sflag:s4] =	dma.local [hbm:s3], $0xF7A  }
0x26: {  	[smem:$0x3F9F] =	sst s1;
	(tag) =	ssettag s2;
	_ =	strace s9  }
0x27: {  	s1 =	sld [smem:$0x3FAF]  }
0x28: {  	s2 =	sld [smem:$0x3FB0]  }
0x29: {  	s4 =	sld [smem:$0x3FB2]  }
0x2a: {  	p0 =	seq.s32 s5, $0x0;
	s5 =	sld [smem:$0x3FB3]  }
0x2b: {  	s6 =	sld [smem:$0x3FB4]  }
0x2c: {  	s7 =	sld [smem:$0x3FB5]  }
0x2d: {  	s3 =	simm.s32 $0x108;
	s8 =	sld [smem:$0x3FB6]  }
0x2e: {  	s3 =	simm.s32 @!p0 $0x1082;
	s9 =	sld [smem:$0x3FB7]  }
0x2f: {  	lr =	sadd.s32 s0, s3;
	s0 =	sld [smem:$0x3FAE]  }
0x30: {  	s3 =	sld [smem:$0x3FB1]  }
0x31: {  	[smem:$0x3FBA] =	sst s10  }
0x32: {  	s10 =	sld [smem:$0x3FB8];
	_ =	sdelay $0x3  }
0x33: {  	p0 =	seq.s32 s10, $0x1;
	s10 =	sld [smem:$0x3FBA];
	_ =	sdelay $0x3  }
0x34: {  	[smem:$0x3FBA] =	sst s10  }
0x35: {  	s10 =	sld [smem:$0x3FB9];
	_ =	sdelay $0x3  }
0x36: {  	p1 =	seq.s32 s10, $0x1;
	s10 =	sld [smem:$0x3FBA];
	_ =	sdelay $0x3  }
0x37: {  	[smem:$0x3FBA] =	sst s10  }
0x38: {  	s10 =	sld [smem:$0x3FBB]  }
0x39: {  	_ = 	snop;
	(pc) =	sbr.ind lr, $3  }
0x3a: {  	_ = 	snop  }
0x3b: {  	_ = 	snop  }
0x3c: {  	p2 =	seq.s32 s10, $0x1;
	s10 =	sld [smem:$0x3FBA]  }
0x3d: {  	_ =	shalt  }
0x3e: {  	_ =	shalt  }
0x3f: {  	_ =	shalt  }
0x40: {  	_ =	shalt  }
0x41: {  	_ =	shalt  }
0x42: {  	_ =	shalt  }
0x43: {  	_ =	shalt  }
0x44: {  	_ =	shalt  }
0x45: {  	_ =	shalt  }
0x46: {  	_ =	shalt  }
0x47: {  	_ =	shalt  }
0x48: {  	_ =	shalt  }
0x49: {  	_ =	shalt  }
0x4a: {  	_ =	shalt  }
0x4b: {  	_ =	shalt  }
0x4c: {  	_ =	shalt  }
0x4d: {  	_ =	shalt  }
0x4e: {  	_ =	shalt  }
0x4f: {  	_ =	shalt  }
0x50: {  	_ =	shalt  }
0x51: {  	_ =	shalt  }
0x52: {  	_ =	shalt  }
0x53: {  	_ =	shalt  }
0x54: {  	_ =	shalt  }
0x55: {  	_ =	shalt  }
0x56: {  	_ =	shalt  }
0x57: {  	_ =	shalt  }
0x58: {  	_ =	shalt  }
0x59: {  	_ =	shalt  }
0x5a: {  	_ =	shalt  }
0x5b: {  	_ =	shalt  }
0x5c: {  	_ =	shalt  }
0x5d: {  	_ =	shalt  }
0x5e: {  	_ =	shalt  }
0x5f: {  	_ =	shalt  }
0x60: {  	_ =	shalt  }
0x61: {  	_ =	shalt  }
0x62: {  	_ =	shalt  }
0x63: {  	_ =	shalt  }
0x64: {  	_ =	shalt  }
0x65: {  	_ =	shalt  }
0x66: {  	_ =	shalt  }
0x67: {  	_ =	shalt  }
0x68: {  	_ =	shalt  }
0x69: {  	_ =	shalt  }
0x6a: {  	_ =	shalt  }
0x6b: {  	_ =	shalt  }
0x6c: {  	_ =	shalt  }
0x6d: {  	_ =	shalt  }
0x6e: {  	_ =	shalt  }
0x6f: {  	_ =	shalt  }
0x70: {  	_ =	shalt  }
0x71: {  	_ =	shalt  }
0x72: {  	_ =	shalt  }
0x73: {  	_ =	shalt  }
0x74: {  	_ =	shalt  }
0x75: {  	_ =	shalt  }
0x76: {  	_ =	shalt  }
0x77: {  	_ =	shalt  }
0x78: {  	_ =	shalt  }
0x79: {  	_ =	shalt  }
0x7a: {  	_ =	shalt  }
0x7b: {  	_ =	shalt  }
0x7c: {  	_ =	shalt  }
0x7d: {  	_ =	shalt  }
0x7e: {  	_ =	shalt  }
0x7f: {  	_ =	shalt  }
0x80: {  	_ =	shalt  }
0x81: {  	_ =	shalt  }
0x82: {  	_ =	shalt  }
0x83: {  	_ =	shalt  }
0x84: {  	_ =	shalt  }
0x85: {  	_ =	shalt  }
0x86: {  	_ =	shalt  }
0x87: {  	_ =	shalt  }
.Lfunc_end0:
.L_simem_size_0:
called_computation.1_lowered:
.L_overlay_start_0:
0x88: {  	s2 =	sld [smem:$0x3FD9]  }
0x89: {  	s3 =	sld [smem:$0x3FFE];
	_ =	sdelay $0x1  }
0x8a: {  	s1 =	srdreg.scid  }
0x8b: {  	s0 =	sand.u32 $0x1, s1  }
0x8c: {  	s17 =	sshll.u32 s0, $0xA;
	s2 =	sadd.s32 s3, s2  }
0x8d: {  	s2 =	sadd.s32 s2, s17  }
0x8e: {  	[smem:$0x3FC6] =	sst s2  }
0x8f: {  	_ = 	snop  }
0x90: {  	s2 =	sld [smem:$0x3FD0];
	(tm) =	ssettm $0x1  }
0x91: {  	s18 =	sld [smem:$0x3FFB];
	_ =	sdelay $0x3  }
0x92: {  	_ =	strace s18  }
0x93: {  	s3 =	sld [smem:$0x3FFC];
	_ =	sdelay $0x3  }
0x94: {  	_ =	strace s3  }
0x95: {  	s3 =	sld [smem:$0x3FFD];
	_ =	sdelay $0x3  }
0x96: {  	_ =	strace s3  }
0x97: {  	_ =	strace $0x8FFFFFFF  }
0x98: {  	s19 =	sld [smem:$0x3FDB];
	_ =	sdelay $0x1  }
0x99: {  	s4 =	simm.s32 $_scs_section_size  }
0x9a: {  	s5 =	simm.s32 $_size__tile_overlayer_lowered;
	s6 =	simm.s32 $_tile_overlayer_lowered  }
0x9b: {  	s22 =	simm.s32 $0x1BFF;
	s21 =	sshll.u32 s6, $0x1;
	s3 =	sadd.s32 s4, s19  }
0x9c: {  	s7 =	simm.s32 $0x0;
	s20 =	sshll.u32 s5, $0x1;
	s5 =	sadd.s32 s21, s3  }
0x9d: {  	[timem:s7], [sflag:s22] =	dma.local [hbm:s5], s20  }
0x9e: {  	_ =	swait.ge [sflag:s22], s20  }
0x9f: {  	s4 =	ssub.s32 $0x0, s20;
	[sflag:s22] =	ssyncset.done $0x0  }
0xa0: {  	[sflag:s22] =	ssyncadd.s32 s4;
	_ =	sdelay $0x1  }
0xa1: {  	s23 =	simm.s32 $0x1B8B  }
0xa2: {  	_ =	swait.ge [sflag:s23], $0x1  }
0xa3: {  	[sflag:s23] =	ssyncset.done $0x0  }
0xa4: {  	s25 =	simm.s32 $0x1B8E;
	s24 =	sld [smem:$0x3FFE];
	[sflag:s23] =	ssyncadd.s32 $0xFFFFFFFF  }
0xa5: {  	s26 =	simm.s32 $execute0_lowered;
	[smem:$0x3FD2] =	sst s25  }
0xa6: {  	s5 =	sshll.u32 s26, $0x1;
	_ =	strace $0x80000049;
	[dreg:$0x1] =	wrdreg $0xFFFFFFFF  }
0xa7: {  	s28 =	simm.s32 $_size_execute0_lowered;
	s3 =	sadd.s32 s3, s5;
	[dreg:$0x0] =	wrdreg $0x0  }
0xa8: {  	s5 =	sshll.u32 s28, $0x1;
	[dreg:$0x2] =	wrdreg s3  }
0xa9: {  	[dreg:$0x3] =	wrdreg s5  }
0xaa: {  	[dreg:$0x4] =	wrdreg $0xC0  }
0xab: {  	_ =	task [dreg:s7], $0x5FFFF  }
0xac: {  	[dreg:$0x1] =	wrdreg $0xFFFFFFFF  }
0xad: {  	[dreg:$0x0] =	wrdreg $0x60  }
0xae: {  	[dreg:$0x2] =	wrdreg s2  }
0xaf: {  	[dreg:$0x3] =	wrdreg s24  }
0xb0: {  	[dreg:$0x4] =	wrdreg $0x9  }
0xb1: {  	_ =	task.clear_ibuf [dreg:s7], $0x5FFFF;
	_ =	strace $0x90000049  }
0xb2: {  	s29 =	simm.s32 $0x9;
	_ =	strace $0x8000004B  }
0xb3: {  	_ =	swait.ge [sflag:s29], $0x1  }
0xb4: {  	[sflag:s29] =	ssyncadd.s32 $0xFFFFFFFF  }
0xb5: {  	_ =	strace $0x9000004B  }
0xb6: {  	_ =	sfence  }
0xb7: {  	s30 =	sld [smem:$0x0];
	_ =	sdelay $0x2  }
0xb8: {  	s31 =	sshll.u32 s1, $0xD;
	s1 =	sshrl.u32 s1, $0x2  }
0xb9: {  	s3 =	sand.u32 $0x4000, s31;
	s1 =	sadd.s32 s1, s30  }
0xba: {  	s0 =	sor.u32 s3, s0;
	s1 =	sshll.u32 s1, $0x11  }
0xbb: {  	s0 =	sor.u32 s1, s0  }
0xbc: {  	s0 =	sadd.s32 $0x8F2B, s0  }
0xbd: {  	[sflag:s0] =	ssyncadd.remote.s32 $0x1  }
0xbe: {  	_ =	sfence.sel $0xFFFF  }
0xbf: {  	[dreg:$0x0] =	wrdreg $0xFFFFFFFF;
	(pc) =	sbr.abs _section_cstart, $3  }
0xc0: {  	[dreg:$0x1] =	wrdreg $0xFFFFFFFF  }
0xc1: {  	_ =	task.clear_ibuf [dreg:s7], $0x2FFFF;
	_ =	strace $0x9FFFFFFF  }
0xc2: {  	(tm) =	ssettm $0x7FFFFFFF  }
0xc3: {  	_ =	shalt  }
tec
execute0_lowered:
.L_overlay_start_1:
0x0: {  	(tag) =	ssettag $0x1  }
0x1: {  	s2 =	rddreg [dreg:$0x0]  }
0x2: {  	s0 =	rddreg [dreg:$0x1]  }
0x3: {  	s1 =	srdreg.scid;
	s4 =	stileid.u32  }
0x4: {  	s3 =	simm.s32 $0x0;
	s1 =	sand.u32 $0x1, s1;
	s4 =	sshll.u32 s4, $0x1  }
0x5: {  	s28 =	simm.s32 $0xC500;
	s29 =	simm.s32 $0x5;
	s6 =	sor.u32 s1, s4  }
0x6: {  	s30 =	simm.s32 $0x6;
	s31 =	simm.s32 $0x0;
	s7 =	smul.u32 $0x32, s6  }
0x7: {  	[smem:$0x7FF] =	sst s3;
	s5 =	sadd.s32 $0x800, s0;
	s8 =	smul.u32 $0xC80, s6  }
0x8: {  	_ =	strace $0x8000004A;
	s19 =	ssub.s32 $0x2, s1;
	s10 =	smul.u32 $0x6400, s6  }
0x9: {  	s4 =	sadd.s32 $0xF42C00, s0;
	s1 =	sshrl.u32 s19, $0x1;
	s21 =	smul.u32 $0xC8000, s6  }
0xa: {  	s6 =	sshll.u32 s6, $0xA;
	s0 =	ssub.s32 s19, s1;
	s19 =	simm.s32 $0x200  }
0xb: {  	s9 =	sor.u32 $0x1, s7;
	s8 =	sadd.s32 s2, s8;
	s22 =	sshrl.u32 s10, $0x3  }
0xc: {  	s6 =	sor.u32 s6, s21;
	s12 =	sadd.s32 $0x3, s7;
	s13 =	sadd.s32 $0x4, s7  }
0xd: {  	s25 =	sadd.s32 $0x31, s7;
	s14 =	sadd.s32 $0x2, s7;
	s15 =	sadd.s32 $0x5, s7  }
0xe: {  	s0 =	smax.u32 s0, $0x1;
	s20 =	sshll.u32 s9, $0x6;
	[dreg:$0x3] =	wrdreg s8  }
0xf: {  	s9 =	sshll.u32 s9, $0x9;
	s8 =	sadd.s32 s2, s22;
	s6 =	sand.u32 $0x1FE0C00, s6  }
0x10: {  	s26 =	sshll.u32 s25, $0x6;
	[dreg:$0x7] =	wrdreg s0;
	s22 =	simm.s32 $0x2  }
0x11: {  	s1 =	sadd.s32 s2, s20;
	s9 =	sand.u32 $0xE00, s9;
	s23 =	sadd.s32 $0x80, s8  }
0x12: {  	v0 =	vlaneseq.u32;
	s24 =	sshrl.u32 s6, $0x3;
	s8 =	sadd.s32 $0xC0, s8;
	s6 =	sadd.s32 $0xC0000, s6  }
0x13: {  	v1 =	vimm.s32 $0x0;
	vm0 =	vcmask $0x300;
	v0 =	vmul.u32 $0x208, v0;
	s7 =	sand.u32 $0x1C0, s26;
	s20 =	simm.s32 $0x1;
	[dreg:$0x4] =	wrdreg s1  }
0x14: {  	v1 =	vsel vm0, $0x3, v1;
	s26 =	simm.s32 $0x4;
	s1 =	sand.u32 $0x1FE0000, s21;
	[dreg:$0x5] =	wrdreg s23  }
0x15: {  	v2 =	vadd.s32 $0x2080, v0;
	v3 =	vor.u32 $0x1, v0;
	v4 =	vadd.s32 $0x2081, v0;
	[dreg:$0x6] =	wrdreg s8;
	s6 =	sshrl.u32 s6, $0x3;
	s1 =	sor.u32 s1, s9  }
0x16: {  	v5 =	vor.u32 $0x2, v0;
	v6 =	vadd.s32 $0x2082, v0;
	v7 =	vor.u32 $0x3, v0;
	s7 =	sadd.s32 s5, s7;
	s21 =	simm.s32 $0x400;
	s1 =	sshrl.u32 s1, $0x3  }
0x17: {  	v8 =	vadd.s32 $0x2083, v0;
	v9 =	vor.u32 $0x4, v0;
	v10 =	vadd.s32 $0x2084, v0;
	s23 =	simm.s32 $0x4400;
	s11 =	sadd.s32 s5, s1;
	s1 =	sshll.u32 s25, $0xB  }
0x18: {  	v11 =	vor.u32 $0x5, v0;
	v12 =	vadd.s32 $0x2085, v0;
	v13 =	vor.u32 $0x6, v0;
	s9 =	sadd.s32 s5, s24;
	s16 =	sadd.s32 s5, s6;
	s1 =	sand.u32 $0x7FC000, s1  }
0x19: {  	v14 =	vadd.s32 $0x2086, v0;
	v15 =	vor.u32 $0x7, v0;
	v16 =	vadd.s32 $0x2087, v0;
	s24 =	simm.s32 $0x3;
	s25 =	simm.s32 $0x8400;
	s17 =	sadd.s32 s1, s7  }
.LBB2_1:
0x1a: {  	s0 =	rddreg [dreg:$0x3]  }
0x1b: {  	[tilespmem:s3], [sflag:$0x1] =	stream.linear.gather [hbm4b:s0+s3], $0x200, $0x38;
	[tilespmem:$0x10600] =	vst v63  }
0x1c: {  	s18 =	rddreg [dreg:$0x4]  }
0x1d: {  	[tilespmem:s19], [sflag:$0x2] =	stream.linear.gather [hbm4b:s18+s3], $0x200, $0x38;
	[tilespmem:$0x10600] =	vst v63  }
0x1e: {  	_ =	swait.ge [sflag:s20], $0x200  }
0x1f: {  	[sflag:s20] =	ssyncset.done $0x0  }
0x20: {  	[sflag:s20] =	ssyncadd.s32 $0xFFFFFE00  }
0x21: {  	[tilespmem:s21], [sflag:$0x3] =	stream.indirect.gather [hbm4b:s4+s19], $0x20, s3, s19, $0xb8;
	[tilespmem:$0x10600] =	vst v63  }
0x22: {  	_ =	swait.ge [sflag:s22], $0x200  }
0x23: {  	[sflag:s22] =	ssyncset.done $0x0  }
0x24: {  	s1 =	simm.s32 $0x0;
	[sflag:s22] =	ssyncadd.s32 $0xFFFFFE00  }
0x25: {  	v17 =	vmov s1;
	[tilespmem:s23], [sflag:$0x4] =	stream.indirect.gather [hbm4b:s4+s19], $0x20, s19, s19, $0xb8;
	[tilespmem:$0x10600] =	vst v63  }
0x26: {  	v17 =	vshrl.u32 v17, $0x3;
	_ =	swait.ge [sflag:s24], $0x4000  }
0x27: {  	v17 =	vshll.u32 v17, v1;
	[sflag:s24] =	ssyncset.done $0x0  }
0x28: {  	s0 =	simm.s32 $0x500;
	v17 =	vbroadcast v17, $0x0;
	s6 =	rddreg [dreg:$0x5];
	[sflag:s24] =	ssyncadd.s32 $0xFFFFC000  }
0x29: {  	[tilespmem:s3], [sflag:$0x1] =	stream.linear.gather [hbm4b:s6+s3], $0x200, $0x38;
	[tilespmem:$0x10600] =	vst v63  }
0x2a: {  	v19 =	vadd.s32 v0, v17;
	v18 =	vld [tilespmem:s0+$0xFFFFFF00];
	_ =	sdelay $0x4  }
0x2b: {  	[tilespmem:v19+s25+$0x0] =	vst.idx.msk $0xffff, v18  }
0x2c: {  	s1 =	simm.s32 $0x1;
	v17 =	vadd.s32 v2, v17;
	v18 =	vld [tilespmem:s0+$0xFFFFFF10]  }
0x2d: {  	v19 =	vmov s1  }
0x2e: {  	v19 =	vshrl.u32 v19, $0x3  }
0x2f: {  	v19 =	vshll.u32 v19, v1  }
0x30: {  	v19 =	vbroadcast v19, $0x0  }
0x31: {  	[tilespmem:v17+s25+$0x0] =	vst.idx.msk $0xffff, v18  }
0x32: {  	v18 =	vadd.s32 v3, v19;
	v17 =	vld [tilespmem:s0+$0xFFFFFF20];
	_ =	sdelay $0x4  }
0x33: {  	[tilespmem:v18+s25+$0x0] =	vst.idx.msk $0xffff, v17  }
0x34: {  	s7 =	simm.s32 $0x2;
	v18 =	vadd.s32 v4, v19;
	v17 =	vld [tilespmem:s0+$0xFFFFFF30]  }
0x35: {  	v19 =	vmov s7  }
0x36: {  	v19 =	vshrl.u32 v19, $0x3  }
0x37: {  	v19 =	vshll.u32 v19, v1  }
0x38: {  	v19 =	vbroadcast v19, $0x0  }
0x39: {  	[tilespmem:v18+s25+$0x0] =	vst.idx.msk $0xffff, v17  }
0x3a: {  	v18 =	vadd.s32 v5, v19;
	v17 =	vld [tilespmem:s0+$0xFFFFFF40];
	_ =	sdelay $0x4  }
0x3b: {  	[tilespmem:v18+s25+$0x0] =	vst.idx.msk $0xffff, v17  }
0x3c: {  	s8 =	simm.s32 $0x3;
	v18 =	vadd.s32 v6, v19;
	v17 =	vld [tilespmem:s0+$0xFFFFFF50]  }
0x3d: {  	v19 =	vmov s8  }
0x3e: {  	v19 =	vshrl.u32 v19, $0x3  }
0x3f: {  	v19 =	vshll.u32 v19, v1  }
0x40: {  	v19 =	vbroadcast v19, $0x0  }
0x41: {  	[tilespmem:v18+s25+$0x0] =	vst.idx.msk $0xffff, v17  }
0x42: {  	v18 =	vadd.s32 v7, v19;
	v17 =	vld [tilespmem:s0+$0xFFFFFF60];
	_ =	sdelay $0x4  }
0x43: {  	[tilespmem:v18+s25+$0x0] =	vst.idx.msk $0xffff, v17  }
0x44: {  	s10 =	simm.s32 $0x4;
	v18 =	vadd.s32 v8, v19;
	v17 =	vld [tilespmem:s0+$0xFFFFFF70]  }
0x45: {  	v19 =	vmov s10  }
0x46: {  	v19 =	vshrl.u32 v19, $0x3  }
0x47: {  	v19 =	vshll.u32 v19, v1  }
0x48: {  	v19 =	vbroadcast v19, $0x0  }
0x49: {  	[tilespmem:v18+s25+$0x0] =	vst.idx.msk $0xffff, v17  }
0x4a: {  	v18 =	vadd.s32 v9, v19;
	v17 =	vld [tilespmem:s0+$0xFFFFFF80];
	_ =	sdelay $0x4  }
0x4b: {  	[tilespmem:v18+s25+$0x0] =	vst.idx.msk $0xffff, v17  }
0x4c: {  	s18 =	simm.s32 $0x5;
	v18 =	vadd.s32 v10, v19;
	v17 =	vld [tilespmem:s0+$0xFFFFFF90]  }
0x4d: {  	v19 =	vmov s18  }
0x4e: {  	v19 =	vshrl.u32 v19, $0x3  }
0x4f: {  	v19 =	vshll.u32 v19, v1  }
0x50: {  	v19 =	vbroadcast v19, $0x0  }
0x51: {  	[tilespmem:v18+s25+$0x0] =	vst.idx.msk $0xffff, v17  }
0x52: {  	v18 =	vadd.s32 v11, v19;
	v17 =	vld [tilespmem:s0+$0xFFFFFFA0];
	_ =	sdelay $0x4  }
0x53: {  	[tilespmem:v18+s25+$0x0] =	vst.idx.msk $0xffff, v17  }
0x54: {  	s6 =	simm.s32 $0x6;
	v18 =	vadd.s32 v12, v19;
	v17 =	vld [tilespmem:s0+$0xFFFFFFB0]  }
0x55: {  	v19 =	vmov s6  }
0x56: {  	v19 =	vshrl.u32 v19, $0x3  }
0x57: {  	v19 =	vshll.u32 v19, v1  }
0x58: {  	v19 =	vbroadcast v19, $0x0  }
0x59: {  	[tilespmem:v18+s25+$0x0] =	vst.idx.msk $0xffff, v17  }
0x5a: {  	v18 =	vadd.s32 v13, v19;
	v17 =	vld [tilespmem:s0+$0xFFFFFFC0];
	_ =	sdelay $0x4  }
0x5b: {  	[tilespmem:v18+s25+$0x0] =	vst.idx.msk $0xffff, v17  }
0x5c: {  	s7 =	simm.s32 $0x7;
	v18 =	vadd.s32 v14, v19;
	v17 =	vld [tilespmem:s0+$0xFFFFFFD0]  }
0x5d: {  	v19 =	vmov s7  }
0x5e: {  	v19 =	vshrl.u32 v19, $0x3  }
0x5f: {  	v19 =	vshll.u32 v19, v1  }
0x60: {  	v19 =	vbroadcast v19, $0x0  }
0x61: {  	[tilespmem:v18+s25+$0x0] =	vst.idx.msk $0xffff, v17  }
0x62: {  	v18 =	vadd.s32 v15, v19;
	v17 =	vld [tilespmem:s0+$0xFFFFFFE0];
	_ =	sdelay $0x4  }
0x63: {  	[tilespmem:v18+s25+$0x0] =	vst.idx.msk $0xffff, v17  }
0x64: {  	s8 =	simm.s32 $0x8;
	v18 =	vadd.s32 v16, v19;
	v17 =	vld [tilespmem:s0+$0xFFFFFFF0]  }
0x65: {  	v19 =	vmov s8  }
0x66: {  	v19 =	vshrl.u32 v19, $0x3  }
0x67: {  	v19 =	vshll.u32 v19, v1  }
0x68: {  	v19 =	vbroadcast v19, $0x0  }
0x69: {  	[tilespmem:v18+s25+$0x0] =	vst.idx.msk $0xffff, v17  }
0x6a: {  	v18 =	vadd.s32 v0, v19;
	v17 =	vld [tilespmem:s0+$0x0];
	_ =	sdelay $0x4  }
0x6b: {  	[tilespmem:v18+s25+$0x0] =	vst.idx.msk $0xffff, v17  }
0x6c: {  	s10 =	simm.s32 $0x9;
	v18 =	vadd.s32 v2, v19;
	v17 =	vld [tilespmem:s0+$0x10]  }
0x6d: {  	v19 =	vmov s10  }
0x6e: {  	v19 =	vshrl.u32 v19, $0x3  }
0x6f: {  	v19 =	vshll.u32 v19, v1  }
0x70: {  	v19 =	vbroadcast v19, $0x0  }
0x71: {  	[tilespmem:v18+s25+$0x0] =	vst.idx.msk $0xffff, v17  }
0x72: {  	v18 =	vadd.s32 v3, v19;
	v17 =	vld [tilespmem:s0+$0x20];
	_ =	sdelay $0x4  }
0x73: {  	[tilespmem:v18+s25+$0x0] =	vst.idx.msk $0xffff, v17  }
0x74: {  	s18 =	simm.s32 $0xA;
	v18 =	vadd.s32 v4, v19;
	v17 =	vld [tilespmem:s0+$0x30]  }
0x75: {  	v19 =	vmov s18  }
0x76: {  	v19 =	vshrl.u32 v19, $0x3  }
0x77: {  	v19 =	vshll.u32 v19, v1  }
0x78: {  	v19 =	vbroadcast v19, $0x0  }
0x79: {  	[tilespmem:v18+s25+$0x0] =	vst.idx.msk $0xffff, v17  }
0x7a: {  	v18 =	vadd.s32 v5, v19;
	v17 =	vld [tilespmem:s0+$0x40];
	_ =	sdelay $0x4  }
0x7b: {  	[tilespmem:v18+s25+$0x0] =	vst.idx.msk $0xffff, v17  }
0x7c: {  	s6 =	simm.s32 $0xB;
	v18 =	vadd.s32 v6, v19;
	v17 =	vld [tilespmem:s0+$0x50]  }
0x7d: {  	v19 =	vmov s6  }
0x7e: {  	v19 =	vshrl.u32 v19, $0x3  }
0x7f: {  	v19 =	vshll.u32 v19, v1  }
0x80: {  	v19 =	vbroadcast v19, $0x0  }
0x81: {  	[tilespmem:v18+s25+$0x0] =	vst.idx.msk $0xffff, v17  }
0x82: {  	v18 =	vadd.s32 v7, v19;
	v17 =	vld [tilespmem:s0+$0x60];
	_ =	sdelay $0x4  }
0x83: {  	[tilespmem:v18+s25+$0x0] =	vst.idx.msk $0xffff, v17  }
0x84: {  	s7 =	simm.s32 $0xC;
	v18 =	vadd.s32 v8, v19;
	v17 =	vld [tilespmem:s0+$0x70]  }
0x85: {  	v19 =	vmov s7  }
0x86: {  	v19 =	vshrl.u32 v19, $0x3  }
0x87: {  	v19 =	vshll.u32 v19, v1  }
0x88: {  	v19 =	vbroadcast v19, $0x0  }
0x89: {  	[tilespmem:v18+s25+$0x0] =	vst.idx.msk $0xffff, v17  }
0x8a: {  	v18 =	vadd.s32 v9, v19;
	v17 =	vld [tilespmem:s0+$0x80];
	_ =	sdelay $0x4  }
0x8b: {  	[tilespmem:v18+s25+$0x0] =	vst.idx.msk $0xffff, v17  }
0x8c: {  	s8 =	simm.s32 $0xD;
	v18 =	vadd.s32 v10, v19;
	v17 =	vld [tilespmem:s0+$0x90]  }
0x8d: {  	v19 =	vmov s8  }
0x8e: {  	v19 =	vshrl.u32 v19, $0x3  }
0x8f: {  	v19 =	vshll.u32 v19, v1  }
0x90: {  	v19 =	vbroadcast v19, $0x0  }
0x91: {  	[tilespmem:v18+s25+$0x0] =	vst.idx.msk $0xffff, v17  }
0x92: {  	v18 =	vadd.s32 v11, v19;
	v17 =	vld [tilespmem:s0+$0xA0];
	_ =	sdelay $0x4  }
0x93: {  	[tilespmem:v18+s25+$0x0] =	vst.idx.msk $0xffff, v17  }
0x94: {  	s10 =	simm.s32 $0xE;
	v18 =	vadd.s32 v12, v19;
	v17 =	vld [tilespmem:s0+$0xB0]  }
0x95: {  	v19 =	vmov s10  }
0x96: {  	v19 =	vshrl.u32 v19, $0x3  }
0x97: {  	v19 =	vshll.u32 v19, v1  }
0x98: {  	v19 =	vbroadcast v19, $0x0  }
0x99: {  	[tilespmem:v18+s25+$0x0] =	vst.idx.msk $0xffff, v17  }
0x9a: {  	v18 =	vadd.s32 v13, v19;
	v17 =	vld [tilespmem:s0+$0xC0];
	_ =	sdelay $0x4  }
0x9b: {  	[tilespmem:v18+s25+$0x0] =	vst.idx.msk $0xffff, v17  }
0x9c: {  	s18 =	simm.s32 $0xF;
	v18 =	vadd.s32 v14, v19;
	v17 =	vld [tilespmem:s0+$0xD0]  }
0x9d: {  	v19 =	vmov s18  }
0x9e: {  	v19 =	vshrl.u32 v19, $0x3  }
0x9f: {  	v19 =	vshll.u32 v19, v1  }
0xa0: {  	v19 =	vbroadcast v19, $0x0  }
0xa1: {  	[tilespmem:v18+s25+$0x0] =	vst.idx.msk $0xffff, v17  }
0xa2: {  	v18 =	vadd.s32 v15, v19;
	v17 =	vld [tilespmem:s0+$0xE0];
	_ =	sdelay $0x4  }
0xa3: {  	[tilespmem:v18+s25+$0x0] =	vst.idx.msk $0xffff, v17  }
0xa4: {  	s1 =	simm.s32 $0x1F;
	s6 =	simm.s32 $0x2F;
	s7 =	simm.s32 $0x10;
	v18 =	vadd.s32 v16, v19;
	v17 =	vld [tilespmem:s0+$0xF0]  }
.LBB2_2:
0xa5: {  	p0 =	sne.s32 s6, $0x1FF;
	v19 =	vmov s7  }
0xa6: {  	v19 =	vshrl.u32 v19, $0x3  }
0xa7: {  	v19 =	vshll.u32 v19, v1  }
0xa8: {  	v19 =	vbroadcast v19, $0x0  }
0xa9: {  	s0 =	sadd.s32 $0x200, s0;
	[tilespmem:v18+s25+$0x0] =	vst.idx.msk $0xffff, v17  }
0xaa: {  	v17 =	vld [tilespmem:s0+$0xFFFFFF00];
	v18 =	vadd.s32 v0, v19;
	_ =	sdelay $0x4  }
0xab: {  	[tilespmem:v18+s25+$0x0] =	vst.idx.msk $0xffff, v17  }
0xac: {  	s7 =	sadd.s32 $0xFFFFFFF2, s1;
	v18 =	vadd.s32 v2, v19;
	v17 =	vld [tilespmem:s0+$0xFFFFFF10]  }
0xad: {  	v19 =	vmov s7  }
0xae: {  	v19 =	vshrl.u32 v19, $0x3  }
0xaf: {  	v19 =	vshll.u32 v19, v1  }
0xb0: {  	v19 =	vbroadcast v19, $0x0  }
0xb1: {  	[tilespmem:v18+s25+$0x0] =	vst.idx.msk $0xffff, v17  }
0xb2: {  	v18 =	vadd.s32 v3, v19;
	v17 =	vld [tilespmem:s0+$0xFFFFFF20];
	_ =	sdelay $0x4  }
0xb3: {  	[tilespmem:v18+s25+$0x0] =	vst.idx.msk $0xffff, v17  }
0xb4: {  	s7 =	sadd.s32 $0xFFFFFFF3, s1;
	v18 =	vadd.s32 v4, v19;
	v17 =	vld [tilespmem:s0+$0xFFFFFF30]  }
0xb5: {  	v19 =	vmov s7  }
0xb6: {  	v19 =	vshrl.u32 v19, $0x3  }
0xb7: {  	v19 =	vshll.u32 v19, v1  }
0xb8: {  	v19 =	vbroadcast v19, $0x0  }
0xb9: {  	[tilespmem:v18+s25+$0x0] =	vst.idx.msk $0xffff, v17  }
0xba: {  	v18 =	vadd.s32 v5, v19;
	v17 =	vld [tilespmem:s0+$0xFFFFFF40];
	_ =	sdelay $0x4  }
0xbb: {  	[tilespmem:v18+s25+$0x0] =	vst.idx.msk $0xffff, v17  }
0xbc: {  	s7 =	sadd.s32 $0xFFFFFFF4, s1;
	v18 =	vadd.s32 v6, v19;
	v17 =	vld [tilespmem:s0+$0xFFFFFF50]  }
0xbd: {  	v19 =	vmov s7  }
0xbe: {  	v19 =	vshrl.u32 v19, $0x3  }
0xbf: {  	v19 =	vshll.u32 v19, v1  }
0xc0: {  	v19 =	vbroadcast v19, $0x0  }
0xc1: {  	[tilespmem:v18+s25+$0x0] =	vst.idx.msk $0xffff, v17  }
0xc2: {  	v18 =	vadd.s32 v7, v19;
	v17 =	vld [tilespmem:s0+$0xFFFFFF60];
	_ =	sdelay $0x4  }
0xc3: {  	[tilespmem:v18+s25+$0x0] =	vst.idx.msk $0xffff, v17  }
0xc4: {  	s7 =	sadd.s32 $0xFFFFFFF5, s1;
	v18 =	vadd.s32 v8, v19;
	v17 =	vld [tilespmem:s0+$0xFFFFFF70]  }
0xc5: {  	v19 =	vmov s7  }
0xc6: {  	v19 =	vshrl.u32 v19, $0x3  }
0xc7: {  	v19 =	vshll.u32 v19, v1  }
0xc8: {  	v19 =	vbroadcast v19, $0x0  }
0xc9: {  	[tilespmem:v18+s25+$0x0] =	vst.idx.msk $0xffff, v17  }
0xca: {  	v18 =	vadd.s32 v9, v19;
	v17 =	vld [tilespmem:s0+$0xFFFFFF80];
	_ =	sdelay $0x4  }
0xcb: {  	[tilespmem:v18+s25+$0x0] =	vst.idx.msk $0xffff, v17  }
0xcc: {  	s7 =	sadd.s32 $0xFFFFFFF6, s1;
	v18 =	vadd.s32 v10, v19;
	v17 =	vld [tilespmem:s0+$0xFFFFFF90]  }
0xcd: {  	v19 =	vmov s7  }
0xce: {  	v19 =	vshrl.u32 v19, $0x3  }
0xcf: {  	v19 =	vshll.u32 v19, v1  }
0xd0: {  	v19 =	vbroadcast v19, $0x0  }
0xd1: {  	[tilespmem:v18+s25+$0x0] =	vst.idx.msk $0xffff, v17  }
0xd2: {  	v18 =	vadd.s32 v11, v19;
	v17 =	vld [tilespmem:s0+$0xFFFFFFA0];
	_ =	sdelay $0x4  }
0xd3: {  	[tilespmem:v18+s25+$0x0] =	vst.idx.msk $0xffff, v17  }
0xd4: {  	s7 =	sadd.s32 $0xFFFFFFF7, s1;
	v18 =	vadd.s32 v12, v19;
	v17 =	vld [tilespmem:s0+$0xFFFFFFB0]  }
0xd5: {  	v19 =	vmov s7  }
0xd6: {  	v19 =	vshrl.u32 v19, $0x3  }
0xd7: {  	v19 =	vshll.u32 v19, v1  }
0xd8: {  	v19 =	vbroadcast v19, $0x0  }
0xd9: {  	[tilespmem:v18+s25+$0x0] =	vst.idx.msk $0xffff, v17  }
0xda: {  	v18 =	vadd.s32 v13, v19;
	v17 =	vld [tilespmem:s0+$0xFFFFFFC0];
	_ =	sdelay $0x4  }
0xdb: {  	[tilespmem:v18+s25+$0x0] =	vst.idx.msk $0xffff, v17  }
0xdc: {  	s7 =	sadd.s32 $0xFFFFFFF8, s1;
	v18 =	vadd.s32 v14, v19;
	v17 =	vld [tilespmem:s0+$0xFFFFFFD0]  }
0xdd: {  	v19 =	vmov s7  }
0xde: {  	v19 =	vshrl.u32 v19, $0x3  }
0xdf: {  	v19 =	vshll.u32 v19, v1  }
0xe0: {  	v19 =	vbroadcast v19, $0x0  }
0xe1: {  	[tilespmem:v18+s25+$0x0] =	vst.idx.msk $0xffff, v17  }
0xe2: {  	v18 =	vadd.s32 v15, v19;
	v17 =	vld [tilespmem:s0+$0xFFFFFFE0];
	_ =	sdelay $0x4  }
0xe3: {  	[tilespmem:v18+s25+$0x0] =	vst.idx.msk $0xffff, v17  }
0xe4: {  	s7 =	sadd.s32 $0xFFFFFFF9, s1;
	v18 =	vadd.s32 v16, v19;
	v17 =	vld [tilespmem:s0+$0xFFFFFFF0]  }
0xe5: {  	v19 =	vmov s7  }
0xe6: {  	v19 =	vshrl.u32 v19, $0x3  }
0xe7: {  	v19 =	vshll.u32 v19, v1  }
0xe8: {  	v19 =	vbroadcast v19, $0x0  }
0xe9: {  	[tilespmem:v18+s25+$0x0] =	vst.idx.msk $0xffff, v17  }
0xea: {  	v18 =	vadd.s32 v0, v19;
	v17 =	vld [tilespmem:s0+$0x0];
	_ =	sdelay $0x4  }
0xeb: {  	[tilespmem:v18+s25+$0x0] =	vst.idx.msk $0xffff, v17  }
0xec: {  	s7 =	sadd.s32 $0xFFFFFFFA, s1;
	v18 =	vadd.s32 v2, v19;
	v17 =	vld [tilespmem:s0+$0x10]  }
0xed: {  	v19 =	vmov s7  }
0xee: {  	v19 =	vshrl.u32 v19, $0x3  }
0xef: {  	v19 =	vshll.u32 v19, v1  }
0xf0: {  	v19 =	vbroadcast v19, $0x0  }
0xf1: {  	[tilespmem:v18+s25+$0x0] =	vst.idx.msk $0xffff, v17  }
0xf2: {  	v18 =	vadd.s32 v3, v19;
	v17 =	vld [tilespmem:s0+$0x20];
	_ =	sdelay $0x4  }
0xf3: {  	[tilespmem:v18+s25+$0x0] =	vst.idx.msk $0xffff, v17  }
0xf4: {  	s7 =	sadd.s32 $0xFFFFFFFB, s1;
	v18 =	vadd.s32 v4, v19;
	v17 =	vld [tilespmem:s0+$0x30]  }
0xf5: {  	v19 =	vmov s7  }
0xf6: {  	v19 =	vshrl.u32 v19, $0x3  }
0xf7: {  	v19 =	vshll.u32 v19, v1  }
0xf8: {  	v19 =	vbroadcast v19, $0x0  }
0xf9: {  	[tilespmem:v18+s25+$0x0] =	vst.idx.msk $0xffff, v17  }
0xfa: {  	v18 =	vadd.s32 v5, v19;
	v17 =	vld [tilespmem:s0+$0x40];
	_ =	sdelay $0x4  }
0xfb: {  	[tilespmem:v18+s25+$0x0] =	vst.idx.msk $0xffff, v17  }
0xfc: {  	s7 =	sadd.s32 $0xFFFFFFFC, s1;
	v18 =	vadd.s32 v6, v19;
	v17 =	vld [tilespmem:s0+$0x50]  }
0xfd: {  	v19 =	vmov s7  }
0xfe: {  	v19 =	vshrl.u32 v19, $0x3  }
0xff: {  	v19 =	vshll.u32 v19, v1  }
0x100: {  	v19 =	vbroadcast v19, $0x0  }
0x101: {  	[tilespmem:v18+s25+$0x0] =	vst.idx.msk $0xffff, v17  }
0x102: {  	v18 =	vadd.s32 v7, v19;
	v17 =	vld [tilespmem:s0+$0x60];
	_ =	sdelay $0x4  }
0x103: {  	[tilespmem:v18+s25+$0x0] =	vst.idx.msk $0xffff, v17  }
0x104: {  	s7 =	sadd.s32 $0xFFFFFFFD, s1;
	v18 =	vadd.s32 v8, v19;
	v17 =	vld [tilespmem:s0+$0x70]  }
0x105: {  	v19 =	vmov s7  }
0x106: {  	v19 =	vshrl.u32 v19, $0x3  }
0x107: {  	v19 =	vshll.u32 v19, v1  }
0x108: {  	v19 =	vbroadcast v19, $0x0  }
0x109: {  	[tilespmem:v18+s25+$0x0] =	vst.idx.msk $0xffff, v17  }
0x10a: {  	v18 =	vadd.s32 v9, v19;
	v17 =	vld [tilespmem:s0+$0x80];
	_ =	sdelay $0x4  }
0x10b: {  	[tilespmem:v18+s25+$0x0] =	vst.idx.msk $0xffff, v17  }
0x10c: {  	s7 =	sadd.s32 $0xFFFFFFFE, s1;
	v18 =	vadd.s32 v10, v19;
	v17 =	vld [tilespmem:s0+$0x90]  }
0x10d: {  	v19 =	vmov s7  }
0x10e: {  	v19 =	vshrl.u32 v19, $0x3  }
0x10f: {  	v19 =	vshll.u32 v19, v1  }
0x110: {  	v19 =	vbroadcast v19, $0x0  }
0x111: {  	[tilespmem:v18+s25+$0x0] =	vst.idx.msk $0xffff, v17  }
0x112: {  	v18 =	vadd.s32 v11, v19;
	v17 =	vld [tilespmem:s0+$0xA0];
	_ =	sdelay $0x4  }
0x113: {  	[tilespmem:v18+s25+$0x0] =	vst.idx.msk $0xffff, v17  }
0x114: {  	s7 =	sadd.s32 $0xFFFFFFFF, s1;
	v18 =	vadd.s32 v12, v19;
	v17 =	vld [tilespmem:s0+$0xB0]  }
0x115: {  	v19 =	vmov s7  }
0x116: {  	v19 =	vshrl.u32 v19, $0x3  }
0x117: {  	v19 =	vshll.u32 v19, v1  }
0x118: {  	v19 =	vbroadcast v19, $0x0  }
0x119: {  	[tilespmem:v18+s25+$0x0] =	vst.idx.msk $0xffff, v17  }
0x11a: {  	v18 =	vadd.s32 v13, v19;
	v17 =	vld [tilespmem:s0+$0xC0];
	_ =	sdelay $0x4  }
0x11b: {  	[tilespmem:v18+s25+$0x0] =	vst.idx.msk $0xffff, v17  }
0x11c: {  	v18 =	vadd.s32 v14, v19;
	v17 =	vld [tilespmem:s0+$0xD0]  }
0x11d: {  	v19 =	vmov s1;
	s1 =	smov.u32 s6  }
0x11e: {  	v19 =	vshrl.u32 v19, $0x3  }
0x11f: {  	v19 =	vshll.u32 v19, v1  }
0x120: {  	v19 =	vbroadcast v19, $0x0  }
0x121: {  	[tilespmem:v18+s25+$0x0] =	vst.idx.msk $0xffff, v17  }
0x122: {  	v18 =	vadd.s32 v15, v19;
	v17 =	vld [tilespmem:s0+$0xE0];
	_ =	sdelay $0x1  }
.Ltmp0:
0x123: {  	(pc) =	sbr.rel @p0 .LBB2_2-.Ltmp0, $3  }
0x124: {  	_ =	sdelay $0x1  }
0x125: {  	[tilespmem:v18+s25+$0x0] =	vst.idx.msk $0xffff, v17  }
0x126: {  	s6 =	sadd.s32 $0x10, s6;
	s7 =	sadd.s32 $0xFFFFFFF1, s1;
	v18 =	vadd.s32 v16, v19;
	v17 =	vld [tilespmem:s0+$0xF0]  }
0x127: {  	v19 =	vmov s7  }
0x128: {  	v19 =	vshrl.u32 v19, $0x3  }
0x129: {  	v19 =	vshll.u32 v19, v1  }
0x12a: {  	v19 =	vbroadcast v19, $0x0  }
0x12b: {  	s0 =	sadd.s32 $0x200, s0;
	[tilespmem:v18+s25+$0x0] =	vst.idx.msk $0xffff, v17  }
0x12c: {  	v17 =	vld [tilespmem:s0+$0xFFFFFF00];
	v18 =	vadd.s32 v0, v19;
	_ =	sdelay $0x4  }
0x12d: {  	[tilespmem:v18+s25+$0x0] =	vst.idx.msk $0xffff, v17  }
0x12e: {  	s6 =	sadd.s32 $0xFFFFFFF2, s1;
	v18 =	vadd.s32 v2, v19;
	v17 =	vld [tilespmem:s0+$0xFFFFFF10]  }
0x12f: {  	v19 =	vmov s6  }
0x130: {  	v19 =	vshrl.u32 v19, $0x3  }
0x131: {  	v19 =	vshll.u32 v19, v1  }
0x132: {  	v19 =	vbroadcast v19, $0x0  }
0x133: {  	[tilespmem:v18+s25+$0x0] =	vst.idx.msk $0xffff, v17  }
0x134: {  	v18 =	vadd.s32 v3, v19;
	v17 =	vld [tilespmem:s0+$0xFFFFFF20];
	_ =	sdelay $0x4  }
0x135: {  	[tilespmem:v18+s25+$0x0] =	vst.idx.msk $0xffff, v17  }
0x136: {  	s18 =	sadd.s32 $0xFFFFFFF3, s1;
	v18 =	vadd.s32 v4, v19;
	v17 =	vld [tilespmem:s0+$0xFFFFFF30]  }
0x137: {  	v19 =	vmov s18  }
0x138: {  	v19 =	vshrl.u32 v19, $0x3  }
0x139: {  	v19 =	vshll.u32 v19, v1  }
0x13a: {  	v19 =	vbroadcast v19, $0x0  }
0x13b: {  	[tilespmem:v18+s25+$0x0] =	vst.idx.msk $0xffff, v17  }
0x13c: {  	v18 =	vadd.s32 v5, v19;
	v17 =	vld [tilespmem:s0+$0xFFFFFF40];
	_ =	sdelay $0x4  }
0x13d: {  	[tilespmem:v18+s25+$0x0] =	vst.idx.msk $0xffff, v17  }
0x13e: {  	s7 =	sadd.s32 $0xFFFFFFF4, s1;
	v18 =	vadd.s32 v6, v19;
	v17 =	vld [tilespmem:s0+$0xFFFFFF50]  }
0x13f: {  	v19 =	vmov s7  }
0x140: {  	v19 =	vshrl.u32 v19, $0x3  }
0x141: {  	v19 =	vshll.u32 v19, v1  }
0x142: {  	v19 =	vbroadcast v19, $0x0  }
0x143: {  	[tilespmem:v18+s25+$0x0] =	vst.idx.msk $0xffff, v17  }
0x144: {  	v18 =	vadd.s32 v7, v19;
	v17 =	vld [tilespmem:s0+$0xFFFFFF60];
	_ =	sdelay $0x4  }
0x145: {  	[tilespmem:v18+s25+$0x0] =	vst.idx.msk $0xffff, v17  }
0x146: {  	s8 =	sadd.s32 $0xFFFFFFF5, s1;
	v18 =	vadd.s32 v8, v19;
	v17 =	vld [tilespmem:s0+$0xFFFFFF70]  }
0x147: {  	v19 =	vmov s8  }
0x148: {  	v19 =	vshrl.u32 v19, $0x3  }
0x149: {  	v19 =	vshll.u32 v19, v1  }
0x14a: {  	v19 =	vbroadcast v19, $0x0  }
0x14b: {  	[tilespmem:v18+s25+$0x0] =	vst.idx.msk $0xffff, v17  }
0x14c: {  	v18 =	vadd.s32 v9, v19;
	v17 =	vld [tilespmem:s0+$0xFFFFFF80];
	_ =	sdelay $0x4  }
0x14d: {  	[tilespmem:v18+s25+$0x0] =	vst.idx.msk $0xffff, v17  }
0x14e: {  	s10 =	sadd.s32 $0xFFFFFFF6, s1;
	v18 =	vadd.s32 v10, v19;
	v17 =	vld [tilespmem:s0+$0xFFFFFF90]  }
0x14f: {  	v19 =	vmov s10  }
0x150: {  	v19 =	vshrl.u32 v19, $0x3  }
0x151: {  	v19 =	vshll.u32 v19, v1  }
0x152: {  	v19 =	vbroadcast v19, $0x0  }
0x153: {  	[tilespmem:v18+s25+$0x0] =	vst.idx.msk $0xffff, v17  }
0x154: {  	v18 =	vadd.s32 v11, v19;
	v17 =	vld [tilespmem:s0+$0xFFFFFFA0];
	_ =	sdelay $0x4  }
0x155: {  	[tilespmem:v18+s25+$0x0] =	vst.idx.msk $0xffff, v17  }
0x156: {  	s18 =	sadd.s32 $0xFFFFFFF7, s1;
	v18 =	vadd.s32 v12, v19;
	v17 =	vld [tilespmem:s0+$0xFFFFFFB0]  }
0x157: {  	v19 =	vmov s18  }
0x158: {  	v19 =	vshrl.u32 v19, $0x3  }
0x159: {  	v19 =	vshll.u32 v19, v1  }
0x15a: {  	v19 =	vbroadcast v19, $0x0  }
0x15b: {  	[tilespmem:v18+s25+$0x0] =	vst.idx.msk $0xffff, v17  }
0x15c: {  	v18 =	vadd.s32 v13, v19;
	v17 =	vld [tilespmem:s0+$0xFFFFFFC0];
	_ =	sdelay $0x4  }
0x15d: {  	[tilespmem:v18+s25+$0x0] =	vst.idx.msk $0xffff, v17  }
0x15e: {  	s7 =	sadd.s32 $0xFFFFFFF8, s1;
	v18 =	vadd.s32 v14, v19;
	v17 =	vld [tilespmem:s0+$0xFFFFFFD0]  }
0x15f: {  	v19 =	vmov s7  }
0x160: {  	v19 =	vshrl.u32 v19, $0x3  }
0x161: {  	v19 =	vshll.u32 v19, v1  }
0x162: {  	v19 =	vbroadcast v19, $0x0  }
0x163: {  	[tilespmem:v18+s25+$0x0] =	vst.idx.msk $0xffff, v17  }
0x164: {  	v18 =	vadd.s32 v15, v19;
	v17 =	vld [tilespmem:s0+$0xFFFFFFE0];
	_ =	sdelay $0x4  }
0x165: {  	[tilespmem:v18+s25+$0x0] =	vst.idx.msk $0xffff, v17  }
0x166: {  	s8 =	sadd.s32 $0xFFFFFFF9, s1;
	v18 =	vadd.s32 v16, v19;
	v17 =	vld [tilespmem:s0+$0xFFFFFFF0]  }
0x167: {  	v19 =	vmov s8  }
0x168: {  	v19 =	vshrl.u32 v19, $0x3  }
0x169: {  	v19 =	vshll.u32 v19, v1  }
0x16a: {  	v19 =	vbroadcast v19, $0x0  }
0x16b: {  	[tilespmem:v18+s25+$0x0] =	vst.idx.msk $0xffff, v17  }
0x16c: {  	v18 =	vadd.s32 v0, v19;
	v17 =	vld [tilespmem:s0+$0x0];
	_ =	sdelay $0x4  }
0x16d: {  	[tilespmem:v18+s25+$0x0] =	vst.idx.msk $0xffff, v17  }
0x16e: {  	s10 =	sadd.s32 $0xFFFFFFFA, s1;
	v18 =	vadd.s32 v2, v19;
	v17 =	vld [tilespmem:s0+$0x10]  }
0x16f: {  	v19 =	vmov s10  }
0x170: {  	v19 =	vshrl.u32 v19, $0x3  }
0x171: {  	v19 =	vshll.u32 v19, v1  }
0x172: {  	v19 =	vbroadcast v19, $0x0  }
0x173: {  	[tilespmem:v18+s25+$0x0] =	vst.idx.msk $0xffff, v17  }
0x174: {  	v18 =	vadd.s32 v3, v19;
	v17 =	vld [tilespmem:s0+$0x20];
	_ =	sdelay $0x4  }
0x175: {  	[tilespmem:v18+s25+$0x0] =	vst.idx.msk $0xffff, v17  }
0x176: {  	s18 =	sadd.s32 $0xFFFFFFFB, s1;
	v18 =	vadd.s32 v4, v19;
	v17 =	vld [tilespmem:s0+$0x30]  }
0x177: {  	v19 =	vmov s18  }
0x178: {  	v19 =	vshrl.u32 v19, $0x3  }
0x179: {  	v19 =	vshll.u32 v19, v1  }
0x17a: {  	v19 =	vbroadcast v19, $0x0  }
0x17b: {  	[tilespmem:v18+s25+$0x0] =	vst.idx.msk $0xffff, v17  }
0x17c: {  	v18 =	vadd.s32 v5, v19;
	v17 =	vld [tilespmem:s0+$0x40];
	_ =	sdelay $0x4  }
0x17d: {  	[tilespmem:v18+s25+$0x0] =	vst.idx.msk $0xffff, v17  }
0x17e: {  	s7 =	sadd.s32 $0xFFFFFFFC, s1;
	v18 =	vadd.s32 v6, v19;
	v17 =	vld [tilespmem:s0+$0x50]  }
0x17f: {  	v19 =	vmov s7  }
0x180: {  	v19 =	vshrl.u32 v19, $0x3  }
0x181: {  	v19 =	vshll.u32 v19, v1  }
0x182: {  	v19 =	vbroadcast v19, $0x0  }
0x183: {  	[tilespmem:v18+s25+$0x0] =	vst.idx.msk $0xffff, v17  }
0x184: {  	v18 =	vadd.s32 v7, v19;
	v17 =	vld [tilespmem:s0+$0x60];
	_ =	sdelay $0x4  }
0x185: {  	[tilespmem:v18+s25+$0x0] =	vst.idx.msk $0xffff, v17  }
0x186: {  	s8 =	sadd.s32 $0xFFFFFFFD, s1;
	v18 =	vadd.s32 v8, v19;
	v17 =	vld [tilespmem:s0+$0x70]  }
0x187: {  	v19 =	vmov s8  }
0x188: {  	v19 =	vshrl.u32 v19, $0x3  }
0x189: {  	v19 =	vshll.u32 v19, v1  }
0x18a: {  	v19 =	vbroadcast v19, $0x0  }
0x18b: {  	[tilespmem:v18+s25+$0x0] =	vst.idx.msk $0xffff, v17  }
0x18c: {  	v18 =	vadd.s32 v9, v19;
	v17 =	vld [tilespmem:s0+$0x80];
	_ =	sdelay $0x4  }
0x18d: {  	[tilespmem:v18+s25+$0x0] =	vst.idx.msk $0xffff, v17  }
0x18e: {  	s10 =	sadd.s32 $0xFFFFFFFE, s1;
	v18 =	vadd.s32 v10, v19;
	v17 =	vld [tilespmem:s0+$0x90]  }
0x18f: {  	v19 =	vmov s10  }
0x190: {  	v19 =	vshrl.u32 v19, $0x3  }
0x191: {  	v19 =	vshll.u32 v19, v1  }
0x192: {  	v19 =	vbroadcast v19, $0x0  }
0x193: {  	[tilespmem:v18+s25+$0x0] =	vst.idx.msk $0xffff, v17  }
0x194: {  	v18 =	vadd.s32 v11, v19;
	v17 =	vld [tilespmem:s0+$0xA0];
	_ =	sdelay $0x4  }
0x195: {  	[tilespmem:v18+s25+$0x0] =	vst.idx.msk $0xffff, v17  }
0x196: {  	s18 =	sadd.s32 $0xFFFFFFFF, s1;
	v18 =	vadd.s32 v12, v19;
	v17 =	vld [tilespmem:s0+$0xB0]  }
0x197: {  	v19 =	vmov s18  }
0x198: {  	v19 =	vshrl.u32 v19, $0x3  }
0x199: {  	v19 =	vshll.u32 v19, v1  }
0x19a: {  	v19 =	vbroadcast v19, $0x0  }
0x19b: {  	[tilespmem:v18+s25+$0x0] =	vst.idx.msk $0xffff, v17  }
0x19c: {  	v18 =	vadd.s32 v13, v19;
	v17 =	vld [tilespmem:s0+$0xC0];
	_ =	sdelay $0x4  }
0x19d: {  	[tilespmem:v18+s25+$0x0] =	vst.idx.msk $0xffff, v17  }
0x19e: {  	v18 =	vadd.s32 v14, v19;
	v17 =	vld [tilespmem:s0+$0xD0]  }
0x19f: {  	v19 =	vmov s1  }
0x1a0: {  	v19 =	vshrl.u32 v19, $0x3  }
0x1a1: {  	v19 =	vshll.u32 v19, v1  }
0x1a2: {  	v19 =	vbroadcast v19, $0x0  }
0x1a3: {  	[tilespmem:v18+s25+$0x0] =	vst.idx.msk $0xffff, v17  }
0x1a4: {  	v18 =	vadd.s32 v15, v19;
	v17 =	vld [tilespmem:s0+$0xE0];
	_ =	sdelay $0x4  }
0x1a5: {  	[tilespmem:v18+s25+$0x0] =	vst.idx.msk $0xffff, v17  }
0x1a6: {  	v18 =	vadd.s32 v16, v19;
	v17 =	vld [tilespmem:s0+$0xF0];
	_ =	sdelay $0x3  }
0x1a7: {  	s6 =	simm.s32 $0x8608  }
0x1a8: {  	s7 =	sadd.s32 $0x0, s9;
	s1 =	simm.s32 $0x200;
	s0 =	simm.s32 $0x8400;
	[tilespmem:v18+s25+$0x0] =	vst.idx.msk $0xffff, v17  }
.LBB2_4:
0x1a9: {  	[hbm4b:s7+s3] =	stream.linear.scatter [tilespmem:s0], [sflag:$0x5], $0x200, $0x38;
	[tilespmem:$0x10600] =	vst v63  }
0x1aa: {  	s7 =	smov.u32 s1;
	s0 =	smov.u32 s6;
	p0 =	sne.s32 s1, $0x3E00  }
.Ltmp1:
0x1ab: {  	s1 =	sadd.s32 $0x200, s1;
	(pc) =	sbr.rel @p0 .LBB2_4-.Ltmp1, $2  }
0x1ac: {  	_ =	sdelay $0x2  }
0x1ad: {  	s6 =	sadd.s32 $0x208, s6;
	s7 =	sadd.s32 s7, s9  }
0x1ae: {  	[hbm4b:s7+s3] =	stream.linear.scatter [tilespmem:s0], [sflag:$0x5], $0x200, $0x38;
	[tilespmem:$0x10600] =	vst v63  }
0x1af: {  	_ =	swait.ge [sflag:s20], $0x200  }
0x1b0: {  	[sflag:s20] =	ssyncset.done $0x0  }
0x1b1: {  	s1 =	simm.s32 $0x0;
	[sflag:s20] =	ssyncadd.s32 $0xFFFFFE00  }
0x1b2: {  	v17 =	vmov s1;
	[tilespmem:s21], [sflag:$0x3] =	stream.indirect.gather [hbm4b:s4+s19], $0x20, s3, s19, $0xb8;
	[tilespmem:$0x10600] =	vst v63  }
0x1b3: {  	v17 =	vshrl.u32 v17, $0x3;
	_ =	swait.ge [sflag:s26], $0x4000  }
0x1b4: {  	v17 =	vshll.u32 v17, v1;
	[sflag:s26] =	ssyncset.done $0x0  }
0x1b5: {  	s0 =	simm.s32 $0x4500;
	v17 =	vbroadcast v17, $0x0;
	s6 =	rddreg [dreg:$0x6];
	[sflag:s26] =	ssyncadd.s32 $0xFFFFC000  }
0x1b6: {  	[tilespmem:s19], [sflag:$0x2] =	stream.linear.gather [hbm4b:s6+s3], $0x200, $0x38;
	[tilespmem:$0x10600] =	vst v63  }
0x1b7: {  	v19 =	vadd.s32 v0, v17;
	v18 =	vld [tilespmem:s0+$0xFFFFFF00];
	_ =	sdelay $0x4  }
0x1b8: {  	[tilespmem:v19+s28+$0x0] =	vst.idx.msk $0xffff, v18  }
0x1b9: {  	s1 =	simm.s32 $0x1;
	v17 =	vadd.s32 v2, v17;
	v18 =	vld [tilespmem:s0+$0xFFFFFF10]  }
0x1ba: {  	v19 =	vmov s1  }
0x1bb: {  	v19 =	vshrl.u32 v19, $0x3  }
0x1bc: {  	v19 =	vshll.u32 v19, v1  }
0x1bd: {  	v19 =	vbroadcast v19, $0x0  }
0x1be: {  	[tilespmem:v17+s28+$0x0] =	vst.idx.msk $0xffff, v18  }
0x1bf: {  	v18 =	vadd.s32 v3, v19;
	v17 =	vld [tilespmem:s0+$0xFFFFFF20];
	_ =	sdelay $0x4  }
0x1c0: {  	[tilespmem:v18+s28+$0x0] =	vst.idx.msk $0xffff, v17  }
0x1c1: {  	s7 =	simm.s32 $0x2;
	v18 =	vadd.s32 v4, v19;
	v17 =	vld [tilespmem:s0+$0xFFFFFF30]  }
0x1c2: {  	v19 =	vmov s7  }
0x1c3: {  	v19 =	vshrl.u32 v19, $0x3  }
0x1c4: {  	v19 =	vshll.u32 v19, v1  }
0x1c5: {  	v19 =	vbroadcast v19, $0x0  }
0x1c6: {  	[tilespmem:v18+s28+$0x0] =	vst.idx.msk $0xffff, v17  }
0x1c7: {  	v18 =	vadd.s32 v5, v19;
	v17 =	vld [tilespmem:s0+$0xFFFFFF40];
	_ =	sdelay $0x4  }
0x1c8: {  	[tilespmem:v18+s28+$0x0] =	vst.idx.msk $0xffff, v17  }
0x1c9: {  	s8 =	simm.s32 $0x3;
	v18 =	vadd.s32 v6, v19;
	v17 =	vld [tilespmem:s0+$0xFFFFFF50]  }
0x1ca: {  	v19 =	vmov s8  }
0x1cb: {  	v19 =	vshrl.u32 v19, $0x3  }
0x1cc: {  	v19 =	vshll.u32 v19, v1  }
0x1cd: {  	v19 =	vbroadcast v19, $0x0  }
0x1ce: {  	[tilespmem:v18+s28+$0x0] =	vst.idx.msk $0xffff, v17  }
0x1cf: {  	v18 =	vadd.s32 v7, v19;
	v17 =	vld [tilespmem:s0+$0xFFFFFF60];
	_ =	sdelay $0x4  }
0x1d0: {  	[tilespmem:v18+s28+$0x0] =	vst.idx.msk $0xffff, v17  }
0x1d1: {  	s10 =	simm.s32 $0x4;
	v18 =	vadd.s32 v8, v19;
	v17 =	vld [tilespmem:s0+$0xFFFFFF70]  }
0x1d2: {  	v19 =	vmov s10  }
0x1d3: {  	v19 =	vshrl.u32 v19, $0x3  }
0x1d4: {  	v19 =	vshll.u32 v19, v1  }
0x1d5: {  	v19 =	vbroadcast v19, $0x0  }
0x1d6: {  	[tilespmem:v18+s28+$0x0] =	vst.idx.msk $0xffff, v17  }
0x1d7: {  	v18 =	vadd.s32 v9, v19;
	v17 =	vld [tilespmem:s0+$0xFFFFFF80];
	_ =	sdelay $0x4  }
0x1d8: {  	[tilespmem:v18+s28+$0x0] =	vst.idx.msk $0xffff, v17  }
0x1d9: {  	s18 =	simm.s32 $0x5;
	v18 =	vadd.s32 v10, v19;
	v17 =	vld [tilespmem:s0+$0xFFFFFF90]  }
0x1da: {  	v19 =	vmov s18  }
0x1db: {  	v19 =	vshrl.u32 v19, $0x3  }
0x1dc: {  	v19 =	vshll.u32 v19, v1  }
0x1dd: {  	v19 =	vbroadcast v19, $0x0  }
0x1de: {  	[tilespmem:v18+s28+$0x0] =	vst.idx.msk $0xffff, v17  }
0x1df: {  	v18 =	vadd.s32 v11, v19;
	v17 =	vld [tilespmem:s0+$0xFFFFFFA0];
	_ =	sdelay $0x4  }
0x1e0: {  	[tilespmem:v18+s28+$0x0] =	vst.idx.msk $0xffff, v17  }
0x1e1: {  	s6 =	simm.s32 $0x6;
	v18 =	vadd.s32 v12, v19;
	v17 =	vld [tilespmem:s0+$0xFFFFFFB0]  }
0x1e2: {  	v19 =	vmov s6  }
0x1e3: {  	v19 =	vshrl.u32 v19, $0x3  }
0x1e4: {  	v19 =	vshll.u32 v19, v1  }
0x1e5: {  	v19 =	vbroadcast v19, $0x0  }
0x1e6: {  	[tilespmem:v18+s28+$0x0] =	vst.idx.msk $0xffff, v17  }
0x1e7: {  	v18 =	vadd.s32 v13, v19;
	v17 =	vld [tilespmem:s0+$0xFFFFFFC0];
	_ =	sdelay $0x4  }
0x1e8: {  	[tilespmem:v18+s28+$0x0] =	vst.idx.msk $0xffff, v17  }
0x1e9: {  	s7 =	simm.s32 $0x7;
	v18 =	vadd.s32 v14, v19;
	v17 =	vld [tilespmem:s0+$0xFFFFFFD0]  }
0x1ea: {  	v19 =	vmov s7  }
0x1eb: {  	v19 =	vshrl.u32 v19, $0x3  }
0x1ec: {  	v19 =	vshll.u32 v19, v1  }
0x1ed: {  	v19 =	vbroadcast v19, $0x0  }
0x1ee: {  	[tilespmem:v18+s28+$0x0] =	vst.idx.msk $0xffff, v17  }
0x1ef: {  	v18 =	vadd.s32 v15, v19;
	v17 =	vld [tilespmem:s0+$0xFFFFFFE0];
	_ =	sdelay $0x4  }
0x1f0: {  	[tilespmem:v18+s28+$0x0] =	vst.idx.msk $0xffff, v17  }
0x1f1: {  	s8 =	simm.s32 $0x8;
	v18 =	vadd.s32 v16, v19;
	v17 =	vld [tilespmem:s0+$0xFFFFFFF0]  }
0x1f2: {  	v19 =	vmov s8  }
0x1f3: {  	v19 =	vshrl.u32 v19, $0x3  }
0x1f4: {  	v19 =	vshll.u32 v19, v1  }
0x1f5: {  	v19 =	vbroadcast v19, $0x0  }
0x1f6: {  	[tilespmem:v18+s28+$0x0] =	vst.idx.msk $0xffff, v17  }
0x1f7: {  	v18 =	vadd.s32 v0, v19;
	v17 =	vld [tilespmem:s0+$0x0];
	_ =	sdelay $0x4  }
0x1f8: {  	[tilespmem:v18+s28+$0x0] =	vst.idx.msk $0xffff, v17  }
0x1f9: {  	s10 =	simm.s32 $0x9;
	v18 =	vadd.s32 v2, v19;
	v17 =	vld [tilespmem:s0+$0x10]  }
0x1fa: {  	v19 =	vmov s10  }
0x1fb: {  	v19 =	vshrl.u32 v19, $0x3  }
0x1fc: {  	v19 =	vshll.u32 v19, v1  }
0x1fd: {  	v19 =	vbroadcast v19, $0x0  }
0x1fe: {  	[tilespmem:v18+s28+$0x0] =	vst.idx.msk $0xffff, v17  }
0x1ff: {  	v18 =	vadd.s32 v3, v19;
	v17 =	vld [tilespmem:s0+$0x20];
	_ =	sdelay $0x4  }
0x200: {  	[tilespmem:v18+s28+$0x0] =	vst.idx.msk $0xffff, v17  }
0x201: {  	s18 =	simm.s32 $0xA;
	v18 =	vadd.s32 v4, v19;
	v17 =	vld [tilespmem:s0+$0x30]  }
0x202: {  	v19 =	vmov s18  }
0x203: {  	v19 =	vshrl.u32 v19, $0x3  }
0x204: {  	v19 =	vshll.u32 v19, v1  }
0x205: {  	v19 =	vbroadcast v19, $0x0  }
0x206: {  	[tilespmem:v18+s28+$0x0] =	vst.idx.msk $0xffff, v17  }
0x207: {  	v18 =	vadd.s32 v5, v19;
	v17 =	vld [tilespmem:s0+$0x40];
	_ =	sdelay $0x4  }
0x208: {  	[tilespmem:v18+s28+$0x0] =	vst.idx.msk $0xffff, v17  }
0x209: {  	s6 =	simm.s32 $0xB;
	v18 =	vadd.s32 v6, v19;
	v17 =	vld [tilespmem:s0+$0x50]  }
0x20a: {  	v19 =	vmov s6  }
0x20b: {  	v19 =	vshrl.u32 v19, $0x3  }
0x20c: {  	v19 =	vshll.u32 v19, v1  }
0x20d: {  	v19 =	vbroadcast v19, $0x0  }
0x20e: {  	[tilespmem:v18+s28+$0x0] =	vst.idx.msk $0xffff, v17  }
0x20f: {  	v18 =	vadd.s32 v7, v19;
	v17 =	vld [tilespmem:s0+$0x60];
	_ =	sdelay $0x4  }
0x210: {  	[tilespmem:v18+s28+$0x0] =	vst.idx.msk $0xffff, v17  }
0x211: {  	s7 =	simm.s32 $0xC;
	v18 =	vadd.s32 v8, v19;
	v17 =	vld [tilespmem:s0+$0x70]  }
0x212: {  	v19 =	vmov s7  }
0x213: {  	v19 =	vshrl.u32 v19, $0x3  }
0x214: {  	v19 =	vshll.u32 v19, v1  }
0x215: {  	v19 =	vbroadcast v19, $0x0  }
0x216: {  	[tilespmem:v18+s28+$0x0] =	vst.idx.msk $0xffff, v17  }
0x217: {  	v18 =	vadd.s32 v9, v19;
	v17 =	vld [tilespmem:s0+$0x80];
	_ =	sdelay $0x4  }
0x218: {  	[tilespmem:v18+s28+$0x0] =	vst.idx.msk $0xffff, v17  }
0x219: {  	s8 =	simm.s32 $0xD;
	v18 =	vadd.s32 v10, v19;
	v17 =	vld [tilespmem:s0+$0x90]  }
0x21a: {  	v19 =	vmov s8  }
0x21b: {  	v19 =	vshrl.u32 v19, $0x3  }
0x21c: {  	v19 =	vshll.u32 v19, v1  }
0x21d: {  	v19 =	vbroadcast v19, $0x0  }
0x21e: {  	[tilespmem:v18+s28+$0x0] =	vst.idx.msk $0xffff, v17  }
0x21f: {  	v18 =	vadd.s32 v11, v19;
	v17 =	vld [tilespmem:s0+$0xA0];
	_ =	sdelay $0x4  }
0x220: {  	[tilespmem:v18+s28+$0x0] =	vst.idx.msk $0xffff, v17  }
0x221: {  	s10 =	simm.s32 $0xE;
	v18 =	vadd.s32 v12, v19;
	v17 =	vld [tilespmem:s0+$0xB0]  }
0x222: {  	v19 =	vmov s10  }
0x223: {  	v19 =	vshrl.u32 v19, $0x3  }
0x224: {  	v19 =	vshll.u32 v19, v1  }
0x225: {  	v19 =	vbroadcast v19, $0x0  }
0x226: {  	[tilespmem:v18+s28+$0x0] =	vst.idx.msk $0xffff, v17  }
0x227: {  	v18 =	vadd.s32 v13, v19;
	v17 =	vld [tilespmem:s0+$0xC0];
	_ =	sdelay $0x4  }
0x228: {  	[tilespmem:v18+s28+$0x0] =	vst.idx.msk $0xffff, v17  }
0x229: {  	s18 =	simm.s32 $0xF;
	v18 =	vadd.s32 v14, v19;
	v17 =	vld [tilespmem:s0+$0xD0]  }
0x22a: {  	v19 =	vmov s18  }
0x22b: {  	v19 =	vshrl.u32 v19, $0x3  }
0x22c: {  	v19 =	vshll.u32 v19, v1  }
0x22d: {  	v19 =	vbroadcast v19, $0x0  }
0x22e: {  	[tilespmem:v18+s28+$0x0] =	vst.idx.msk $0xffff, v17  }
0x22f: {  	v18 =	vadd.s32 v15, v19;
	v17 =	vld [tilespmem:s0+$0xE0];
	_ =	sdelay $0x4  }
0x230: {  	[tilespmem:v18+s28+$0x0] =	vst.idx.msk $0xffff, v17  }
0x231: {  	s1 =	simm.s32 $0x1F;
	s6 =	simm.s32 $0x2F;
	s7 =	simm.s32 $0x10;
	v18 =	vadd.s32 v16, v19;
	v17 =	vld [tilespmem:s0+$0xF0]  }
.LBB2_6:
0x232: {  	p0 =	sne.s32 s6, $0x1FF;
	v19 =	vmov s7  }
0x233: {  	v19 =	vshrl.u32 v19, $0x3  }
0x234: {  	v19 =	vshll.u32 v19, v1  }
0x235: {  	v19 =	vbroadcast v19, $0x0  }
0x236: {  	s0 =	sadd.s32 $0x200, s0;
	[tilespmem:v18+s28+$0x0] =	vst.idx.msk $0xffff, v17  }
0x237: {  	v17 =	vld [tilespmem:s0+$0xFFFFFF00];
	v18 =	vadd.s32 v0, v19;
	_ =	sdelay $0x4  }
0x238: {  	[tilespmem:v18+s28+$0x0] =	vst.idx.msk $0xffff, v17  }
0x239: {  	s7 =	sadd.s32 $0xFFFFFFF2, s1;
	v18 =	vadd.s32 v2, v19;
	v17 =	vld [tilespmem:s0+$0xFFFFFF10]  }
0x23a: {  	v19 =	vmov s7  }
0x23b: {  	v19 =	vshrl.u32 v19, $0x3  }
0x23c: {  	v19 =	vshll.u32 v19, v1  }
0x23d: {  	v19 =	vbroadcast v19, $0x0  }
0x23e: {  	[tilespmem:v18+s28+$0x0] =	vst.idx.msk $0xffff, v17  }
0x23f: {  	v18 =	vadd.s32 v3, v19;
	v17 =	vld [tilespmem:s0+$0xFFFFFF20];
	_ =	sdelay $0x4  }
0x240: {  	[tilespmem:v18+s28+$0x0] =	vst.idx.msk $0xffff, v17  }
0x241: {  	s7 =	sadd.s32 $0xFFFFFFF3, s1;
	v18 =	vadd.s32 v4, v19;
	v17 =	vld [tilespmem:s0+$0xFFFFFF30]  }
0x242: {  	v19 =	vmov s7  }
0x243: {  	v19 =	vshrl.u32 v19, $0x3  }
0x244: {  	v19 =	vshll.u32 v19, v1  }
0x245: {  	v19 =	vbroadcast v19, $0x0  }
0x246: {  	[tilespmem:v18+s28+$0x0] =	vst.idx.msk $0xffff, v17  }
0x247: {  	v18 =	vadd.s32 v5, v19;
	v17 =	vld [tilespmem:s0+$0xFFFFFF40];
	_ =	sdelay $0x4  }
0x248: {  	[tilespmem:v18+s28+$0x0] =	vst.idx.msk $0xffff, v17  }
0x249: {  	s7 =	sadd.s32 $0xFFFFFFF4, s1;
	v18 =	vadd.s32 v6, v19;
	v17 =	vld [tilespmem:s0+$0xFFFFFF50]  }
0x24a: {  	v19 =	vmov s7  }
0x24b: {  	v19 =	vshrl.u32 v19, $0x3  }
0x24c: {  	v19 =	vshll.u32 v19, v1  }
0x24d: {  	v19 =	vbroadcast v19, $0x0  }
0x24e: {  	[tilespmem:v18+s28+$0x0] =	vst.idx.msk $0xffff, v17  }
0x24f: {  	v18 =	vadd.s32 v7, v19;
	v17 =	vld [tilespmem:s0+$0xFFFFFF60];
	_ =	sdelay $0x4  }
0x250: {  	[tilespmem:v18+s28+$0x0] =	vst.idx.msk $0xffff, v17  }
0x251: {  	s7 =	sadd.s32 $0xFFFFFFF5, s1;
	v18 =	vadd.s32 v8, v19;
	v17 =	vld [tilespmem:s0+$0xFFFFFF70]  }
0x252: {  	v19 =	vmov s7  }
0x253: {  	v19 =	vshrl.u32 v19, $0x3  }
0x254: {  	v19 =	vshll.u32 v19, v1  }
0x255: {  	v19 =	vbroadcast v19, $0x0  }
0x256: {  	[tilespmem:v18+s28+$0x0] =	vst.idx.msk $0xffff, v17  }
0x257: {  	v18 =	vadd.s32 v9, v19;
	v17 =	vld [tilespmem:s0+$0xFFFFFF80];
	_ =	sdelay $0x4  }
0x258: {  	[tilespmem:v18+s28+$0x0] =	vst.idx.msk $0xffff, v17  }
0x259: {  	s7 =	sadd.s32 $0xFFFFFFF6, s1;
	v18 =	vadd.s32 v10, v19;
	v17 =	vld [tilespmem:s0+$0xFFFFFF90]  }
0x25a: {  	v19 =	vmov s7  }
0x25b: {  	v19 =	vshrl.u32 v19, $0x3  }
0x25c: {  	v19 =	vshll.u32 v19, v1  }
0x25d: {  	v19 =	vbroadcast v19, $0x0  }
0x25e: {  	[tilespmem:v18+s28+$0x0] =	vst.idx.msk $0xffff, v17  }
0x25f: {  	v18 =	vadd.s32 v11, v19;
	v17 =	vld [tilespmem:s0+$0xFFFFFFA0];
	_ =	sdelay $0x4  }
0x260: {  	[tilespmem:v18+s28+$0x0] =	vst.idx.msk $0xffff, v17  }
0x261: {  	s7 =	sadd.s32 $0xFFFFFFF7, s1;
	v18 =	vadd.s32 v12, v19;
	v17 =	vld [tilespmem:s0+$0xFFFFFFB0]  }
0x262: {  	v19 =	vmov s7  }
0x263: {  	v19 =	vshrl.u32 v19, $0x3  }
0x264: {  	v19 =	vshll.u32 v19, v1  }
0x265: {  	v19 =	vbroadcast v19, $0x0  }
0x266: {  	[tilespmem:v18+s28+$0x0] =	vst.idx.msk $0xffff, v17  }
0x267: {  	v18 =	vadd.s32 v13, v19;
	v17 =	vld [tilespmem:s0+$0xFFFFFFC0];
	_ =	sdelay $0x4  }
0x268: {  	[tilespmem:v18+s28+$0x0] =	vst.idx.msk $0xffff, v17  }
0x269: {  	s7 =	sadd.s32 $0xFFFFFFF8, s1;
	v18 =	vadd.s32 v14, v19;
	v17 =	vld [tilespmem:s0+$0xFFFFFFD0]  }
0x26a: {  	v19 =	vmov s7  }
0x26b: {  	v19 =	vshrl.u32 v19, $0x3  }
0x26c: {  	v19 =	vshll.u32 v19, v1  }
0x26d: {  	v19 =	vbroadcast v19, $0x0  }
0x26e: {  	[tilespmem:v18+s28+$0x0] =	vst.idx.msk $0xffff, v17  }
0x26f: {  	v18 =	vadd.s32 v15, v19;
	v17 =	vld [tilespmem:s0+$0xFFFFFFE0];
	_ =	sdelay $0x4  }
0x270: {  	[tilespmem:v18+s28+$0x0] =	vst.idx.msk $0xffff, v17  }
0x271: {  	s7 =	sadd.s32 $0xFFFFFFF9, s1;
	v18 =	vadd.s32 v16, v19;
	v17 =	vld [tilespmem:s0+$0xFFFFFFF0]  }
0x272: {  	v19 =	vmov s7  }
0x273: {  	v19 =	vshrl.u32 v19, $0x3  }
0x274: {  	v19 =	vshll.u32 v19, v1  }
0x275: {  	v19 =	vbroadcast v19, $0x0  }
0x276: {  	[tilespmem:v18+s28+$0x0] =	vst.idx.msk $0xffff, v17  }
0x277: {  	v18 =	vadd.s32 v0, v19;
	v17 =	vld [tilespmem:s0+$0x0];
	_ =	sdelay $0x4  }
0x278: {  	[tilespmem:v18+s28+$0x0] =	vst.idx.msk $0xffff, v17  }
0x279: {  	s7 =	sadd.s32 $0xFFFFFFFA, s1;
	v18 =	vadd.s32 v2, v19;
	v17 =	vld [tilespmem:s0+$0x10]  }
0x27a: {  	v19 =	vmov s7  }
0x27b: {  	v19 =	vshrl.u32 v19, $0x3  }
0x27c: {  	v19 =	vshll.u32 v19, v1  }
0x27d: {  	v19 =	vbroadcast v19, $0x0  }
0x27e: {  	[tilespmem:v18+s28+$0x0] =	vst.idx.msk $0xffff, v17  }
0x27f: {  	v18 =	vadd.s32 v3, v19;
	v17 =	vld [tilespmem:s0+$0x20];
	_ =	sdelay $0x4  }
0x280: {  	[tilespmem:v18+s28+$0x0] =	vst.idx.msk $0xffff, v17  }
0x281: {  	s7 =	sadd.s32 $0xFFFFFFFB, s1;
	v18 =	vadd.s32 v4, v19;
	v17 =	vld [tilespmem:s0+$0x30]  }
0x282: {  	v19 =	vmov s7  }
0x283: {  	v19 =	vshrl.u32 v19, $0x3  }
0x284: {  	v19 =	vshll.u32 v19, v1  }
0x285: {  	v19 =	vbroadcast v19, $0x0  }
0x286: {  	[tilespmem:v18+s28+$0x0] =	vst.idx.msk $0xffff, v17  }
0x287: {  	v18 =	vadd.s32 v5, v19;
	v17 =	vld [tilespmem:s0+$0x40];
	_ =	sdelay $0x4  }
0x288: {  	[tilespmem:v18+s28+$0x0] =	vst.idx.msk $0xffff, v17  }
0x289: {  	s7 =	sadd.s32 $0xFFFFFFFC, s1;
	v18 =	vadd.s32 v6, v19;
	v17 =	vld [tilespmem:s0+$0x50]  }
0x28a: {  	v19 =	vmov s7  }
0x28b: {  	v19 =	vshrl.u32 v19, $0x3  }
0x28c: {  	v19 =	vshll.u32 v19, v1  }
0x28d: {  	v19 =	vbroadcast v19, $0x0  }
0x28e: {  	[tilespmem:v18+s28+$0x0] =	vst.idx.msk $0xffff, v17  }
0x28f: {  	v18 =	vadd.s32 v7, v19;
	v17 =	vld [tilespmem:s0+$0x60];
	_ =	sdelay $0x4  }
0x290: {  	[tilespmem:v18+s28+$0x0] =	vst.idx.msk $0xffff, v17  }
0x291: {  	s7 =	sadd.s32 $0xFFFFFFFD, s1;
	v18 =	vadd.s32 v8, v19;
	v17 =	vld [tilespmem:s0+$0x70]  }
0x292: {  	v19 =	vmov s7  }
0x293: {  	v19 =	vshrl.u32 v19, $0x3  }
0x294: {  	v19 =	vshll.u32 v19, v1  }
0x295: {  	v19 =	vbroadcast v19, $0x0  }
0x296: {  	[tilespmem:v18+s28+$0x0] =	vst.idx.msk $0xffff, v17  }
0x297: {  	v18 =	vadd.s32 v9, v19;
	v17 =	vld [tilespmem:s0+$0x80];
	_ =	sdelay $0x4  }
0x298: {  	[tilespmem:v18+s28+$0x0] =	vst.idx.msk $0xffff, v17  }
0x299: {  	s7 =	sadd.s32 $0xFFFFFFFE, s1;
	v18 =	vadd.s32 v10, v19;
	v17 =	vld [tilespmem:s0+$0x90]  }
0x29a: {  	v19 =	vmov s7  }
0x29b: {  	v19 =	vshrl.u32 v19, $0x3  }
0x29c: {  	v19 =	vshll.u32 v19, v1  }
0x29d: {  	v19 =	vbroadcast v19, $0x0  }
0x29e: {  	[tilespmem:v18+s28+$0x0] =	vst.idx.msk $0xffff, v17  }
0x29f: {  	v18 =	vadd.s32 v11, v19;
	v17 =	vld [tilespmem:s0+$0xA0];
	_ =	sdelay $0x4  }
0x2a0: {  	[tilespmem:v18+s28+$0x0] =	vst.idx.msk $0xffff, v17  }
0x2a1: {  	s7 =	sadd.s32 $0xFFFFFFFF, s1;
	v18 =	vadd.s32 v12, v19;
	v17 =	vld [tilespmem:s0+$0xB0]  }
0x2a2: {  	v19 =	vmov s7  }
0x2a3: {  	v19 =	vshrl.u32 v19, $0x3  }
0x2a4: {  	v19 =	vshll.u32 v19, v1  }
0x2a5: {  	v19 =	vbroadcast v19, $0x0  }
0x2a6: {  	[tilespmem:v18+s28+$0x0] =	vst.idx.msk $0xffff, v17  }
0x2a7: {  	v18 =	vadd.s32 v13, v19;
	v17 =	vld [tilespmem:s0+$0xC0];
	_ =	sdelay $0x4  }
0x2a8: {  	[tilespmem:v18+s28+$0x0] =	vst.idx.msk $0xffff, v17  }
0x2a9: {  	v18 =	vadd.s32 v14, v19;
	v17 =	vld [tilespmem:s0+$0xD0]  }
0x2aa: {  	v19 =	vmov s1;
	s1 =	smov.u32 s6  }
0x2ab: {  	v19 =	vshrl.u32 v19, $0x3  }
0x2ac: {  	v19 =	vshll.u32 v19, v1  }
0x2ad: {  	v19 =	vbroadcast v19, $0x0  }
0x2ae: {  	[tilespmem:v18+s28+$0x0] =	vst.idx.msk $0xffff, v17  }
0x2af: {  	v18 =	vadd.s32 v15, v19;
	v17 =	vld [tilespmem:s0+$0xE0];
	_ =	sdelay $0x1  }
.Ltmp2:
0x2b0: {  	(pc) =	sbr.rel @p0 .LBB2_6-.Ltmp2, $3  }
0x2b1: {  	_ =	sdelay $0x1  }
0x2b2: {  	[tilespmem:v18+s28+$0x0] =	vst.idx.msk $0xffff, v17  }
0x2b3: {  	s6 =	sadd.s32 $0x10, s6;
	s7 =	sadd.s32 $0xFFFFFFF1, s1;
	v18 =	vadd.s32 v16, v19;
	v17 =	vld [tilespmem:s0+$0xF0]  }
0x2b4: {  	v19 =	vmov s7  }
0x2b5: {  	v19 =	vshrl.u32 v19, $0x3  }
0x2b6: {  	v19 =	vshll.u32 v19, v1  }
0x2b7: {  	v19 =	vbroadcast v19, $0x0  }
0x2b8: {  	s0 =	sadd.s32 $0x200, s0;
	[tilespmem:v18+s28+$0x0] =	vst.idx.msk $0xffff, v17  }
0x2b9: {  	v17 =	vld [tilespmem:s0+$0xFFFFFF00];
	v18 =	vadd.s32 v0, v19;
	_ =	sdelay $0x4  }
0x2ba: {  	[tilespmem:v18+s28+$0x0] =	vst.idx.msk $0xffff, v17  }
0x2bb: {  	s6 =	sadd.s32 $0xFFFFFFF2, s1;
	v18 =	vadd.s32 v2, v19;
	v17 =	vld [tilespmem:s0+$0xFFFFFF10]  }
0x2bc: {  	v19 =	vmov s6  }
0x2bd: {  	v19 =	vshrl.u32 v19, $0x3  }
0x2be: {  	v19 =	vshll.u32 v19, v1  }
0x2bf: {  	v19 =	vbroadcast v19, $0x0  }
0x2c0: {  	[tilespmem:v18+s28+$0x0] =	vst.idx.msk $0xffff, v17  }
0x2c1: {  	v18 =	vadd.s32 v3, v19;
	v17 =	vld [tilespmem:s0+$0xFFFFFF20];
	_ =	sdelay $0x4  }
0x2c2: {  	[tilespmem:v18+s28+$0x0] =	vst.idx.msk $0xffff, v17  }
0x2c3: {  	s18 =	sadd.s32 $0xFFFFFFF3, s1;
	v18 =	vadd.s32 v4, v19;
	v17 =	vld [tilespmem:s0+$0xFFFFFF30]  }
0x2c4: {  	v19 =	vmov s18  }
0x2c5: {  	v19 =	vshrl.u32 v19, $0x3  }
0x2c6: {  	v19 =	vshll.u32 v19, v1  }
0x2c7: {  	v19 =	vbroadcast v19, $0x0  }
0x2c8: {  	[tilespmem:v18+s28+$0x0] =	vst.idx.msk $0xffff, v17  }
0x2c9: {  	v18 =	vadd.s32 v5, v19;
	v17 =	vld [tilespmem:s0+$0xFFFFFF40];
	_ =	sdelay $0x4  }
0x2ca: {  	[tilespmem:v18+s28+$0x0] =	vst.idx.msk $0xffff, v17  }
0x2cb: {  	s7 =	sadd.s32 $0xFFFFFFF4, s1;
	v18 =	vadd.s32 v6, v19;
	v17 =	vld [tilespmem:s0+$0xFFFFFF50]  }
0x2cc: {  	v19 =	vmov s7  }
0x2cd: {  	v19 =	vshrl.u32 v19, $0x3  }
0x2ce: {  	v19 =	vshll.u32 v19, v1  }
0x2cf: {  	v19 =	vbroadcast v19, $0x0  }
0x2d0: {  	[tilespmem:v18+s28+$0x0] =	vst.idx.msk $0xffff, v17  }
0x2d1: {  	v18 =	vadd.s32 v7, v19;
	v17 =	vld [tilespmem:s0+$0xFFFFFF60];
	_ =	sdelay $0x4  }
0x2d2: {  	[tilespmem:v18+s28+$0x0] =	vst.idx.msk $0xffff, v17  }
0x2d3: {  	s8 =	sadd.s32 $0xFFFFFFF5, s1;
	v18 =	vadd.s32 v8, v19;
	v17 =	vld [tilespmem:s0+$0xFFFFFF70]  }
0x2d4: {  	v19 =	vmov s8  }
0x2d5: {  	v19 =	vshrl.u32 v19, $0x3  }
0x2d6: {  	v19 =	vshll.u32 v19, v1  }
0x2d7: {  	v19 =	vbroadcast v19, $0x0  }
0x2d8: {  	[tilespmem:v18+s28+$0x0] =	vst.idx.msk $0xffff, v17  }
0x2d9: {  	v18 =	vadd.s32 v9, v19;
	v17 =	vld [tilespmem:s0+$0xFFFFFF80];
	_ =	sdelay $0x4  }
0x2da: {  	[tilespmem:v18+s28+$0x0] =	vst.idx.msk $0xffff, v17  }
0x2db: {  	s10 =	sadd.s32 $0xFFFFFFF6, s1;
	v18 =	vadd.s32 v10, v19;
	v17 =	vld [tilespmem:s0+$0xFFFFFF90]  }
0x2dc: {  	v19 =	vmov s10  }
0x2dd: {  	v19 =	vshrl.u32 v19, $0x3  }
0x2de: {  	v19 =	vshll.u32 v19, v1  }
0x2df: {  	v19 =	vbroadcast v19, $0x0  }
0x2e0: {  	[tilespmem:v18+s28+$0x0] =	vst.idx.msk $0xffff, v17  }
0x2e1: {  	v18 =	vadd.s32 v11, v19;
	v17 =	vld [tilespmem:s0+$0xFFFFFFA0];
	_ =	sdelay $0x4  }
0x2e2: {  	[tilespmem:v18+s28+$0x0] =	vst.idx.msk $0xffff, v17  }
0x2e3: {  	s18 =	sadd.s32 $0xFFFFFFF7, s1;
	v18 =	vadd.s32 v12, v19;
	v17 =	vld [tilespmem:s0+$0xFFFFFFB0]  }
0x2e4: {  	v19 =	vmov s18  }
0x2e5: {  	v19 =	vshrl.u32 v19, $0x3  }
0x2e6: {  	v19 =	vshll.u32 v19, v1  }
0x2e7: {  	v19 =	vbroadcast v19, $0x0  }
0x2e8: {  	[tilespmem:v18+s28+$0x0] =	vst.idx.msk $0xffff, v17  }
0x2e9: {  	v18 =	vadd.s32 v13, v19;
	v17 =	vld [tilespmem:s0+$0xFFFFFFC0];
	_ =	sdelay $0x4  }
0x2ea: {  	[tilespmem:v18+s28+$0x0] =	vst.idx.msk $0xffff, v17  }
0x2eb: {  	s7 =	sadd.s32 $0xFFFFFFF8, s1;
	v18 =	vadd.s32 v14, v19;
	v17 =	vld [tilespmem:s0+$0xFFFFFFD0]  }
0x2ec: {  	v19 =	vmov s7  }
0x2ed: {  	v19 =	vshrl.u32 v19, $0x3  }
0x2ee: {  	v19 =	vshll.u32 v19, v1  }
0x2ef: {  	v19 =	vbroadcast v19, $0x0  }
0x2f0: {  	[tilespmem:v18+s28+$0x0] =	vst.idx.msk $0xffff, v17  }
0x2f1: {  	v18 =	vadd.s32 v15, v19;
	v17 =	vld [tilespmem:s0+$0xFFFFFFE0];
	_ =	sdelay $0x4  }
0x2f2: {  	[tilespmem:v18+s28+$0x0] =	vst.idx.msk $0xffff, v17  }
0x2f3: {  	s8 =	sadd.s32 $0xFFFFFFF9, s1;
	v18 =	vadd.s32 v16, v19;
	v17 =	vld [tilespmem:s0+$0xFFFFFFF0]  }
0x2f4: {  	v19 =	vmov s8  }
0x2f5: {  	v19 =	vshrl.u32 v19, $0x3  }
0x2f6: {  	v19 =	vshll.u32 v19, v1  }
0x2f7: {  	v19 =	vbroadcast v19, $0x0  }
0x2f8: {  	[tilespmem:v18+s28+$0x0] =	vst.idx.msk $0xffff, v17  }
0x2f9: {  	v18 =	vadd.s32 v0, v19;
	v17 =	vld [tilespmem:s0+$0x0];
	_ =	sdelay $0x4  }
0x2fa: {  	[tilespmem:v18+s28+$0x0] =	vst.idx.msk $0xffff, v17  }
0x2fb: {  	s10 =	sadd.s32 $0xFFFFFFFA, s1;
	v18 =	vadd.s32 v2, v19;
	v17 =	vld [tilespmem:s0+$0x10]  }
0x2fc: {  	v19 =	vmov s10  }
0x2fd: {  	v19 =	vshrl.u32 v19, $0x3  }
0x2fe: {  	v19 =	vshll.u32 v19, v1  }
0x2ff: {  	v19 =	vbroadcast v19, $0x0  }
0x300: {  	[tilespmem:v18+s28+$0x0] =	vst.idx.msk $0xffff, v17  }
0x301: {  	v18 =	vadd.s32 v3, v19;
	v17 =	vld [tilespmem:s0+$0x20];
	_ =	sdelay $0x4  }
0x302: {  	[tilespmem:v18+s28+$0x0] =	vst.idx.msk $0xffff, v17  }
0x303: {  	s18 =	sadd.s32 $0xFFFFFFFB, s1;
	v18 =	vadd.s32 v4, v19;
	v17 =	vld [tilespmem:s0+$0x30]  }
0x304: {  	v19 =	vmov s18  }
0x305: {  	v19 =	vshrl.u32 v19, $0x3  }
0x306: {  	v19 =	vshll.u32 v19, v1  }
0x307: {  	v19 =	vbroadcast v19, $0x0  }
0x308: {  	[tilespmem:v18+s28+$0x0] =	vst.idx.msk $0xffff, v17  }
0x309: {  	v18 =	vadd.s32 v5, v19;
	v17 =	vld [tilespmem:s0+$0x40];
	_ =	sdelay $0x4  }
0x30a: {  	[tilespmem:v18+s28+$0x0] =	vst.idx.msk $0xffff, v17  }
0x30b: {  	s7 =	sadd.s32 $0xFFFFFFFC, s1;
	v18 =	vadd.s32 v6, v19;
	v17 =	vld [tilespmem:s0+$0x50]  }
0x30c: {  	v19 =	vmov s7  }
0x30d: {  	v19 =	vshrl.u32 v19, $0x3  }
0x30e: {  	v19 =	vshll.u32 v19, v1  }
0x30f: {  	v19 =	vbroadcast v19, $0x0  }
0x310: {  	[tilespmem:v18+s28+$0x0] =	vst.idx.msk $0xffff, v17  }
0x311: {  	v18 =	vadd.s32 v7, v19;
	v17 =	vld [tilespmem:s0+$0x60];
	_ =	sdelay $0x4  }
0x312: {  	[tilespmem:v18+s28+$0x0] =	vst.idx.msk $0xffff, v17  }
0x313: {  	s8 =	sadd.s32 $0xFFFFFFFD, s1;
	v18 =	vadd.s32 v8, v19;
	v17 =	vld [tilespmem:s0+$0x70]  }
0x314: {  	v19 =	vmov s8  }
0x315: {  	v19 =	vshrl.u32 v19, $0x3  }
0x316: {  	v19 =	vshll.u32 v19, v1  }
0x317: {  	v19 =	vbroadcast v19, $0x0  }
0x318: {  	[tilespmem:v18+s28+$0x0] =	vst.idx.msk $0xffff, v17  }
0x319: {  	v18 =	vadd.s32 v9, v19;
	v17 =	vld [tilespmem:s0+$0x80];
	_ =	sdelay $0x4  }
0x31a: {  	[tilespmem:v18+s28+$0x0] =	vst.idx.msk $0xffff, v17  }
0x31b: {  	s10 =	sadd.s32 $0xFFFFFFFE, s1;
	v18 =	vadd.s32 v10, v19;
	v17 =	vld [tilespmem:s0+$0x90]  }
0x31c: {  	v19 =	vmov s10  }
0x31d: {  	v19 =	vshrl.u32 v19, $0x3  }
0x31e: {  	v19 =	vshll.u32 v19, v1  }
0x31f: {  	v19 =	vbroadcast v19, $0x0  }
0x320: {  	[tilespmem:v18+s28+$0x0] =	vst.idx.msk $0xffff, v17  }
0x321: {  	v18 =	vadd.s32 v11, v19;
	v17 =	vld [tilespmem:s0+$0xA0];
	_ =	sdelay $0x4  }
0x322: {  	[tilespmem:v18+s28+$0x0] =	vst.idx.msk $0xffff, v17  }
0x323: {  	s18 =	sadd.s32 $0xFFFFFFFF, s1;
	v18 =	vadd.s32 v12, v19;
	v17 =	vld [tilespmem:s0+$0xB0]  }
0x324: {  	v19 =	vmov s18  }
0x325: {  	v19 =	vshrl.u32 v19, $0x3  }
0x326: {  	v19 =	vshll.u32 v19, v1  }
0x327: {  	v19 =	vbroadcast v19, $0x0  }
0x328: {  	[tilespmem:v18+s28+$0x0] =	vst.idx.msk $0xffff, v17  }
0x329: {  	v18 =	vadd.s32 v13, v19;
	v17 =	vld [tilespmem:s0+$0xC0];
	_ =	sdelay $0x4  }
0x32a: {  	[tilespmem:v18+s28+$0x0] =	vst.idx.msk $0xffff, v17  }
0x32b: {  	v18 =	vadd.s32 v14, v19;
	v17 =	vld [tilespmem:s0+$0xD0]  }
0x32c: {  	v19 =	vmov s1  }
0x32d: {  	v19 =	vshrl.u32 v19, $0x3  }
0x32e: {  	v19 =	vshll.u32 v19, v1  }
0x32f: {  	v19 =	vbroadcast v19, $0x0  }
0x330: {  	[tilespmem:v18+s28+$0x0] =	vst.idx.msk $0xffff, v17  }
0x331: {  	v18 =	vadd.s32 v15, v19;
	v17 =	vld [tilespmem:s0+$0xE0];
	_ =	sdelay $0x4  }
0x332: {  	[tilespmem:v18+s28+$0x0] =	vst.idx.msk $0xffff, v17  }
0x333: {  	v18 =	vadd.s32 v16, v19;
	v17 =	vld [tilespmem:s0+$0xF0];
	_ =	sdelay $0x3  }
0x334: {  	s6 =	simm.s32 $0x200;
	s7 =	simm.s32 $0xC708  }
0x335: {  	s8 =	sadd.s32 $0x0, s11;
	s1 =	simm.s32 $0xC500;
	s0 =	simm.s32 $0x0;
	[tilespmem:v18+s28+$0x0] =	vst.idx.msk $0xffff, v17  }
.LBB2_8:
0x336: {  	[hbm4b:s8+s0] =	stream.linear.scatter [tilespmem:s1], [sflag:$0x6], $0x200, $0x38;
	[tilespmem:$0x10600] =	vst v63  }
0x337: {  	s8 =	smov.u32 s6;
	s1 =	smov.u32 s7;
	p0 =	sne.s32 s6, $0x3E00  }
.Ltmp3:
0x338: {  	s6 =	sadd.s32 $0x200, s6;
	(pc) =	sbr.rel @p0 .LBB2_8-.Ltmp3, $2  }
0x339: {  	_ =	sdelay $0x2  }
0x33a: {  	s7 =	sadd.s32 $0x208, s7;
	s8 =	sadd.s32 s8, s11  }
0x33b: {  	[hbm4b:s8+s0] =	stream.linear.scatter [tilespmem:s1], [sflag:$0x6], $0x200, $0x38;
	[tilespmem:$0x10600] =	vst v63  }
.LBB2_10:
0x33c: {  	_ =	swait.ge [sflag:s22], $0x200  }
0x33d: {  	s1 =	sshll.u32 s0, $0x1;
	[sflag:s22] =	ssyncset.done $0x0  }
0x33e: {  	s6 =	sadd.s32 s1, s13;
	[sflag:s22] =	ssyncadd.s32 $0xFFFFFE00  }
0x33f: {  	[tilespmem:s23], [sflag:$0x4] =	stream.indirect.gather [hbm4b:s4+s19], $0x20, s19, s19, $0xb8;
	[tilespmem:$0x10600] =	vst v63  }
0x340: {  	s6 =	sshll.u32 s6, $0x6;
	_ =	swait.ge [sflag:s24], $0x4000  }
0x341: {  	s7 =	simm.s32 $0x0;
	s6 =	sand.u32 $0x1FFFFF80, s6;
	[sflag:s24] =	ssyncset.done $0x0  }
0x342: {  	v17 =	vmov s7;
	s6 =	sadd.s32 s2, s6;
	[sflag:s24] =	ssyncadd.s32 $0xFFFFC000  }
0x343: {  	v17 =	vshrl.u32 v17, $0x3;
	[tilespmem:s3], [sflag:$0x1] =	stream.linear.gather [hbm4b:s6+s3], $0x200, $0x38;
	[tilespmem:$0x10600] =	vst v63  }
0x344: {  	v17 =	vshll.u32 v17, v1;
	_ =	swait.ge [sflag:s29], $0x4000  }
0x345: {  	v17 =	vbroadcast v17, $0x0;
	[sflag:s29] =	ssyncset.done $0x0  }
0x346: {  	s6 =	simm.s32 $0x500;
	[sflag:s29] =	ssyncadd.s32 $0xFFFFC000  }
0x347: {  	v19 =	vadd.s32 v0, v17;
	v18 =	vld [tilespmem:s6+$0xFFFFFF00];
	_ =	sdelay $0x4  }
0x348: {  	[tilespmem:v19+s25+$0x0] =	vst.idx.msk $0xffff, v18  }
0x349: {  	s8 =	simm.s32 $0x1;
	v17 =	vadd.s32 v2, v17;
	v18 =	vld [tilespmem:s6+$0xFFFFFF10]  }
0x34a: {  	v19 =	vmov s8  }
0x34b: {  	v19 =	vshrl.u32 v19, $0x3  }
0x34c: {  	v19 =	vshll.u32 v19, v1  }
0x34d: {  	v19 =	vbroadcast v19, $0x0  }
0x34e: {  	[tilespmem:v17+s25+$0x0] =	vst.idx.msk $0xffff, v18  }
0x34f: {  	v18 =	vadd.s32 v3, v19;
	v17 =	vld [tilespmem:s6+$0xFFFFFF20];
	_ =	sdelay $0x4  }
0x350: {  	[tilespmem:v18+s25+$0x0] =	vst.idx.msk $0xffff, v17  }
0x351: {  	s10 =	simm.s32 $0x2;
	v18 =	vadd.s32 v4, v19;
	v17 =	vld [tilespmem:s6+$0xFFFFFF30]  }
0x352: {  	v19 =	vmov s10  }
0x353: {  	v19 =	vshrl.u32 v19, $0x3  }
0x354: {  	v19 =	vshll.u32 v19, v1  }
0x355: {  	v19 =	vbroadcast v19, $0x0  }
0x356: {  	[tilespmem:v18+s25+$0x0] =	vst.idx.msk $0xffff, v17  }
0x357: {  	v18 =	vadd.s32 v5, v19;
	v17 =	vld [tilespmem:s6+$0xFFFFFF40];
	_ =	sdelay $0x4  }
0x358: {  	[tilespmem:v18+s25+$0x0] =	vst.idx.msk $0xffff, v17  }
0x359: {  	s18 =	simm.s32 $0x3;
	v18 =	vadd.s32 v6, v19;
	v17 =	vld [tilespmem:s6+$0xFFFFFF50]  }
0x35a: {  	v19 =	vmov s18  }
0x35b: {  	v19 =	vshrl.u32 v19, $0x3  }
0x35c: {  	v19 =	vshll.u32 v19, v1  }
0x35d: {  	v19 =	vbroadcast v19, $0x0  }
0x35e: {  	[tilespmem:v18+s25+$0x0] =	vst.idx.msk $0xffff, v17  }
0x35f: {  	v18 =	vadd.s32 v7, v19;
	v17 =	vld [tilespmem:s6+$0xFFFFFF60];
	_ =	sdelay $0x4  }
0x360: {  	[tilespmem:v18+s25+$0x0] =	vst.idx.msk $0xffff, v17  }
0x361: {  	s8 =	simm.s32 $0x4;
	v18 =	vadd.s32 v8, v19;
	v17 =	vld [tilespmem:s6+$0xFFFFFF70]  }
0x362: {  	v19 =	vmov s8  }
0x363: {  	v19 =	vshrl.u32 v19, $0x3  }
0x364: {  	v19 =	vshll.u32 v19, v1  }
0x365: {  	v19 =	vbroadcast v19, $0x0  }
0x366: {  	[tilespmem:v18+s25+$0x0] =	vst.idx.msk $0xffff, v17  }
0x367: {  	v18 =	vadd.s32 v9, v19;
	v17 =	vld [tilespmem:s6+$0xFFFFFF80];
	_ =	sdelay $0x4  }
0x368: {  	[tilespmem:v18+s25+$0x0] =	vst.idx.msk $0xffff, v17  }
0x369: {  	s10 =	simm.s32 $0x5;
	v18 =	vadd.s32 v10, v19;
	v17 =	vld [tilespmem:s6+$0xFFFFFF90]  }
0x36a: {  	v19 =	vmov s10  }
0x36b: {  	v19 =	vshrl.u32 v19, $0x3  }
0x36c: {  	v19 =	vshll.u32 v19, v1  }
0x36d: {  	v19 =	vbroadcast v19, $0x0  }
0x36e: {  	[tilespmem:v18+s25+$0x0] =	vst.idx.msk $0xffff, v17  }
0x36f: {  	v18 =	vadd.s32 v11, v19;
	v17 =	vld [tilespmem:s6+$0xFFFFFFA0];
	_ =	sdelay $0x4  }
0x370: {  	[tilespmem:v18+s25+$0x0] =	vst.idx.msk $0xffff, v17  }
0x371: {  	s18 =	simm.s32 $0x6;
	v18 =	vadd.s32 v12, v19;
	v17 =	vld [tilespmem:s6+$0xFFFFFFB0]  }
0x372: {  	v19 =	vmov s18  }
0x373: {  	v19 =	vshrl.u32 v19, $0x3  }
0x374: {  	v19 =	vshll.u32 v19, v1  }
0x375: {  	v19 =	vbroadcast v19, $0x0  }
0x376: {  	[tilespmem:v18+s25+$0x0] =	vst.idx.msk $0xffff, v17  }
0x377: {  	v18 =	vadd.s32 v13, v19;
	v17 =	vld [tilespmem:s6+$0xFFFFFFC0];
	_ =	sdelay $0x4  }
0x378: {  	[tilespmem:v18+s25+$0x0] =	vst.idx.msk $0xffff, v17  }
0x379: {  	s8 =	simm.s32 $0x7;
	v18 =	vadd.s32 v14, v19;
	v17 =	vld [tilespmem:s6+$0xFFFFFFD0]  }
0x37a: {  	v19 =	vmov s8  }
0x37b: {  	v19 =	vshrl.u32 v19, $0x3  }
0x37c: {  	v19 =	vshll.u32 v19, v1  }
0x37d: {  	v19 =	vbroadcast v19, $0x0  }
0x37e: {  	[tilespmem:v18+s25+$0x0] =	vst.idx.msk $0xffff, v17  }
0x37f: {  	v18 =	vadd.s32 v15, v19;
	v17 =	vld [tilespmem:s6+$0xFFFFFFE0];
	_ =	sdelay $0x4  }
0x380: {  	[tilespmem:v18+s25+$0x0] =	vst.idx.msk $0xffff, v17  }
0x381: {  	s10 =	simm.s32 $0x8;
	v18 =	vadd.s32 v16, v19;
	v17 =	vld [tilespmem:s6+$0xFFFFFFF0]  }
0x382: {  	v19 =	vmov s10  }
0x383: {  	v19 =	vshrl.u32 v19, $0x3  }
0x384: {  	v19 =	vshll.u32 v19, v1  }
0x385: {  	v19 =	vbroadcast v19, $0x0  }
0x386: {  	[tilespmem:v18+s25+$0x0] =	vst.idx.msk $0xffff, v17  }
0x387: {  	v18 =	vadd.s32 v0, v19;
	v17 =	vld [tilespmem:s6+$0x0];
	_ =	sdelay $0x4  }
0x388: {  	[tilespmem:v18+s25+$0x0] =	vst.idx.msk $0xffff, v17  }
0x389: {  	s18 =	simm.s32 $0x9;
	v18 =	vadd.s32 v2, v19;
	v17 =	vld [tilespmem:s6+$0x10]  }
0x38a: {  	v19 =	vmov s18  }
0x38b: {  	v19 =	vshrl.u32 v19, $0x3  }
0x38c: {  	v19 =	vshll.u32 v19, v1  }
0x38d: {  	v19 =	vbroadcast v19, $0x0  }
0x38e: {  	[tilespmem:v18+s25+$0x0] =	vst.idx.msk $0xffff, v17  }
0x38f: {  	v18 =	vadd.s32 v3, v19;
	v17 =	vld [tilespmem:s6+$0x20];
	_ =	sdelay $0x4  }
0x390: {  	[tilespmem:v18+s25+$0x0] =	vst.idx.msk $0xffff, v17  }
0x391: {  	s8 =	simm.s32 $0xA;
	v18 =	vadd.s32 v4, v19;
	v17 =	vld [tilespmem:s6+$0x30]  }
0x392: {  	v19 =	vmov s8  }
0x393: {  	v19 =	vshrl.u32 v19, $0x3  }
0x394: {  	v19 =	vshll.u32 v19, v1  }
0x395: {  	v19 =	vbroadcast v19, $0x0  }
0x396: {  	[tilespmem:v18+s25+$0x0] =	vst.idx.msk $0xffff, v17  }
0x397: {  	v18 =	vadd.s32 v5, v19;
	v17 =	vld [tilespmem:s6+$0x40];
	_ =	sdelay $0x4  }
0x398: {  	[tilespmem:v18+s25+$0x0] =	vst.idx.msk $0xffff, v17  }
0x399: {  	s10 =	simm.s32 $0xB;
	v18 =	vadd.s32 v6, v19;
	v17 =	vld [tilespmem:s6+$0x50]  }
0x39a: {  	v19 =	vmov s10  }
0x39b: {  	v19 =	vshrl.u32 v19, $0x3  }
0x39c: {  	v19 =	vshll.u32 v19, v1  }
0x39d: {  	v19 =	vbroadcast v19, $0x0  }
0x39e: {  	[tilespmem:v18+s25+$0x0] =	vst.idx.msk $0xffff, v17  }
0x39f: {  	v18 =	vadd.s32 v7, v19;
	v17 =	vld [tilespmem:s6+$0x60];
	_ =	sdelay $0x4  }
0x3a0: {  	[tilespmem:v18+s25+$0x0] =	vst.idx.msk $0xffff, v17  }
0x3a1: {  	s18 =	simm.s32 $0xC;
	v18 =	vadd.s32 v8, v19;
	v17 =	vld [tilespmem:s6+$0x70]  }
0x3a2: {  	v19 =	vmov s18  }
0x3a3: {  	v19 =	vshrl.u32 v19, $0x3  }
0x3a4: {  	v19 =	vshll.u32 v19, v1  }
0x3a5: {  	v19 =	vbroadcast v19, $0x0  }
0x3a6: {  	[tilespmem:v18+s25+$0x0] =	vst.idx.msk $0xffff, v17  }
0x3a7: {  	v18 =	vadd.s32 v9, v19;
	v17 =	vld [tilespmem:s6+$0x80];
	_ =	sdelay $0x4  }
0x3a8: {  	[tilespmem:v18+s25+$0x0] =	vst.idx.msk $0xffff, v17  }
0x3a9: {  	s8 =	simm.s32 $0xD;
	v18 =	vadd.s32 v10, v19;
	v17 =	vld [tilespmem:s6+$0x90]  }
0x3aa: {  	v19 =	vmov s8  }
0x3ab: {  	v19 =	vshrl.u32 v19, $0x3  }
0x3ac: {  	v19 =	vshll.u32 v19, v1  }
0x3ad: {  	v19 =	vbroadcast v19, $0x0  }
0x3ae: {  	[tilespmem:v18+s25+$0x0] =	vst.idx.msk $0xffff, v17  }
0x3af: {  	v18 =	vadd.s32 v11, v19;
	v17 =	vld [tilespmem:s6+$0xA0];
	_ =	sdelay $0x4  }
0x3b0: {  	[tilespmem:v18+s25+$0x0] =	vst.idx.msk $0xffff, v17  }
0x3b1: {  	s10 =	simm.s32 $0xE;
	v18 =	vadd.s32 v12, v19;
	v17 =	vld [tilespmem:s6+$0xB0]  }
0x3b2: {  	v19 =	vmov s10  }
0x3b3: {  	v19 =	vshrl.u32 v19, $0x3  }
0x3b4: {  	v19 =	vshll.u32 v19, v1  }
0x3b5: {  	v19 =	vbroadcast v19, $0x0  }
0x3b6: {  	[tilespmem:v18+s25+$0x0] =	vst.idx.msk $0xffff, v17  }
0x3b7: {  	v18 =	vadd.s32 v13, v19;
	v17 =	vld [tilespmem:s6+$0xC0];
	_ =	sdelay $0x4  }
0x3b8: {  	[tilespmem:v18+s25+$0x0] =	vst.idx.msk $0xffff, v17  }
0x3b9: {  	s18 =	simm.s32 $0xF;
	v18 =	vadd.s32 v14, v19;
	v17 =	vld [tilespmem:s6+$0xD0]  }
0x3ba: {  	v19 =	vmov s18  }
0x3bb: {  	v19 =	vshrl.u32 v19, $0x3  }
0x3bc: {  	v19 =	vshll.u32 v19, v1  }
0x3bd: {  	v19 =	vbroadcast v19, $0x0  }
0x3be: {  	[tilespmem:v18+s25+$0x0] =	vst.idx.msk $0xffff, v17  }
0x3bf: {  	v18 =	vadd.s32 v15, v19;
	v17 =	vld [tilespmem:s6+$0xE0];
	_ =	sdelay $0x4  }
0x3c0: {  	[tilespmem:v18+s25+$0x0] =	vst.idx.msk $0xffff, v17  }
0x3c1: {  	s7 =	simm.s32 $0x1F;
	s8 =	simm.s32 $0x2F;
	s10 =	simm.s32 $0x10;
	v18 =	vadd.s32 v16, v19;
	v17 =	vld [tilespmem:s6+$0xF0]  }
.LBB2_11:
0x3c2: {  	p0 =	sne.s32 s8, $0x1FF;
	v19 =	vmov s10  }
0x3c3: {  	v19 =	vshrl.u32 v19, $0x3  }
0x3c4: {  	v19 =	vshll.u32 v19, v1  }
0x3c5: {  	v19 =	vbroadcast v19, $0x0  }
0x3c6: {  	s6 =	sadd.s32 $0x200, s6;
	[tilespmem:v18+s25+$0x0] =	vst.idx.msk $0xffff, v17  }
0x3c7: {  	v17 =	vld [tilespmem:s6+$0xFFFFFF00];
	v18 =	vadd.s32 v0, v19;
	_ =	sdelay $0x4  }
0x3c8: {  	[tilespmem:v18+s25+$0x0] =	vst.idx.msk $0xffff, v17  }
0x3c9: {  	s10 =	sadd.s32 $0xFFFFFFF2, s7;
	v18 =	vadd.s32 v2, v19;
	v17 =	vld [tilespmem:s6+$0xFFFFFF10]  }
0x3ca: {  	v19 =	vmov s10  }
0x3cb: {  	v19 =	vshrl.u32 v19, $0x3  }
0x3cc: {  	v19 =	vshll.u32 v19, v1  }
0x3cd: {  	v19 =	vbroadcast v19, $0x0  }
0x3ce: {  	[tilespmem:v18+s25+$0x0] =	vst.idx.msk $0xffff, v17  }
0x3cf: {  	v18 =	vadd.s32 v3, v19;
	v17 =	vld [tilespmem:s6+$0xFFFFFF20];
	_ =	sdelay $0x4  }
0x3d0: {  	[tilespmem:v18+s25+$0x0] =	vst.idx.msk $0xffff, v17  }
0x3d1: {  	s10 =	sadd.s32 $0xFFFFFFF3, s7;
	v18 =	vadd.s32 v4, v19;
	v17 =	vld [tilespmem:s6+$0xFFFFFF30]  }
0x3d2: {  	v19 =	vmov s10  }
0x3d3: {  	v19 =	vshrl.u32 v19, $0x3  }
0x3d4: {  	v19 =	vshll.u32 v19, v1  }
0x3d5: {  	v19 =	vbroadcast v19, $0x0  }
0x3d6: {  	[tilespmem:v18+s25+$0x0] =	vst.idx.msk $0xffff, v17  }
0x3d7: {  	v18 =	vadd.s32 v5, v19;
	v17 =	vld [tilespmem:s6+$0xFFFFFF40];
	_ =	sdelay $0x4  }
0x3d8: {  	[tilespmem:v18+s25+$0x0] =	vst.idx.msk $0xffff, v17  }
0x3d9: {  	s10 =	sadd.s32 $0xFFFFFFF4, s7;
	v18 =	vadd.s32 v6, v19;
	v17 =	vld [tilespmem:s6+$0xFFFFFF50]  }
0x3da: {  	v19 =	vmov s10  }
0x3db: {  	v19 =	vshrl.u32 v19, $0x3  }
0x3dc: {  	v19 =	vshll.u32 v19, v1  }
0x3dd: {  	v19 =	vbroadcast v19, $0x0  }
0x3de: {  	[tilespmem:v18+s25+$0x0] =	vst.idx.msk $0xffff, v17  }
0x3df: {  	v18 =	vadd.s32 v7, v19;
	v17 =	vld [tilespmem:s6+$0xFFFFFF60];
	_ =	sdelay $0x4  }
0x3e0: {  	[tilespmem:v18+s25+$0x0] =	vst.idx.msk $0xffff, v17  }
0x3e1: {  	s10 =	sadd.s32 $0xFFFFFFF5, s7;
	v18 =	vadd.s32 v8, v19;
	v17 =	vld [tilespmem:s6+$0xFFFFFF70]  }
0x3e2: {  	v19 =	vmov s10  }
0x3e3: {  	v19 =	vshrl.u32 v19, $0x3  }
0x3e4: {  	v19 =	vshll.u32 v19, v1  }
0x3e5: {  	v19 =	vbroadcast v19, $0x0  }
0x3e6: {  	[tilespmem:v18+s25+$0x0] =	vst.idx.msk $0xffff, v17  }
0x3e7: {  	v18 =	vadd.s32 v9, v19;
	v17 =	vld [tilespmem:s6+$0xFFFFFF80];
	_ =	sdelay $0x4  }
0x3e8: {  	[tilespmem:v18+s25+$0x0] =	vst.idx.msk $0xffff, v17  }
0x3e9: {  	s10 =	sadd.s32 $0xFFFFFFF6, s7;
	v18 =	vadd.s32 v10, v19;
	v17 =	vld [tilespmem:s6+$0xFFFFFF90]  }
0x3ea: {  	v19 =	vmov s10  }
0x3eb: {  	v19 =	vshrl.u32 v19, $0x3  }
0x3ec: {  	v19 =	vshll.u32 v19, v1  }
0x3ed: {  	v19 =	vbroadcast v19, $0x0  }
0x3ee: {  	[tilespmem:v18+s25+$0x0] =	vst.idx.msk $0xffff, v17  }
0x3ef: {  	v18 =	vadd.s32 v11, v19;
	v17 =	vld [tilespmem:s6+$0xFFFFFFA0];
	_ =	sdelay $0x4  }
0x3f0: {  	[tilespmem:v18+s25+$0x0] =	vst.idx.msk $0xffff, v17  }
0x3f1: {  	s10 =	sadd.s32 $0xFFFFFFF7, s7;
	v18 =	vadd.s32 v12, v19;
	v17 =	vld [tilespmem:s6+$0xFFFFFFB0]  }
0x3f2: {  	v19 =	vmov s10  }
0x3f3: {  	v19 =	vshrl.u32 v19, $0x3  }
0x3f4: {  	v19 =	vshll.u32 v19, v1  }
0x3f5: {  	v19 =	vbroadcast v19, $0x0  }
0x3f6: {  	[tilespmem:v18+s25+$0x0] =	vst.idx.msk $0xffff, v17  }
0x3f7: {  	v18 =	vadd.s32 v13, v19;
	v17 =	vld [tilespmem:s6+$0xFFFFFFC0];
	_ =	sdelay $0x4  }
0x3f8: {  	[tilespmem:v18+s25+$0x0] =	vst.idx.msk $0xffff, v17  }
0x3f9: {  	s10 =	sadd.s32 $0xFFFFFFF8, s7;
	v18 =	vadd.s32 v14, v19;
	v17 =	vld [tilespmem:s6+$0xFFFFFFD0]  }
0x3fa: {  	v19 =	vmov s10  }
0x3fb: {  	v19 =	vshrl.u32 v19, $0x3  }
0x3fc: {  	v19 =	vshll.u32 v19, v1  }
0x3fd: {  	v19 =	vbroadcast v19, $0x0  }
0x3fe: {  	[tilespmem:v18+s25+$0x0] =	vst.idx.msk $0xffff, v17  }
0x3ff: {  	v18 =	vadd.s32 v15, v19;
	v17 =	vld [tilespmem:s6+$0xFFFFFFE0];
	_ =	sdelay $0x4  }
0x400: {  	[tilespmem:v18+s25+$0x0] =	vst.idx.msk $0xffff, v17  }
0x401: {  	s10 =	sadd.s32 $0xFFFFFFF9, s7;
	v18 =	vadd.s32 v16, v19;
	v17 =	vld [tilespmem:s6+$0xFFFFFFF0]  }
0x402: {  	v19 =	vmov s10  }
0x403: {  	v19 =	vshrl.u32 v19, $0x3  }
0x404: {  	v19 =	vshll.u32 v19, v1  }
0x405: {  	v19 =	vbroadcast v19, $0x0  }
0x406: {  	[tilespmem:v18+s25+$0x0] =	vst.idx.msk $0xffff, v17  }
0x407: {  	v18 =	vadd.s32 v0, v19;
	v17 =	vld [tilespmem:s6+$0x0];
	_ =	sdelay $0x4  }
0x408: {  	[tilespmem:v18+s25+$0x0] =	vst.idx.msk $0xffff, v17  }
0x409: {  	s10 =	sadd.s32 $0xFFFFFFFA, s7;
	v18 =	vadd.s32 v2, v19;
	v17 =	vld [tilespmem:s6+$0x10]  }
0x40a: {  	v19 =	vmov s10  }
0x40b: {  	v19 =	vshrl.u32 v19, $0x3  }
0x40c: {  	v19 =	vshll.u32 v19, v1  }
0x40d: {  	v19 =	vbroadcast v19, $0x0  }
0x40e: {  	[tilespmem:v18+s25+$0x0] =	vst.idx.msk $0xffff, v17  }
0x40f: {  	v18 =	vadd.s32 v3, v19;
	v17 =	vld [tilespmem:s6+$0x20];
	_ =	sdelay $0x4  }
0x410: {  	[tilespmem:v18+s25+$0x0] =	vst.idx.msk $0xffff, v17  }
0x411: {  	s10 =	sadd.s32 $0xFFFFFFFB, s7;
	v18 =	vadd.s32 v4, v19;
	v17 =	vld [tilespmem:s6+$0x30]  }
0x412: {  	v19 =	vmov s10  }
0x413: {  	v19 =	vshrl.u32 v19, $0x3  }
0x414: {  	v19 =	vshll.u32 v19, v1  }
0x415: {  	v19 =	vbroadcast v19, $0x0  }
0x416: {  	[tilespmem:v18+s25+$0x0] =	vst.idx.msk $0xffff, v17  }
0x417: {  	v18 =	vadd.s32 v5, v19;
	v17 =	vld [tilespmem:s6+$0x40];
	_ =	sdelay $0x4  }
0x418: {  	[tilespmem:v18+s25+$0x0] =	vst.idx.msk $0xffff, v17  }
0x419: {  	s10 =	sadd.s32 $0xFFFFFFFC, s7;
	v18 =	vadd.s32 v6, v19;
	v17 =	vld [tilespmem:s6+$0x50]  }
0x41a: {  	v19 =	vmov s10  }
0x41b: {  	v19 =	vshrl.u32 v19, $0x3  }
0x41c: {  	v19 =	vshll.u32 v19, v1  }
0x41d: {  	v19 =	vbroadcast v19, $0x0  }
0x41e: {  	[tilespmem:v18+s25+$0x0] =	vst.idx.msk $0xffff, v17  }
0x41f: {  	v18 =	vadd.s32 v7, v19;
	v17 =	vld [tilespmem:s6+$0x60];
	_ =	sdelay $0x4  }
0x420: {  	[tilespmem:v18+s25+$0x0] =	vst.idx.msk $0xffff, v17  }
0x421: {  	s10 =	sadd.s32 $0xFFFFFFFD, s7;
	v18 =	vadd.s32 v8, v19;
	v17 =	vld [tilespmem:s6+$0x70]  }
0x422: {  	v19 =	vmov s10  }
0x423: {  	v19 =	vshrl.u32 v19, $0x3  }
0x424: {  	v19 =	vshll.u32 v19, v1  }
0x425: {  	v19 =	vbroadcast v19, $0x0  }
0x426: {  	[tilespmem:v18+s25+$0x0] =	vst.idx.msk $0xffff, v17  }
0x427: {  	v18 =	vadd.s32 v9, v19;
	v17 =	vld [tilespmem:s6+$0x80];
	_ =	sdelay $0x4  }
0x428: {  	[tilespmem:v18+s25+$0x0] =	vst.idx.msk $0xffff, v17  }
0x429: {  	s10 =	sadd.s32 $0xFFFFFFFE, s7;
	v18 =	vadd.s32 v10, v19;
	v17 =	vld [tilespmem:s6+$0x90]  }
0x42a: {  	v19 =	vmov s10  }
0x42b: {  	v19 =	vshrl.u32 v19, $0x3  }
0x42c: {  	v19 =	vshll.u32 v19, v1  }
0x42d: {  	v19 =	vbroadcast v19, $0x0  }
0x42e: {  	[tilespmem:v18+s25+$0x0] =	vst.idx.msk $0xffff, v17  }
0x42f: {  	v18 =	vadd.s32 v11, v19;
	v17 =	vld [tilespmem:s6+$0xA0];
	_ =	sdelay $0x4  }
0x430: {  	[tilespmem:v18+s25+$0x0] =	vst.idx.msk $0xffff, v17  }
0x431: {  	s10 =	sadd.s32 $0xFFFFFFFF, s7;
	v18 =	vadd.s32 v12, v19;
	v17 =	vld [tilespmem:s6+$0xB0]  }
0x432: {  	v19 =	vmov s10  }
0x433: {  	v19 =	vshrl.u32 v19, $0x3  }
0x434: {  	v19 =	vshll.u32 v19, v1  }
0x435: {  	v19 =	vbroadcast v19, $0x0  }
0x436: {  	[tilespmem:v18+s25+$0x0] =	vst.idx.msk $0xffff, v17  }
0x437: {  	v18 =	vadd.s32 v13, v19;
	v17 =	vld [tilespmem:s6+$0xC0];
	_ =	sdelay $0x4  }
0x438: {  	[tilespmem:v18+s25+$0x0] =	vst.idx.msk $0xffff, v17  }
0x439: {  	v18 =	vadd.s32 v14, v19;
	v17 =	vld [tilespmem:s6+$0xD0]  }
0x43a: {  	v19 =	vmov s7;
	s7 =	smov.u32 s8  }
0x43b: {  	v19 =	vshrl.u32 v19, $0x3  }
0x43c: {  	v19 =	vshll.u32 v19, v1  }
0x43d: {  	v19 =	vbroadcast v19, $0x0  }
0x43e: {  	[tilespmem:v18+s25+$0x0] =	vst.idx.msk $0xffff, v17  }
0x43f: {  	v18 =	vadd.s32 v15, v19;
	v17 =	vld [tilespmem:s6+$0xE0];
	_ =	sdelay $0x1  }
.Ltmp4:
0x440: {  	(pc) =	sbr.rel @p0 .LBB2_11-.Ltmp4, $3  }
0x441: {  	_ =	sdelay $0x1  }
0x442: {  	[tilespmem:v18+s25+$0x0] =	vst.idx.msk $0xffff, v17  }
0x443: {  	s8 =	sadd.s32 $0x10, s8;
	s10 =	sadd.s32 $0xFFFFFFF1, s7;
	v18 =	vadd.s32 v16, v19;
	v17 =	vld [tilespmem:s6+$0xF0]  }
0x444: {  	v19 =	vmov s10  }
0x445: {  	v19 =	vshrl.u32 v19, $0x3  }
0x446: {  	v19 =	vshll.u32 v19, v1  }
0x447: {  	v19 =	vbroadcast v19, $0x0  }
0x448: {  	s6 =	sadd.s32 $0x200, s6;
	[tilespmem:v18+s25+$0x0] =	vst.idx.msk $0xffff, v17  }
0x449: {  	v17 =	vld [tilespmem:s6+$0xFFFFFF00];
	v18 =	vadd.s32 v0, v19;
	_ =	sdelay $0x4  }
0x44a: {  	[tilespmem:v18+s25+$0x0] =	vst.idx.msk $0xffff, v17  }
0x44b: {  	s8 =	sadd.s32 $0xFFFFFFF2, s7;
	v18 =	vadd.s32 v2, v19;
	v17 =	vld [tilespmem:s6+$0xFFFFFF10]  }
0x44c: {  	v19 =	vmov s8  }
0x44d: {  	v19 =	vshrl.u32 v19, $0x3  }
0x44e: {  	v19 =	vshll.u32 v19, v1  }
0x44f: {  	v19 =	vbroadcast v19, $0x0  }
0x450: {  	[tilespmem:v18+s25+$0x0] =	vst.idx.msk $0xffff, v17  }
0x451: {  	v18 =	vadd.s32 v3, v19;
	v17 =	vld [tilespmem:s6+$0xFFFFFF20];
	_ =	sdelay $0x4  }
0x452: {  	[tilespmem:v18+s25+$0x0] =	vst.idx.msk $0xffff, v17  }
0x453: {  	s18 =	sadd.s32 $0xFFFFFFF3, s7;
	v18 =	vadd.s32 v4, v19;
	v17 =	vld [tilespmem:s6+$0xFFFFFF30]  }
0x454: {  	v19 =	vmov s18  }
0x455: {  	v19 =	vshrl.u32 v19, $0x3  }
0x456: {  	v19 =	vshll.u32 v19, v1  }
0x457: {  	v19 =	vbroadcast v19, $0x0  }
0x458: {  	[tilespmem:v18+s25+$0x0] =	vst.idx.msk $0xffff, v17  }
0x459: {  	v18 =	vadd.s32 v5, v19;
	v17 =	vld [tilespmem:s6+$0xFFFFFF40];
	_ =	sdelay $0x4  }
0x45a: {  	[tilespmem:v18+s25+$0x0] =	vst.idx.msk $0xffff, v17  }
0x45b: {  	s10 =	sadd.s32 $0xFFFFFFF4, s7;
	v18 =	vadd.s32 v6, v19;
	v17 =	vld [tilespmem:s6+$0xFFFFFF50]  }
0x45c: {  	v19 =	vmov s10  }
0x45d: {  	v19 =	vshrl.u32 v19, $0x3  }
0x45e: {  	v19 =	vshll.u32 v19, v1  }
0x45f: {  	v19 =	vbroadcast v19, $0x0  }
0x460: {  	[tilespmem:v18+s25+$0x0] =	vst.idx.msk $0xffff, v17  }
0x461: {  	v18 =	vadd.s32 v7, v19;
	v17 =	vld [tilespmem:s6+$0xFFFFFF60];
	_ =	sdelay $0x4  }
0x462: {  	[tilespmem:v18+s25+$0x0] =	vst.idx.msk $0xffff, v17  }
0x463: {  	s18 =	sadd.s32 $0xFFFFFFF5, s7;
	v18 =	vadd.s32 v8, v19;
	v17 =	vld [tilespmem:s6+$0xFFFFFF70]  }
0x464: {  	v19 =	vmov s18  }
0x465: {  	v19 =	vshrl.u32 v19, $0x3  }
0x466: {  	v19 =	vshll.u32 v19, v1  }
0x467: {  	v19 =	vbroadcast v19, $0x0  }
0x468: {  	[tilespmem:v18+s25+$0x0] =	vst.idx.msk $0xffff, v17  }
0x469: {  	v18 =	vadd.s32 v9, v19;
	v17 =	vld [tilespmem:s6+$0xFFFFFF80];
	_ =	sdelay $0x4  }
0x46a: {  	[tilespmem:v18+s25+$0x0] =	vst.idx.msk $0xffff, v17  }
0x46b: {  	s10 =	sadd.s32 $0xFFFFFFF6, s7;
	v18 =	vadd.s32 v10, v19;
	v17 =	vld [tilespmem:s6+$0xFFFFFF90]  }
0x46c: {  	v19 =	vmov s10  }
0x46d: {  	v19 =	vshrl.u32 v19, $0x3  }
0x46e: {  	v19 =	vshll.u32 v19, v1  }
0x46f: {  	v19 =	vbroadcast v19, $0x0  }
0x470: {  	[tilespmem:v18+s25+$0x0] =	vst.idx.msk $0xffff, v17  }
0x471: {  	v18 =	vadd.s32 v11, v19;
	v17 =	vld [tilespmem:s6+$0xFFFFFFA0];
	_ =	sdelay $0x4  }
0x472: {  	[tilespmem:v18+s25+$0x0] =	vst.idx.msk $0xffff, v17  }
0x473: {  	s18 =	sadd.s32 $0xFFFFFFF7, s7;
	v18 =	vadd.s32 v12, v19;
	v17 =	vld [tilespmem:s6+$0xFFFFFFB0]  }
0x474: {  	v19 =	vmov s18  }
0x475: {  	v19 =	vshrl.u32 v19, $0x3  }
0x476: {  	v19 =	vshll.u32 v19, v1  }
0x477: {  	v19 =	vbroadcast v19, $0x0  }
0x478: {  	[tilespmem:v18+s25+$0x0] =	vst.idx.msk $0xffff, v17  }
0x479: {  	v18 =	vadd.s32 v13, v19;
	v17 =	vld [tilespmem:s6+$0xFFFFFFC0];
	_ =	sdelay $0x4  }
0x47a: {  	[tilespmem:v18+s25+$0x0] =	vst.idx.msk $0xffff, v17  }
0x47b: {  	s10 =	sadd.s32 $0xFFFFFFF8, s7;
	v18 =	vadd.s32 v14, v19;
	v17 =	vld [tilespmem:s6+$0xFFFFFFD0]  }
0x47c: {  	v19 =	vmov s10  }
0x47d: {  	v19 =	vshrl.u32 v19, $0x3  }
0x47e: {  	v19 =	vshll.u32 v19, v1  }
0x47f: {  	v19 =	vbroadcast v19, $0x0  }
0x480: {  	[tilespmem:v18+s25+$0x0] =	vst.idx.msk $0xffff, v17  }
0x481: {  	v18 =	vadd.s32 v15, v19;
	v17 =	vld [tilespmem:s6+$0xFFFFFFE0];
	_ =	sdelay $0x4  }
0x482: {  	[tilespmem:v18+s25+$0x0] =	vst.idx.msk $0xffff, v17  }
0x483: {  	s18 =	sadd.s32 $0xFFFFFFF9, s7;
	v18 =	vadd.s32 v16, v19;
	v17 =	vld [tilespmem:s6+$0xFFFFFFF0]  }
0x484: {  	v19 =	vmov s18  }
0x485: {  	v19 =	vshrl.u32 v19, $0x3  }
0x486: {  	v19 =	vshll.u32 v19, v1  }
0x487: {  	v19 =	vbroadcast v19, $0x0  }
0x488: {  	[tilespmem:v18+s25+$0x0] =	vst.idx.msk $0xffff, v17  }
0x489: {  	v18 =	vadd.s32 v0, v19;
	v17 =	vld [tilespmem:s6+$0x0];
	_ =	sdelay $0x4  }
0x48a: {  	[tilespmem:v18+s25+$0x0] =	vst.idx.msk $0xffff, v17  }
0x48b: {  	s10 =	sadd.s32 $0xFFFFFFFA, s7;
	v18 =	vadd.s32 v2, v19;
	v17 =	vld [tilespmem:s6+$0x10]  }
0x48c: {  	v19 =	vmov s10  }
0x48d: {  	v19 =	vshrl.u32 v19, $0x3  }
0x48e: {  	v19 =	vshll.u32 v19, v1  }
0x48f: {  	v19 =	vbroadcast v19, $0x0  }
0x490: {  	[tilespmem:v18+s25+$0x0] =	vst.idx.msk $0xffff, v17  }
0x491: {  	v18 =	vadd.s32 v3, v19;
	v17 =	vld [tilespmem:s6+$0x20];
	_ =	sdelay $0x4  }
0x492: {  	[tilespmem:v18+s25+$0x0] =	vst.idx.msk $0xffff, v17  }
0x493: {  	s18 =	sadd.s32 $0xFFFFFFFB, s7;
	v18 =	vadd.s32 v4, v19;
	v17 =	vld [tilespmem:s6+$0x30]  }
0x494: {  	v19 =	vmov s18  }
0x495: {  	v19 =	vshrl.u32 v19, $0x3  }
0x496: {  	v19 =	vshll.u32 v19, v1  }
0x497: {  	v19 =	vbroadcast v19, $0x0  }
0x498: {  	[tilespmem:v18+s25+$0x0] =	vst.idx.msk $0xffff, v17  }
0x499: {  	v18 =	vadd.s32 v5, v19;
	v17 =	vld [tilespmem:s6+$0x40];
	_ =	sdelay $0x4  }
0x49a: {  	[tilespmem:v18+s25+$0x0] =	vst.idx.msk $0xffff, v17  }
0x49b: {  	s10 =	sadd.s32 $0xFFFFFFFC, s7;
	v18 =	vadd.s32 v6, v19;
	v17 =	vld [tilespmem:s6+$0x50]  }
0x49c: {  	v19 =	vmov s10  }
0x49d: {  	v19 =	vshrl.u32 v19, $0x3  }
0x49e: {  	v19 =	vshll.u32 v19, v1  }
0x49f: {  	v19 =	vbroadcast v19, $0x0  }
0x4a0: {  	[tilespmem:v18+s25+$0x0] =	vst.idx.msk $0xffff, v17  }
0x4a1: {  	v18 =	vadd.s32 v7, v19;
	v17 =	vld [tilespmem:s6+$0x60];
	_ =	sdelay $0x4  }
0x4a2: {  	[tilespmem:v18+s25+$0x0] =	vst.idx.msk $0xffff, v17  }
0x4a3: {  	s18 =	sadd.s32 $0xFFFFFFFD, s7;
	v18 =	vadd.s32 v8, v19;
	v17 =	vld [tilespmem:s6+$0x70]  }
0x4a4: {  	v19 =	vmov s18  }
0x4a5: {  	v19 =	vshrl.u32 v19, $0x3  }
0x4a6: {  	v19 =	vshll.u32 v19, v1  }
0x4a7: {  	v19 =	vbroadcast v19, $0x0  }
0x4a8: {  	[tilespmem:v18+s25+$0x0] =	vst.idx.msk $0xffff, v17  }
0x4a9: {  	v18 =	vadd.s32 v9, v19;
	v17 =	vld [tilespmem:s6+$0x80];
	_ =	sdelay $0x4  }
0x4aa: {  	[tilespmem:v18+s25+$0x0] =	vst.idx.msk $0xffff, v17  }
0x4ab: {  	s10 =	sadd.s32 $0xFFFFFFFE, s7;
	v18 =	vadd.s32 v10, v19;
	v17 =	vld [tilespmem:s6+$0x90]  }
0x4ac: {  	v19 =	vmov s10  }
0x4ad: {  	v19 =	vshrl.u32 v19, $0x3  }
0x4ae: {  	v19 =	vshll.u32 v19, v1  }
0x4af: {  	v19 =	vbroadcast v19, $0x0  }
0x4b0: {  	[tilespmem:v18+s25+$0x0] =	vst.idx.msk $0xffff, v17  }
0x4b1: {  	v18 =	vadd.s32 v11, v19;
	v17 =	vld [tilespmem:s6+$0xA0];
	_ =	sdelay $0x4  }
0x4b2: {  	[tilespmem:v18+s25+$0x0] =	vst.idx.msk $0xffff, v17  }
0x4b3: {  	s18 =	sadd.s32 $0xFFFFFFFF, s7;
	v18 =	vadd.s32 v12, v19;
	v17 =	vld [tilespmem:s6+$0xB0]  }
0x4b4: {  	v19 =	vmov s18  }
0x4b5: {  	v19 =	vshrl.u32 v19, $0x3  }
0x4b6: {  	v19 =	vshll.u32 v19, v1  }
0x4b7: {  	v19 =	vbroadcast v19, $0x0  }
0x4b8: {  	[tilespmem:v18+s25+$0x0] =	vst.idx.msk $0xffff, v17  }
0x4b9: {  	v18 =	vadd.s32 v13, v19;
	v17 =	vld [tilespmem:s6+$0xC0];
	_ =	sdelay $0x4  }
0x4ba: {  	[tilespmem:v18+s25+$0x0] =	vst.idx.msk $0xffff, v17  }
0x4bb: {  	v18 =	vadd.s32 v14, v19;
	v17 =	vld [tilespmem:s6+$0xD0]  }
0x4bc: {  	v19 =	vmov s7  }
0x4bd: {  	v19 =	vshrl.u32 v19, $0x3  }
0x4be: {  	v19 =	vshll.u32 v19, v1  }
0x4bf: {  	v19 =	vbroadcast v19, $0x0  }
0x4c0: {  	[tilespmem:v18+s25+$0x0] =	vst.idx.msk $0xffff, v17  }
0x4c1: {  	v18 =	vadd.s32 v15, v19;
	v17 =	vld [tilespmem:s6+$0xE0];
	_ =	sdelay $0x4  }
0x4c2: {  	[tilespmem:v18+s25+$0x0] =	vst.idx.msk $0xffff, v17  }
0x4c3: {  	s10 =	sadd.s32 s1, s14;
	v18 =	vadd.s32 v16, v19;
	v17 =	vld [tilespmem:s6+$0xF0]  }
0x4c4: {  	s18 =	sshll.u32 s10, $0x6  }
0x4c5: {  	s7 =	sand.u32 $0x180, s18;
	s6 =	sshll.u32 s10, $0xB  }
0x4c6: {  	s7 =	sadd.s32 s5, s7;
	s6 =	sand.u32 $0xFFFC000, s6  }
0x4c7: {  	s8 =	simm.s32 $0x200;
	s6 =	sadd.s32 s6, s7  }
0x4c8: {  	s10 =	simm.s32 $0x8608;
	s7 =	simm.s32 $0x8400;
	s18 =	sadd.s32 $0x0, s6;
	[tilespmem:v18+s25+$0x0] =	vst.idx.msk $0xffff, v17  }
.LBB2_13:
0x4c9: {  	[hbm4b:s18+s3] =	stream.linear.scatter [tilespmem:s7], [sflag:$0x5], $0x200, $0x38;
	[tilespmem:$0x10600] =	vst v63  }
0x4ca: {  	s18 =	smov.u32 s8;
	s7 =	smov.u32 s10;
	p0 =	sne.s32 s8, $0x3E00  }
.Ltmp5:
0x4cb: {  	s8 =	sadd.s32 $0x200, s8;
	(pc) =	sbr.rel @p0 .LBB2_13-.Ltmp5, $2  }
0x4cc: {  	_ =	sdelay $0x2  }
0x4cd: {  	s10 =	sadd.s32 $0x208, s10;
	s18 =	sadd.s32 s18, s6  }
0x4ce: {  	[hbm4b:s18+s3] =	stream.linear.scatter [tilespmem:s7], [sflag:$0x5], $0x200, $0x38;
	[tilespmem:$0x10600] =	vst v63  }
0x4cf: {  	_ =	swait.ge [sflag:s20], $0x200  }
0x4d0: {  	[sflag:s20] =	ssyncset.done $0x0  }
0x4d1: {  	s6 =	sadd.s32 s1, s15;
	[sflag:s20] =	ssyncadd.s32 $0xFFFFFE00  }
0x4d2: {  	[tilespmem:s21], [sflag:$0x3] =	stream.indirect.gather [hbm4b:s4+s19], $0x20, s3, s19, $0xb8;
	[tilespmem:$0x10600] =	vst v63  }
0x4d3: {  	s6 =	sshll.u32 s6, $0x6;
	_ =	swait.ge [sflag:s26], $0x4000  }
0x4d4: {  	s18 =	simm.s32 $0x0;
	s6 =	sand.u32 $0x1FFFFFC0, s6;
	[sflag:s26] =	ssyncset.done $0x0  }
0x4d5: {  	v17 =	vmov s18;
	s6 =	sadd.s32 s2, s6;
	[sflag:s26] =	ssyncadd.s32 $0xFFFFC000  }
0x4d6: {  	v17 =	vshrl.u32 v17, $0x3;
	[tilespmem:s19], [sflag:$0x2] =	stream.linear.gather [hbm4b:s6+s3], $0x200, $0x38;
	[tilespmem:$0x10600] =	vst v63  }
0x4d7: {  	v17 =	vshll.u32 v17, v1;
	_ =	swait.ge [sflag:s30], $0x4000  }
0x4d8: {  	v17 =	vbroadcast v17, $0x0;
	[sflag:s30] =	ssyncset.done $0x0  }
0x4d9: {  	s6 =	simm.s32 $0x4500;
	[sflag:s30] =	ssyncadd.s32 $0xFFFFC000  }
0x4da: {  	v19 =	vadd.s32 v0, v17;
	v18 =	vld [tilespmem:s6+$0xFFFFFF00];
	_ =	sdelay $0x4  }
0x4db: {  	[tilespmem:v19+s28+$0x0] =	vst.idx.msk $0xffff, v18  }
0x4dc: {  	s8 =	simm.s32 $0x1;
	v17 =	vadd.s32 v2, v17;
	v18 =	vld [tilespmem:s6+$0xFFFFFF10]  }
0x4dd: {  	v19 =	vmov s8  }
0x4de: {  	v19 =	vshrl.u32 v19, $0x3  }
0x4df: {  	v19 =	vshll.u32 v19, v1  }
0x4e0: {  	v19 =	vbroadcast v19, $0x0  }
0x4e1: {  	[tilespmem:v17+s28+$0x0] =	vst.idx.msk $0xffff, v18  }
0x4e2: {  	v18 =	vadd.s32 v3, v19;
	v17 =	vld [tilespmem:s6+$0xFFFFFF20];
	_ =	sdelay $0x4  }
0x4e3: {  	[tilespmem:v18+s28+$0x0] =	vst.idx.msk $0xffff, v17  }
0x4e4: {  	s10 =	simm.s32 $0x2;
	v18 =	vadd.s32 v4, v19;
	v17 =	vld [tilespmem:s6+$0xFFFFFF30]  }
0x4e5: {  	v19 =	vmov s10  }
0x4e6: {  	v19 =	vshrl.u32 v19, $0x3  }
0x4e7: {  	v19 =	vshll.u32 v19, v1  }
0x4e8: {  	v19 =	vbroadcast v19, $0x0  }
0x4e9: {  	[tilespmem:v18+s28+$0x0] =	vst.idx.msk $0xffff, v17  }
0x4ea: {  	v18 =	vadd.s32 v5, v19;
	v17 =	vld [tilespmem:s6+$0xFFFFFF40];
	_ =	sdelay $0x4  }
0x4eb: {  	[tilespmem:v18+s28+$0x0] =	vst.idx.msk $0xffff, v17  }
0x4ec: {  	s18 =	simm.s32 $0x3;
	v18 =	vadd.s32 v6, v19;
	v17 =	vld [tilespmem:s6+$0xFFFFFF50]  }
0x4ed: {  	v19 =	vmov s18  }
0x4ee: {  	v19 =	vshrl.u32 v19, $0x3  }
0x4ef: {  	v19 =	vshll.u32 v19, v1  }
0x4f0: {  	v19 =	vbroadcast v19, $0x0  }
0x4f1: {  	[tilespmem:v18+s28+$0x0] =	vst.idx.msk $0xffff, v17  }
0x4f2: {  	v18 =	vadd.s32 v7, v19;
	v17 =	vld [tilespmem:s6+$0xFFFFFF60];
	_ =	sdelay $0x4  }
0x4f3: {  	[tilespmem:v18+s28+$0x0] =	vst.idx.msk $0xffff, v17  }
0x4f4: {  	s8 =	simm.s32 $0x4;
	v18 =	vadd.s32 v8, v19;
	v17 =	vld [tilespmem:s6+$0xFFFFFF70]  }
0x4f5: {  	v19 =	vmov s8  }
0x4f6: {  	v19 =	vshrl.u32 v19, $0x3  }
0x4f7: {  	v19 =	vshll.u32 v19, v1  }
0x4f8: {  	v19 =	vbroadcast v19, $0x0  }
0x4f9: {  	[tilespmem:v18+s28+$0x0] =	vst.idx.msk $0xffff, v17  }
0x4fa: {  	v18 =	vadd.s32 v9, v19;
	v17 =	vld [tilespmem:s6+$0xFFFFFF80];
	_ =	sdelay $0x4  }
0x4fb: {  	[tilespmem:v18+s28+$0x0] =	vst.idx.msk $0xffff, v17  }
0x4fc: {  	s10 =	simm.s32 $0x5;
	v18 =	vadd.s32 v10, v19;
	v17 =	vld [tilespmem:s6+$0xFFFFFF90]  }
0x4fd: {  	v19 =	vmov s10  }
0x4fe: {  	v19 =	vshrl.u32 v19, $0x3  }
0x4ff: {  	v19 =	vshll.u32 v19, v1  }
0x500: {  	v19 =	vbroadcast v19, $0x0  }
0x501: {  	[tilespmem:v18+s28+$0x0] =	vst.idx.msk $0xffff, v17  }
0x502: {  	v18 =	vadd.s32 v11, v19;
	v17 =	vld [tilespmem:s6+$0xFFFFFFA0];
	_ =	sdelay $0x4  }
0x503: {  	[tilespmem:v18+s28+$0x0] =	vst.idx.msk $0xffff, v17  }
0x504: {  	s18 =	simm.s32 $0x6;
	v18 =	vadd.s32 v12, v19;
	v17 =	vld [tilespmem:s6+$0xFFFFFFB0]  }
0x505: {  	v19 =	vmov s18  }
0x506: {  	v19 =	vshrl.u32 v19, $0x3  }
0x507: {  	v19 =	vshll.u32 v19, v1  }
0x508: {  	v19 =	vbroadcast v19, $0x0  }
0x509: {  	[tilespmem:v18+s28+$0x0] =	vst.idx.msk $0xffff, v17  }
0x50a: {  	v18 =	vadd.s32 v13, v19;
	v17 =	vld [tilespmem:s6+$0xFFFFFFC0];
	_ =	sdelay $0x4  }
0x50b: {  	[tilespmem:v18+s28+$0x0] =	vst.idx.msk $0xffff, v17  }
0x50c: {  	s8 =	simm.s32 $0x7;
	v18 =	vadd.s32 v14, v19;
	v17 =	vld [tilespmem:s6+$0xFFFFFFD0]  }
0x50d: {  	v19 =	vmov s8  }
0x50e: {  	v19 =	vshrl.u32 v19, $0x3  }
0x50f: {  	v19 =	vshll.u32 v19, v1  }
0x510: {  	v19 =	vbroadcast v19, $0x0  }
0x511: {  	[tilespmem:v18+s28+$0x0] =	vst.idx.msk $0xffff, v17  }
0x512: {  	v18 =	vadd.s32 v15, v19;
	v17 =	vld [tilespmem:s6+$0xFFFFFFE0];
	_ =	sdelay $0x4  }
0x513: {  	[tilespmem:v18+s28+$0x0] =	vst.idx.msk $0xffff, v17  }
0x514: {  	s10 =	simm.s32 $0x8;
	v18 =	vadd.s32 v16, v19;
	v17 =	vld [tilespmem:s6+$0xFFFFFFF0]  }
0x515: {  	v19 =	vmov s10  }
0x516: {  	v19 =	vshrl.u32 v19, $0x3  }
0x517: {  	v19 =	vshll.u32 v19, v1  }
0x518: {  	v19 =	vbroadcast v19, $0x0  }
0x519: {  	[tilespmem:v18+s28+$0x0] =	vst.idx.msk $0xffff, v17  }
0x51a: {  	v18 =	vadd.s32 v0, v19;
	v17 =	vld [tilespmem:s6+$0x0];
	_ =	sdelay $0x4  }
0x51b: {  	[tilespmem:v18+s28+$0x0] =	vst.idx.msk $0xffff, v17  }
0x51c: {  	s18 =	simm.s32 $0x9;
	v18 =	vadd.s32 v2, v19;
	v17 =	vld [tilespmem:s6+$0x10]  }
0x51d: {  	v19 =	vmov s18  }
0x51e: {  	v19 =	vshrl.u32 v19, $0x3  }
0x51f: {  	v19 =	vshll.u32 v19, v1  }
0x520: {  	v19 =	vbroadcast v19, $0x0  }
0x521: {  	[tilespmem:v18+s28+$0x0] =	vst.idx.msk $0xffff, v17  }
0x522: {  	v18 =	vadd.s32 v3, v19;
	v17 =	vld [tilespmem:s6+$0x20];
	_ =	sdelay $0x4  }
0x523: {  	[tilespmem:v18+s28+$0x0] =	vst.idx.msk $0xffff, v17  }
0x524: {  	s8 =	simm.s32 $0xA;
	v18 =	vadd.s32 v4, v19;
	v17 =	vld [tilespmem:s6+$0x30]  }
0x525: {  	v19 =	vmov s8  }
0x526: {  	v19 =	vshrl.u32 v19, $0x3  }
0x527: {  	v19 =	vshll.u32 v19, v1  }
0x528: {  	v19 =	vbroadcast v19, $0x0  }
0x529: {  	[tilespmem:v18+s28+$0x0] =	vst.idx.msk $0xffff, v17  }
0x52a: {  	v18 =	vadd.s32 v5, v19;
	v17 =	vld [tilespmem:s6+$0x40];
	_ =	sdelay $0x4  }
0x52b: {  	[tilespmem:v18+s28+$0x0] =	vst.idx.msk $0xffff, v17  }
0x52c: {  	s10 =	simm.s32 $0xB;
	v18 =	vadd.s32 v6, v19;
	v17 =	vld [tilespmem:s6+$0x50]  }
0x52d: {  	v19 =	vmov s10  }
0x52e: {  	v19 =	vshrl.u32 v19, $0x3  }
0x52f: {  	v19 =	vshll.u32 v19, v1  }
0x530: {  	v19 =	vbroadcast v19, $0x0  }
0x531: {  	[tilespmem:v18+s28+$0x0] =	vst.idx.msk $0xffff, v17  }
0x532: {  	v18 =	vadd.s32 v7, v19;
	v17 =	vld [tilespmem:s6+$0x60];
	_ =	sdelay $0x4  }
0x533: {  	[tilespmem:v18+s28+$0x0] =	vst.idx.msk $0xffff, v17  }
0x534: {  	s18 =	simm.s32 $0xC;
	v18 =	vadd.s32 v8, v19;
	v17 =	vld [tilespmem:s6+$0x70]  }
0x535: {  	v19 =	vmov s18  }
0x536: {  	v19 =	vshrl.u32 v19, $0x3  }
0x537: {  	v19 =	vshll.u32 v19, v1  }
0x538: {  	v19 =	vbroadcast v19, $0x0  }
0x539: {  	[tilespmem:v18+s28+$0x0] =	vst.idx.msk $0xffff, v17  }
0x53a: {  	v18 =	vadd.s32 v9, v19;
	v17 =	vld [tilespmem:s6+$0x80];
	_ =	sdelay $0x4  }
0x53b: {  	[tilespmem:v18+s28+$0x0] =	vst.idx.msk $0xffff, v17  }
0x53c: {  	s8 =	simm.s32 $0xD;
	v18 =	vadd.s32 v10, v19;
	v17 =	vld [tilespmem:s6+$0x90]  }
0x53d: {  	v19 =	vmov s8  }
0x53e: {  	v19 =	vshrl.u32 v19, $0x3  }
0x53f: {  	v19 =	vshll.u32 v19, v1  }
0x540: {  	v19 =	vbroadcast v19, $0x0  }
0x541: {  	[tilespmem:v18+s28+$0x0] =	vst.idx.msk $0xffff, v17  }
0x542: {  	v18 =	vadd.s32 v11, v19;
	v17 =	vld [tilespmem:s6+$0xA0];
	_ =	sdelay $0x4  }
0x543: {  	[tilespmem:v18+s28+$0x0] =	vst.idx.msk $0xffff, v17  }
0x544: {  	s10 =	simm.s32 $0xE;
	v18 =	vadd.s32 v12, v19;
	v17 =	vld [tilespmem:s6+$0xB0]  }
0x545: {  	v19 =	vmov s10  }
0x546: {  	v19 =	vshrl.u32 v19, $0x3  }
0x547: {  	v19 =	vshll.u32 v19, v1  }
0x548: {  	v19 =	vbroadcast v19, $0x0  }
0x549: {  	[tilespmem:v18+s28+$0x0] =	vst.idx.msk $0xffff, v17  }
0x54a: {  	v18 =	vadd.s32 v13, v19;
	v17 =	vld [tilespmem:s6+$0xC0];
	_ =	sdelay $0x4  }
0x54b: {  	[tilespmem:v18+s28+$0x0] =	vst.idx.msk $0xffff, v17  }
0x54c: {  	s18 =	simm.s32 $0xF;
	v18 =	vadd.s32 v14, v19;
	v17 =	vld [tilespmem:s6+$0xD0]  }
0x54d: {  	v19 =	vmov s18  }
0x54e: {  	v19 =	vshrl.u32 v19, $0x3  }
0x54f: {  	v19 =	vshll.u32 v19, v1  }
0x550: {  	v19 =	vbroadcast v19, $0x0  }
0x551: {  	[tilespmem:v18+s28+$0x0] =	vst.idx.msk $0xffff, v17  }
0x552: {  	v18 =	vadd.s32 v15, v19;
	v17 =	vld [tilespmem:s6+$0xE0];
	_ =	sdelay $0x4  }
0x553: {  	[tilespmem:v18+s28+$0x0] =	vst.idx.msk $0xffff, v17  }
0x554: {  	s7 =	simm.s32 $0x1F;
	s8 =	simm.s32 $0x2F;
	s10 =	simm.s32 $0x10;
	v18 =	vadd.s32 v16, v19;
	v17 =	vld [tilespmem:s6+$0xF0]  }
.LBB2_15:
0x555: {  	p0 =	sne.s32 s8, $0x1FF;
	v19 =	vmov s10  }
0x556: {  	v19 =	vshrl.u32 v19, $0x3  }
0x557: {  	v19 =	vshll.u32 v19, v1  }
0x558: {  	v19 =	vbroadcast v19, $0x0  }
0x559: {  	s6 =	sadd.s32 $0x200, s6;
	[tilespmem:v18+s28+$0x0] =	vst.idx.msk $0xffff, v17  }
0x55a: {  	v17 =	vld [tilespmem:s6+$0xFFFFFF00];
	v18 =	vadd.s32 v0, v19;
	_ =	sdelay $0x4  }
0x55b: {  	[tilespmem:v18+s28+$0x0] =	vst.idx.msk $0xffff, v17  }
0x55c: {  	s10 =	sadd.s32 $0xFFFFFFF2, s7;
	v18 =	vadd.s32 v2, v19;
	v17 =	vld [tilespmem:s6+$0xFFFFFF10]  }
0x55d: {  	v19 =	vmov s10  }
0x55e: {  	v19 =	vshrl.u32 v19, $0x3  }
0x55f: {  	v19 =	vshll.u32 v19, v1  }
0x560: {  	v19 =	vbroadcast v19, $0x0  }
0x561: {  	[tilespmem:v18+s28+$0x0] =	vst.idx.msk $0xffff, v17  }
0x562: {  	v18 =	vadd.s32 v3, v19;
	v17 =	vld [tilespmem:s6+$0xFFFFFF20];
	_ =	sdelay $0x4  }
0x563: {  	[tilespmem:v18+s28+$0x0] =	vst.idx.msk $0xffff, v17  }
0x564: {  	s10 =	sadd.s32 $0xFFFFFFF3, s7;
	v18 =	vadd.s32 v4, v19;
	v17 =	vld [tilespmem:s6+$0xFFFFFF30]  }
0x565: {  	v19 =	vmov s10  }
0x566: {  	v19 =	vshrl.u32 v19, $0x3  }
0x567: {  	v19 =	vshll.u32 v19, v1  }
0x568: {  	v19 =	vbroadcast v19, $0x0  }
0x569: {  	[tilespmem:v18+s28+$0x0] =	vst.idx.msk $0xffff, v17  }
0x56a: {  	v18 =	vadd.s32 v5, v19;
	v17 =	vld [tilespmem:s6+$0xFFFFFF40];
	_ =	sdelay $0x4  }
0x56b: {  	[tilespmem:v18+s28+$0x0] =	vst.idx.msk $0xffff, v17  }
0x56c: {  	s10 =	sadd.s32 $0xFFFFFFF4, s7;
	v18 =	vadd.s32 v6, v19;
	v17 =	vld [tilespmem:s6+$0xFFFFFF50]  }
0x56d: {  	v19 =	vmov s10  }
0x56e: {  	v19 =	vshrl.u32 v19, $0x3  }
0x56f: {  	v19 =	vshll.u32 v19, v1  }
0x570: {  	v19 =	vbroadcast v19, $0x0  }
0x571: {  	[tilespmem:v18+s28+$0x0] =	vst.idx.msk $0xffff, v17  }
0x572: {  	v18 =	vadd.s32 v7, v19;
	v17 =	vld [tilespmem:s6+$0xFFFFFF60];
	_ =	sdelay $0x4  }
0x573: {  	[tilespmem:v18+s28+$0x0] =	vst.idx.msk $0xffff, v17  }
0x574: {  	s10 =	sadd.s32 $0xFFFFFFF5, s7;
	v18 =	vadd.s32 v8, v19;
	v17 =	vld [tilespmem:s6+$0xFFFFFF70]  }
0x575: {  	v19 =	vmov s10  }
0x576: {  	v19 =	vshrl.u32 v19, $0x3  }
0x577: {  	v19 =	vshll.u32 v19, v1  }
0x578: {  	v19 =	vbroadcast v19, $0x0  }
0x579: {  	[tilespmem:v18+s28+$0x0] =	vst.idx.msk $0xffff, v17  }
0x57a: {  	v18 =	vadd.s32 v9, v19;
	v17 =	vld [tilespmem:s6+$0xFFFFFF80];
	_ =	sdelay $0x4  }
0x57b: {  	[tilespmem:v18+s28+$0x0] =	vst.idx.msk $0xffff, v17  }
0x57c: {  	s10 =	sadd.s32 $0xFFFFFFF6, s7;
	v18 =	vadd.s32 v10, v19;
	v17 =	vld [tilespmem:s6+$0xFFFFFF90]  }
0x57d: {  	v19 =	vmov s10  }
0x57e: {  	v19 =	vshrl.u32 v19, $0x3  }
0x57f: {  	v19 =	vshll.u32 v19, v1  }
0x580: {  	v19 =	vbroadcast v19, $0x0  }
0x581: {  	[tilespmem:v18+s28+$0x0] =	vst.idx.msk $0xffff, v17  }
0x582: {  	v18 =	vadd.s32 v11, v19;
	v17 =	vld [tilespmem:s6+$0xFFFFFFA0];
	_ =	sdelay $0x4  }
0x583: {  	[tilespmem:v18+s28+$0x0] =	vst.idx.msk $0xffff, v17  }
0x584: {  	s10 =	sadd.s32 $0xFFFFFFF7, s7;
	v18 =	vadd.s32 v12, v19;
	v17 =	vld [tilespmem:s6+$0xFFFFFFB0]  }
0x585: {  	v19 =	vmov s10  }
0x586: {  	v19 =	vshrl.u32 v19, $0x3  }
0x587: {  	v19 =	vshll.u32 v19, v1  }
0x588: {  	v19 =	vbroadcast v19, $0x0  }
0x589: {  	[tilespmem:v18+s28+$0x0] =	vst.idx.msk $0xffff, v17  }
0x58a: {  	v18 =	vadd.s32 v13, v19;
	v17 =	vld [tilespmem:s6+$0xFFFFFFC0];
	_ =	sdelay $0x4  }
0x58b: {  	[tilespmem:v18+s28+$0x0] =	vst.idx.msk $0xffff, v17  }
0x58c: {  	s10 =	sadd.s32 $0xFFFFFFF8, s7;
	v18 =	vadd.s32 v14, v19;
	v17 =	vld [tilespmem:s6+$0xFFFFFFD0]  }
0x58d: {  	v19 =	vmov s10  }
0x58e: {  	v19 =	vshrl.u32 v19, $0x3  }
0x58f: {  	v19 =	vshll.u32 v19, v1  }
0x590: {  	v19 =	vbroadcast v19, $0x0  }
0x591: {  	[tilespmem:v18+s28+$0x0] =	vst.idx.msk $0xffff, v17  }
0x592: {  	v18 =	vadd.s32 v15, v19;
	v17 =	vld [tilespmem:s6+$0xFFFFFFE0];
	_ =	sdelay $0x4  }
0x593: {  	[tilespmem:v18+s28+$0x0] =	vst.idx.msk $0xffff, v17  }
0x594: {  	s10 =	sadd.s32 $0xFFFFFFF9, s7;
	v18 =	vadd.s32 v16, v19;
	v17 =	vld [tilespmem:s6+$0xFFFFFFF0]  }
0x595: {  	v19 =	vmov s10  }
0x596: {  	v19 =	vshrl.u32 v19, $0x3  }
0x597: {  	v19 =	vshll.u32 v19, v1  }
0x598: {  	v19 =	vbroadcast v19, $0x0  }
0x599: {  	[tilespmem:v18+s28+$0x0] =	vst.idx.msk $0xffff, v17  }
0x59a: {  	v18 =	vadd.s32 v0, v19;
	v17 =	vld [tilespmem:s6+$0x0];
	_ =	sdelay $0x4  }
0x59b: {  	[tilespmem:v18+s28+$0x0] =	vst.idx.msk $0xffff, v17  }
0x59c: {  	s10 =	sadd.s32 $0xFFFFFFFA, s7;
	v18 =	vadd.s32 v2, v19;
	v17 =	vld [tilespmem:s6+$0x10]  }
0x59d: {  	v19 =	vmov s10  }
0x59e: {  	v19 =	vshrl.u32 v19, $0x3  }
0x59f: {  	v19 =	vshll.u32 v19, v1  }
0x5a0: {  	v19 =	vbroadcast v19, $0x0  }
0x5a1: {  	[tilespmem:v18+s28+$0x0] =	vst.idx.msk $0xffff, v17  }
0x5a2: {  	v18 =	vadd.s32 v3, v19;
	v17 =	vld [tilespmem:s6+$0x20];
	_ =	sdelay $0x4  }
0x5a3: {  	[tilespmem:v18+s28+$0x0] =	vst.idx.msk $0xffff, v17  }
0x5a4: {  	s10 =	sadd.s32 $0xFFFFFFFB, s7;
	v18 =	vadd.s32 v4, v19;
	v17 =	vld [tilespmem:s6+$0x30]  }
0x5a5: {  	v19 =	vmov s10  }
0x5a6: {  	v19 =	vshrl.u32 v19, $0x3  }
0x5a7: {  	v19 =	vshll.u32 v19, v1  }
0x5a8: {  	v19 =	vbroadcast v19, $0x0  }
0x5a9: {  	[tilespmem:v18+s28+$0x0] =	vst.idx.msk $0xffff, v17  }
0x5aa: {  	v18 =	vadd.s32 v5, v19;
	v17 =	vld [tilespmem:s6+$0x40];
	_ =	sdelay $0x4  }
0x5ab: {  	[tilespmem:v18+s28+$0x0] =	vst.idx.msk $0xffff, v17  }
0x5ac: {  	s10 =	sadd.s32 $0xFFFFFFFC, s7;
	v18 =	vadd.s32 v6, v19;
	v17 =	vld [tilespmem:s6+$0x50]  }
0x5ad: {  	v19 =	vmov s10  }
0x5ae: {  	v19 =	vshrl.u32 v19, $0x3  }
0x5af: {  	v19 =	vshll.u32 v19, v1  }
0x5b0: {  	v19 =	vbroadcast v19, $0x0  }
0x5b1: {  	[tilespmem:v18+s28+$0x0] =	vst.idx.msk $0xffff, v17  }
0x5b2: {  	v18 =	vadd.s32 v7, v19;
	v17 =	vld [tilespmem:s6+$0x60];
	_ =	sdelay $0x4  }
0x5b3: {  	[tilespmem:v18+s28+$0x0] =	vst.idx.msk $0xffff, v17  }
0x5b4: {  	s10 =	sadd.s32 $0xFFFFFFFD, s7;
	v18 =	vadd.s32 v8, v19;
	v17 =	vld [tilespmem:s6+$0x70]  }
0x5b5: {  	v19 =	vmov s10  }
0x5b6: {  	v19 =	vshrl.u32 v19, $0x3  }
0x5b7: {  	v19 =	vshll.u32 v19, v1  }
0x5b8: {  	v19 =	vbroadcast v19, $0x0  }
0x5b9: {  	[tilespmem:v18+s28+$0x0] =	vst.idx.msk $0xffff, v17  }
0x5ba: {  	v18 =	vadd.s32 v9, v19;
	v17 =	vld [tilespmem:s6+$0x80];
	_ =	sdelay $0x4  }
0x5bb: {  	[tilespmem:v18+s28+$0x0] =	vst.idx.msk $0xffff, v17  }
0x5bc: {  	s10 =	sadd.s32 $0xFFFFFFFE, s7;
	v18 =	vadd.s32 v10, v19;
	v17 =	vld [tilespmem:s6+$0x90]  }
0x5bd: {  	v19 =	vmov s10  }
0x5be: {  	v19 =	vshrl.u32 v19, $0x3  }
0x5bf: {  	v19 =	vshll.u32 v19, v1  }
0x5c0: {  	v19 =	vbroadcast v19, $0x0  }
0x5c1: {  	[tilespmem:v18+s28+$0x0] =	vst.idx.msk $0xffff, v17  }
0x5c2: {  	v18 =	vadd.s32 v11, v19;
	v17 =	vld [tilespmem:s6+$0xA0];
	_ =	sdelay $0x4  }
0x5c3: {  	[tilespmem:v18+s28+$0x0] =	vst.idx.msk $0xffff, v17  }
0x5c4: {  	s10 =	sadd.s32 $0xFFFFFFFF, s7;
	v18 =	vadd.s32 v12, v19;
	v17 =	vld [tilespmem:s6+$0xB0]  }
0x5c5: {  	v19 =	vmov s10  }
0x5c6: {  	v19 =	vshrl.u32 v19, $0x3  }
0x5c7: {  	v19 =	vshll.u32 v19, v1  }
0x5c8: {  	v19 =	vbroadcast v19, $0x0  }
0x5c9: {  	[tilespmem:v18+s28+$0x0] =	vst.idx.msk $0xffff, v17  }
0x5ca: {  	v18 =	vadd.s32 v13, v19;
	v17 =	vld [tilespmem:s6+$0xC0];
	_ =	sdelay $0x4  }
0x5cb: {  	[tilespmem:v18+s28+$0x0] =	vst.idx.msk $0xffff, v17  }
0x5cc: {  	v18 =	vadd.s32 v14, v19;
	v17 =	vld [tilespmem:s6+$0xD0]  }
0x5cd: {  	v19 =	vmov s7;
	s7 =	smov.u32 s8  }
0x5ce: {  	v19 =	vshrl.u32 v19, $0x3  }
0x5cf: {  	v19 =	vshll.u32 v19, v1  }
0x5d0: {  	v19 =	vbroadcast v19, $0x0  }
0x5d1: {  	[tilespmem:v18+s28+$0x0] =	vst.idx.msk $0xffff, v17  }
0x5d2: {  	v18 =	vadd.s32 v15, v19;
	v17 =	vld [tilespmem:s6+$0xE0];
	_ =	sdelay $0x1  }
.Ltmp6:
0x5d3: {  	(pc) =	sbr.rel @p0 .LBB2_15-.Ltmp6, $3  }
0x5d4: {  	_ =	sdelay $0x1  }
0x5d5: {  	[tilespmem:v18+s28+$0x0] =	vst.idx.msk $0xffff, v17  }
0x5d6: {  	s8 =	sadd.s32 $0x10, s8;
	s10 =	sadd.s32 $0xFFFFFFF1, s7;
	v18 =	vadd.s32 v16, v19;
	v17 =	vld [tilespmem:s6+$0xF0]  }
0x5d7: {  	v19 =	vmov s10  }
0x5d8: {  	v19 =	vshrl.u32 v19, $0x3  }
0x5d9: {  	v19 =	vshll.u32 v19, v1  }
0x5da: {  	v19 =	vbroadcast v19, $0x0  }
0x5db: {  	s6 =	sadd.s32 $0x200, s6;
	[tilespmem:v18+s28+$0x0] =	vst.idx.msk $0xffff, v17  }
0x5dc: {  	v17 =	vld [tilespmem:s6+$0xFFFFFF00];
	v18 =	vadd.s32 v0, v19;
	_ =	sdelay $0x4  }
0x5dd: {  	[tilespmem:v18+s28+$0x0] =	vst.idx.msk $0xffff, v17  }
0x5de: {  	s8 =	sadd.s32 $0xFFFFFFF2, s7;
	v18 =	vadd.s32 v2, v19;
	v17 =	vld [tilespmem:s6+$0xFFFFFF10]  }
0x5df: {  	v19 =	vmov s8  }
0x5e0: {  	v19 =	vshrl.u32 v19, $0x3  }
0x5e1: {  	v19 =	vshll.u32 v19, v1  }
0x5e2: {  	v19 =	vbroadcast v19, $0x0  }
0x5e3: {  	[tilespmem:v18+s28+$0x0] =	vst.idx.msk $0xffff, v17  }
0x5e4: {  	v18 =	vadd.s32 v3, v19;
	v17 =	vld [tilespmem:s6+$0xFFFFFF20];
	_ =	sdelay $0x4  }
0x5e5: {  	[tilespmem:v18+s28+$0x0] =	vst.idx.msk $0xffff, v17  }
0x5e6: {  	s10 =	sadd.s32 $0xFFFFFFF3, s7;
	v18 =	vadd.s32 v4, v19;
	v17 =	vld [tilespmem:s6+$0xFFFFFF30]  }
0x5e7: {  	v19 =	vmov s10  }
0x5e8: {  	v19 =	vshrl.u32 v19, $0x3  }
0x5e9: {  	v19 =	vshll.u32 v19, v1  }
0x5ea: {  	v19 =	vbroadcast v19, $0x0  }
0x5eb: {  	[tilespmem:v18+s28+$0x0] =	vst.idx.msk $0xffff, v17  }
0x5ec: {  	v18 =	vadd.s32 v5, v19;
	v17 =	vld [tilespmem:s6+$0xFFFFFF40];
	_ =	sdelay $0x4  }
0x5ed: {  	[tilespmem:v18+s28+$0x0] =	vst.idx.msk $0xffff, v17  }
0x5ee: {  	s18 =	sadd.s32 $0xFFFFFFF4, s7;
	v18 =	vadd.s32 v6, v19;
	v17 =	vld [tilespmem:s6+$0xFFFFFF50]  }
0x5ef: {  	v19 =	vmov s18  }
0x5f0: {  	v19 =	vshrl.u32 v19, $0x3  }
0x5f1: {  	v19 =	vshll.u32 v19, v1  }
0x5f2: {  	v19 =	vbroadcast v19, $0x0  }
0x5f3: {  	[tilespmem:v18+s28+$0x0] =	vst.idx.msk $0xffff, v17  }
0x5f4: {  	v18 =	vadd.s32 v7, v19;
	v17 =	vld [tilespmem:s6+$0xFFFFFF60];
	_ =	sdelay $0x4  }
0x5f5: {  	[tilespmem:v18+s28+$0x0] =	vst.idx.msk $0xffff, v17  }
0x5f6: {  	s10 =	sadd.s32 $0xFFFFFFF5, s7;
	v18 =	vadd.s32 v8, v19;
	v17 =	vld [tilespmem:s6+$0xFFFFFF70]  }
0x5f7: {  	v19 =	vmov s10  }
0x5f8: {  	v19 =	vshrl.u32 v19, $0x3  }
0x5f9: {  	v19 =	vshll.u32 v19, v1  }
0x5fa: {  	v19 =	vbroadcast v19, $0x0  }
0x5fb: {  	[tilespmem:v18+s28+$0x0] =	vst.idx.msk $0xffff, v17  }
0x5fc: {  	v18 =	vadd.s32 v9, v19;
	v17 =	vld [tilespmem:s6+$0xFFFFFF80];
	_ =	sdelay $0x4  }
0x5fd: {  	[tilespmem:v18+s28+$0x0] =	vst.idx.msk $0xffff, v17  }
0x5fe: {  	s18 =	sadd.s32 $0xFFFFFFF6, s7;
	v18 =	vadd.s32 v10, v19;
	v17 =	vld [tilespmem:s6+$0xFFFFFF90]  }
0x5ff: {  	v19 =	vmov s18  }
0x600: {  	v19 =	vshrl.u32 v19, $0x3  }
0x601: {  	v19 =	vshll.u32 v19, v1  }
0x602: {  	v19 =	vbroadcast v19, $0x0  }
0x603: {  	[tilespmem:v18+s28+$0x0] =	vst.idx.msk $0xffff, v17  }
0x604: {  	v18 =	vadd.s32 v11, v19;
	v17 =	vld [tilespmem:s6+$0xFFFFFFA0];
	_ =	sdelay $0x4  }
0x605: {  	[tilespmem:v18+s28+$0x0] =	vst.idx.msk $0xffff, v17  }
0x606: {  	s10 =	sadd.s32 $0xFFFFFFF7, s7;
	v18 =	vadd.s32 v12, v19;
	v17 =	vld [tilespmem:s6+$0xFFFFFFB0]  }
0x607: {  	v19 =	vmov s10  }
0x608: {  	v19 =	vshrl.u32 v19, $0x3  }
0x609: {  	v19 =	vshll.u32 v19, v1  }
0x60a: {  	v19 =	vbroadcast v19, $0x0  }
0x60b: {  	[tilespmem:v18+s28+$0x0] =	vst.idx.msk $0xffff, v17  }
0x60c: {  	v18 =	vadd.s32 v13, v19;
	v17 =	vld [tilespmem:s6+$0xFFFFFFC0];
	_ =	sdelay $0x4  }
0x60d: {  	[tilespmem:v18+s28+$0x0] =	vst.idx.msk $0xffff, v17  }
0x60e: {  	s18 =	sadd.s32 $0xFFFFFFF8, s7;
	v18 =	vadd.s32 v14, v19;
	v17 =	vld [tilespmem:s6+$0xFFFFFFD0]  }
0x60f: {  	v19 =	vmov s18  }
0x610: {  	v19 =	vshrl.u32 v19, $0x3  }
0x611: {  	v19 =	vshll.u32 v19, v1  }
0x612: {  	v19 =	vbroadcast v19, $0x0  }
0x613: {  	[tilespmem:v18+s28+$0x0] =	vst.idx.msk $0xffff, v17  }
0x614: {  	v18 =	vadd.s32 v15, v19;
	v17 =	vld [tilespmem:s6+$0xFFFFFFE0];
	_ =	sdelay $0x4  }
0x615: {  	[tilespmem:v18+s28+$0x0] =	vst.idx.msk $0xffff, v17  }
0x616: {  	s10 =	sadd.s32 $0xFFFFFFF9, s7;
	v18 =	vadd.s32 v16, v19;
	v17 =	vld [tilespmem:s6+$0xFFFFFFF0]  }
0x617: {  	v19 =	vmov s10  }
0x618: {  	v19 =	vshrl.u32 v19, $0x3  }
0x619: {  	v19 =	vshll.u32 v19, v1  }
0x61a: {  	v19 =	vbroadcast v19, $0x0  }
0x61b: {  	[tilespmem:v18+s28+$0x0] =	vst.idx.msk $0xffff, v17  }
0x61c: {  	v18 =	vadd.s32 v0, v19;
	v17 =	vld [tilespmem:s6+$0x0];
	_ =	sdelay $0x4  }
0x61d: {  	[tilespmem:v18+s28+$0x0] =	vst.idx.msk $0xffff, v17  }
0x61e: {  	s18 =	sadd.s32 $0xFFFFFFFA, s7;
	v18 =	vadd.s32 v2, v19;
	v17 =	vld [tilespmem:s6+$0x10]  }
0x61f: {  	v19 =	vmov s18  }
0x620: {  	v19 =	vshrl.u32 v19, $0x3  }
0x621: {  	v19 =	vshll.u32 v19, v1  }
0x622: {  	v19 =	vbroadcast v19, $0x0  }
0x623: {  	[tilespmem:v18+s28+$0x0] =	vst.idx.msk $0xffff, v17  }
0x624: {  	v18 =	vadd.s32 v3, v19;
	v17 =	vld [tilespmem:s6+$0x20];
	_ =	sdelay $0x4  }
0x625: {  	[tilespmem:v18+s28+$0x0] =	vst.idx.msk $0xffff, v17  }
0x626: {  	s10 =	sadd.s32 $0xFFFFFFFB, s7;
	v18 =	vadd.s32 v4, v19;
	v17 =	vld [tilespmem:s6+$0x30]  }
0x627: {  	v19 =	vmov s10  }
0x628: {  	v19 =	vshrl.u32 v19, $0x3  }
0x629: {  	v19 =	vshll.u32 v19, v1  }
0x62a: {  	v19 =	vbroadcast v19, $0x0  }
0x62b: {  	[tilespmem:v18+s28+$0x0] =	vst.idx.msk $0xffff, v17  }
0x62c: {  	v18 =	vadd.s32 v5, v19;
	v17 =	vld [tilespmem:s6+$0x40];
	_ =	sdelay $0x4  }
0x62d: {  	[tilespmem:v18+s28+$0x0] =	vst.idx.msk $0xffff, v17  }
0x62e: {  	s18 =	sadd.s32 $0xFFFFFFFC, s7;
	v18 =	vadd.s32 v6, v19;
	v17 =	vld [tilespmem:s6+$0x50]  }
0x62f: {  	v19 =	vmov s18  }
0x630: {  	v19 =	vshrl.u32 v19, $0x3  }
0x631: {  	v19 =	vshll.u32 v19, v1  }
0x632: {  	v19 =	vbroadcast v19, $0x0  }
0x633: {  	[tilespmem:v18+s28+$0x0] =	vst.idx.msk $0xffff, v17  }
0x634: {  	v18 =	vadd.s32 v7, v19;
	v17 =	vld [tilespmem:s6+$0x60];
	_ =	sdelay $0x4  }
0x635: {  	[tilespmem:v18+s28+$0x0] =	vst.idx.msk $0xffff, v17  }
0x636: {  	s10 =	sadd.s32 $0xFFFFFFFD, s7;
	v18 =	vadd.s32 v8, v19;
	v17 =	vld [tilespmem:s6+$0x70]  }
0x637: {  	v19 =	vmov s10  }
0x638: {  	v19 =	vshrl.u32 v19, $0x3  }
0x639: {  	v19 =	vshll.u32 v19, v1  }
0x63a: {  	v19 =	vbroadcast v19, $0x0  }
0x63b: {  	[tilespmem:v18+s28+$0x0] =	vst.idx.msk $0xffff, v17  }
0x63c: {  	v18 =	vadd.s32 v9, v19;
	v17 =	vld [tilespmem:s6+$0x80];
	_ =	sdelay $0x4  }
0x63d: {  	[tilespmem:v18+s28+$0x0] =	vst.idx.msk $0xffff, v17  }
0x63e: {  	s18 =	sadd.s32 $0xFFFFFFFE, s7;
	v18 =	vadd.s32 v10, v19;
	v17 =	vld [tilespmem:s6+$0x90]  }
0x63f: {  	v19 =	vmov s18  }
0x640: {  	v19 =	vshrl.u32 v19, $0x3  }
0x641: {  	v19 =	vshll.u32 v19, v1  }
0x642: {  	v19 =	vbroadcast v19, $0x0  }
0x643: {  	[tilespmem:v18+s28+$0x0] =	vst.idx.msk $0xffff, v17  }
0x644: {  	v18 =	vadd.s32 v11, v19;
	v17 =	vld [tilespmem:s6+$0xA0];
	_ =	sdelay $0x4  }
0x645: {  	[tilespmem:v18+s28+$0x0] =	vst.idx.msk $0xffff, v17  }
0x646: {  	s10 =	sadd.s32 $0xFFFFFFFF, s7;
	v18 =	vadd.s32 v12, v19;
	v17 =	vld [tilespmem:s6+$0xB0]  }
0x647: {  	v19 =	vmov s10  }
0x648: {  	v19 =	vshrl.u32 v19, $0x3  }
0x649: {  	v19 =	vshll.u32 v19, v1  }
0x64a: {  	v19 =	vbroadcast v19, $0x0  }
0x64b: {  	[tilespmem:v18+s28+$0x0] =	vst.idx.msk $0xffff, v17  }
0x64c: {  	v18 =	vadd.s32 v13, v19;
	v17 =	vld [tilespmem:s6+$0xC0];
	_ =	sdelay $0x4  }
0x64d: {  	[tilespmem:v18+s28+$0x0] =	vst.idx.msk $0xffff, v17  }
0x64e: {  	v18 =	vadd.s32 v14, v19;
	v17 =	vld [tilespmem:s6+$0xD0]  }
0x64f: {  	v19 =	vmov s7  }
0x650: {  	v19 =	vshrl.u32 v19, $0x3  }
0x651: {  	v19 =	vshll.u32 v19, v1  }
0x652: {  	v19 =	vbroadcast v19, $0x0  }
0x653: {  	[tilespmem:v18+s28+$0x0] =	vst.idx.msk $0xffff, v17  }
0x654: {  	v18 =	vadd.s32 v15, v19;
	v17 =	vld [tilespmem:s6+$0xE0];
	_ =	sdelay $0x4  }
0x655: {  	[tilespmem:v18+s28+$0x0] =	vst.idx.msk $0xffff, v17  }
0x656: {  	s1 =	sadd.s32 s1, s12;
	v18 =	vadd.s32 v16, v19;
	v17 =	vld [tilespmem:s6+$0xF0]  }
0x657: {  	s18 =	sshll.u32 s1, $0x6  }
0x658: {  	s1 =	sshll.u32 s1, $0xB;
	s6 =	sand.u32 $0x1C0, s18  }
0x659: {  	s1 =	sand.u32 $0xFFFC000, s1;
	s6 =	sadd.s32 s5, s6  }
0x65a: {  	s8 =	simm.s32 $0xC708;
	s1 =	sadd.s32 s1, s6  }
0x65b: {  	s7 =	simm.s32 $0x200;
	s6 =	simm.s32 $0xC500;
	s10 =	sadd.s32 $0x0, s1;
	[tilespmem:v18+s28+$0x0] =	vst.idx.msk $0xffff, v17  }
.LBB2_17:
0x65c: {  	[hbm4b:s10+s3] =	stream.linear.scatter [tilespmem:s6], [sflag:$0x6], $0x200, $0x38;
	[tilespmem:$0x10600] =	vst v63  }
0x65d: {  	s10 =	smov.u32 s7;
	s6 =	smov.u32 s8;
	p0 =	sne.s32 s7, $0x3E00  }
.Ltmp7:
0x65e: {  	s7 =	sadd.s32 $0x200, s7;
	(pc) =	sbr.rel @p0 .LBB2_17-.Ltmp7, $2  }
0x65f: {  	_ =	sdelay $0x2  }
0x660: {  	s8 =	sadd.s32 $0x208, s8;
	s10 =	sadd.s32 s10, s1  }
0x661: {  	s0 =	sadd.s32 $0x1, s0  }
0x662: {  	p0 =	sne.s32 s0, $0x17  }
.Ltmp8:
0x663: {  	_ = 	snop;
	(pc) =	sbr.rel @p0 .LBB2_10-.Ltmp8, $2  }
0x664: {  	_ =	sdelay $0x2  }
0x665: {  	[hbm4b:s10+s3] =	stream.linear.scatter [tilespmem:s6], [sflag:$0x6], $0x200, $0x38;
	[tilespmem:$0x10600] =	vst v63  }
0x666: {  	_ =	swait.ge [sflag:s22], $0x200  }
0x667: {  	[sflag:s22] =	ssyncset.done $0x0  }
0x668: {  	[sflag:s22] =	ssyncadd.s32 $0xFFFFFE00  }
0x669: {  	[tilespmem:s23], [sflag:$0x4] =	stream.indirect.gather [hbm4b:s4+s19], $0x20, s19, s19, $0xb8;
	[tilespmem:$0x10600] =	vst v63  }
0x66a: {  	s0 =	simm.s32 $0x0;
	_ =	swait.ge [sflag:s24], $0x4000  }
0x66b: {  	v17 =	vmov s0;
	[sflag:s24] =	ssyncset.done $0x0  }
0x66c: {  	v17 =	vshrl.u32 v17, $0x3;
	[sflag:s24] =	ssyncadd.s32 $0xFFFFC000  }
0x66d: {  	v17 =	vshll.u32 v17, v1;
	_ =	swait.ge [sflag:s29], $0x4000  }
0x66e: {  	v17 =	vbroadcast v17, $0x0;
	[sflag:s29] =	ssyncset.done $0x0  }
0x66f: {  	s0 =	simm.s32 $0x500;
	[sflag:s29] =	ssyncadd.s32 $0xFFFFC000  }
0x670: {  	v19 =	vadd.s32 v0, v17;
	v18 =	vld [tilespmem:s0+$0xFFFFFF00];
	_ =	sdelay $0x4  }
0x671: {  	[tilespmem:v19+s25+$0x0] =	vst.idx.msk $0xffff, v18  }
0x672: {  	s1 =	simm.s32 $0x1;
	v17 =	vadd.s32 v2, v17;
	v18 =	vld [tilespmem:s0+$0xFFFFFF10]  }
0x673: {  	v19 =	vmov s1  }
0x674: {  	v19 =	vshrl.u32 v19, $0x3  }
0x675: {  	v19 =	vshll.u32 v19, v1  }
0x676: {  	v19 =	vbroadcast v19, $0x0  }
0x677: {  	[tilespmem:v17+s25+$0x0] =	vst.idx.msk $0xffff, v18  }
0x678: {  	v18 =	vadd.s32 v3, v19;
	v17 =	vld [tilespmem:s0+$0xFFFFFF20];
	_ =	sdelay $0x4  }
0x679: {  	[tilespmem:v18+s25+$0x0] =	vst.idx.msk $0xffff, v17  }
0x67a: {  	s7 =	simm.s32 $0x2;
	v18 =	vadd.s32 v4, v19;
	v17 =	vld [tilespmem:s0+$0xFFFFFF30]  }
0x67b: {  	v19 =	vmov s7  }
0x67c: {  	v19 =	vshrl.u32 v19, $0x3  }
0x67d: {  	v19 =	vshll.u32 v19, v1  }
0x67e: {  	v19 =	vbroadcast v19, $0x0  }
0x67f: {  	[tilespmem:v18+s25+$0x0] =	vst.idx.msk $0xffff, v17  }
0x680: {  	v18 =	vadd.s32 v5, v19;
	v17 =	vld [tilespmem:s0+$0xFFFFFF40];
	_ =	sdelay $0x4  }
0x681: {  	[tilespmem:v18+s25+$0x0] =	vst.idx.msk $0xffff, v17  }
0x682: {  	s8 =	simm.s32 $0x3;
	v18 =	vadd.s32 v6, v19;
	v17 =	vld [tilespmem:s0+$0xFFFFFF50]  }
0x683: {  	v19 =	vmov s8  }
0x684: {  	v19 =	vshrl.u32 v19, $0x3  }
0x685: {  	v19 =	vshll.u32 v19, v1  }
0x686: {  	v19 =	vbroadcast v19, $0x0  }
0x687: {  	[tilespmem:v18+s25+$0x0] =	vst.idx.msk $0xffff, v17  }
0x688: {  	v18 =	vadd.s32 v7, v19;
	v17 =	vld [tilespmem:s0+$0xFFFFFF60];
	_ =	sdelay $0x4  }
0x689: {  	[tilespmem:v18+s25+$0x0] =	vst.idx.msk $0xffff, v17  }
0x68a: {  	s10 =	simm.s32 $0x4;
	v18 =	vadd.s32 v8, v19;
	v17 =	vld [tilespmem:s0+$0xFFFFFF70]  }
0x68b: {  	v19 =	vmov s10  }
0x68c: {  	v19 =	vshrl.u32 v19, $0x3  }
0x68d: {  	v19 =	vshll.u32 v19, v1  }
0x68e: {  	v19 =	vbroadcast v19, $0x0  }
0x68f: {  	[tilespmem:v18+s25+$0x0] =	vst.idx.msk $0xffff, v17  }
0x690: {  	v18 =	vadd.s32 v9, v19;
	v17 =	vld [tilespmem:s0+$0xFFFFFF80];
	_ =	sdelay $0x4  }
0x691: {  	[tilespmem:v18+s25+$0x0] =	vst.idx.msk $0xffff, v17  }
0x692: {  	s18 =	simm.s32 $0x5;
	v18 =	vadd.s32 v10, v19;
	v17 =	vld [tilespmem:s0+$0xFFFFFF90]  }
0x693: {  	v19 =	vmov s18  }
0x694: {  	v19 =	vshrl.u32 v19, $0x3  }
0x695: {  	v19 =	vshll.u32 v19, v1  }
0x696: {  	v19 =	vbroadcast v19, $0x0  }
0x697: {  	[tilespmem:v18+s25+$0x0] =	vst.idx.msk $0xffff, v17  }
0x698: {  	v18 =	vadd.s32 v11, v19;
	v17 =	vld [tilespmem:s0+$0xFFFFFFA0];
	_ =	sdelay $0x4  }
0x699: {  	[tilespmem:v18+s25+$0x0] =	vst.idx.msk $0xffff, v17  }
0x69a: {  	s6 =	simm.s32 $0x6;
	v18 =	vadd.s32 v12, v19;
	v17 =	vld [tilespmem:s0+$0xFFFFFFB0]  }
0x69b: {  	v19 =	vmov s6  }
0x69c: {  	v19 =	vshrl.u32 v19, $0x3  }
0x69d: {  	v19 =	vshll.u32 v19, v1  }
0x69e: {  	v19 =	vbroadcast v19, $0x0  }
0x69f: {  	[tilespmem:v18+s25+$0x0] =	vst.idx.msk $0xffff, v17  }
0x6a0: {  	v18 =	vadd.s32 v13, v19;
	v17 =	vld [tilespmem:s0+$0xFFFFFFC0];
	_ =	sdelay $0x4  }
0x6a1: {  	[tilespmem:v18+s25+$0x0] =	vst.idx.msk $0xffff, v17  }
0x6a2: {  	s7 =	simm.s32 $0x7;
	v18 =	vadd.s32 v14, v19;
	v17 =	vld [tilespmem:s0+$0xFFFFFFD0]  }
0x6a3: {  	v19 =	vmov s7  }
0x6a4: {  	v19 =	vshrl.u32 v19, $0x3  }
0x6a5: {  	v19 =	vshll.u32 v19, v1  }
0x6a6: {  	v19 =	vbroadcast v19, $0x0  }
0x6a7: {  	[tilespmem:v18+s25+$0x0] =	vst.idx.msk $0xffff, v17  }
0x6a8: {  	v18 =	vadd.s32 v15, v19;
	v17 =	vld [tilespmem:s0+$0xFFFFFFE0];
	_ =	sdelay $0x4  }
0x6a9: {  	[tilespmem:v18+s25+$0x0] =	vst.idx.msk $0xffff, v17  }
0x6aa: {  	s8 =	simm.s32 $0x8;
	v18 =	vadd.s32 v16, v19;
	v17 =	vld [tilespmem:s0+$0xFFFFFFF0]  }
0x6ab: {  	v19 =	vmov s8  }
0x6ac: {  	v19 =	vshrl.u32 v19, $0x3  }
0x6ad: {  	v19 =	vshll.u32 v19, v1  }
0x6ae: {  	v19 =	vbroadcast v19, $0x0  }
0x6af: {  	[tilespmem:v18+s25+$0x0] =	vst.idx.msk $0xffff, v17  }
0x6b0: {  	v18 =	vadd.s32 v0, v19;
	v17 =	vld [tilespmem:s0+$0x0];
	_ =	sdelay $0x4  }
0x6b1: {  	[tilespmem:v18+s25+$0x0] =	vst.idx.msk $0xffff, v17  }
0x6b2: {  	s10 =	simm.s32 $0x9;
	v18 =	vadd.s32 v2, v19;
	v17 =	vld [tilespmem:s0+$0x10]  }
0x6b3: {  	v19 =	vmov s10  }
0x6b4: {  	v19 =	vshrl.u32 v19, $0x3  }
0x6b5: {  	v19 =	vshll.u32 v19, v1  }
0x6b6: {  	v19 =	vbroadcast v19, $0x0  }
0x6b7: {  	[tilespmem:v18+s25+$0x0] =	vst.idx.msk $0xffff, v17  }
0x6b8: {  	v18 =	vadd.s32 v3, v19;
	v17 =	vld [tilespmem:s0+$0x20];
	_ =	sdelay $0x4  }
0x6b9: {  	[tilespmem:v18+s25+$0x0] =	vst.idx.msk $0xffff, v17  }
0x6ba: {  	s18 =	simm.s32 $0xA;
	v18 =	vadd.s32 v4, v19;
	v17 =	vld [tilespmem:s0+$0x30]  }
0x6bb: {  	v19 =	vmov s18  }
0x6bc: {  	v19 =	vshrl.u32 v19, $0x3  }
0x6bd: {  	v19 =	vshll.u32 v19, v1  }
0x6be: {  	v19 =	vbroadcast v19, $0x0  }
0x6bf: {  	[tilespmem:v18+s25+$0x0] =	vst.idx.msk $0xffff, v17  }
0x6c0: {  	v18 =	vadd.s32 v5, v19;
	v17 =	vld [tilespmem:s0+$0x40];
	_ =	sdelay $0x4  }
0x6c1: {  	[tilespmem:v18+s25+$0x0] =	vst.idx.msk $0xffff, v17  }
0x6c2: {  	s6 =	simm.s32 $0xB;
	v18 =	vadd.s32 v6, v19;
	v17 =	vld [tilespmem:s0+$0x50]  }
0x6c3: {  	v19 =	vmov s6  }
0x6c4: {  	v19 =	vshrl.u32 v19, $0x3  }
0x6c5: {  	v19 =	vshll.u32 v19, v1  }
0x6c6: {  	v19 =	vbroadcast v19, $0x0  }
0x6c7: {  	[tilespmem:v18+s25+$0x0] =	vst.idx.msk $0xffff, v17  }
0x6c8: {  	v18 =	vadd.s32 v7, v19;
	v17 =	vld [tilespmem:s0+$0x60];
	_ =	sdelay $0x4  }
0x6c9: {  	[tilespmem:v18+s25+$0x0] =	vst.idx.msk $0xffff, v17  }
0x6ca: {  	s7 =	simm.s32 $0xC;
	v18 =	vadd.s32 v8, v19;
	v17 =	vld [tilespmem:s0+$0x70]  }
0x6cb: {  	v19 =	vmov s7  }
0x6cc: {  	v19 =	vshrl.u32 v19, $0x3  }
0x6cd: {  	v19 =	vshll.u32 v19, v1  }
0x6ce: {  	v19 =	vbroadcast v19, $0x0  }
0x6cf: {  	[tilespmem:v18+s25+$0x0] =	vst.idx.msk $0xffff, v17  }
0x6d0: {  	v18 =	vadd.s32 v9, v19;
	v17 =	vld [tilespmem:s0+$0x80];
	_ =	sdelay $0x4  }
0x6d1: {  	[tilespmem:v18+s25+$0x0] =	vst.idx.msk $0xffff, v17  }
0x6d2: {  	s8 =	simm.s32 $0xD;
	v18 =	vadd.s32 v10, v19;
	v17 =	vld [tilespmem:s0+$0x90]  }
0x6d3: {  	v19 =	vmov s8  }
0x6d4: {  	v19 =	vshrl.u32 v19, $0x3  }
0x6d5: {  	v19 =	vshll.u32 v19, v1  }
0x6d6: {  	v19 =	vbroadcast v19, $0x0  }
0x6d7: {  	[tilespmem:v18+s25+$0x0] =	vst.idx.msk $0xffff, v17  }
0x6d8: {  	v18 =	vadd.s32 v11, v19;
	v17 =	vld [tilespmem:s0+$0xA0];
	_ =	sdelay $0x4  }
0x6d9: {  	[tilespmem:v18+s25+$0x0] =	vst.idx.msk $0xffff, v17  }
0x6da: {  	s10 =	simm.s32 $0xE;
	v18 =	vadd.s32 v12, v19;
	v17 =	vld [tilespmem:s0+$0xB0]  }
0x6db: {  	v19 =	vmov s10  }
0x6dc: {  	v19 =	vshrl.u32 v19, $0x3  }
0x6dd: {  	v19 =	vshll.u32 v19, v1  }
0x6de: {  	v19 =	vbroadcast v19, $0x0  }
0x6df: {  	[tilespmem:v18+s25+$0x0] =	vst.idx.msk $0xffff, v17  }
0x6e0: {  	v18 =	vadd.s32 v13, v19;
	v17 =	vld [tilespmem:s0+$0xC0];
	_ =	sdelay $0x4  }
0x6e1: {  	[tilespmem:v18+s25+$0x0] =	vst.idx.msk $0xffff, v17  }
0x6e2: {  	s18 =	simm.s32 $0xF;
	v18 =	vadd.s32 v14, v19;
	v17 =	vld [tilespmem:s0+$0xD0]  }
0x6e3: {  	v19 =	vmov s18  }
0x6e4: {  	v19 =	vshrl.u32 v19, $0x3  }
0x6e5: {  	v19 =	vshll.u32 v19, v1  }
0x6e6: {  	v19 =	vbroadcast v19, $0x0  }
0x6e7: {  	[tilespmem:v18+s25+$0x0] =	vst.idx.msk $0xffff, v17  }
0x6e8: {  	v18 =	vadd.s32 v15, v19;
	v17 =	vld [tilespmem:s0+$0xE0];
	_ =	sdelay $0x4  }
0x6e9: {  	[tilespmem:v18+s25+$0x0] =	vst.idx.msk $0xffff, v17  }
0x6ea: {  	s1 =	simm.s32 $0x1F;
	s6 =	simm.s32 $0x2F;
	s7 =	simm.s32 $0x10;
	v18 =	vadd.s32 v16, v19;
	v17 =	vld [tilespmem:s0+$0xF0]  }
.LBB2_20:
0x6eb: {  	p0 =	sne.s32 s6, $0x1FF;
	v19 =	vmov s7  }
0x6ec: {  	v19 =	vshrl.u32 v19, $0x3  }
0x6ed: {  	v19 =	vshll.u32 v19, v1  }
0x6ee: {  	v19 =	vbroadcast v19, $0x0  }
0x6ef: {  	s0 =	sadd.s32 $0x200, s0;
	[tilespmem:v18+s25+$0x0] =	vst.idx.msk $0xffff, v17  }
0x6f0: {  	v17 =	vld [tilespmem:s0+$0xFFFFFF00];
	v18 =	vadd.s32 v0, v19;
	_ =	sdelay $0x4  }
0x6f1: {  	[tilespmem:v18+s25+$0x0] =	vst.idx.msk $0xffff, v17  }
0x6f2: {  	s7 =	sadd.s32 $0xFFFFFFF2, s1;
	v18 =	vadd.s32 v2, v19;
	v17 =	vld [tilespmem:s0+$0xFFFFFF10]  }
0x6f3: {  	v19 =	vmov s7  }
0x6f4: {  	v19 =	vshrl.u32 v19, $0x3  }
0x6f5: {  	v19 =	vshll.u32 v19, v1  }
0x6f6: {  	v19 =	vbroadcast v19, $0x0  }
0x6f7: {  	[tilespmem:v18+s25+$0x0] =	vst.idx.msk $0xffff, v17  }
0x6f8: {  	v18 =	vadd.s32 v3, v19;
	v17 =	vld [tilespmem:s0+$0xFFFFFF20];
	_ =	sdelay $0x4  }
0x6f9: {  	[tilespmem:v18+s25+$0x0] =	vst.idx.msk $0xffff, v17  }
0x6fa: {  	s7 =	sadd.s32 $0xFFFFFFF3, s1;
	v18 =	vadd.s32 v4, v19;
	v17 =	vld [tilespmem:s0+$0xFFFFFF30]  }
0x6fb: {  	v19 =	vmov s7  }
0x6fc: {  	v19 =	vshrl.u32 v19, $0x3  }
0x6fd: {  	v19 =	vshll.u32 v19, v1  }
0x6fe: {  	v19 =	vbroadcast v19, $0x0  }
0x6ff: {  	[tilespmem:v18+s25+$0x0] =	vst.idx.msk $0xffff, v17  }
0x700: {  	v18 =	vadd.s32 v5, v19;
	v17 =	vld [tilespmem:s0+$0xFFFFFF40];
	_ =	sdelay $0x4  }
0x701: {  	[tilespmem:v18+s25+$0x0] =	vst.idx.msk $0xffff, v17  }
0x702: {  	s7 =	sadd.s32 $0xFFFFFFF4, s1;
	v18 =	vadd.s32 v6, v19;
	v17 =	vld [tilespmem:s0+$0xFFFFFF50]  }
0x703: {  	v19 =	vmov s7  }
0x704: {  	v19 =	vshrl.u32 v19, $0x3  }
0x705: {  	v19 =	vshll.u32 v19, v1  }
0x706: {  	v19 =	vbroadcast v19, $0x0  }
0x707: {  	[tilespmem:v18+s25+$0x0] =	vst.idx.msk $0xffff, v17  }
0x708: {  	v18 =	vadd.s32 v7, v19;
	v17 =	vld [tilespmem:s0+$0xFFFFFF60];
	_ =	sdelay $0x4  }
0x709: {  	[tilespmem:v18+s25+$0x0] =	vst.idx.msk $0xffff, v17  }
0x70a: {  	s7 =	sadd.s32 $0xFFFFFFF5, s1;
	v18 =	vadd.s32 v8, v19;
	v17 =	vld [tilespmem:s0+$0xFFFFFF70]  }
0x70b: {  	v19 =	vmov s7  }
0x70c: {  	v19 =	vshrl.u32 v19, $0x3  }
0x70d: {  	v19 =	vshll.u32 v19, v1  }
0x70e: {  	v19 =	vbroadcast v19, $0x0  }
0x70f: {  	[tilespmem:v18+s25+$0x0] =	vst.idx.msk $0xffff, v17  }
0x710: {  	v18 =	vadd.s32 v9, v19;
	v17 =	vld [tilespmem:s0+$0xFFFFFF80];
	_ =	sdelay $0x4  }
0x711: {  	[tilespmem:v18+s25+$0x0] =	vst.idx.msk $0xffff, v17  }
0x712: {  	s7 =	sadd.s32 $0xFFFFFFF6, s1;
	v18 =	vadd.s32 v10, v19;
	v17 =	vld [tilespmem:s0+$0xFFFFFF90]  }
0x713: {  	v19 =	vmov s7  }
0x714: {  	v19 =	vshrl.u32 v19, $0x3  }
0x715: {  	v19 =	vshll.u32 v19, v1  }
0x716: {  	v19 =	vbroadcast v19, $0x0  }
0x717: {  	[tilespmem:v18+s25+$0x0] =	vst.idx.msk $0xffff, v17  }
0x718: {  	v18 =	vadd.s32 v11, v19;
	v17 =	vld [tilespmem:s0+$0xFFFFFFA0];
	_ =	sdelay $0x4  }
0x719: {  	[tilespmem:v18+s25+$0x0] =	vst.idx.msk $0xffff, v17  }
0x71a: {  	s7 =	sadd.s32 $0xFFFFFFF7, s1;
	v18 =	vadd.s32 v12, v19;
	v17 =	vld [tilespmem:s0+$0xFFFFFFB0]  }
0x71b: {  	v19 =	vmov s7  }
0x71c: {  	v19 =	vshrl.u32 v19, $0x3  }
0x71d: {  	v19 =	vshll.u32 v19, v1  }
0x71e: {  	v19 =	vbroadcast v19, $0x0  }
0x71f: {  	[tilespmem:v18+s25+$0x0] =	vst.idx.msk $0xffff, v17  }
0x720: {  	v18 =	vadd.s32 v13, v19;
	v17 =	vld [tilespmem:s0+$0xFFFFFFC0];
	_ =	sdelay $0x4  }
0x721: {  	[tilespmem:v18+s25+$0x0] =	vst.idx.msk $0xffff, v17  }
0x722: {  	s7 =	sadd.s32 $0xFFFFFFF8, s1;
	v18 =	vadd.s32 v14, v19;
	v17 =	vld [tilespmem:s0+$0xFFFFFFD0]  }
0x723: {  	v19 =	vmov s7  }
0x724: {  	v19 =	vshrl.u32 v19, $0x3  }
0x725: {  	v19 =	vshll.u32 v19, v1  }
0x726: {  	v19 =	vbroadcast v19, $0x0  }
0x727: {  	[tilespmem:v18+s25+$0x0] =	vst.idx.msk $0xffff, v17  }
0x728: {  	v18 =	vadd.s32 v15, v19;
	v17 =	vld [tilespmem:s0+$0xFFFFFFE0];
	_ =	sdelay $0x4  }
0x729: {  	[tilespmem:v18+s25+$0x0] =	vst.idx.msk $0xffff, v17  }
0x72a: {  	s7 =	sadd.s32 $0xFFFFFFF9, s1;
	v18 =	vadd.s32 v16, v19;
	v17 =	vld [tilespmem:s0+$0xFFFFFFF0]  }
0x72b: {  	v19 =	vmov s7  }
0x72c: {  	v19 =	vshrl.u32 v19, $0x3  }
0x72d: {  	v19 =	vshll.u32 v19, v1  }
0x72e: {  	v19 =	vbroadcast v19, $0x0  }
0x72f: {  	[tilespmem:v18+s25+$0x0] =	vst.idx.msk $0xffff, v17  }
0x730: {  	v18 =	vadd.s32 v0, v19;
	v17 =	vld [tilespmem:s0+$0x0];
	_ =	sdelay $0x4  }
0x731: {  	[tilespmem:v18+s25+$0x0] =	vst.idx.msk $0xffff, v17  }
0x732: {  	s7 =	sadd.s32 $0xFFFFFFFA, s1;
	v18 =	vadd.s32 v2, v19;
	v17 =	vld [tilespmem:s0+$0x10]  }
0x733: {  	v19 =	vmov s7  }
0x734: {  	v19 =	vshrl.u32 v19, $0x3  }
0x735: {  	v19 =	vshll.u32 v19, v1  }
0x736: {  	v19 =	vbroadcast v19, $0x0  }
0x737: {  	[tilespmem:v18+s25+$0x0] =	vst.idx.msk $0xffff, v17  }
0x738: {  	v18 =	vadd.s32 v3, v19;
	v17 =	vld [tilespmem:s0+$0x20];
	_ =	sdelay $0x4  }
0x739: {  	[tilespmem:v18+s25+$0x0] =	vst.idx.msk $0xffff, v17  }
0x73a: {  	s7 =	sadd.s32 $0xFFFFFFFB, s1;
	v18 =	vadd.s32 v4, v19;
	v17 =	vld [tilespmem:s0+$0x30]  }
0x73b: {  	v19 =	vmov s7  }
0x73c: {  	v19 =	vshrl.u32 v19, $0x3  }
0x73d: {  	v19 =	vshll.u32 v19, v1  }
0x73e: {  	v19 =	vbroadcast v19, $0x0  }
0x73f: {  	[tilespmem:v18+s25+$0x0] =	vst.idx.msk $0xffff, v17  }
0x740: {  	v18 =	vadd.s32 v5, v19;
	v17 =	vld [tilespmem:s0+$0x40];
	_ =	sdelay $0x4  }
0x741: {  	[tilespmem:v18+s25+$0x0] =	vst.idx.msk $0xffff, v17  }
0x742: {  	s7 =	sadd.s32 $0xFFFFFFFC, s1;
	v18 =	vadd.s32 v6, v19;
	v17 =	vld [tilespmem:s0+$0x50]  }
0x743: {  	v19 =	vmov s7  }
0x744: {  	v19 =	vshrl.u32 v19, $0x3  }
0x745: {  	v19 =	vshll.u32 v19, v1  }
0x746: {  	v19 =	vbroadcast v19, $0x0  }
0x747: {  	[tilespmem:v18+s25+$0x0] =	vst.idx.msk $0xffff, v17  }
0x748: {  	v18 =	vadd.s32 v7, v19;
	v17 =	vld [tilespmem:s0+$0x60];
	_ =	sdelay $0x4  }
0x749: {  	[tilespmem:v18+s25+$0x0] =	vst.idx.msk $0xffff, v17  }
0x74a: {  	s7 =	sadd.s32 $0xFFFFFFFD, s1;
	v18 =	vadd.s32 v8, v19;
	v17 =	vld [tilespmem:s0+$0x70]  }
0x74b: {  	v19 =	vmov s7  }
0x74c: {  	v19 =	vshrl.u32 v19, $0x3  }
0x74d: {  	v19 =	vshll.u32 v19, v1  }
0x74e: {  	v19 =	vbroadcast v19, $0x0  }
0x74f: {  	[tilespmem:v18+s25+$0x0] =	vst.idx.msk $0xffff, v17  }
0x750: {  	v18 =	vadd.s32 v9, v19;
	v17 =	vld [tilespmem:s0+$0x80];
	_ =	sdelay $0x4  }
0x751: {  	[tilespmem:v18+s25+$0x0] =	vst.idx.msk $0xffff, v17  }
0x752: {  	s7 =	sadd.s32 $0xFFFFFFFE, s1;
	v18 =	vadd.s32 v10, v19;
	v17 =	vld [tilespmem:s0+$0x90]  }
0x753: {  	v19 =	vmov s7  }
0x754: {  	v19 =	vshrl.u32 v19, $0x3  }
0x755: {  	v19 =	vshll.u32 v19, v1  }
0x756: {  	v19 =	vbroadcast v19, $0x0  }
0x757: {  	[tilespmem:v18+s25+$0x0] =	vst.idx.msk $0xffff, v17  }
0x758: {  	v18 =	vadd.s32 v11, v19;
	v17 =	vld [tilespmem:s0+$0xA0];
	_ =	sdelay $0x4  }
0x759: {  	[tilespmem:v18+s25+$0x0] =	vst.idx.msk $0xffff, v17  }
0x75a: {  	s7 =	sadd.s32 $0xFFFFFFFF, s1;
	v18 =	vadd.s32 v12, v19;
	v17 =	vld [tilespmem:s0+$0xB0]  }
0x75b: {  	v19 =	vmov s7  }
0x75c: {  	v19 =	vshrl.u32 v19, $0x3  }
0x75d: {  	v19 =	vshll.u32 v19, v1  }
0x75e: {  	v19 =	vbroadcast v19, $0x0  }
0x75f: {  	[tilespmem:v18+s25+$0x0] =	vst.idx.msk $0xffff, v17  }
0x760: {  	v18 =	vadd.s32 v13, v19;
	v17 =	vld [tilespmem:s0+$0xC0];
	_ =	sdelay $0x4  }
0x761: {  	[tilespmem:v18+s25+$0x0] =	vst.idx.msk $0xffff, v17  }
0x762: {  	v18 =	vadd.s32 v14, v19;
	v17 =	vld [tilespmem:s0+$0xD0]  }
0x763: {  	v19 =	vmov s1;
	s1 =	smov.u32 s6  }
0x764: {  	v19 =	vshrl.u32 v19, $0x3  }
0x765: {  	v19 =	vshll.u32 v19, v1  }
0x766: {  	v19 =	vbroadcast v19, $0x0  }
0x767: {  	[tilespmem:v18+s25+$0x0] =	vst.idx.msk $0xffff, v17  }
0x768: {  	v18 =	vadd.s32 v15, v19;
	v17 =	vld [tilespmem:s0+$0xE0];
	_ =	sdelay $0x1  }
.Ltmp9:
0x769: {  	(pc) =	sbr.rel @p0 .LBB2_20-.Ltmp9, $3  }
0x76a: {  	_ =	sdelay $0x1  }
0x76b: {  	[tilespmem:v18+s25+$0x0] =	vst.idx.msk $0xffff, v17  }
0x76c: {  	s6 =	sadd.s32 $0x10, s6;
	s7 =	sadd.s32 $0xFFFFFFF1, s1;
	v18 =	vadd.s32 v16, v19;
	v17 =	vld [tilespmem:s0+$0xF0]  }
0x76d: {  	v19 =	vmov s7  }
0x76e: {  	v19 =	vshrl.u32 v19, $0x3  }
0x76f: {  	v19 =	vshll.u32 v19, v1  }
0x770: {  	v19 =	vbroadcast v19, $0x0  }
0x771: {  	s0 =	sadd.s32 $0x200, s0;
	[tilespmem:v18+s25+$0x0] =	vst.idx.msk $0xffff, v17  }
0x772: {  	v17 =	vld [tilespmem:s0+$0xFFFFFF00];
	v18 =	vadd.s32 v0, v19;
	_ =	sdelay $0x4  }
0x773: {  	[tilespmem:v18+s25+$0x0] =	vst.idx.msk $0xffff, v17  }
0x774: {  	s6 =	sadd.s32 $0xFFFFFFF2, s1;
	v18 =	vadd.s32 v2, v19;
	v17 =	vld [tilespmem:s0+$0xFFFFFF10]  }
0x775: {  	v19 =	vmov s6  }
0x776: {  	v19 =	vshrl.u32 v19, $0x3  }
0x777: {  	v19 =	vshll.u32 v19, v1  }
0x778: {  	v19 =	vbroadcast v19, $0x0  }
0x779: {  	[tilespmem:v18+s25+$0x0] =	vst.idx.msk $0xffff, v17  }
0x77a: {  	v18 =	vadd.s32 v3, v19;
	v17 =	vld [tilespmem:s0+$0xFFFFFF20];
	_ =	sdelay $0x4  }
0x77b: {  	[tilespmem:v18+s25+$0x0] =	vst.idx.msk $0xffff, v17  }
0x77c: {  	s18 =	sadd.s32 $0xFFFFFFF3, s1;
	v18 =	vadd.s32 v4, v19;
	v17 =	vld [tilespmem:s0+$0xFFFFFF30]  }
0x77d: {  	v19 =	vmov s18  }
0x77e: {  	v19 =	vshrl.u32 v19, $0x3  }
0x77f: {  	v19 =	vshll.u32 v19, v1  }
0x780: {  	v19 =	vbroadcast v19, $0x0  }
0x781: {  	[tilespmem:v18+s25+$0x0] =	vst.idx.msk $0xffff, v17  }
0x782: {  	v18 =	vadd.s32 v5, v19;
	v17 =	vld [tilespmem:s0+$0xFFFFFF40];
	_ =	sdelay $0x4  }
0x783: {  	[tilespmem:v18+s25+$0x0] =	vst.idx.msk $0xffff, v17  }
0x784: {  	s7 =	sadd.s32 $0xFFFFFFF4, s1;
	v18 =	vadd.s32 v6, v19;
	v17 =	vld [tilespmem:s0+$0xFFFFFF50]  }
0x785: {  	v19 =	vmov s7  }
0x786: {  	v19 =	vshrl.u32 v19, $0x3  }
0x787: {  	v19 =	vshll.u32 v19, v1  }
0x788: {  	v19 =	vbroadcast v19, $0x0  }
0x789: {  	[tilespmem:v18+s25+$0x0] =	vst.idx.msk $0xffff, v17  }
0x78a: {  	v18 =	vadd.s32 v7, v19;
	v17 =	vld [tilespmem:s0+$0xFFFFFF60];
	_ =	sdelay $0x4  }
0x78b: {  	[tilespmem:v18+s25+$0x0] =	vst.idx.msk $0xffff, v17  }
0x78c: {  	s8 =	sadd.s32 $0xFFFFFFF5, s1;
	v18 =	vadd.s32 v8, v19;
	v17 =	vld [tilespmem:s0+$0xFFFFFF70]  }
0x78d: {  	v19 =	vmov s8  }
0x78e: {  	v19 =	vshrl.u32 v19, $0x3  }
0x78f: {  	v19 =	vshll.u32 v19, v1  }
0x790: {  	v19 =	vbroadcast v19, $0x0  }
0x791: {  	[tilespmem:v18+s25+$0x0] =	vst.idx.msk $0xffff, v17  }
0x792: {  	v18 =	vadd.s32 v9, v19;
	v17 =	vld [tilespmem:s0+$0xFFFFFF80];
	_ =	sdelay $0x4  }
0x793: {  	[tilespmem:v18+s25+$0x0] =	vst.idx.msk $0xffff, v17  }
0x794: {  	s10 =	sadd.s32 $0xFFFFFFF6, s1;
	v18 =	vadd.s32 v10, v19;
	v17 =	vld [tilespmem:s0+$0xFFFFFF90]  }
0x795: {  	v19 =	vmov s10  }
0x796: {  	v19 =	vshrl.u32 v19, $0x3  }
0x797: {  	v19 =	vshll.u32 v19, v1  }
0x798: {  	v19 =	vbroadcast v19, $0x0  }
0x799: {  	[tilespmem:v18+s25+$0x0] =	vst.idx.msk $0xffff, v17  }
0x79a: {  	v18 =	vadd.s32 v11, v19;
	v17 =	vld [tilespmem:s0+$0xFFFFFFA0];
	_ =	sdelay $0x4  }
0x79b: {  	[tilespmem:v18+s25+$0x0] =	vst.idx.msk $0xffff, v17  }
0x79c: {  	s18 =	sadd.s32 $0xFFFFFFF7, s1;
	v18 =	vadd.s32 v12, v19;
	v17 =	vld [tilespmem:s0+$0xFFFFFFB0]  }
0x79d: {  	v19 =	vmov s18  }
0x79e: {  	v19 =	vshrl.u32 v19, $0x3  }
0x79f: {  	v19 =	vshll.u32 v19, v1  }
0x7a0: {  	v19 =	vbroadcast v19, $0x0  }
0x7a1: {  	[tilespmem:v18+s25+$0x0] =	vst.idx.msk $0xffff, v17  }
0x7a2: {  	v18 =	vadd.s32 v13, v19;
	v17 =	vld [tilespmem:s0+$0xFFFFFFC0];
	_ =	sdelay $0x4  }
0x7a3: {  	[tilespmem:v18+s25+$0x0] =	vst.idx.msk $0xffff, v17  }
0x7a4: {  	s7 =	sadd.s32 $0xFFFFFFF8, s1;
	v18 =	vadd.s32 v14, v19;
	v17 =	vld [tilespmem:s0+$0xFFFFFFD0]  }
0x7a5: {  	v19 =	vmov s7  }
0x7a6: {  	v19 =	vshrl.u32 v19, $0x3  }
0x7a7: {  	v19 =	vshll.u32 v19, v1  }
0x7a8: {  	v19 =	vbroadcast v19, $0x0  }
0x7a9: {  	[tilespmem:v18+s25+$0x0] =	vst.idx.msk $0xffff, v17  }
0x7aa: {  	v18 =	vadd.s32 v15, v19;
	v17 =	vld [tilespmem:s0+$0xFFFFFFE0];
	_ =	sdelay $0x4  }
0x7ab: {  	[tilespmem:v18+s25+$0x0] =	vst.idx.msk $0xffff, v17  }
0x7ac: {  	s8 =	sadd.s32 $0xFFFFFFF9, s1;
	v18 =	vadd.s32 v16, v19;
	v17 =	vld [tilespmem:s0+$0xFFFFFFF0]  }
0x7ad: {  	v19 =	vmov s8  }
0x7ae: {  	v19 =	vshrl.u32 v19, $0x3  }
0x7af: {  	v19 =	vshll.u32 v19, v1  }
0x7b0: {  	v19 =	vbroadcast v19, $0x0  }
0x7b1: {  	[tilespmem:v18+s25+$0x0] =	vst.idx.msk $0xffff, v17  }
0x7b2: {  	v18 =	vadd.s32 v0, v19;
	v17 =	vld [tilespmem:s0+$0x0];
	_ =	sdelay $0x4  }
0x7b3: {  	[tilespmem:v18+s25+$0x0] =	vst.idx.msk $0xffff, v17  }
0x7b4: {  	s10 =	sadd.s32 $0xFFFFFFFA, s1;
	v18 =	vadd.s32 v2, v19;
	v17 =	vld [tilespmem:s0+$0x10]  }
0x7b5: {  	v19 =	vmov s10  }
0x7b6: {  	v19 =	vshrl.u32 v19, $0x3  }
0x7b7: {  	v19 =	vshll.u32 v19, v1  }
0x7b8: {  	v19 =	vbroadcast v19, $0x0  }
0x7b9: {  	[tilespmem:v18+s25+$0x0] =	vst.idx.msk $0xffff, v17  }
0x7ba: {  	v18 =	vadd.s32 v3, v19;
	v17 =	vld [tilespmem:s0+$0x20];
	_ =	sdelay $0x4  }
0x7bb: {  	[tilespmem:v18+s25+$0x0] =	vst.idx.msk $0xffff, v17  }
0x7bc: {  	s18 =	sadd.s32 $0xFFFFFFFB, s1;
	v18 =	vadd.s32 v4, v19;
	v17 =	vld [tilespmem:s0+$0x30]  }
0x7bd: {  	v19 =	vmov s18  }
0x7be: {  	v19 =	vshrl.u32 v19, $0x3  }
0x7bf: {  	v19 =	vshll.u32 v19, v1  }
0x7c0: {  	v19 =	vbroadcast v19, $0x0  }
0x7c1: {  	[tilespmem:v18+s25+$0x0] =	vst.idx.msk $0xffff, v17  }
0x7c2: {  	v18 =	vadd.s32 v5, v19;
	v17 =	vld [tilespmem:s0+$0x40];
	_ =	sdelay $0x4  }
0x7c3: {  	[tilespmem:v18+s25+$0x0] =	vst.idx.msk $0xffff, v17  }
0x7c4: {  	s7 =	sadd.s32 $0xFFFFFFFC, s1;
	v18 =	vadd.s32 v6, v19;
	v17 =	vld [tilespmem:s0+$0x50]  }
0x7c5: {  	v19 =	vmov s7  }
0x7c6: {  	v19 =	vshrl.u32 v19, $0x3  }
0x7c7: {  	v19 =	vshll.u32 v19, v1  }
0x7c8: {  	v19 =	vbroadcast v19, $0x0  }
0x7c9: {  	[tilespmem:v18+s25+$0x0] =	vst.idx.msk $0xffff, v17  }
0x7ca: {  	v18 =	vadd.s32 v7, v19;
	v17 =	vld [tilespmem:s0+$0x60];
	_ =	sdelay $0x4  }
0x7cb: {  	[tilespmem:v18+s25+$0x0] =	vst.idx.msk $0xffff, v17  }
0x7cc: {  	s8 =	sadd.s32 $0xFFFFFFFD, s1;
	v18 =	vadd.s32 v8, v19;
	v17 =	vld [tilespmem:s0+$0x70]  }
0x7cd: {  	v19 =	vmov s8  }
0x7ce: {  	v19 =	vshrl.u32 v19, $0x3  }
0x7cf: {  	v19 =	vshll.u32 v19, v1  }
0x7d0: {  	v19 =	vbroadcast v19, $0x0  }
0x7d1: {  	[tilespmem:v18+s25+$0x0] =	vst.idx.msk $0xffff, v17  }
0x7d2: {  	v18 =	vadd.s32 v9, v19;
	v17 =	vld [tilespmem:s0+$0x80];
	_ =	sdelay $0x4  }
0x7d3: {  	[tilespmem:v18+s25+$0x0] =	vst.idx.msk $0xffff, v17  }
0x7d4: {  	s10 =	sadd.s32 $0xFFFFFFFE, s1;
	v18 =	vadd.s32 v10, v19;
	v17 =	vld [tilespmem:s0+$0x90]  }
0x7d5: {  	v19 =	vmov s10  }
0x7d6: {  	v19 =	vshrl.u32 v19, $0x3  }
0x7d7: {  	v19 =	vshll.u32 v19, v1  }
0x7d8: {  	v19 =	vbroadcast v19, $0x0  }
0x7d9: {  	[tilespmem:v18+s25+$0x0] =	vst.idx.msk $0xffff, v17  }
0x7da: {  	v18 =	vadd.s32 v11, v19;
	v17 =	vld [tilespmem:s0+$0xA0];
	_ =	sdelay $0x4  }
0x7db: {  	[tilespmem:v18+s25+$0x0] =	vst.idx.msk $0xffff, v17  }
0x7dc: {  	s18 =	sadd.s32 $0xFFFFFFFF, s1;
	v18 =	vadd.s32 v12, v19;
	v17 =	vld [tilespmem:s0+$0xB0]  }
0x7dd: {  	v19 =	vmov s18  }
0x7de: {  	v19 =	vshrl.u32 v19, $0x3  }
0x7df: {  	v19 =	vshll.u32 v19, v1  }
0x7e0: {  	v19 =	vbroadcast v19, $0x0  }
0x7e1: {  	[tilespmem:v18+s25+$0x0] =	vst.idx.msk $0xffff, v17  }
0x7e2: {  	v18 =	vadd.s32 v13, v19;
	v17 =	vld [tilespmem:s0+$0xC0];
	_ =	sdelay $0x4  }
0x7e3: {  	[tilespmem:v18+s25+$0x0] =	vst.idx.msk $0xffff, v17  }
0x7e4: {  	v18 =	vadd.s32 v14, v19;
	v17 =	vld [tilespmem:s0+$0xD0]  }
0x7e5: {  	v19 =	vmov s1  }
0x7e6: {  	v19 =	vshrl.u32 v19, $0x3  }
0x7e7: {  	v19 =	vshll.u32 v19, v1  }
0x7e8: {  	v19 =	vbroadcast v19, $0x0  }
0x7e9: {  	[tilespmem:v18+s25+$0x0] =	vst.idx.msk $0xffff, v17  }
0x7ea: {  	v18 =	vadd.s32 v15, v19;
	v17 =	vld [tilespmem:s0+$0xE0];
	_ =	sdelay $0x4  }
0x7eb: {  	[tilespmem:v18+s25+$0x0] =	vst.idx.msk $0xffff, v17  }
0x7ec: {  	v18 =	vadd.s32 v16, v19;
	v17 =	vld [tilespmem:s0+$0xF0];
	_ =	sdelay $0x3  }
0x7ed: {  	s6 =	simm.s32 $0x8608  }
0x7ee: {  	s7 =	sadd.s32 $0x0, s16;
	s1 =	simm.s32 $0x200;
	s0 =	simm.s32 $0x8400;
	[tilespmem:v18+s25+$0x0] =	vst.idx.msk $0xffff, v17  }
.LBB2_22:
0x7ef: {  	[hbm4b:s7+s3] =	stream.linear.scatter [tilespmem:s0], [sflag:$0x5], $0x200, $0x38;
	[tilespmem:$0x10600] =	vst v63  }
0x7f0: {  	s7 =	smov.u32 s1;
	s0 =	smov.u32 s6;
	p0 =	sne.s32 s1, $0x3E00  }
.Ltmp10:
0x7f1: {  	s1 =	sadd.s32 $0x200, s1;
	(pc) =	sbr.rel @p0 .LBB2_22-.Ltmp10, $2  }
0x7f2: {  	_ =	sdelay $0x2  }
0x7f3: {  	s6 =	sadd.s32 $0x208, s6;
	s7 =	sadd.s32 s7, s16  }
0x7f4: {  	[hbm4b:s7+s3] =	stream.linear.scatter [tilespmem:s0], [sflag:$0x5], $0x200, $0x38;
	[tilespmem:$0x10600] =	vst v63  }
0x7f5: {  	s6 =	simm.s32 $0x0;
	_ =	swait.ge [sflag:s26], $0x4000  }
0x7f6: {  	v17 =	vmov s6;
	[sflag:s26] =	ssyncset.done $0x0  }
0x7f7: {  	v17 =	vshrl.u32 v17, $0x3;
	[sflag:s26] =	ssyncadd.s32 $0xFFFFC000  }
0x7f8: {  	v17 =	vshll.u32 v17, v1;
	_ =	swait.ge [sflag:s30], $0x4000  }
0x7f9: {  	v17 =	vbroadcast v17, $0x0;
	[sflag:s30] =	ssyncset.done $0x0  }
0x7fa: {  	s0 =	simm.s32 $0x4500;
	[sflag:s30] =	ssyncadd.s32 $0xFFFFC000  }
0x7fb: {  	v19 =	vadd.s32 v0, v17;
	v18 =	vld [tilespmem:s0+$0xFFFFFF00];
	_ =	sdelay $0x4  }
0x7fc: {  	[tilespmem:v19+s28+$0x0] =	vst.idx.msk $0xffff, v18  }
0x7fd: {  	s1 =	simm.s32 $0x1;
	v17 =	vadd.s32 v2, v17;
	v18 =	vld [tilespmem:s0+$0xFFFFFF10]  }
0x7fe: {  	v19 =	vmov s1  }
0x7ff: {  	v19 =	vshrl.u32 v19, $0x3  }
0x800: {  	v19 =	vshll.u32 v19, v1  }
0x801: {  	v19 =	vbroadcast v19, $0x0  }
0x802: {  	[tilespmem:v17+s28+$0x0] =	vst.idx.msk $0xffff, v18  }
0x803: {  	v18 =	vadd.s32 v3, v19;
	v17 =	vld [tilespmem:s0+$0xFFFFFF20];
	_ =	sdelay $0x4  }
0x804: {  	[tilespmem:v18+s28+$0x0] =	vst.idx.msk $0xffff, v17  }
0x805: {  	s7 =	simm.s32 $0x2;
	v18 =	vadd.s32 v4, v19;
	v17 =	vld [tilespmem:s0+$0xFFFFFF30]  }
0x806: {  	v19 =	vmov s7  }
0x807: {  	v19 =	vshrl.u32 v19, $0x3  }
0x808: {  	v19 =	vshll.u32 v19, v1  }
0x809: {  	v19 =	vbroadcast v19, $0x0  }
0x80a: {  	[tilespmem:v18+s28+$0x0] =	vst.idx.msk $0xffff, v17  }
0x80b: {  	v18 =	vadd.s32 v5, v19;
	v17 =	vld [tilespmem:s0+$0xFFFFFF40];
	_ =	sdelay $0x4  }
0x80c: {  	[tilespmem:v18+s28+$0x0] =	vst.idx.msk $0xffff, v17  }
0x80d: {  	s8 =	simm.s32 $0x3;
	v18 =	vadd.s32 v6, v19;
	v17 =	vld [tilespmem:s0+$0xFFFFFF50]  }
0x80e: {  	v19 =	vmov s8  }
0x80f: {  	v19 =	vshrl.u32 v19, $0x3  }
0x810: {  	v19 =	vshll.u32 v19, v1  }
0x811: {  	v19 =	vbroadcast v19, $0x0  }
0x812: {  	[tilespmem:v18+s28+$0x0] =	vst.idx.msk $0xffff, v17  }
0x813: {  	v18 =	vadd.s32 v7, v19;
	v17 =	vld [tilespmem:s0+$0xFFFFFF60];
	_ =	sdelay $0x4  }
0x814: {  	[tilespmem:v18+s28+$0x0] =	vst.idx.msk $0xffff, v17  }
0x815: {  	s10 =	simm.s32 $0x4;
	v18 =	vadd.s32 v8, v19;
	v17 =	vld [tilespmem:s0+$0xFFFFFF70]  }
0x816: {  	v19 =	vmov s10  }
0x817: {  	v19 =	vshrl.u32 v19, $0x3  }
0x818: {  	v19 =	vshll.u32 v19, v1  }
0x819: {  	v19 =	vbroadcast v19, $0x0  }
0x81a: {  	[tilespmem:v18+s28+$0x0] =	vst.idx.msk $0xffff, v17  }
0x81b: {  	v18 =	vadd.s32 v9, v19;
	v17 =	vld [tilespmem:s0+$0xFFFFFF80];
	_ =	sdelay $0x4  }
0x81c: {  	[tilespmem:v18+s28+$0x0] =	vst.idx.msk $0xffff, v17  }
0x81d: {  	s18 =	simm.s32 $0x5;
	v18 =	vadd.s32 v10, v19;
	v17 =	vld [tilespmem:s0+$0xFFFFFF90]  }
0x81e: {  	v19 =	vmov s18  }
0x81f: {  	v19 =	vshrl.u32 v19, $0x3  }
0x820: {  	v19 =	vshll.u32 v19, v1  }
0x821: {  	v19 =	vbroadcast v19, $0x0  }
0x822: {  	[tilespmem:v18+s28+$0x0] =	vst.idx.msk $0xffff, v17  }
0x823: {  	v18 =	vadd.s32 v11, v19;
	v17 =	vld [tilespmem:s0+$0xFFFFFFA0];
	_ =	sdelay $0x4  }
0x824: {  	[tilespmem:v18+s28+$0x0] =	vst.idx.msk $0xffff, v17  }
0x825: {  	s6 =	simm.s32 $0x6;
	v18 =	vadd.s32 v12, v19;
	v17 =	vld [tilespmem:s0+$0xFFFFFFB0]  }
0x826: {  	v19 =	vmov s6  }
0x827: {  	v19 =	vshrl.u32 v19, $0x3  }
0x828: {  	v19 =	vshll.u32 v19, v1  }
0x829: {  	v19 =	vbroadcast v19, $0x0  }
0x82a: {  	[tilespmem:v18+s28+$0x0] =	vst.idx.msk $0xffff, v17  }
0x82b: {  	v18 =	vadd.s32 v13, v19;
	v17 =	vld [tilespmem:s0+$0xFFFFFFC0];
	_ =	sdelay $0x4  }
0x82c: {  	[tilespmem:v18+s28+$0x0] =	vst.idx.msk $0xffff, v17  }
0x82d: {  	s7 =	simm.s32 $0x7;
	v18 =	vadd.s32 v14, v19;
	v17 =	vld [tilespmem:s0+$0xFFFFFFD0]  }
0x82e: {  	v19 =	vmov s7  }
0x82f: {  	v19 =	vshrl.u32 v19, $0x3  }
0x830: {  	v19 =	vshll.u32 v19, v1  }
0x831: {  	v19 =	vbroadcast v19, $0x0  }
0x832: {  	[tilespmem:v18+s28+$0x0] =	vst.idx.msk $0xffff, v17  }
0x833: {  	v18 =	vadd.s32 v15, v19;
	v17 =	vld [tilespmem:s0+$0xFFFFFFE0];
	_ =	sdelay $0x4  }
0x834: {  	[tilespmem:v18+s28+$0x0] =	vst.idx.msk $0xffff, v17  }
0x835: {  	s8 =	simm.s32 $0x8;
	v18 =	vadd.s32 v16, v19;
	v17 =	vld [tilespmem:s0+$0xFFFFFFF0]  }
0x836: {  	v19 =	vmov s8  }
0x837: {  	v19 =	vshrl.u32 v19, $0x3  }
0x838: {  	v19 =	vshll.u32 v19, v1  }
0x839: {  	v19 =	vbroadcast v19, $0x0  }
0x83a: {  	[tilespmem:v18+s28+$0x0] =	vst.idx.msk $0xffff, v17  }
0x83b: {  	v18 =	vadd.s32 v0, v19;
	v17 =	vld [tilespmem:s0+$0x0];
	_ =	sdelay $0x4  }
0x83c: {  	[tilespmem:v18+s28+$0x0] =	vst.idx.msk $0xffff, v17  }
0x83d: {  	s10 =	simm.s32 $0x9;
	v18 =	vadd.s32 v2, v19;
	v17 =	vld [tilespmem:s0+$0x10]  }
0x83e: {  	v19 =	vmov s10  }
0x83f: {  	v19 =	vshrl.u32 v19, $0x3  }
0x840: {  	v19 =	vshll.u32 v19, v1  }
0x841: {  	v19 =	vbroadcast v19, $0x0  }
0x842: {  	[tilespmem:v18+s28+$0x0] =	vst.idx.msk $0xffff, v17  }
0x843: {  	v18 =	vadd.s32 v3, v19;
	v17 =	vld [tilespmem:s0+$0x20];
	_ =	sdelay $0x4  }
0x844: {  	[tilespmem:v18+s28+$0x0] =	vst.idx.msk $0xffff, v17  }
0x845: {  	s18 =	simm.s32 $0xA;
	v18 =	vadd.s32 v4, v19;
	v17 =	vld [tilespmem:s0+$0x30]  }
0x846: {  	v19 =	vmov s18  }
0x847: {  	v19 =	vshrl.u32 v19, $0x3  }
0x848: {  	v19 =	vshll.u32 v19, v1  }
0x849: {  	v19 =	vbroadcast v19, $0x0  }
0x84a: {  	[tilespmem:v18+s28+$0x0] =	vst.idx.msk $0xffff, v17  }
0x84b: {  	v18 =	vadd.s32 v5, v19;
	v17 =	vld [tilespmem:s0+$0x40];
	_ =	sdelay $0x4  }
0x84c: {  	[tilespmem:v18+s28+$0x0] =	vst.idx.msk $0xffff, v17  }
0x84d: {  	s6 =	simm.s32 $0xB;
	v18 =	vadd.s32 v6, v19;
	v17 =	vld [tilespmem:s0+$0x50]  }
0x84e: {  	v19 =	vmov s6  }
0x84f: {  	v19 =	vshrl.u32 v19, $0x3  }
0x850: {  	v19 =	vshll.u32 v19, v1  }
0x851: {  	v19 =	vbroadcast v19, $0x0  }
0x852: {  	[tilespmem:v18+s28+$0x0] =	vst.idx.msk $0xffff, v17  }
0x853: {  	v18 =	vadd.s32 v7, v19;
	v17 =	vld [tilespmem:s0+$0x60];
	_ =	sdelay $0x4  }
0x854: {  	[tilespmem:v18+s28+$0x0] =	vst.idx.msk $0xffff, v17  }
0x855: {  	s7 =	simm.s32 $0xC;
	v18 =	vadd.s32 v8, v19;
	v17 =	vld [tilespmem:s0+$0x70]  }
0x856: {  	v19 =	vmov s7  }
0x857: {  	v19 =	vshrl.u32 v19, $0x3  }
0x858: {  	v19 =	vshll.u32 v19, v1  }
0x859: {  	v19 =	vbroadcast v19, $0x0  }
0x85a: {  	[tilespmem:v18+s28+$0x0] =	vst.idx.msk $0xffff, v17  }
0x85b: {  	v18 =	vadd.s32 v9, v19;
	v17 =	vld [tilespmem:s0+$0x80];
	_ =	sdelay $0x4  }
0x85c: {  	[tilespmem:v18+s28+$0x0] =	vst.idx.msk $0xffff, v17  }
0x85d: {  	s8 =	simm.s32 $0xD;
	v18 =	vadd.s32 v10, v19;
	v17 =	vld [tilespmem:s0+$0x90]  }
0x85e: {  	v19 =	vmov s8  }
0x85f: {  	v19 =	vshrl.u32 v19, $0x3  }
0x860: {  	v19 =	vshll.u32 v19, v1  }
0x861: {  	v19 =	vbroadcast v19, $0x0  }
0x862: {  	[tilespmem:v18+s28+$0x0] =	vst.idx.msk $0xffff, v17  }
0x863: {  	v18 =	vadd.s32 v11, v19;
	v17 =	vld [tilespmem:s0+$0xA0];
	_ =	sdelay $0x4  }
0x864: {  	[tilespmem:v18+s28+$0x0] =	vst.idx.msk $0xffff, v17  }
0x865: {  	s10 =	simm.s32 $0xE;
	v18 =	vadd.s32 v12, v19;
	v17 =	vld [tilespmem:s0+$0xB0]  }
0x866: {  	v19 =	vmov s10  }
0x867: {  	v19 =	vshrl.u32 v19, $0x3  }
0x868: {  	v19 =	vshll.u32 v19, v1  }
0x869: {  	v19 =	vbroadcast v19, $0x0  }
0x86a: {  	[tilespmem:v18+s28+$0x0] =	vst.idx.msk $0xffff, v17  }
0x86b: {  	v18 =	vadd.s32 v13, v19;
	v17 =	vld [tilespmem:s0+$0xC0];
	_ =	sdelay $0x4  }
0x86c: {  	[tilespmem:v18+s28+$0x0] =	vst.idx.msk $0xffff, v17  }
0x86d: {  	s18 =	simm.s32 $0xF;
	v18 =	vadd.s32 v14, v19;
	v17 =	vld [tilespmem:s0+$0xD0]  }
0x86e: {  	v19 =	vmov s18  }
0x86f: {  	v19 =	vshrl.u32 v19, $0x3  }
0x870: {  	v19 =	vshll.u32 v19, v1  }
0x871: {  	v19 =	vbroadcast v19, $0x0  }
0x872: {  	[tilespmem:v18+s28+$0x0] =	vst.idx.msk $0xffff, v17  }
0x873: {  	v18 =	vadd.s32 v15, v19;
	v17 =	vld [tilespmem:s0+$0xE0];
	_ =	sdelay $0x4  }
0x874: {  	[tilespmem:v18+s28+$0x0] =	vst.idx.msk $0xffff, v17  }
0x875: {  	s1 =	simm.s32 $0x1F;
	s6 =	simm.s32 $0x2F;
	s7 =	simm.s32 $0x10;
	v18 =	vadd.s32 v16, v19;
	v17 =	vld [tilespmem:s0+$0xF0]  }
.LBB2_24:
0x876: {  	p0 =	sne.s32 s6, $0x1FF;
	v19 =	vmov s7  }
0x877: {  	v19 =	vshrl.u32 v19, $0x3  }
0x878: {  	v19 =	vshll.u32 v19, v1  }
0x879: {  	v19 =	vbroadcast v19, $0x0  }
0x87a: {  	s0 =	sadd.s32 $0x200, s0;
	[tilespmem:v18+s28+$0x0] =	vst.idx.msk $0xffff, v17  }
0x87b: {  	v17 =	vld [tilespmem:s0+$0xFFFFFF00];
	v18 =	vadd.s32 v0, v19;
	_ =	sdelay $0x4  }
0x87c: {  	[tilespmem:v18+s28+$0x0] =	vst.idx.msk $0xffff, v17  }
0x87d: {  	s7 =	sadd.s32 $0xFFFFFFF2, s1;
	v18 =	vadd.s32 v2, v19;
	v17 =	vld [tilespmem:s0+$0xFFFFFF10]  }
0x87e: {  	v19 =	vmov s7  }
0x87f: {  	v19 =	vshrl.u32 v19, $0x3  }
0x880: {  	v19 =	vshll.u32 v19, v1  }
0x881: {  	v19 =	vbroadcast v19, $0x0  }
0x882: {  	[tilespmem:v18+s28+$0x0] =	vst.idx.msk $0xffff, v17  }
0x883: {  	v18 =	vadd.s32 v3, v19;
	v17 =	vld [tilespmem:s0+$0xFFFFFF20];
	_ =	sdelay $0x4  }
0x884: {  	[tilespmem:v18+s28+$0x0] =	vst.idx.msk $0xffff, v17  }
0x885: {  	s7 =	sadd.s32 $0xFFFFFFF3, s1;
	v18 =	vadd.s32 v4, v19;
	v17 =	vld [tilespmem:s0+$0xFFFFFF30]  }
0x886: {  	v19 =	vmov s7  }
0x887: {  	v19 =	vshrl.u32 v19, $0x3  }
0x888: {  	v19 =	vshll.u32 v19, v1  }
0x889: {  	v19 =	vbroadcast v19, $0x0  }
0x88a: {  	[tilespmem:v18+s28+$0x0] =	vst.idx.msk $0xffff, v17  }
0x88b: {  	v18 =	vadd.s32 v5, v19;
	v17 =	vld [tilespmem:s0+$0xFFFFFF40];
	_ =	sdelay $0x4  }
0x88c: {  	[tilespmem:v18+s28+$0x0] =	vst.idx.msk $0xffff, v17  }
0x88d: {  	s7 =	sadd.s32 $0xFFFFFFF4, s1;
	v18 =	vadd.s32 v6, v19;
	v17 =	vld [tilespmem:s0+$0xFFFFFF50]  }
0x88e: {  	v19 =	vmov s7  }
0x88f: {  	v19 =	vshrl.u32 v19, $0x3  }
0x890: {  	v19 =	vshll.u32 v19, v1  }
0x891: {  	v19 =	vbroadcast v19, $0x0  }
0x892: {  	[tilespmem:v18+s28+$0x0] =	vst.idx.msk $0xffff, v17  }
0x893: {  	v18 =	vadd.s32 v7, v19;
	v17 =	vld [tilespmem:s0+$0xFFFFFF60];
	_ =	sdelay $0x4  }
0x894: {  	[tilespmem:v18+s28+$0x0] =	vst.idx.msk $0xffff, v17  }
0x895: {  	s7 =	sadd.s32 $0xFFFFFFF5, s1;
	v18 =	vadd.s32 v8, v19;
	v17 =	vld [tilespmem:s0+$0xFFFFFF70]  }
0x896: {  	v19 =	vmov s7  }
0x897: {  	v19 =	vshrl.u32 v19, $0x3  }
0x898: {  	v19 =	vshll.u32 v19, v1  }
0x899: {  	v19 =	vbroadcast v19, $0x0  }
0x89a: {  	[tilespmem:v18+s28+$0x0] =	vst.idx.msk $0xffff, v17  }
0x89b: {  	v18 =	vadd.s32 v9, v19;
	v17 =	vld [tilespmem:s0+$0xFFFFFF80];
	_ =	sdelay $0x4  }
0x89c: {  	[tilespmem:v18+s28+$0x0] =	vst.idx.msk $0xffff, v17  }
0x89d: {  	s7 =	sadd.s32 $0xFFFFFFF6, s1;
	v18 =	vadd.s32 v10, v19;
	v17 =	vld [tilespmem:s0+$0xFFFFFF90]  }
0x89e: {  	v19 =	vmov s7  }
0x89f: {  	v19 =	vshrl.u32 v19, $0x3  }
0x8a0: {  	v19 =	vshll.u32 v19, v1  }
0x8a1: {  	v19 =	vbroadcast v19, $0x0  }
0x8a2: {  	[tilespmem:v18+s28+$0x0] =	vst.idx.msk $0xffff, v17  }
0x8a3: {  	v18 =	vadd.s32 v11, v19;
	v17 =	vld [tilespmem:s0+$0xFFFFFFA0];
	_ =	sdelay $0x4  }
0x8a4: {  	[tilespmem:v18+s28+$0x0] =	vst.idx.msk $0xffff, v17  }
0x8a5: {  	s7 =	sadd.s32 $0xFFFFFFF7, s1;
	v18 =	vadd.s32 v12, v19;
	v17 =	vld [tilespmem:s0+$0xFFFFFFB0]  }
0x8a6: {  	v19 =	vmov s7  }
0x8a7: {  	v19 =	vshrl.u32 v19, $0x3  }
0x8a8: {  	v19 =	vshll.u32 v19, v1  }
0x8a9: {  	v19 =	vbroadcast v19, $0x0  }
0x8aa: {  	[tilespmem:v18+s28+$0x0] =	vst.idx.msk $0xffff, v17  }
0x8ab: {  	v18 =	vadd.s32 v13, v19;
	v17 =	vld [tilespmem:s0+$0xFFFFFFC0];
	_ =	sdelay $0x4  }
0x8ac: {  	[tilespmem:v18+s28+$0x0] =	vst.idx.msk $0xffff, v17  }
0x8ad: {  	s7 =	sadd.s32 $0xFFFFFFF8, s1;
	v18 =	vadd.s32 v14, v19;
	v17 =	vld [tilespmem:s0+$0xFFFFFFD0]  }
0x8ae: {  	v19 =	vmov s7  }
0x8af: {  	v19 =	vshrl.u32 v19, $0x3  }
0x8b0: {  	v19 =	vshll.u32 v19, v1  }
0x8b1: {  	v19 =	vbroadcast v19, $0x0  }
0x8b2: {  	[tilespmem:v18+s28+$0x0] =	vst.idx.msk $0xffff, v17  }
0x8b3: {  	v18 =	vadd.s32 v15, v19;
	v17 =	vld [tilespmem:s0+$0xFFFFFFE0];
	_ =	sdelay $0x4  }
0x8b4: {  	[tilespmem:v18+s28+$0x0] =	vst.idx.msk $0xffff, v17  }
0x8b5: {  	s7 =	sadd.s32 $0xFFFFFFF9, s1;
	v18 =	vadd.s32 v16, v19;
	v17 =	vld [tilespmem:s0+$0xFFFFFFF0]  }
0x8b6: {  	v19 =	vmov s7  }
0x8b7: {  	v19 =	vshrl.u32 v19, $0x3  }
0x8b8: {  	v19 =	vshll.u32 v19, v1  }
0x8b9: {  	v19 =	vbroadcast v19, $0x0  }
0x8ba: {  	[tilespmem:v18+s28+$0x0] =	vst.idx.msk $0xffff, v17  }
0x8bb: {  	v18 =	vadd.s32 v0, v19;
	v17 =	vld [tilespmem:s0+$0x0];
	_ =	sdelay $0x4  }
0x8bc: {  	[tilespmem:v18+s28+$0x0] =	vst.idx.msk $0xffff, v17  }
0x8bd: {  	s7 =	sadd.s32 $0xFFFFFFFA, s1;
	v18 =	vadd.s32 v2, v19;
	v17 =	vld [tilespmem:s0+$0x10]  }
0x8be: {  	v19 =	vmov s7  }
0x8bf: {  	v19 =	vshrl.u32 v19, $0x3  }
0x8c0: {  	v19 =	vshll.u32 v19, v1  }
0x8c1: {  	v19 =	vbroadcast v19, $0x0  }
0x8c2: {  	[tilespmem:v18+s28+$0x0] =	vst.idx.msk $0xffff, v17  }
0x8c3: {  	v18 =	vadd.s32 v3, v19;
	v17 =	vld [tilespmem:s0+$0x20];
	_ =	sdelay $0x4  }
0x8c4: {  	[tilespmem:v18+s28+$0x0] =	vst.idx.msk $0xffff, v17  }
0x8c5: {  	s7 =	sadd.s32 $0xFFFFFFFB, s1;
	v18 =	vadd.s32 v4, v19;
	v17 =	vld [tilespmem:s0+$0x30]  }
0x8c6: {  	v19 =	vmov s7  }
0x8c7: {  	v19 =	vshrl.u32 v19, $0x3  }
0x8c8: {  	v19 =	vshll.u32 v19, v1  }
0x8c9: {  	v19 =	vbroadcast v19, $0x0  }
0x8ca: {  	[tilespmem:v18+s28+$0x0] =	vst.idx.msk $0xffff, v17  }
0x8cb: {  	v18 =	vadd.s32 v5, v19;
	v17 =	vld [tilespmem:s0+$0x40];
	_ =	sdelay $0x4  }
0x8cc: {  	[tilespmem:v18+s28+$0x0] =	vst.idx.msk $0xffff, v17  }
0x8cd: {  	s7 =	sadd.s32 $0xFFFFFFFC, s1;
	v18 =	vadd.s32 v6, v19;
	v17 =	vld [tilespmem:s0+$0x50]  }
0x8ce: {  	v19 =	vmov s7  }
0x8cf: {  	v19 =	vshrl.u32 v19, $0x3  }
0x8d0: {  	v19 =	vshll.u32 v19, v1  }
0x8d1: {  	v19 =	vbroadcast v19, $0x0  }
0x8d2: {  	[tilespmem:v18+s28+$0x0] =	vst.idx.msk $0xffff, v17  }
0x8d3: {  	v18 =	vadd.s32 v7, v19;
	v17 =	vld [tilespmem:s0+$0x60];
	_ =	sdelay $0x4  }
0x8d4: {  	[tilespmem:v18+s28+$0x0] =	vst.idx.msk $0xffff, v17  }
0x8d5: {  	s7 =	sadd.s32 $0xFFFFFFFD, s1;
	v18 =	vadd.s32 v8, v19;
	v17 =	vld [tilespmem:s0+$0x70]  }
0x8d6: {  	v19 =	vmov s7  }
0x8d7: {  	v19 =	vshrl.u32 v19, $0x3  }
0x8d8: {  	v19 =	vshll.u32 v19, v1  }
0x8d9: {  	v19 =	vbroadcast v19, $0x0  }
0x8da: {  	[tilespmem:v18+s28+$0x0] =	vst.idx.msk $0xffff, v17  }
0x8db: {  	v18 =	vadd.s32 v9, v19;
	v17 =	vld [tilespmem:s0+$0x80];
	_ =	sdelay $0x4  }
0x8dc: {  	[tilespmem:v18+s28+$0x0] =	vst.idx.msk $0xffff, v17  }
0x8dd: {  	s7 =	sadd.s32 $0xFFFFFFFE, s1;
	v18 =	vadd.s32 v10, v19;
	v17 =	vld [tilespmem:s0+$0x90]  }
0x8de: {  	v19 =	vmov s7  }
0x8df: {  	v19 =	vshrl.u32 v19, $0x3  }
0x8e0: {  	v19 =	vshll.u32 v19, v1  }
0x8e1: {  	v19 =	vbroadcast v19, $0x0  }
0x8e2: {  	[tilespmem:v18+s28+$0x0] =	vst.idx.msk $0xffff, v17  }
0x8e3: {  	v18 =	vadd.s32 v11, v19;
	v17 =	vld [tilespmem:s0+$0xA0];
	_ =	sdelay $0x4  }
0x8e4: {  	[tilespmem:v18+s28+$0x0] =	vst.idx.msk $0xffff, v17  }
0x8e5: {  	s7 =	sadd.s32 $0xFFFFFFFF, s1;
	v18 =	vadd.s32 v12, v19;
	v17 =	vld [tilespmem:s0+$0xB0]  }
0x8e6: {  	v19 =	vmov s7  }
0x8e7: {  	v19 =	vshrl.u32 v19, $0x3  }
0x8e8: {  	v19 =	vshll.u32 v19, v1  }
0x8e9: {  	v19 =	vbroadcast v19, $0x0  }
0x8ea: {  	[tilespmem:v18+s28+$0x0] =	vst.idx.msk $0xffff, v17  }
0x8eb: {  	v18 =	vadd.s32 v13, v19;
	v17 =	vld [tilespmem:s0+$0xC0];
	_ =	sdelay $0x4  }
0x8ec: {  	[tilespmem:v18+s28+$0x0] =	vst.idx.msk $0xffff, v17  }
0x8ed: {  	v18 =	vadd.s32 v14, v19;
	v17 =	vld [tilespmem:s0+$0xD0]  }
0x8ee: {  	v19 =	vmov s1;
	s1 =	smov.u32 s6  }
0x8ef: {  	v19 =	vshrl.u32 v19, $0x3  }
0x8f0: {  	v19 =	vshll.u32 v19, v1  }
0x8f1: {  	v19 =	vbroadcast v19, $0x0  }
0x8f2: {  	[tilespmem:v18+s28+$0x0] =	vst.idx.msk $0xffff, v17  }
0x8f3: {  	v18 =	vadd.s32 v15, v19;
	v17 =	vld [tilespmem:s0+$0xE0];
	_ =	sdelay $0x1  }
.Ltmp11:
0x8f4: {  	(pc) =	sbr.rel @p0 .LBB2_24-.Ltmp11, $3  }
0x8f5: {  	_ =	sdelay $0x1  }
0x8f6: {  	[tilespmem:v18+s28+$0x0] =	vst.idx.msk $0xffff, v17  }
0x8f7: {  	s6 =	sadd.s32 $0x10, s6;
	s7 =	sadd.s32 $0xFFFFFFF1, s1;
	v18 =	vadd.s32 v16, v19;
	v17 =	vld [tilespmem:s0+$0xF0]  }
0x8f8: {  	v19 =	vmov s7  }
0x8f9: {  	v19 =	vshrl.u32 v19, $0x3  }
0x8fa: {  	v19 =	vshll.u32 v19, v1  }
0x8fb: {  	v19 =	vbroadcast v19, $0x0  }
0x8fc: {  	s0 =	sadd.s32 $0x200, s0;
	[tilespmem:v18+s28+$0x0] =	vst.idx.msk $0xffff, v17  }
0x8fd: {  	v17 =	vld [tilespmem:s0+$0xFFFFFF00];
	v18 =	vadd.s32 v0, v19;
	_ =	sdelay $0x4  }
0x8fe: {  	[tilespmem:v18+s28+$0x0] =	vst.idx.msk $0xffff, v17  }
0x8ff: {  	s6 =	sadd.s32 $0xFFFFFFF2, s1;
	v18 =	vadd.s32 v2, v19;
	v17 =	vld [tilespmem:s0+$0xFFFFFF10]  }
0x900: {  	v19 =	vmov s6  }
0x901: {  	v19 =	vshrl.u32 v19, $0x3  }
0x902: {  	v19 =	vshll.u32 v19, v1  }
0x903: {  	v19 =	vbroadcast v19, $0x0  }
0x904: {  	[tilespmem:v18+s28+$0x0] =	vst.idx.msk $0xffff, v17  }
0x905: {  	v18 =	vadd.s32 v3, v19;
	v17 =	vld [tilespmem:s0+$0xFFFFFF20];
	_ =	sdelay $0x4  }
0x906: {  	[tilespmem:v18+s28+$0x0] =	vst.idx.msk $0xffff, v17  }
0x907: {  	s18 =	sadd.s32 $0xFFFFFFF3, s1;
	v18 =	vadd.s32 v4, v19;
	v17 =	vld [tilespmem:s0+$0xFFFFFF30]  }
0x908: {  	v19 =	vmov s18  }
0x909: {  	v19 =	vshrl.u32 v19, $0x3  }
0x90a: {  	v19 =	vshll.u32 v19, v1  }
0x90b: {  	v19 =	vbroadcast v19, $0x0  }
0x90c: {  	[tilespmem:v18+s28+$0x0] =	vst.idx.msk $0xffff, v17  }
0x90d: {  	v18 =	vadd.s32 v5, v19;
	v17 =	vld [tilespmem:s0+$0xFFFFFF40];
	_ =	sdelay $0x4  }
0x90e: {  	[tilespmem:v18+s28+$0x0] =	vst.idx.msk $0xffff, v17  }
0x90f: {  	s7 =	sadd.s32 $0xFFFFFFF4, s1;
	v18 =	vadd.s32 v6, v19;
	v17 =	vld [tilespmem:s0+$0xFFFFFF50]  }
0x910: {  	v19 =	vmov s7  }
0x911: {  	v19 =	vshrl.u32 v19, $0x3  }
0x912: {  	v19 =	vshll.u32 v19, v1  }
0x913: {  	v19 =	vbroadcast v19, $0x0  }
0x914: {  	[tilespmem:v18+s28+$0x0] =	vst.idx.msk $0xffff, v17  }
0x915: {  	v18 =	vadd.s32 v7, v19;
	v17 =	vld [tilespmem:s0+$0xFFFFFF60];
	_ =	sdelay $0x4  }
0x916: {  	[tilespmem:v18+s28+$0x0] =	vst.idx.msk $0xffff, v17  }
0x917: {  	s8 =	sadd.s32 $0xFFFFFFF5, s1;
	v18 =	vadd.s32 v8, v19;
	v17 =	vld [tilespmem:s0+$0xFFFFFF70]  }
0x918: {  	v19 =	vmov s8  }
0x919: {  	v19 =	vshrl.u32 v19, $0x3  }
0x91a: {  	v19 =	vshll.u32 v19, v1  }
0x91b: {  	v19 =	vbroadcast v19, $0x0  }
0x91c: {  	[tilespmem:v18+s28+$0x0] =	vst.idx.msk $0xffff, v17  }
0x91d: {  	v18 =	vadd.s32 v9, v19;
	v17 =	vld [tilespmem:s0+$0xFFFFFF80];
	_ =	sdelay $0x4  }
0x91e: {  	[tilespmem:v18+s28+$0x0] =	vst.idx.msk $0xffff, v17  }
0x91f: {  	s10 =	sadd.s32 $0xFFFFFFF6, s1;
	v18 =	vadd.s32 v10, v19;
	v17 =	vld [tilespmem:s0+$0xFFFFFF90]  }
0x920: {  	v19 =	vmov s10  }
0x921: {  	v19 =	vshrl.u32 v19, $0x3  }
0x922: {  	v19 =	vshll.u32 v19, v1  }
0x923: {  	v19 =	vbroadcast v19, $0x0  }
0x924: {  	[tilespmem:v18+s28+$0x0] =	vst.idx.msk $0xffff, v17  }
0x925: {  	v18 =	vadd.s32 v11, v19;
	v17 =	vld [tilespmem:s0+$0xFFFFFFA0];
	_ =	sdelay $0x4  }
0x926: {  	[tilespmem:v18+s28+$0x0] =	vst.idx.msk $0xffff, v17  }
0x927: {  	s18 =	sadd.s32 $0xFFFFFFF7, s1;
	v18 =	vadd.s32 v12, v19;
	v17 =	vld [tilespmem:s0+$0xFFFFFFB0]  }
0x928: {  	v19 =	vmov s18  }
0x929: {  	v19 =	vshrl.u32 v19, $0x3  }
0x92a: {  	v19 =	vshll.u32 v19, v1  }
0x92b: {  	v19 =	vbroadcast v19, $0x0  }
0x92c: {  	[tilespmem:v18+s28+$0x0] =	vst.idx.msk $0xffff, v17  }
0x92d: {  	v18 =	vadd.s32 v13, v19;
	v17 =	vld [tilespmem:s0+$0xFFFFFFC0];
	_ =	sdelay $0x4  }
0x92e: {  	[tilespmem:v18+s28+$0x0] =	vst.idx.msk $0xffff, v17  }
0x92f: {  	s7 =	sadd.s32 $0xFFFFFFF8, s1;
	v18 =	vadd.s32 v14, v19;
	v17 =	vld [tilespmem:s0+$0xFFFFFFD0]  }
0x930: {  	v19 =	vmov s7  }
0x931: {  	v19 =	vshrl.u32 v19, $0x3  }
0x932: {  	v19 =	vshll.u32 v19, v1  }
0x933: {  	v19 =	vbroadcast v19, $0x0  }
0x934: {  	[tilespmem:v18+s28+$0x0] =	vst.idx.msk $0xffff, v17  }
0x935: {  	v18 =	vadd.s32 v15, v19;
	v17 =	vld [tilespmem:s0+$0xFFFFFFE0];
	_ =	sdelay $0x4  }
0x936: {  	[tilespmem:v18+s28+$0x0] =	vst.idx.msk $0xffff, v17  }
0x937: {  	s8 =	sadd.s32 $0xFFFFFFF9, s1;
	v18 =	vadd.s32 v16, v19;
	v17 =	vld [tilespmem:s0+$0xFFFFFFF0]  }
0x938: {  	v19 =	vmov s8  }
0x939: {  	v19 =	vshrl.u32 v19, $0x3  }
0x93a: {  	v19 =	vshll.u32 v19, v1  }
0x93b: {  	v19 =	vbroadcast v19, $0x0  }
0x93c: {  	[tilespmem:v18+s28+$0x0] =	vst.idx.msk $0xffff, v17  }
0x93d: {  	v18 =	vadd.s32 v0, v19;
	v17 =	vld [tilespmem:s0+$0x0];
	_ =	sdelay $0x4  }
0x93e: {  	[tilespmem:v18+s28+$0x0] =	vst.idx.msk $0xffff, v17  }
0x93f: {  	s10 =	sadd.s32 $0xFFFFFFFA, s1;
	v18 =	vadd.s32 v2, v19;
	v17 =	vld [tilespmem:s0+$0x10]  }
0x940: {  	v19 =	vmov s10  }
0x941: {  	v19 =	vshrl.u32 v19, $0x3  }
0x942: {  	v19 =	vshll.u32 v19, v1  }
0x943: {  	v19 =	vbroadcast v19, $0x0  }
0x944: {  	[tilespmem:v18+s28+$0x0] =	vst.idx.msk $0xffff, v17  }
0x945: {  	v18 =	vadd.s32 v3, v19;
	v17 =	vld [tilespmem:s0+$0x20];
	_ =	sdelay $0x4  }
0x946: {  	[tilespmem:v18+s28+$0x0] =	vst.idx.msk $0xffff, v17  }
0x947: {  	s18 =	sadd.s32 $0xFFFFFFFB, s1;
	v18 =	vadd.s32 v4, v19;
	v17 =	vld [tilespmem:s0+$0x30]  }
0x948: {  	v19 =	vmov s18  }
0x949: {  	v19 =	vshrl.u32 v19, $0x3  }
0x94a: {  	v19 =	vshll.u32 v19, v1  }
0x94b: {  	v19 =	vbroadcast v19, $0x0  }
0x94c: {  	[tilespmem:v18+s28+$0x0] =	vst.idx.msk $0xffff, v17  }
0x94d: {  	v18 =	vadd.s32 v5, v19;
	v17 =	vld [tilespmem:s0+$0x40];
	_ =	sdelay $0x4  }
0x94e: {  	[tilespmem:v18+s28+$0x0] =	vst.idx.msk $0xffff, v17  }
0x94f: {  	s7 =	sadd.s32 $0xFFFFFFFC, s1;
	v18 =	vadd.s32 v6, v19;
	v17 =	vld [tilespmem:s0+$0x50]  }
0x950: {  	v19 =	vmov s7  }
0x951: {  	v19 =	vshrl.u32 v19, $0x3  }
0x952: {  	v19 =	vshll.u32 v19, v1  }
0x953: {  	v19 =	vbroadcast v19, $0x0  }
0x954: {  	[tilespmem:v18+s28+$0x0] =	vst.idx.msk $0xffff, v17  }
0x955: {  	v18 =	vadd.s32 v7, v19;
	v17 =	vld [tilespmem:s0+$0x60];
	_ =	sdelay $0x4  }
0x956: {  	[tilespmem:v18+s28+$0x0] =	vst.idx.msk $0xffff, v17  }
0x957: {  	s8 =	sadd.s32 $0xFFFFFFFD, s1;
	v18 =	vadd.s32 v8, v19;
	v17 =	vld [tilespmem:s0+$0x70]  }
0x958: {  	v19 =	vmov s8  }
0x959: {  	v19 =	vshrl.u32 v19, $0x3  }
0x95a: {  	v19 =	vshll.u32 v19, v1  }
0x95b: {  	v19 =	vbroadcast v19, $0x0  }
0x95c: {  	[tilespmem:v18+s28+$0x0] =	vst.idx.msk $0xffff, v17  }
0x95d: {  	v18 =	vadd.s32 v9, v19;
	v17 =	vld [tilespmem:s0+$0x80];
	_ =	sdelay $0x4  }
0x95e: {  	[tilespmem:v18+s28+$0x0] =	vst.idx.msk $0xffff, v17  }
0x95f: {  	s10 =	sadd.s32 $0xFFFFFFFE, s1;
	v18 =	vadd.s32 v10, v19;
	v17 =	vld [tilespmem:s0+$0x90]  }
0x960: {  	v19 =	vmov s10  }
0x961: {  	v19 =	vshrl.u32 v19, $0x3  }
0x962: {  	v19 =	vshll.u32 v19, v1  }
0x963: {  	v19 =	vbroadcast v19, $0x0  }
0x964: {  	[tilespmem:v18+s28+$0x0] =	vst.idx.msk $0xffff, v17  }
0x965: {  	v18 =	vadd.s32 v11, v19;
	v17 =	vld [tilespmem:s0+$0xA0];
	_ =	sdelay $0x4  }
0x966: {  	[tilespmem:v18+s28+$0x0] =	vst.idx.msk $0xffff, v17  }
0x967: {  	s18 =	sadd.s32 $0xFFFFFFFF, s1;
	v18 =	vadd.s32 v12, v19;
	v17 =	vld [tilespmem:s0+$0xB0]  }
0x968: {  	v19 =	vmov s18  }
0x969: {  	v19 =	vshrl.u32 v19, $0x3  }
0x96a: {  	v19 =	vshll.u32 v19, v1  }
0x96b: {  	v19 =	vbroadcast v19, $0x0  }
0x96c: {  	[tilespmem:v18+s28+$0x0] =	vst.idx.msk $0xffff, v17  }
0x96d: {  	v18 =	vadd.s32 v13, v19;
	v17 =	vld [tilespmem:s0+$0xC0];
	_ =	sdelay $0x4  }
0x96e: {  	[tilespmem:v18+s28+$0x0] =	vst.idx.msk $0xffff, v17  }
0x96f: {  	v18 =	vadd.s32 v14, v19;
	v17 =	vld [tilespmem:s0+$0xD0]  }
0x970: {  	v19 =	vmov s1  }
0x971: {  	v19 =	vshrl.u32 v19, $0x3  }
0x972: {  	v19 =	vshll.u32 v19, v1  }
0x973: {  	v19 =	vbroadcast v19, $0x0  }
0x974: {  	[tilespmem:v18+s28+$0x0] =	vst.idx.msk $0xffff, v17  }
0x975: {  	v18 =	vadd.s32 v15, v19;
	v17 =	vld [tilespmem:s0+$0xE0];
	_ =	sdelay $0x4  }
0x976: {  	[tilespmem:v18+s28+$0x0] =	vst.idx.msk $0xffff, v17  }
0x977: {  	v18 =	vadd.s32 v16, v19;
	v17 =	vld [tilespmem:s0+$0xF0];
	_ =	sdelay $0x3  }
0x978: {  	s6 =	simm.s32 $0xC708  }
0x979: {  	s7 =	sadd.s32 $0x0, s17;
	s1 =	simm.s32 $0x200;
	s0 =	simm.s32 $0xC500;
	[tilespmem:v18+s28+$0x0] =	vst.idx.msk $0xffff, v17  }
.LBB2_26:
0x97a: {  	[hbm4b:s7+s3] =	stream.linear.scatter [tilespmem:s0], [sflag:$0x6], $0x200, $0x38;
	[tilespmem:$0x10600] =	vst v63  }
0x97b: {  	s7 =	smov.u32 s1;
	s0 =	smov.u32 s6;
	p0 =	sne.s32 s1, $0x3E00  }
.Ltmp12:
0x97c: {  	s1 =	sadd.s32 $0x200, s1;
	(pc) =	sbr.rel @p0 .LBB2_26-.Ltmp12, $2  }
0x97d: {  	_ =	sdelay $0x2  }
0x97e: {  	s6 =	sadd.s32 $0x208, s6;
	s7 =	sadd.s32 s7, s17  }
0x97f: {  	[hbm4b:s7+s3] =	stream.linear.scatter [tilespmem:s0], [sflag:$0x6], $0x200, $0x38;
	[tilespmem:$0x10600] =	vst v63  }
0x980: {  	_ =	swait.ge [sflag:s29], $0x4000  }
0x981: {  	[sflag:s29] =	ssyncset.done $0x0  }
0x982: {  	[sflag:s29] =	ssyncadd.s32 $0xFFFFC000  }
0x983: {  	_ =	swait.ge [sflag:s30], $0x4000  }
0x984: {  	s31 =	sadd.s32 $0x1, s31;
	s18 =	rddreg [dreg:$0x7]  }
0x985: {  	p0 =	sne.s32 s31, s18  }
.Ltmp13:
0x986: {  	_ = 	snop;
	(pc) =	sbr.rel @p0 .LBB2_1-.Ltmp13, $3  }
0x987: {  	_ =	sdelay $0x1  }
0x988: {  	[sflag:s30] =	ssyncset.done $0x0  }
0x989: {  	[sflag:s30] =	ssyncadd.s32 $0xFFFFC000  }
0x98a: {  	_ =	sfence.sel $0x180000  }
0x98b: {  	[bflag:$0x0] =	sbarrier.arrive $0xFFFF  }
0x98c: {  	_ =	strace $0x9000004A  }
0x98d: {  	s0 =	stileid.u32;
	[bflag:$0x2] =	sbarrier.arrive $0xFFFF  }
0x98e: {  	p0 =	sne.s32 s0, $0x0;
	s0 =	rddreg [dreg:$0x2]  }
0x98f: {  	s0 =	sadd.s32 @!p0 $0x100000, s0  }
0x990: {  	[sflag:s0] =	ssyncadd.tile.s32 @!p0 $0x1;
	_ =	shalt  }
.Lfunc_end2:
_tile_overlayer_lowered:
.L_overlay_start_2:
0x991: {  	(tag) =	ssettag $0x2  }
0x992: {  	s0 =	rddreg [dreg:$0x0];
	s2 =	stileid.u32  }
0x993: {  	s1 =	rddreg [dreg:$0x1];
	p0 =	sne.s32 s2, $0x0  }
0x994: {  	s3 =	rddreg [dreg:$0x2];
	[bflag:$0x3] =	sbarrier.arrive $0xFFFF;
	s2 =	simm.s32 @!p0 $0x1C07  }
0x995: {  	[timem:s3], [sflag:s2] =	dma.local @!p0 [hbm:s0], s1  }
0x996: {  	s0 =	simm.s32 @!p0 $0x7  }
0x997: {  	_ =	swait.ge @!p0 [sflag:s0], s1  }
0x998: {  	s1 =	ssub.s32 @!p0 $0x0, s1;
	[sflag:s0] =	ssyncset.done @!p0 $0x0  }
0x999: {  	[sflag:s0] =	ssyncadd.s32 @!p0 s1  }
0x99a: {  	[bflag:$0x3] =	sbarrier.arrive $0xFFFF  }
0x99b: {  	_ =	shalt  }

</sc_bundles>
